<compile_context>
chip_gen: v7x
topology: tpu7x:2x2x1
jax: 0.10.2.dev20260603
libtpu: 0.0.44.dev20260713+nightly
codegen_flags: <defaults>
</compile_context>

<pallas_src>
import functools

import numpy as np

import jax
import jax.numpy as jnp
from jax import lax
from jax.experimental import pallas as pl
from jax.experimental.pallas import tpu as pltpu
from jax.experimental.pallas import tpu_sc as plsc

N_NODES = 10000
N_EDGES = 160000
D_NODE = 128

NC = 2
NS = 16
NW = NC * NS

N_HALF = 1
EH = N_EDGES // N_HALF


G_CH = 128
G_CHN = EH // G_CH
G_MIN = G_CHN // NW
G_EXTRA = G_CHN - G_MIN * NW

_gather_mesh = plsc.VectorSubcoreMesh(
    core_axis_name="c", subcore_axis_name="s", num_cores=NC, num_subcores=NS)


def _make_gather(half):
    @functools.partial(
        pl.kernel,
        out_type=jax.ShapeDtypeStruct((EH, D_NODE), jnp.float32),
        mesh=_gather_mesh,
        scratch_types=[
            pltpu.VMEM((2, G_CH), jnp.int32),
            pltpu.VMEM((G_CH, D_NODE), jnp.float32),
            pltpu.VMEM((G_CH, D_NODE), jnp.float32),
            pltpu.SemaphoreType.DMA,
            pltpu.SemaphoreType.DMA,
        ],
        name=f"sc_gather_h{half}",
    )
    def _sc_gather(nodes_hbm, ei4_hbm, out_hbm, idx2, b0, b1, s0, s1):
        c = lax.axis_index("c")
        s = lax.axis_index("s")
        wid = s * NC + c
        bufs = (b0, b1)
        sems = (s0, s1)
        count = G_MIN + jnp.where(wid < G_EXTRA, 1, 0)

        pltpu.sync_copy(ei4_hbm.at[0, half, wid], idx2.at[0])
        pltpu.sync_copy(ei4_hbm.at[0, half, wid + NW], idx2.at[1])
        pltpu.async_copy(nodes_hbm.at[idx2.at[0]], b0, s0)
        pltpu.async_copy(nodes_hbm.at[idx2.at[1]], b1, s1)

        def pair(t, carry):
            for b in range(2):
                j = 2 * t + b
                buf, sem = bufs[b], sems[b]

                @pl.when(j < count)
                def _chunk():
                    pltpu.make_async_copy(
                        nodes_hbm.at[idx2.at[b]], buf, sem).wait()
                    pltpu.sync_copy(
                        buf,
                        out_hbm.at[pl.ds((wid + NW * j) * G_CH, G_CH), :])
                    nxt = j + 2

                    @pl.when(nxt < count)
                    def _pf():
                        pltpu.sync_copy(
                            ei4_hbm.at[0, half, wid + NW * nxt], idx2.at[b])
                        pltpu.async_copy(nodes_hbm.at[idx2.at[b]], buf, sem)
            return carry

        lax.fori_loop(0, (G_MIN + 2) // 2, pair, 0)

    return _sc_gather


_GATHER = {h: _make_gather(h) for h in range(N_HALF)}


BE = 2000


def _tc_body(fw_ref, fe_ref, x_hbm, W1_ref, b1_ref, W2_ref, b2_ref,
             W3_ref, b3_ref, m0_ref, m1_ref, m2_ref, m3_ref,
             xb0, xb1, sx0, sx1):
    i = pl.program_id(0)
    n = pl.num_programs(0)
    xbufs = (xb0, xb1)
    xsems = (sx0, sx1)

    @pl.when(i == 0)
    def _prime():
        pltpu.make_async_copy(
            x_hbm.at[pl.ds(0, BE * D_NODE)], xb0, sx0).start()

    @pl.when(i + 1 < n)
    def _prefetch():
        for par in (0, 1):
            @pl.when(lax.rem(i + 1, 2) == par)
            def _():
                pltpu.make_async_copy(
                    x_hbm.at[pl.ds((i + 1) * BE * D_NODE, BE * D_NODE)],
                    xbufs[par], xsems[par]).start()

    fw = fw_ref[...]
    h = jax.nn.silu(jnp.dot(fw, W1_ref[...], preferred_element_type=jnp.float32)
                    + b1_ref[...])
    h = jax.nn.silu(jnp.dot(h, W2_ref[...], preferred_element_type=jnp.float32)
                    + b2_ref[...])
    w = jnp.dot(h, W3_ref[...], preferred_element_type=jnp.float32) + b3_ref[...]
    for par in (0, 1):
        @pl.when(lax.rem(i, 2) == par)
        def _wait():
            pltpu.make_async_copy(
                x_hbm.at[pl.ds(0, BE * D_NODE)], xbufs[par], xsems[par]).wait()

    x = jnp.where(lax.rem(i, 2) == 0, xb0[...], xb1[...]).reshape(BE, D_NODE)
    u0 = w[:, :D_NODE] * x
    u1 = w[:, D_NODE:] * x
    fe = fe_ref[...]
    m0_ref[...] = u0 * fe[:, 0:1]
    m1_ref[...] = u1 * fe[:, 1:2]
    m2_ref[...] = u1 * fe[:, 2:3]
    m3_ref[...] = u1 * fe[:, 3:4]


def _tc_messages(half, fw, fe, x_src, W1, b1, W2, b2, W3, b3):
    n_blocks = EH // BE
    off = half * n_blocks
    full = lambda shape: pl.BlockSpec(shape, lambda i: (0, 0))
    hblk = lambda cols: pl.BlockSpec((BE, cols), lambda i: (i + off, 0))
    blk = lambda cols: pl.BlockSpec((BE, cols), lambda i: (i, 0))
    out = pl.pallas_call(
        _tc_body,
        grid=(n_blocks,),
        in_specs=[
            hblk(16), hblk(4),
            pl.BlockSpec(memory_space=pl.ANY),
            full((16, 64)), full((1, 64)),
            full((64, 64)), full((1, 64)),
            full((64, 256)), full((1, 256)),
        ],
        out_specs=[blk(D_NODE)] * 4,
        out_shape=[jax.ShapeDtypeStruct((EH, D_NODE), jnp.float32)] * 4,
        scratch_shapes=[
            pltpu.VMEM((BE * D_NODE,), jnp.float32),
            pltpu.VMEM((BE * D_NODE,), jnp.float32),
            pltpu.SemaphoreType.DMA,
            pltpu.SemaphoreType.DMA,
        ],
    )(fw, fe, x_src, W1, b1.reshape(1, 64), W2, b2.reshape(1, 64),
      W3, b3.reshape(1, 256))
    return out



S_CH = 128
S_CHN = EH // S_CH
S_MIN = S_CHN // NS
S_EXTRA = S_CHN - S_MIN * NS
RPT = N_NODES // NS
ZB = 25

_scatter_mesh = plsc.VectorSubcoreMesh(
    core_axis_name="c", subcore_axis_name="s", num_cores=NC, num_subcores=NS)


def _make_scatter(half):
    @functools.partial(
        pl.kernel,
        out_type=jax.ShapeDtypeStruct((N_NODES, 4, D_NODE), jnp.float32),
        mesh=_scatter_mesh,
        scratch_types=[
            pltpu.VMEM((2, S_CH), jnp.int32),
            pltpu.VMEM((S_CH, D_NODE), jnp.float32),
            pltpu.VMEM((S_CH, D_NODE), jnp.float32),
            pltpu.VMEM((ZB, D_NODE), jnp.float32),
            pltpu.VMEM_SHARED((N_NODES, D_NODE), jnp.float32),
            pltpu.SemaphoreType.DMA,
            pltpu.SemaphoreType.DMA,
        ],
        name=f"sc_scatter_h{half}",
    )
    def _sc_scatter(m0, m1, m2, m3, ei4_hbm, out_hbm,
                    idx2, mb0, mb1, zbuf, slab, sm0, sm1):
        c = lax.axis_index("c")
        tid = lax.axis_index("s")
        count = S_MIN + jnp.where(tid < S_EXTRA, 1, 0)

        def zrow(i, carry):
            r = i // 8
            col = (i % 8) * 16
            zbuf[r, pl.ds(col, 16)] = jnp.zeros((16,), jnp.float32)
            return carry

        lax.fori_loop(0, ZB * 8, zrow, 0)

        bufs = (mb0, mb1)
        sems = (sm0, sm1)
        planes = (m0, m1, m2, m3)
        for c_val in (0, 1):
            @pl.when(c == c_val)
            def _core():
                for kk in (0, 1):
                    k = 2 * c_val + kk
                    msrc = planes[k]
                    for z in range(RPT // ZB):
                        pltpu.sync_copy(
                            zbuf, slab.at[pl.ds(tid * RPT + z * ZB, ZB), :])
                    plsc.subcore_barrier()

                    pltpu.sync_copy(ei4_hbm.at[1, half, tid], idx2.at[0])
                    pltpu.sync_copy(ei4_hbm.at[1, half, tid + NS], idx2.at[1])
                    pltpu.async_copy(
                        msrc.at[pl.ds(tid * S_CH, S_CH), :], mb0, sm0)
                    pltpu.async_copy(
                        msrc.at[pl.ds((tid + NS) * S_CH, S_CH), :], mb1, sm1)

                    def pair(t, carry):
                        for b in range(2):
                            j = 2 * t + b
                            buf, sem = bufs[b], sems[b]

                            @pl.when(j < count)
                            def _chunk():
                                pltpu.make_async_copy(
                                    msrc.at[pl.ds(0, S_CH), :],
                                    buf, sem).wait()
                                pltpu.sync_copy(
                                    buf, slab.at[idx2.at[b]], add=True)
                                nxt = j + 2

                                @pl.when(nxt < count)
                                def _pf():
                                    pltpu.sync_copy(
                                        ei4_hbm.at[1, half, tid + NS * nxt],
                                        idx2.at[b])
                                    pltpu.async_copy(
                                        msrc.at[
                                            pl.ds((tid + NS * nxt) * S_CH,
                                                  S_CH), :],
                                        buf, sem)
                        return carry

                    lax.fori_loop(0, (S_MIN + 2) // 2, pair, 0)
                    plsc.subcore_barrier()
                    pltpu.sync_copy(
                        slab.at[pl.ds(tid * RPT, RPT), :],
                        out_hbm.at[pl.ds(tid * RPT, RPT), k, :])
                    plsc.subcore_barrier()

    return _sc_scatter


_SCATTER = {h: _make_scatter(h) for h in range(N_HALF)}


BN = 2000


def _asm_body(*refs):
    acc_refs = refs[:N_HALF]
    p1_ref, p2_ref, p3_ref, o_ref = refs[N_HALF:]
    acc0 = acc_refs[0][:, 0, :]
    for r in acc_refs[1:]:
        acc0 = acc0 + r[:, 0, :]
    o_ref[:, :D_NODE] = acc0
    dots = []
    for j, p_ref in ((1, p1_ref), (2, p2_ref), (3, p3_ref)):
        a = acc_refs[0][:, j, :]
        for r in acc_refs[1:]:
            a = a + r[:, j, :]
        dots.append(jnp.dot(a, p_ref[...],
                            preferred_element_type=jnp.float32))
    o_ref[:, D_NODE:] = dots[0] + dots[1] + dots[2]


def _tc_assemble(accs, p1, p2, p3):
    return pl.pallas_call(
        _asm_body,
        grid=(N_NODES // BN,),
        in_specs=(
            [pl.BlockSpec((BN, 4, D_NODE), lambda i: (i, 0, 0))] * N_HALF + [
                pl.BlockSpec((D_NODE, 3 * D_NODE), lambda i: (0, 0)),
                pl.BlockSpec((D_NODE, 3 * D_NODE), lambda i: (0, 0)),
                pl.BlockSpec((D_NODE, 3 * D_NODE), lambda i: (0, 0)),
            ]),
        out_specs=pl.BlockSpec((BN, 4 * D_NODE), lambda i: (i, 0)),
        out_shape=jax.ShapeDtypeStruct((N_NODES, 4 * D_NODE), jnp.float32),
    )(*accs, p1, p2, p3)


def _make_perms():
    perms = []
    for j in range(3):
        p = np.zeros((D_NODE, 3 * D_NODE), np.float32)
        p[np.arange(D_NODE), 3 * np.arange(D_NODE) + j] = 1.0
        perms.append(p)
    return perms


_PERMS = _make_perms()



def kernel(features_node, features_edge, features_weights, edge_index,
           W1, b1, W2, b2, W3, b3):
    ei4g = edge_index.reshape(2, N_HALF, G_CHN, G_CH)
    xs = [_GATHER[h](features_node, ei4g) for h in range(N_HALF)]
    ms = [_tc_messages(h, features_weights, features_edge,
                       xs[h].reshape(EH * D_NODE),
                       W1, b1, W2, b2, W3, b3) for h in range(N_HALF)]
    accs = [_SCATTER[h](*ms[h], ei4g) for h in range(N_HALF)]
    return _tc_assemble(accs, *_PERMS)

# --- scband reference (transcript-rebuilt; emitter-appended) ---
"""Pipeline reference for scband-interaction-42374147342439 (READ-ONLY COPY).

The authoritative reference and input builder live on the scoring server;
editing this copy changes nothing except your own understanding.
"""

import jax, jax.numpy as jnp
import numpy as np

N_NODES = 10000
N_EDGES = 160000
D_NODE = 128      # 128x0e node irreps
D_EDGE_SH = 4     # 1x0e + 1x1o spherical harmonics
D_RADIAL = 16
MLP_WIDTH = 64
N_PATHS = 2       # (0e x 0e -> 0e), (0e x 1o -> 1o), uvu connected, both weighted
N_WEIGHTS = N_PATHS * D_NODE  # 256
D_OUT = D_NODE * D_EDGE_SH    # 512 = 128*1 + 128*3


def setup_inputs(seed: int = 0):
    key = jax.random.key(seed)
    ks = jax.random.split(key, 8)
    features_node = jax.random.normal(ks[0], (N_NODES, D_NODE), dtype=jnp.float32)
    features_edge = jax.random.normal(ks[1], (N_EDGES, D_EDGE_SH), dtype=jnp.float32)
    features_weights = jax.random.normal(ks[2], (N_EDGES, D_RADIAL), dtype=jnp.float32)
    edge_index = jax.random.randint(ks[3], (2, N_EDGES), 0, N_NODES, dtype=jnp.int32)
    # radial MLP params (hk.nets.MLP: depth-2 hidden of width 64, silu, linear head to n_weights)
    W1 = jax.random.normal(ks[4], (D_RADIAL, MLP_WIDTH), dtype=jnp.float32) / np.sqrt(D_RADIAL)
    b1 = jnp.zeros((MLP_WIDTH,), dtype=jnp.float32)
    W2 = jax.random.normal(ks[5], (MLP_WIDTH, MLP_WIDTH), dtype=jnp.float32) / np.sqrt(MLP_WIDTH)
    b2 = jnp.zeros((MLP_WIDTH,), dtype=jnp.float32)
    W3 = jax.random.normal(ks[6], (MLP_WIDTH, N_WEIGHTS), dtype=jnp.float32) / np.sqrt(MLP_WIDTH)
    b3 = jnp.zeros((N_WEIGHTS,), dtype=jnp.float32)
    return {"features_node": features_node, "features_edge": features_edge,
            "features_weights": features_weights, "edge_index": edge_index,
            "W1": W1, "b1": b1, "W2": W2, "b2": b2, "W3": W3, "b3": b3}


def reference(features_node, features_edge, features_weights, edge_index, W1, b1, W2, b2, W3, b3):
    src = edge_index[0]
    tgt = edge_index[1]
    # per-edge weights via radial MLP
    h = jax.nn.silu(features_weights @ W1 + b1)
    h = jax.nn.silu(h @ W2 + b2)
    weights = h @ W3 + b3                                  # [E, 256]
    w = weights.reshape(-1, N_PATHS, D_NODE)               # [E, 2, 128]
    # gather source node features (SparseCore gather)
    x_src = jnp.take(features_node, src, axis=0)           # [E, 128]
    # FunctionalTensorProduct for 128x0e (x) (1x0e + 1x1o) -> 128x0e + 128x1o.
    # Clebsch-Gordan for 0e (x) l -> l is the identity, so each path is an
    # elementwise weighted product of the scalar channels with the SH component.
    sh0 = features_edge[:, 0:1]                            # [E, 1]
    sh1 = features_edge[:, 1:4]                            # [E, 3]
    m0 = (w[:, 0, :] * x_src)[:, :, None] * sh0[:, None, :]   # [E, 128, 1]
    m1 = (w[:, 1, :] * x_src)[:, :, None] * sh1[:, None, :]   # [E, 128, 3]
    messages = jnp.concatenate([m0.reshape(-1, D_NODE), m1.reshape(-1, D_NODE * 3)], axis=-1)  # [E, 512]
    # scatter-add messages to target nodes (IrrepsArray.zeros(...).at[tgt].add)
    out = jnp.zeros((N_NODES, D_OUT), dtype=messages.dtype).at[tgt].add(messages)
    return out

if __name__ == "__main__":
    import jax
    _d = setup_inputs()
    print(jax.jit(kernel)(*tuple(_d.values())))

</pallas_src>

<mosaic_0001>
#map = affine_map<(d0, d1) -> (0, 0)>
#map1 = affine_map<(d0, d1) -> (0, 0, 0, 0)>
module attributes {stable_mosaic.version = 14 : i64} {
  func.func @sc_gather_h0(%arg0: i32, %arg1: i32, %arg2: memref<10000x128xf32, #tpu.memory_space<hbm>>, %arg3: memref<2x1x1250x128xi32, #tpu.memory_space<hbm>>, %arg4: memref<160000x128xf32, #tpu.memory_space<hbm>>, %arg5: memref<2x128xi32, #tpu.memory_space<vmem>>, %arg6: memref<128x128xf32, #tpu.memory_space<vmem>>, %arg7: memref<128x128xf32, #tpu.memory_space<vmem>>, %arg8: memref<!tpu.dma_semaphore, #tpu.memory_space<semaphore_mem>>, %arg9: memref<!tpu.dma_semaphore, #tpu.memory_space<semaphore_mem>>) attributes {dimension_semantics = [#tpu.dimension_semantics<core_parallel>, #tpu.dimension_semantics<subcore_parallel>], iteration_bounds = array<i64: 2, 16>, scalar_prefetch = 0 : i64, scratch_operands = 5 : i64, tpu.core_type = #tpu.core_type<sc_vector_subcore>, window_params = [{transform_indices = #map}, {transform_indices = #map1}, {transform_indices = #map}]} {
    %mul3A = arith.constant 2 : i32
    %mul3A_0 = arith.muli %arg1, %mul3A : i32
    %add3A = arith.addi %mul3A_0, %arg0 : i32
    %lt3A = arith.constant 2 : i32
    %lt3A_1 = arith.cmpi slt, %add3A, %lt3A : i32
    %jit3A = arith.constant 1 : i32
    %jit3A_2 = arith.constant 0 : i32
    %select_n3A = arith.select %lt3A_1, %jit3A, %jit3A_2 : i32
    %add3A_3 = arith.constant 39 : i32
    %add3A_4 = arith.addi %add3A_3, %select_n3A : i32
    %run_scoped3A = arith.constant 0 : i32
    %run_scoped3A_5 = arith.constant 0 : i32
    %run_scoped3A_6 = arith.constant 0 : i32
    "tpu.region"() ({
      %run_scoped3A_30 = tpu.sem_alloc : memref<!tpu.dma_semaphore, #tpu.memory_space<semaphore_mem>>
      %dma_start3A_31 = arith.constant 0 : i32
      %dma_start3A_32 = tpu.memref_slice %arg5[%run_scoped3A_6, %dma_start3A_31] : memref<2x128xi32, #tpu.memory_space<vmem>> -> memref<1x128xi32, #tpu.memory_space<vmem>>
      %dma_start3A_33 = tpu.memref_squeeze %dma_start3A_32 : memref<1x128xi32, #tpu.memory_space<vmem>> -> memref<128xi32, #tpu.memory_space<vmem>>
      %dma_start3A_34 = arith.constant 0 : i32
      %dma_start3A_35 = tpu.memref_slice %arg3[%run_scoped3A, %run_scoped3A_5, %add3A, %dma_start3A_34] : memref<2x1x1250x128xi32, #tpu.memory_space<hbm>> -> memref<1x1x1x128xi32, #tpu.memory_space<hbm>>
      %dma_start3A_36 = tpu.memref_squeeze %dma_start3A_35 : memref<1x1x1x128xi32, #tpu.memory_space<hbm>> -> memref<128xi32, #tpu.memory_space<hbm>>
      %dma_start3A_37 = arith.constant 0 : i32
      %dma_start3A_38 = tpu.memref_slice %arg5[%run_scoped3A_6, %dma_start3A_37] : memref<2x128xi32, #tpu.memory_space<vmem>> -> memref<1x128xi32, #tpu.memory_space<vmem>>
      %dma_start3A_39 = tpu.memref_squeeze %dma_start3A_38 : memref<1x128xi32, #tpu.memory_space<vmem>> -> memref<128xi32, #tpu.memory_space<vmem>>
      %dma_start3A_40 = arith.constant 0 : i32
      %dma_start3A_41 = tpu.memref_slice %arg3[%run_scoped3A, %run_scoped3A_5, %add3A, %dma_start3A_40] : memref<2x1x1250x128xi32, #tpu.memory_space<hbm>> -> memref<1x1x1x128xi32, #tpu.memory_space<hbm>>
      %dma_start3A_42 = tpu.memref_squeeze %dma_start3A_41 : memref<1x1x1x128xi32, #tpu.memory_space<hbm>> -> memref<128xi32, #tpu.memory_space<hbm>>
      tpu.enqueue_dma source(%dma_start3A_42 : memref<128xi32, #tpu.memory_space<hbm>>) target(%dma_start3A_39 : memref<128xi32, #tpu.memory_space<vmem>>) target_semaphore(%run_scoped3A_30 : memref<!tpu.dma_semaphore, #tpu.memory_space<semaphore_mem>>)
      %dma_wait3A = arith.constant 0 : i32
      %dma_wait3A_43 = tpu.memref_slice %arg5[%run_scoped3A_6, %dma_wait3A] : memref<2x128xi32, #tpu.memory_space<vmem>> -> memref<1x128xi32, #tpu.memory_space<vmem>>
      %dma_wait3A_44 = tpu.memref_squeeze %dma_wait3A_43 : memref<1x128xi32, #tpu.memory_space<vmem>> -> memref<128xi32, #tpu.memory_space<vmem>>
      %dma_wait3A_45 = arith.constant 0 : i32
      %dma_wait3A_46 = tpu.memref_slice %arg3[%run_scoped3A, %run_scoped3A_5, %add3A, %dma_wait3A_45] : memref<2x1x1250x128xi32, #tpu.memory_space<hbm>> -> memref<1x1x1x128xi32, #tpu.memory_space<hbm>>
      %dma_wait3A_47 = tpu.memref_squeeze %dma_wait3A_46 : memref<1x1x1x128xi32, #tpu.memory_space<hbm>> -> memref<128xi32, #tpu.memory_space<hbm>>
      %dma_wait3A_48 = arith.constant 0 : i32
      %dma_wait3A_49 = tpu.memref_slice %arg5[%run_scoped3A_6, %dma_wait3A_48] : memref<2x128xi32, #tpu.memory_space<vmem>> -> memref<1x128xi32, #tpu.memory_space<vmem>>
      %dma_wait3A_50 = tpu.memref_squeeze %dma_wait3A_49 : memref<1x128xi32, #tpu.memory_space<vmem>> -> memref<128xi32, #tpu.memory_space<vmem>>
      %dma_wait3A_51 = arith.constant 0 : i32
      %dma_wait3A_52 = tpu.memref_slice %arg3[%run_scoped3A, %run_scoped3A_5, %add3A, %dma_wait3A_51] : memref<2x1x1250x128xi32, #tpu.memory_space<hbm>> -> memref<1x1x1x128xi32, #tpu.memory_space<hbm>>
      %dma_wait3A_53 = tpu.memref_squeeze %dma_wait3A_52 : memref<1x1x1x128xi32, #tpu.memory_space<hbm>> -> memref<128xi32, #tpu.memory_space<hbm>>
      tpu.wait_dma2 semaphore(%run_scoped3A_30 : memref<!tpu.dma_semaphore, #tpu.memory_space<semaphore_mem>>) src(%dma_wait3A_53 : memref<128xi32, #tpu.memory_space<hbm>>) dst(%dma_wait3A_50 : memref<128xi32, #tpu.memory_space<vmem>>)
      tpu.yield
    }) : () -> ()
    %add3A_7 = arith.constant 32 : i32
    %add3A_8 = arith.addi %add3A, %add3A_7 : i32
    %run_scoped3A_9 = arith.constant 0 : i32
    %run_scoped3A_10 = arith.constant 0 : i32
    %run_scoped3A_11 = arith.constant 1 : i32
    "tpu.region"() ({
      %run_scoped3A_30 = tpu.sem_alloc : memref<!tpu.dma_semaphore, #tpu.memory_space<semaphore_mem>>
      %dma_start3A_31 = arith.constant 0 : i32
      %dma_start3A_32 = tpu.memref_slice %arg5[%run_scoped3A_11, %dma_start3A_31] : memref<2x128xi32, #tpu.memory_space<vmem>> -> memref<1x128xi32, #tpu.memory_space<vmem>>
      %dma_start3A_33 = tpu.memref_squeeze %dma_start3A_32 : memref<1x128xi32, #tpu.memory_space<vmem>> -> memref<128xi32, #tpu.memory_space<vmem>>
      %dma_start3A_34 = arith.constant 0 : i32
      %dma_start3A_35 = tpu.memref_slice %arg3[%run_scoped3A_9, %run_scoped3A_10, %add3A_8, %dma_start3A_34] : memref<2x1x1250x128xi32, #tpu.memory_space<hbm>> -> memref<1x1x1x128xi32, #tpu.memory_space<hbm>>
      %dma_start3A_36 = tpu.memref_squeeze %dma_start3A_35 : memref<1x1x1x128xi32, #tpu.memory_space<hbm>> -> memref<128xi32, #tpu.memory_space<hbm>>
      %dma_start3A_37 = arith.constant 0 : i32
      %dma_start3A_38 = tpu.memref_slice %arg5[%run_scoped3A_11, %dma_start3A_37] : memref<2x128xi32, #tpu.memory_space<vmem>> -> memref<1x128xi32, #tpu.memory_space<vmem>>
      %dma_start3A_39 = tpu.memref_squeeze %dma_start3A_38 : memref<1x128xi32, #tpu.memory_space<vmem>> -> memref<128xi32, #tpu.memory_space<vmem>>
      %dma_start3A_40 = arith.constant 0 : i32
      %dma_start3A_41 = tpu.memref_slice %arg3[%run_scoped3A_9, %run_scoped3A_10, %add3A_8, %dma_start3A_40] : memref<2x1x1250x128xi32, #tpu.memory_space<hbm>> -> memref<1x1x1x128xi32, #tpu.memory_space<hbm>>
      %dma_start3A_42 = tpu.memref_squeeze %dma_start3A_41 : memref<1x1x1x128xi32, #tpu.memory_space<hbm>> -> memref<128xi32, #tpu.memory_space<hbm>>
      tpu.enqueue_dma source(%dma_start3A_42 : memref<128xi32, #tpu.memory_space<hbm>>) target(%dma_start3A_39 : memref<128xi32, #tpu.memory_space<vmem>>) target_semaphore(%run_scoped3A_30 : memref<!tpu.dma_semaphore, #tpu.memory_space<semaphore_mem>>)
      %dma_wait3A = arith.constant 0 : i32
      %dma_wait3A_43 = tpu.memref_slice %arg5[%run_scoped3A_11, %dma_wait3A] : memref<2x128xi32, #tpu.memory_space<vmem>> -> memref<1x128xi32, #tpu.memory_space<vmem>>
      %dma_wait3A_44 = tpu.memref_squeeze %dma_wait3A_43 : memref<1x128xi32, #tpu.memory_space<vmem>> -> memref<128xi32, #tpu.memory_space<vmem>>
      %dma_wait3A_45 = arith.constant 0 : i32
      %dma_wait3A_46 = tpu.memref_slice %arg3[%run_scoped3A_9, %run_scoped3A_10, %add3A_8, %dma_wait3A_45] : memref<2x1x1250x128xi32, #tpu.memory_space<hbm>> -> memref<1x1x1x128xi32, #tpu.memory_space<hbm>>
      %dma_wait3A_47 = tpu.memref_squeeze %dma_wait3A_46 : memref<1x1x1x128xi32, #tpu.memory_space<hbm>> -> memref<128xi32, #tpu.memory_space<hbm>>
      %dma_wait3A_48 = arith.constant 0 : i32
      %dma_wait3A_49 = tpu.memref_slice %arg5[%run_scoped3A_11, %dma_wait3A_48] : memref<2x128xi32, #tpu.memory_space<vmem>> -> memref<1x128xi32, #tpu.memory_space<vmem>>
      %dma_wait3A_50 = tpu.memref_squeeze %dma_wait3A_49 : memref<1x128xi32, #tpu.memory_space<vmem>> -> memref<128xi32, #tpu.memory_space<vmem>>
      %dma_wait3A_51 = arith.constant 0 : i32
      %dma_wait3A_52 = tpu.memref_slice %arg3[%run_scoped3A_9, %run_scoped3A_10, %add3A_8, %dma_wait3A_51] : memref<2x1x1250x128xi32, #tpu.memory_space<hbm>> -> memref<1x1x1x128xi32, #tpu.memory_space<hbm>>
      %dma_wait3A_53 = tpu.memref_squeeze %dma_wait3A_52 : memref<1x1x1x128xi32, #tpu.memory_space<hbm>> -> memref<128xi32, #tpu.memory_space<hbm>>
      tpu.wait_dma2 semaphore(%run_scoped3A_30 : memref<!tpu.dma_semaphore, #tpu.memory_space<semaphore_mem>>) src(%dma_wait3A_53 : memref<128xi32, #tpu.memory_space<hbm>>) dst(%dma_wait3A_50 : memref<128xi32, #tpu.memory_space<vmem>>)
      tpu.yield
    }) : () -> ()
    %dma_start3A = arith.constant 0 : i32
    %dma_start3A_12 = arith.constant 0 : i32
    %dma_start3A_13 = tpu.memref_slice %arg5[%dma_start3A, %dma_start3A_12] : memref<2x128xi32, #tpu.memory_space<vmem>> -> memref<1x128xi32, #tpu.memory_space<vmem>>
    %dma_start3A_14 = tpu.memref_squeeze %dma_start3A_13 : memref<1x128xi32, #tpu.memory_space<vmem>> -> memref<128xi32, #tpu.memory_space<vmem>>
    %dma_start3A_15 = arith.constant 0 : i32
    %dma_start3A_16 = arith.constant 0 : i32
    %dma_start3A_17 = tpu.memref_slice %arg2[%dma_start3A_15, %dma_start3A_16] : memref<10000x128xf32, #tpu.memory_space<hbm>> -> memref<10000x128xf32, #tpu.memory_space<hbm>>
    tpu.enqueue_indirect_dma source(%dma_start3A_17 : memref<10000x128xf32, #tpu.memory_space<hbm>>) target(%arg6 : memref<128x128xf32, #tpu.memory_space<vmem>>) offsets(%dma_start3A_14 : memref<128xi32, #tpu.memory_space<vmem>>) semaphore(%arg8 : memref<!tpu.dma_semaphore, #tpu.memory_space<semaphore_mem>>)
    %dma_start3A_18 = arith.constant 1 : i32
    %dma_start3A_19 = arith.constant 0 : i32
    %dma_start3A_20 = tpu.memref_slice %arg5[%dma_start3A_18, %dma_start3A_19] : memref<2x128xi32, #tpu.memory_space<vmem>> -> memref<1x128xi32, #tpu.memory_space<vmem>>
    %dma_start3A_21 = tpu.memref_squeeze %dma_start3A_20 : memref<1x128xi32, #tpu.memory_space<vmem>> -> memref<128xi32, #tpu.memory_space<vmem>>
    %dma_start3A_22 = arith.constant 0 : i32
    %dma_start3A_23 = arith.constant 0 : i32
    %dma_start3A_24 = tpu.memref_slice %arg2[%dma_start3A_22, %dma_start3A_23] : memref<10000x128xf32, #tpu.memory_space<hbm>> -> memref<10000x128xf32, #tpu.memory_space<hbm>>
    tpu.enqueue_indirect_dma source(%dma_start3A_24 : memref<10000x128xf32, #tpu.memory_space<hbm>>) target(%arg7 : memref<128x128xf32, #tpu.memory_space<vmem>>) offsets(%dma_start3A_21 : memref<128xi32, #tpu.memory_space<vmem>>) semaphore(%arg9 : memref<!tpu.dma_semaphore, #tpu.memory_space<semaphore_mem>>)
    %scan3A = arith.constant 0 : i32
    %scan3A_25 = arith.constant 0 : i32
    %scan3A_26 = arith.constant 20 : i32
    %scan3A_27 = arith.addi %scan3A_25, %scan3A_26 : i32
    %scan3A_28 = arith.constant 1 : i32
    scf.for %scan3A_30 = %scan3A_25 to %scan3A_27 step %scan3A_28  : i32 {
      %mul3A_31 = arith.constant 2 : i32
      %mul3A_32 = arith.muli %mul3A_31, %scan3A_30 : i32
      %add3A_33 = arith.constant 0 : i32
      %add3A_34 = arith.addi %mul3A_32, %add3A_33 : i32
      %lt3A_35 = arith.cmpi slt, %add3A_34, %add3A_4 : i32
      %convert_element_type3A = arith.extui %lt3A_35 : i1 to i32
      %cond3A = arith.constant 0 : i32
      %cond3A_36 = arith.cmpi ne, %convert_element_type3A, %cond3A : i32
      scf.if %cond3A_36 {
        %dma_wait3A = arith.constant 0 : i32
        %dma_wait3A_45 = arith.constant 0 : i32
        %dma_wait3A_46 = tpu.memref_slice %arg5[%dma_wait3A, %dma_wait3A_45] : memref<2x128xi32, #tpu.memory_space<vmem>> -> memref<1x128xi32, #tpu.memory_space<vmem>>
        %dma_wait3A_47 = tpu.memref_squeeze %dma_wait3A_46 : memref<1x128xi32, #tpu.memory_space<vmem>> -> memref<128xi32, #tpu.memory_space<vmem>>
        %dma_wait3A_48 = arith.constant 0 : i32
        %dma_wait3A_49 = arith.constant 0 : i32
        %dma_wait3A_50 = tpu.memref_slice %arg2[%dma_wait3A_48, %dma_wait3A_49] : memref<10000x128xf32, #tpu.memory_space<hbm>> -> memref<10000x128xf32, #tpu.memory_space<hbm>>
        tpu.wait_indirect_dma semaphore(%arg8 : memref<!tpu.dma_semaphore, #tpu.memory_space<semaphore_mem>>) src(%dma_wait3A_50 : memref<10000x128xf32, #tpu.memory_space<hbm>>) dst(%arg6 : memref<128x128xf32, #tpu.memory_space<vmem>>)
        %mul3A_51 = arith.constant 32 : i32
        %mul3A_52 = arith.muli %mul3A_51, %add3A_34 : i32
        %add3A_53 = arith.addi %add3A, %mul3A_52 : i32
        %mul3A_54 = arith.constant 128 : i32
        %mul3A_55 = arith.muli %add3A_53, %mul3A_54 : i32
        "tpu.region"() ({
          %run_scoped3A_62 = tpu.sem_alloc : memref<!tpu.dma_semaphore, #tpu.memory_space<semaphore_mem>>
          %dma_start3A_63 = arith.constant 0 : i32
          %dma_start3A_64 = tpu.memref_slice %arg4[%mul3A_55, %dma_start3A_63] : memref<160000x128xf32, #tpu.memory_space<hbm>> -> memref<128x128xf32, #tpu.memory_space<hbm>>
          %dma_start3A_65 = arith.constant 0 : i32
          %dma_start3A_66 = tpu.memref_slice %arg4[%mul3A_55, %dma_start3A_65] : memref<160000x128xf32, #tpu.memory_space<hbm>> -> memref<128x128xf32, #tpu.memory_space<hbm>>
          tpu.enqueue_dma source(%arg6 : memref<128x128xf32, #tpu.memory_space<vmem>>) target(%dma_start3A_66 : memref<128x128xf32, #tpu.memory_space<hbm>>) target_semaphore(%run_scoped3A_62 : memref<!tpu.dma_semaphore, #tpu.memory_space<semaphore_mem>>)
          %dma_wait3A_67 = arith.constant 0 : i32
          %dma_wait3A_68 = tpu.memref_slice %arg4[%mul3A_55, %dma_wait3A_67] : memref<160000x128xf32, #tpu.memory_space<hbm>> -> memref<128x128xf32, #tpu.memory_space<hbm>>
          %dma_wait3A_69 = arith.constant 0 : i32
          %dma_wait3A_70 = tpu.memref_slice %arg4[%mul3A_55, %dma_wait3A_69] : memref<160000x128xf32, #tpu.memory_space<hbm>> -> memref<128x128xf32, #tpu.memory_space<hbm>>
          tpu.wait_dma2 semaphore(%run_scoped3A_62 : memref<!tpu.dma_semaphore, #tpu.memory_space<semaphore_mem>>) src(%arg6 : memref<128x128xf32, #tpu.memory_space<vmem>>) dst(%dma_wait3A_70 : memref<128x128xf32, #tpu.memory_space<hbm>>)
          tpu.yield
        }) : () -> ()
        %add3A_56 = arith.constant 2 : i32
        %add3A_57 = arith.addi %add3A_34, %add3A_56 : i32
        %lt3A_58 = arith.cmpi slt, %add3A_57, %add3A_4 : i32
        %convert_element_type3A_59 = arith.extui %lt3A_58 : i1 to i32
        %cond3A_60 = arith.constant 0 : i32
        %cond3A_61 = arith.cmpi ne, %convert_element_type3A_59, %cond3A_60 : i32
        scf.if %cond3A_61 {
          %mul3A_62 = arith.constant 32 : i32
          %mul3A_63 = arith.muli %mul3A_62, %add3A_57 : i32
          %add3A_64 = arith.addi %add3A, %mul3A_63 : i32
          %run_scoped3A_65 = arith.constant 0 : i32
          %run_scoped3A_66 = arith.constant 0 : i32
          %run_scoped3A_67 = arith.constant 0 : i32
          "tpu.region"() ({
            %run_scoped3A_75 = tpu.sem_alloc : memref<!tpu.dma_semaphore, #tpu.memory_space<semaphore_mem>>
            %dma_start3A_76 = arith.constant 0 : i32
            %dma_start3A_77 = tpu.memref_slice %arg5[%run_scoped3A_67, %dma_start3A_76] : memref<2x128xi32, #tpu.memory_space<vmem>> -> memref<1x128xi32, #tpu.memory_space<vmem>>
            %dma_start3A_78 = tpu.memref_squeeze %dma_start3A_77 : memref<1x128xi32, #tpu.memory_space<vmem>> -> memref<128xi32, #tpu.memory_space<vmem>>
            %dma_start3A_79 = arith.constant 0 : i32
            %dma_start3A_80 = tpu.memref_slice %arg3[%run_scoped3A_65, %run_scoped3A_66, %add3A_64, %dma_start3A_79] : memref<2x1x1250x128xi32, #tpu.memory_space<hbm>> -> memref<1x1x1x128xi32, #tpu.memory_space<hbm>>
            %dma_start3A_81 = tpu.memref_squeeze %dma_start3A_80 : memref<1x1x1x128xi32, #tpu.memory_space<hbm>> -> memref<128xi32, #tpu.memory_space<hbm>>
            %dma_start3A_82 = arith.constant 0 : i32
            %dma_start3A_83 = tpu.memref_slice %arg5[%run_scoped3A_67, %dma_start3A_82] : memref<2x128xi32, #tpu.memory_space<vmem>> -> memref<1x128xi32, #tpu.memory_space<vmem>>
            %dma_start3A_84 = tpu.memref_squeeze %dma_start3A_83 : memref<1x128xi32, #tpu.memory_space<vmem>> -> memref<128xi32, #tpu.memory_space<vmem>>
            %dma_start3A_85 = arith.constant 0 : i32
            %dma_start3A_86 = tpu.memref_slice %arg3[%run_scoped3A_65, %run_scoped3A_66, %add3A_64, %dma_start3A_85] : memref<2x1x1250x128xi32, #tpu.memory_space<hbm>> -> memref<1x1x1x128xi32, #tpu.memory_space<hbm>>
            %dma_start3A_87 = tpu.memref_squeeze %dma_start3A_86 : memref<1x1x1x128xi32, #tpu.memory_space<hbm>> -> memref<128xi32, #tpu.memory_space<hbm>>
            tpu.enqueue_dma source(%dma_start3A_87 : memref<128xi32, #tpu.memory_space<hbm>>) target(%dma_start3A_84 : memref<128xi32, #tpu.memory_space<vmem>>) target_semaphore(%run_scoped3A_75 : memref<!tpu.dma_semaphore, #tpu.memory_space<semaphore_mem>>)
            %dma_wait3A_88 = arith.constant 0 : i32
            %dma_wait3A_89 = tpu.memref_slice %arg5[%run_scoped3A_67, %dma_wait3A_88] : memref<2x128xi32, #tpu.memory_space<vmem>> -> memref<1x128xi32, #tpu.memory_space<vmem>>
            %dma_wait3A_90 = tpu.memref_squeeze %dma_wait3A_89 : memref<1x128xi32, #tpu.memory_space<vmem>> -> memref<128xi32, #tpu.memory_space<vmem>>
            %dma_wait3A_91 = arith.constant 0 : i32
            %dma_wait3A_92 = tpu.memref_slice %arg3[%run_scoped3A_65, %run_scoped3A_66, %add3A_64, %dma_wait3A_91] : memref<2x1x1250x128xi32, #tpu.memory_space<hbm>> -> memref<1x1x1x128xi32, #tpu.memory_space<hbm>>
            %dma_wait3A_93 = tpu.memref_squeeze %dma_wait3A_92 : memref<1x1x1x128xi32, #tpu.memory_space<hbm>> -> memref<128xi32, #tpu.memory_space<hbm>>
            %dma_wait3A_94 = arith.constant 0 : i32
            %dma_wait3A_95 = tpu.memref_slice %arg5[%run_scoped3A_67, %dma_wait3A_94] : memref<2x128xi32, #tpu.memory_space<vmem>> -> memref<1x128xi32, #tpu.memory_space<vmem>>
            %dma_wait3A_96 = tpu.memref_squeeze %dma_wait3A_95 : memref<1x128xi32, #tpu.memory_space<vmem>> -> memref<128xi32, #tpu.memory_space<vmem>>
            %dma_wait3A_97 = arith.constant 0 : i32
            %dma_wait3A_98 = tpu.memref_slice %arg3[%run_scoped3A_65, %run_scoped3A_66, %add3A_64, %dma_wait3A_97] : memref<2x1x1250x128xi32, #tpu.memory_space<hbm>> -> memref<1x1x1x128xi32, #tpu.memory_space<hbm>>
            %dma_wait3A_99 = tpu.memref_squeeze %dma_wait3A_98 : memref<1x1x1x128xi32, #tpu.memory_space<hbm>> -> memref<128xi32, #tpu.memory_space<hbm>>
            tpu.wait_dma2 semaphore(%run_scoped3A_75 : memref<!tpu.dma_semaphore, #tpu.memory_space<semaphore_mem>>) src(%dma_wait3A_99 : memref<128xi32, #tpu.memory_space<hbm>>) dst(%dma_wait3A_96 : memref<128xi32, #tpu.memory_space<vmem>>)
            tpu.yield
          }) : () -> ()
          %dma_start3A_68 = arith.constant 0 : i32
          %dma_start3A_69 = arith.constant 0 : i32
          %dma_start3A_70 = tpu.memref_slice %arg5[%dma_start3A_68, %dma_start3A_69] : memref<2x128xi32, #tpu.memory_space<vmem>> -> memref<1x128xi32, #tpu.memory_space<vmem>>
          %dma_start3A_71 = tpu.memref_squeeze %dma_start3A_70 : memref<1x128xi32, #tpu.memory_space<vmem>> -> memref<128xi32, #tpu.memory_space<vmem>>
          %dma_start3A_72 = arith.constant 0 : i32
          %dma_start3A_73 = arith.constant 0 : i32
          %dma_start3A_74 = tpu.memref_slice %arg2[%dma_start3A_72, %dma_start3A_73] : memref<10000x128xf32, #tpu.memory_space<hbm>> -> memref<10000x128xf32, #tpu.memory_space<hbm>>
          tpu.enqueue_indirect_dma source(%dma_start3A_74 : memref<10000x128xf32, #tpu.memory_space<hbm>>) target(%arg6 : memref<128x128xf32, #tpu.memory_space<vmem>>) offsets(%dma_start3A_71 : memref<128xi32, #tpu.memory_space<vmem>>) semaphore(%arg8 : memref<!tpu.dma_semaphore, #tpu.memory_space<semaphore_mem>>)
        } else {
        }
      } else {
      }
      %mul3A_37 = arith.constant 2 : i32
      %mul3A_38 = arith.muli %mul3A_37, %scan3A_30 : i32
      %add3A_39 = arith.constant 1 : i32
      %add3A_40 = arith.addi %mul3A_38, %add3A_39 : i32
      %lt3A_41 = arith.cmpi slt, %add3A_40, %add3A_4 : i32
      %convert_element_type3A_42 = arith.extui %lt3A_41 : i1 to i32
      %cond3A_43 = arith.constant 0 : i32
      %cond3A_44 = arith.cmpi ne, %convert_element_type3A_42, %cond3A_43 : i32
      scf.if %cond3A_44 {
        %dma_wait3A = arith.constant 1 : i32
        %dma_wait3A_45 = arith.constant 0 : i32
        %dma_wait3A_46 = tpu.memref_slice %arg5[%dma_wait3A, %dma_wait3A_45] : memref<2x128xi32, #tpu.memory_space<vmem>> -> memref<1x128xi32, #tpu.memory_space<vmem>>
        %dma_wait3A_47 = tpu.memref_squeeze %dma_wait3A_46 : memref<1x128xi32, #tpu.memory_space<vmem>> -> memref<128xi32, #tpu.memory_space<vmem>>
        %dma_wait3A_48 = arith.constant 0 : i32
        %dma_wait3A_49 = arith.constant 0 : i32
        %dma_wait3A_50 = tpu.memref_slice %arg2[%dma_wait3A_48, %dma_wait3A_49] : memref<10000x128xf32, #tpu.memory_space<hbm>> -> memref<10000x128xf32, #tpu.memory_space<hbm>>
        tpu.wait_indirect_dma semaphore(%arg9 : memref<!tpu.dma_semaphore, #tpu.memory_space<semaphore_mem>>) src(%dma_wait3A_50 : memref<10000x128xf32, #tpu.memory_space<hbm>>) dst(%arg7 : memref<128x128xf32, #tpu.memory_space<vmem>>)
        %mul3A_51 = arith.constant 32 : i32
        %mul3A_52 = arith.muli %mul3A_51, %add3A_40 : i32
        %add3A_53 = arith.addi %add3A, %mul3A_52 : i32
        %mul3A_54 = arith.constant 128 : i32
        %mul3A_55 = arith.muli %add3A_53, %mul3A_54 : i32
        "tpu.region"() ({
          %run_scoped3A_62 = tpu.sem_alloc : memref<!tpu.dma_semaphore, #tpu.memory_space<semaphore_mem>>
          %dma_start3A_63 = arith.constant 0 : i32
          %dma_start3A_64 = tpu.memref_slice %arg4[%mul3A_55, %dma_start3A_63] : memref<160000x128xf32, #tpu.memory_space<hbm>> -> memref<128x128xf32, #tpu.memory_space<hbm>>
          %dma_start3A_65 = arith.constant 0 : i32
          %dma_start3A_66 = tpu.memref_slice %arg4[%mul3A_55, %dma_start3A_65] : memref<160000x128xf32, #tpu.memory_space<hbm>> -> memref<128x128xf32, #tpu.memory_space<hbm>>
          tpu.enqueue_dma source(%arg7 : memref<128x128xf32, #tpu.memory_space<vmem>>) target(%dma_start3A_66 : memref<128x128xf32, #tpu.memory_space<hbm>>) target_semaphore(%run_scoped3A_62 : memref<!tpu.dma_semaphore, #tpu.memory_space<semaphore_mem>>)
          %dma_wait3A_67 = arith.constant 0 : i32
          %dma_wait3A_68 = tpu.memref_slice %arg4[%mul3A_55, %dma_wait3A_67] : memref<160000x128xf32, #tpu.memory_space<hbm>> -> memref<128x128xf32, #tpu.memory_space<hbm>>
          %dma_wait3A_69 = arith.constant 0 : i32
          %dma_wait3A_70 = tpu.memref_slice %arg4[%mul3A_55, %dma_wait3A_69] : memref<160000x128xf32, #tpu.memory_space<hbm>> -> memref<128x128xf32, #tpu.memory_space<hbm>>
          tpu.wait_dma2 semaphore(%run_scoped3A_62 : memref<!tpu.dma_semaphore, #tpu.memory_space<semaphore_mem>>) src(%arg7 : memref<128x128xf32, #tpu.memory_space<vmem>>) dst(%dma_wait3A_70 : memref<128x128xf32, #tpu.memory_space<hbm>>)
          tpu.yield
        }) : () -> ()
        %add3A_56 = arith.constant 2 : i32
        %add3A_57 = arith.addi %add3A_40, %add3A_56 : i32
        %lt3A_58 = arith.cmpi slt, %add3A_57, %add3A_4 : i32
        %convert_element_type3A_59 = arith.extui %lt3A_58 : i1 to i32
        %cond3A_60 = arith.constant 0 : i32
        %cond3A_61 = arith.cmpi ne, %convert_element_type3A_59, %cond3A_60 : i32
        scf.if %cond3A_61 {
          %mul3A_62 = arith.constant 32 : i32
          %mul3A_63 = arith.muli %mul3A_62, %add3A_57 : i32
          %add3A_64 = arith.addi %add3A, %mul3A_63 : i32
          %run_scoped3A_65 = arith.constant 0 : i32
          %run_scoped3A_66 = arith.constant 0 : i32
          %run_scoped3A_67 = arith.constant 1 : i32
          "tpu.region"() ({
            %run_scoped3A_75 = tpu.sem_alloc : memref<!tpu.dma_semaphore, #tpu.memory_space<semaphore_mem>>
            %dma_start3A_76 = arith.constant 0 : i32
            %dma_start3A_77 = tpu.memref_slice %arg5[%run_scoped3A_67, %dma_start3A_76] : memref<2x128xi32, #tpu.memory_space<vmem>> -> memref<1x128xi32, #tpu.memory_space<vmem>>
            %dma_start3A_78 = tpu.memref_squeeze %dma_start3A_77 : memref<1x128xi32, #tpu.memory_space<vmem>> -> memref<128xi32, #tpu.memory_space<vmem>>
            %dma_start3A_79 = arith.constant 0 : i32
            %dma_start3A_80 = tpu.memref_slice %arg3[%run_scoped3A_65, %run_scoped3A_66, %add3A_64, %dma_start3A_79] : memref<2x1x1250x128xi32, #tpu.memory_space<hbm>> -> memref<1x1x1x128xi32, #tpu.memory_space<hbm>>
            %dma_start3A_81 = tpu.memref_squeeze %dma_start3A_80 : memref<1x1x1x128xi32, #tpu.memory_space<hbm>> -> memref<128xi32, #tpu.memory_space<hbm>>
            %dma_start3A_82 = arith.constant 0 : i32
            %dma_start3A_83 = tpu.memref_slice %arg5[%run_scoped3A_67, %dma_start3A_82] : memref<2x128xi32, #tpu.memory_space<vmem>> -> memref<1x128xi32, #tpu.memory_space<vmem>>
            %dma_start3A_84 = tpu.memref_squeeze %dma_start3A_83 : memref<1x128xi32, #tpu.memory_space<vmem>> -> memref<128xi32, #tpu.memory_space<vmem>>
            %dma_start3A_85 = arith.constant 0 : i32
            %dma_start3A_86 = tpu.memref_slice %arg3[%run_scoped3A_65, %run_scoped3A_66, %add3A_64, %dma_start3A_85] : memref<2x1x1250x128xi32, #tpu.memory_space<hbm>> -> memref<1x1x1x128xi32, #tpu.memory_space<hbm>>
            %dma_start3A_87 = tpu.memref_squeeze %dma_start3A_86 : memref<1x1x1x128xi32, #tpu.memory_space<hbm>> -> memref<128xi32, #tpu.memory_space<hbm>>
            tpu.enqueue_dma source(%dma_start3A_87 : memref<128xi32, #tpu.memory_space<hbm>>) target(%dma_start3A_84 : memref<128xi32, #tpu.memory_space<vmem>>) target_semaphore(%run_scoped3A_75 : memref<!tpu.dma_semaphore, #tpu.memory_space<semaphore_mem>>)
            %dma_wait3A_88 = arith.constant 0 : i32
            %dma_wait3A_89 = tpu.memref_slice %arg5[%run_scoped3A_67, %dma_wait3A_88] : memref<2x128xi32, #tpu.memory_space<vmem>> -> memref<1x128xi32, #tpu.memory_space<vmem>>
            %dma_wait3A_90 = tpu.memref_squeeze %dma_wait3A_89 : memref<1x128xi32, #tpu.memory_space<vmem>> -> memref<128xi32, #tpu.memory_space<vmem>>
            %dma_wait3A_91 = arith.constant 0 : i32
            %dma_wait3A_92 = tpu.memref_slice %arg3[%run_scoped3A_65, %run_scoped3A_66, %add3A_64, %dma_wait3A_91] : memref<2x1x1250x128xi32, #tpu.memory_space<hbm>> -> memref<1x1x1x128xi32, #tpu.memory_space<hbm>>
            %dma_wait3A_93 = tpu.memref_squeeze %dma_wait3A_92 : memref<1x1x1x128xi32, #tpu.memory_space<hbm>> -> memref<128xi32, #tpu.memory_space<hbm>>
            %dma_wait3A_94 = arith.constant 0 : i32
            %dma_wait3A_95 = tpu.memref_slice %arg5[%run_scoped3A_67, %dma_wait3A_94] : memref<2x128xi32, #tpu.memory_space<vmem>> -> memref<1x128xi32, #tpu.memory_space<vmem>>
            %dma_wait3A_96 = tpu.memref_squeeze %dma_wait3A_95 : memref<1x128xi32, #tpu.memory_space<vmem>> -> memref<128xi32, #tpu.memory_space<vmem>>
            %dma_wait3A_97 = arith.constant 0 : i32
            %dma_wait3A_98 = tpu.memref_slice %arg3[%run_scoped3A_65, %run_scoped3A_66, %add3A_64, %dma_wait3A_97] : memref<2x1x1250x128xi32, #tpu.memory_space<hbm>> -> memref<1x1x1x128xi32, #tpu.memory_space<hbm>>
            %dma_wait3A_99 = tpu.memref_squeeze %dma_wait3A_98 : memref<1x1x1x128xi32, #tpu.memory_space<hbm>> -> memref<128xi32, #tpu.memory_space<hbm>>
            tpu.wait_dma2 semaphore(%run_scoped3A_75 : memref<!tpu.dma_semaphore, #tpu.memory_space<semaphore_mem>>) src(%dma_wait3A_99 : memref<128xi32, #tpu.memory_space<hbm>>) dst(%dma_wait3A_96 : memref<128xi32, #tpu.memory_space<vmem>>)
            tpu.yield
          }) : () -> ()
          %dma_start3A_68 = arith.constant 1 : i32
          %dma_start3A_69 = arith.constant 0 : i32
          %dma_start3A_70 = tpu.memref_slice %arg5[%dma_start3A_68, %dma_start3A_69] : memref<2x128xi32, #tpu.memory_space<vmem>> -> memref<1x128xi32, #tpu.memory_space<vmem>>
          %dma_start3A_71 = tpu.memref_squeeze %dma_start3A_70 : memref<1x128xi32, #tpu.memory_space<vmem>> -> memref<128xi32, #tpu.memory_space<vmem>>
          %dma_start3A_72 = arith.constant 0 : i32
          %dma_start3A_73 = arith.constant 0 : i32
          %dma_start3A_74 = tpu.memref_slice %arg2[%dma_start3A_72, %dma_start3A_73] : memref<10000x128xf32, #tpu.memory_space<hbm>> -> memref<10000x128xf32, #tpu.memory_space<hbm>>
          tpu.enqueue_indirect_dma source(%dma_start3A_74 : memref<10000x128xf32, #tpu.memory_space<hbm>>) target(%arg7 : memref<128x128xf32, #tpu.memory_space<vmem>>) offsets(%dma_start3A_71 : memref<128xi32, #tpu.memory_space<vmem>>) semaphore(%arg9 : memref<!tpu.dma_semaphore, #tpu.memory_space<semaphore_mem>>)
        } else {
        }
      } else {
      }
    }
    %scan3A_29 = arith.constant 20 : i32
    return
  }
}

#map = affine_map<(d0, d1) -> (0, 0)>
#map1 = affine_map<(d0, d1) -> (0, 0, 0, 0)>
#map2 = affine_map<(d0, d1) -> (0, 0, 0)>
module attributes {stable_mosaic.version = 14 : i64} {
  func.func @sc_scatter_h0(%arg0: i32, %arg1: i32, %arg2: memref<160000x128xf32, #tpu.memory_space<hbm>>, %arg3: memref<160000x128xf32, #tpu.memory_space<hbm>>, %arg4: memref<160000x128xf32, #tpu.memory_space<hbm>>, %arg5: memref<160000x128xf32, #tpu.memory_space<hbm>>, %arg6: memref<2x1x1250x128xi32, #tpu.memory_space<hbm>>, %arg7: memref<10000x4x128xf32, #tpu.memory_space<hbm>>, %arg8: memref<2x128xi32, #tpu.memory_space<vmem>>, %arg9: memref<128x128xf32, #tpu.memory_space<vmem>>, %arg10: memref<128x128xf32, #tpu.memory_space<vmem>>, %arg11: memref<25x128xf32, #tpu.memory_space<vmem>>, %arg12: memref<10000x128xf32, #tpu.memory_space<vmem_shared>>, %arg13: memref<!tpu.dma_semaphore, #tpu.memory_space<semaphore_mem>>, %arg14: memref<!tpu.dma_semaphore, #tpu.memory_space<semaphore_mem>>) attributes {dimension_semantics = [#tpu.dimension_semantics<core_parallel>, #tpu.dimension_semantics<subcore_parallel>], iteration_bounds = array<i64: 2, 16>, scalar_prefetch = 0 : i64, scratch_operands = 7 : i64, tpu.core_type = #tpu.core_type<sc_vector_subcore>, window_params = [{transform_indices = #map}, {transform_indices = #map}, {transform_indices = #map}, {transform_indices = #map}, {transform_indices = #map1}, {transform_indices = #map2}]} {
    %lt3A = arith.constant 2 : i32
    %lt3A_0 = arith.cmpi slt, %arg1, %lt3A : i32
    %jit3A = arith.constant 1 : i32
    %jit3A_1 = arith.constant 0 : i32
    %select_n3A = arith.select %lt3A_0, %jit3A, %jit3A_1 : i32
    %add3A = arith.constant 78 : i32
    %add3A_2 = arith.addi %add3A, %select_n3A : i32
    %scan3A = arith.constant 0 : i32
    %scan3A_3 = arith.constant 0 : i32
    %scan3A_4 = arith.constant 200 : i32
    %scan3A_5 = arith.addi %scan3A_3, %scan3A_4 : i32
    %scan3A_6 = arith.constant 1 : i32
    scf.for %scan3A_15 = %scan3A_3 to %scan3A_5 step %scan3A_6  : i32 {
      %jit3A_16 = arith.constant 8 : i32
      %div3A = arith.divsi %scan3A_15, %jit3A_16 : i32
      %sign3A = arith.constant 0 : i32
      %sign3A_17 = arith.cmpi sgt, %scan3A_15, %sign3A : i32
      %sign3A_18 = arith.extui %sign3A_17 : i1 to i32
      %sign3A_19 = arith.constant 0 : i32
      %sign3A_20 = arith.cmpi slt, %scan3A_15, %sign3A_19 : i32
      %sign3A_21 = arith.extui %sign3A_20 : i1 to i32
      %sign3A_22 = arith.subi %sign3A_18, %sign3A_21 : i32
      %sign3A_23 = arith.constant 0 : i32
      %sign3A_24 = arith.cmpi sgt, %jit3A_16, %sign3A_23 : i32
      %sign3A_25 = arith.extui %sign3A_24 : i1 to i32
      %sign3A_26 = arith.constant 0 : i32
      %sign3A_27 = arith.cmpi slt, %jit3A_16, %sign3A_26 : i32
      %sign3A_28 = arith.extui %sign3A_27 : i1 to i32
      %sign3A_29 = arith.subi %sign3A_25, %sign3A_28 : i32
      %ne3A = arith.cmpi ne, %sign3A_22, %sign3A_29 : i32
      %rem3A = arith.remsi %scan3A_15, %jit3A_16 : i32
      %ne3A_30 = arith.constant 0 : i32
      %ne3A_31 = arith.cmpi ne, %rem3A, %ne3A_30 : i32
      %and3A = arith.andi %ne3A, %ne3A_31 : i1
      %sub3A = arith.constant 1 : i32
      %sub3A_32 = arith.subi %div3A, %sub3A : i32
      %select_n3A_33 = arith.select %and3A, %sub3A_32, %div3A : i32
      %jit3A_34 = arith.constant 8 : i32
      %eq3A_35 = arith.constant 0 : i32
      %eq3A_36 = arith.cmpi eq, %jit3A_34, %eq3A_35 : i32
      %jit3A_37 = arith.constant 1 : i32
      %select_n3A_38 = arith.select %eq3A_36, %jit3A_37, %jit3A_34 : i32
      %rem3A_39 = arith.remsi %scan3A_15, %select_n3A_38 : i32
      %ne3A_40 = arith.constant 0 : i32
      %ne3A_41 = arith.cmpi ne, %rem3A_39, %ne3A_40 : i32
      %lt3A_42 = arith.constant 0 : i32
      %lt3A_43 = arith.cmpi slt, %rem3A_39, %lt3A_42 : i32
      %lt3A_44 = arith.constant 0 : i32
      %lt3A_45 = arith.cmpi slt, %select_n3A_38, %lt3A_44 : i32
      %ne3A_46 = arith.xori %lt3A_43, %lt3A_45 : i1
      %and3A_47 = arith.andi %ne3A_46, %ne3A_41 : i1
      %add3A_48 = arith.addi %rem3A_39, %select_n3A_38 : i32
      %select_n3A_49 = arith.select %and3A_47, %add3A_48, %rem3A_39 : i32
      %mul3A = arith.constant 16 : i32
      %mul3A_50 = arith.muli %select_n3A_49, %mul3A : i32
      %broadcast_in_dim3A = arith.constant 0.000000e+00 : f32
      %broadcast_in_dim3A_51 = vector.broadcast %broadcast_in_dim3A : f32 to vector<16xf32>
      %swap3A = arith.index_cast %select_n3A_33 : i32 to index
      %swap3A_52 = arith.index_cast %mul3A_50 : i32 to index
      %swap3A_53 = tpu.vector_load %arg11[%swap3A, %swap3A_52] {strides = array<i32>} : memref<25x128xf32, #tpu.memory_space<vmem>>, vector<1x16xf32>,
      %swap3A_54 = vector.shape_cast %swap3A_53 : vector<1x16xf32> to vector<16xf32>
      %swap3A_55 = vector.shape_cast %broadcast_in_dim3A_51 : vector<16xf32> to vector<1x16xf32>
      tpu.vector_store %arg11[%swap3A, %swap3A_52], %swap3A_55 {strides = array<i32>} : memref<25x128xf32, #tpu.memory_space<vmem>>, vector<1x16xf32>,
    }
    %scan3A_7 = arith.constant 200 : i32
    %eq3A = arith.constant 0 : i32
    %eq3A_8 = arith.cmpi eq, %arg0, %eq3A : i32
    %convert_element_type3A = arith.extui %eq3A_8 : i1 to i32
    %cond3A = arith.constant 0 : i32
    %cond3A_9 = arith.cmpi ne, %convert_element_type3A, %cond3A : i32
    scf.if %cond3A_9 {
      %mul3A = arith.constant 625 : i32
      %mul3A_15 = arith.muli %arg1, %mul3A : i32
      %add3A_16 = arith.constant 0 : i32
      %add3A_17 = arith.addi %mul3A_15, %add3A_16 : i32
      "tpu.region"() ({
        %run_scoped3A_283 = tpu.sem_alloc : memref<!tpu.dma_semaphore, #tpu.memory_space<semaphore_mem>>
        %dma_start3A_284 = arith.constant 0 : i32
        %dma_start3A_285 = tpu.memref_slice %arg12[%add3A_17, %dma_start3A_284] : memref<10000x128xf32, #tpu.memory_space<vmem_shared>> -> memref<25x128xf32, #tpu.memory_space<vmem_shared>>
        %dma_start3A_286 = arith.constant 0 : i32
        %dma_start3A_287 = tpu.memref_slice %arg12[%add3A_17, %dma_start3A_286] : memref<10000x128xf32, #tpu.memory_space<vmem_shared>> -> memref<25x128xf32, #tpu.memory_space<vmem_shared>>
        tpu.enqueue_dma source(%arg11 : memref<25x128xf32, #tpu.memory_space<vmem>>) target(%dma_start3A_287 : memref<25x128xf32, #tpu.memory_space<vmem_shared>>) target_semaphore(%run_scoped3A_283 : memref<!tpu.dma_semaphore, #tpu.memory_space<semaphore_mem>>)
        %dma_wait3A = arith.constant 0 : i32
        %dma_wait3A_288 = tpu.memref_slice %arg12[%add3A_17, %dma_wait3A] : memref<10000x128xf32, #tpu.memory_space<vmem_shared>> -> memref<25x128xf32, #tpu.memory_space<vmem_shared>>
        %dma_wait3A_289 = arith.constant 0 : i32
        %dma_wait3A_290 = tpu.memref_slice %arg12[%add3A_17, %dma_wait3A_289] : memref<10000x128xf32, #tpu.memory_space<vmem_shared>> -> memref<25x128xf32, #tpu.memory_space<vmem_shared>>
        tpu.wait_dma2 semaphore(%run_scoped3A_283 : memref<!tpu.dma_semaphore, #tpu.memory_space<semaphore_mem>>) src(%arg11 : memref<25x128xf32, #tpu.memory_space<vmem>>) dst(%dma_wait3A_290 : memref<25x128xf32, #tpu.memory_space<vmem_shared>>)
        tpu.yield
      }) : () -> ()
      %mul3A_18 = arith.constant 625 : i32
      %mul3A_19 = arith.muli %arg1, %mul3A_18 : i32
      %add3A_20 = arith.constant 25 : i32
      %add3A_21 = arith.addi %mul3A_19, %add3A_20 : i32
      "tpu.region"() ({
        %run_scoped3A_283 = tpu.sem_alloc : memref<!tpu.dma_semaphore, #tpu.memory_space<semaphore_mem>>
        %dma_start3A_284 = arith.constant 0 : i32
        %dma_start3A_285 = tpu.memref_slice %arg12[%add3A_21, %dma_start3A_284] : memref<10000x128xf32, #tpu.memory_space<vmem_shared>> -> memref<25x128xf32, #tpu.memory_space<vmem_shared>>
        %dma_start3A_286 = arith.constant 0 : i32
        %dma_start3A_287 = tpu.memref_slice %arg12[%add3A_21, %dma_start3A_286] : memref<10000x128xf32, #tpu.memory_space<vmem_shared>> -> memref<25x128xf32, #tpu.memory_space<vmem_shared>>
        tpu.enqueue_dma source(%arg11 : memref<25x128xf32, #tpu.memory_space<vmem>>) target(%dma_start3A_287 : memref<25x128xf32, #tpu.memory_space<vmem_shared>>) target_semaphore(%run_scoped3A_283 : memref<!tpu.dma_semaphore, #tpu.memory_space<semaphore_mem>>)
        %dma_wait3A = arith.constant 0 : i32
        %dma_wait3A_288 = tpu.memref_slice %arg12[%add3A_21, %dma_wait3A] : memref<10000x128xf32, #tpu.memory_space<vmem_shared>> -> memref<25x128xf32, #tpu.memory_space<vmem_shared>>
        %dma_wait3A_289 = arith.constant 0 : i32
        %dma_wait3A_290 = tpu.memref_slice %arg12[%add3A_21, %dma_wait3A_289] : memref<10000x128xf32, #tpu.memory_space<vmem_shared>> -> memref<25x128xf32, #tpu.memory_space<vmem_shared>>
        tpu.wait_dma2 semaphore(%run_scoped3A_283 : memref<!tpu.dma_semaphore, #tpu.memory_space<semaphore_mem>>) src(%arg11 : memref<25x128xf32, #tpu.memory_space<vmem>>) dst(%dma_wait3A_290 : memref<25x128xf32, #tpu.memory_space<vmem_shared>>)
        tpu.yield
      }) : () -> ()
      %mul3A_22 = arith.constant 625 : i32
      %mul3A_23 = arith.muli %arg1, %mul3A_22 : i32
      %add3A_24 = arith.constant 50 : i32
      %add3A_25 = arith.addi %mul3A_23, %add3A_24 : i32
      "tpu.region"() ({
        %run_scoped3A_283 = tpu.sem_alloc : memref<!tpu.dma_semaphore, #tpu.memory_space<semaphore_mem>>
        %dma_start3A_284 = arith.constant 0 : i32
        %dma_start3A_285 = tpu.memref_slice %arg12[%add3A_25, %dma_start3A_284] : memref<10000x128xf32, #tpu.memory_space<vmem_shared>> -> memref<25x128xf32, #tpu.memory_space<vmem_shared>>
        %dma_start3A_286 = arith.constant 0 : i32
        %dma_start3A_287 = tpu.memref_slice %arg12[%add3A_25, %dma_start3A_286] : memref<10000x128xf32, #tpu.memory_space<vmem_shared>> -> memref<25x128xf32, #tpu.memory_space<vmem_shared>>
        tpu.enqueue_dma source(%arg11 : memref<25x128xf32, #tpu.memory_space<vmem>>) target(%dma_start3A_287 : memref<25x128xf32, #tpu.memory_space<vmem_shared>>) target_semaphore(%run_scoped3A_283 : memref<!tpu.dma_semaphore, #tpu.memory_space<semaphore_mem>>)
        %dma_wait3A = arith.constant 0 : i32
        %dma_wait3A_288 = tpu.memref_slice %arg12[%add3A_25, %dma_wait3A] : memref<10000x128xf32, #tpu.memory_space<vmem_shared>> -> memref<25x128xf32, #tpu.memory_space<vmem_shared>>
        %dma_wait3A_289 = arith.constant 0 : i32
        %dma_wait3A_290 = tpu.memref_slice %arg12[%add3A_25, %dma_wait3A_289] : memref<10000x128xf32, #tpu.memory_space<vmem_shared>> -> memref<25x128xf32, #tpu.memory_space<vmem_shared>>
        tpu.wait_dma2 semaphore(%run_scoped3A_283 : memref<!tpu.dma_semaphore, #tpu.memory_space<semaphore_mem>>) src(%arg11 : memref<25x128xf32, #tpu.memory_space<vmem>>) dst(%dma_wait3A_290 : memref<25x128xf32, #tpu.memory_space<vmem_shared>>)
        tpu.yield
      }) : () -> ()
      %mul3A_26 = arith.constant 625 : i32
      %mul3A_27 = arith.muli %arg1, %mul3A_26 : i32
      %add3A_28 = arith.constant 75 : i32
      %add3A_29 = arith.addi %mul3A_27, %add3A_28 : i32
      "tpu.region"() ({
        %run_scoped3A_283 = tpu.sem_alloc : memref<!tpu.dma_semaphore, #tpu.memory_space<semaphore_mem>>
        %dma_start3A_284 = arith.constant 0 : i32
        %dma_start3A_285 = tpu.memref_slice %arg12[%add3A_29, %dma_start3A_284] : memref<10000x128xf32, #tpu.memory_space<vmem_shared>> -> memref<25x128xf32, #tpu.memory_space<vmem_shared>>
        %dma_start3A_286 = arith.constant 0 : i32
        %dma_start3A_287 = tpu.memref_slice %arg12[%add3A_29, %dma_start3A_286] : memref<10000x128xf32, #tpu.memory_space<vmem_shared>> -> memref<25x128xf32, #tpu.memory_space<vmem_shared>>
        tpu.enqueue_dma source(%arg11 : memref<25x128xf32, #tpu.memory_space<vmem>>) target(%dma_start3A_287 : memref<25x128xf32, #tpu.memory_space<vmem_shared>>) target_semaphore(%run_scoped3A_283 : memref<!tpu.dma_semaphore, #tpu.memory_space<semaphore_mem>>)
        %dma_wait3A = arith.constant 0 : i32
        %dma_wait3A_288 = tpu.memref_slice %arg12[%add3A_29, %dma_wait3A] : memref<10000x128xf32, #tpu.memory_space<vmem_shared>> -> memref<25x128xf32, #tpu.memory_space<vmem_shared>>
        %dma_wait3A_289 = arith.constant 0 : i32
        %dma_wait3A_290 = tpu.memref_slice %arg12[%add3A_29, %dma_wait3A_289] : memref<10000x128xf32, #tpu.memory_space<vmem_shared>> -> memref<25x128xf32, #tpu.memory_space<vmem_shared>>
        tpu.wait_dma2 semaphore(%run_scoped3A_283 : memref<!tpu.dma_semaphore, #tpu.memory_space<semaphore_mem>>) src(%arg11 : memref<25x128xf32, #tpu.memory_space<vmem>>) dst(%dma_wait3A_290 : memref<25x128xf32, #tpu.memory_space<vmem_shared>>)
        tpu.yield
      }) : () -> ()
      %mul3A_30 = arith.constant 625 : i32
      %mul3A_31 = arith.muli %arg1, %mul3A_30 : i32
      %add3A_32 = arith.constant 100 : i32
      %add3A_33 = arith.addi %mul3A_31, %add3A_32 : i32
      "tpu.region"() ({
        %run_scoped3A_283 = tpu.sem_alloc : memref<!tpu.dma_semaphore, #tpu.memory_space<semaphore_mem>>
        %dma_start3A_284 = arith.constant 0 : i32
        %dma_start3A_285 = tpu.memref_slice %arg12[%add3A_33, %dma_start3A_284] : memref<10000x128xf32, #tpu.memory_space<vmem_shared>> -> memref<25x128xf32, #tpu.memory_space<vmem_shared>>
        %dma_start3A_286 = arith.constant 0 : i32
        %dma_start3A_287 = tpu.memref_slice %arg12[%add3A_33, %dma_start3A_286] : memref<10000x128xf32, #tpu.memory_space<vmem_shared>> -> memref<25x128xf32, #tpu.memory_space<vmem_shared>>
        tpu.enqueue_dma source(%arg11 : memref<25x128xf32, #tpu.memory_space<vmem>>) target(%dma_start3A_287 : memref<25x128xf32, #tpu.memory_space<vmem_shared>>) target_semaphore(%run_scoped3A_283 : memref<!tpu.dma_semaphore, #tpu.memory_space<semaphore_mem>>)
        %dma_wait3A = arith.constant 0 : i32
        %dma_wait3A_288 = tpu.memref_slice %arg12[%add3A_33, %dma_wait3A] : memref<10000x128xf32, #tpu.memory_space<vmem_shared>> -> memref<25x128xf32, #tpu.memory_space<vmem_shared>>
        %dma_wait3A_289 = arith.constant 0 : i32
        %dma_wait3A_290 = tpu.memref_slice %arg12[%add3A_33, %dma_wait3A_289] : memref<10000x128xf32, #tpu.memory_space<vmem_shared>> -> memref<25x128xf32, #tpu.memory_space<vmem_shared>>
        tpu.wait_dma2 semaphore(%run_scoped3A_283 : memref<!tpu.dma_semaphore, #tpu.memory_space<semaphore_mem>>) src(%arg11 : memref<25x128xf32, #tpu.memory_space<vmem>>) dst(%dma_wait3A_290 : memref<25x128xf32, #tpu.memory_space<vmem_shared>>)
        tpu.yield
      }) : () -> ()
      %mul3A_34 = arith.constant 625 : i32
      %mul3A_35 = arith.muli %arg1, %mul3A_34 : i32
      %add3A_36 = arith.constant 125 : i32
      %add3A_37 = arith.addi %mul3A_35, %add3A_36 : i32
      "tpu.region"() ({
        %run_scoped3A_283 = tpu.sem_alloc : memref<!tpu.dma_semaphore, #tpu.memory_space<semaphore_mem>>
        %dma_start3A_284 = arith.constant 0 : i32
        %dma_start3A_285 = tpu.memref_slice %arg12[%add3A_37, %dma_start3A_284] : memref<10000x128xf32, #tpu.memory_space<vmem_shared>> -> memref<25x128xf32, #tpu.memory_space<vmem_shared>>
        %dma_start3A_286 = arith.constant 0 : i32
        %dma_start3A_287 = tpu.memref_slice %arg12[%add3A_37, %dma_start3A_286] : memref<10000x128xf32, #tpu.memory_space<vmem_shared>> -> memref<25x128xf32, #tpu.memory_space<vmem_shared>>
        tpu.enqueue_dma source(%arg11 : memref<25x128xf32, #tpu.memory_space<vmem>>) target(%dma_start3A_287 : memref<25x128xf32, #tpu.memory_space<vmem_shared>>) target_semaphore(%run_scoped3A_283 : memref<!tpu.dma_semaphore, #tpu.memory_space<semaphore_mem>>)
        %dma_wait3A = arith.constant 0 : i32
        %dma_wait3A_288 = tpu.memref_slice %arg12[%add3A_37, %dma_wait3A] : memref<10000x128xf32, #tpu.memory_space<vmem_shared>> -> memref<25x128xf32, #tpu.memory_space<vmem_shared>>
        %dma_wait3A_289 = arith.constant 0 : i32
        %dma_wait3A_290 = tpu.memref_slice %arg12[%add3A_37, %dma_wait3A_289] : memref<10000x128xf32, #tpu.memory_space<vmem_shared>> -> memref<25x128xf32, #tpu.memory_space<vmem_shared>>
        tpu.wait_dma2 semaphore(%run_scoped3A_283 : memref<!tpu.dma_semaphore, #tpu.memory_space<semaphore_mem>>) src(%arg11 : memref<25x128xf32, #tpu.memory_space<vmem>>) dst(%dma_wait3A_290 : memref<25x128xf32, #tpu.memory_space<vmem_shared>>)
        tpu.yield
      }) : () -> ()
      %mul3A_38 = arith.constant 625 : i32
      %mul3A_39 = arith.muli %arg1, %mul3A_38 : i32
      %add3A_40 = arith.constant 150 : i32
      %add3A_41 = arith.addi %mul3A_39, %add3A_40 : i32
      "tpu.region"() ({
        %run_scoped3A_283 = tpu.sem_alloc : memref<!tpu.dma_semaphore, #tpu.memory_space<semaphore_mem>>
        %dma_start3A_284 = arith.constant 0 : i32
        %dma_start3A_285 = tpu.memref_slice %arg12[%add3A_41, %dma_start3A_284] : memref<10000x128xf32, #tpu.memory_space<vmem_shared>> -> memref<25x128xf32, #tpu.memory_space<vmem_shared>>
        %dma_start3A_286 = arith.constant 0 : i32
        %dma_start3A_287 = tpu.memref_slice %arg12[%add3A_41, %dma_start3A_286] : memref<10000x128xf32, #tpu.memory_space<vmem_shared>> -> memref<25x128xf32, #tpu.memory_space<vmem_shared>>
        tpu.enqueue_dma source(%arg11 : memref<25x128xf32, #tpu.memory_space<vmem>>) target(%dma_start3A_287 : memref<25x128xf32, #tpu.memory_space<vmem_shared>>) target_semaphore(%run_scoped3A_283 : memref<!tpu.dma_semaphore, #tpu.memory_space<semaphore_mem>>)
        %dma_wait3A = arith.constant 0 : i32
        %dma_wait3A_288 = tpu.memref_slice %arg12[%add3A_41, %dma_wait3A] : memref<10000x128xf32, #tpu.memory_space<vmem_shared>> -> memref<25x128xf32, #tpu.memory_space<vmem_shared>>
        %dma_wait3A_289 = arith.constant 0 : i32
        %dma_wait3A_290 = tpu.memref_slice %arg12[%add3A_41, %dma_wait3A_289] : memref<10000x128xf32, #tpu.memory_space<vmem_shared>> -> memref<25x128xf32, #tpu.memory_space<vmem_shared>>
        tpu.wait_dma2 semaphore(%run_scoped3A_283 : memref<!tpu.dma_semaphore, #tpu.memory_space<semaphore_mem>>) src(%arg11 : memref<25x128xf32, #tpu.memory_space<vmem>>) dst(%dma_wait3A_290 : memref<25x128xf32, #tpu.memory_space<vmem_shared>>)
        tpu.yield
      }) : () -> ()
      %mul3A_42 = arith.constant 625 : i32
      %mul3A_43 = arith.muli %arg1, %mul3A_42 : i32
      %add3A_44 = arith.constant 175 : i32
      %add3A_45 = arith.addi %mul3A_43, %add3A_44 : i32
      "tpu.region"() ({
        %run_scoped3A_283 = tpu.sem_alloc : memref<!tpu.dma_semaphore, #tpu.memory_space<semaphore_mem>>
        %dma_start3A_284 = arith.constant 0 : i32
        %dma_start3A_285 = tpu.memref_slice %arg12[%add3A_45, %dma_start3A_284] : memref<10000x128xf32, #tpu.memory_space<vmem_shared>> -> memref<25x128xf32, #tpu.memory_space<vmem_shared>>
        %dma_start3A_286 = arith.constant 0 : i32
        %dma_start3A_287 = tpu.memref_slice %arg12[%add3A_45, %dma_start3A_286] : memref<10000x128xf32, #tpu.memory_space<vmem_shared>> -> memref<25x128xf32, #tpu.memory_space<vmem_shared>>
        tpu.enqueue_dma source(%arg11 : memref<25x128xf32, #tpu.memory_space<vmem>>) target(%dma_start3A_287 : memref<25x128xf32, #tpu.memory_space<vmem_shared>>) target_semaphore(%run_scoped3A_283 : memref<!tpu.dma_semaphore, #tpu.memory_space<semaphore_mem>>)
        %dma_wait3A = arith.constant 0 : i32
        %dma_wait3A_288 = tpu.memref_slice %arg12[%add3A_45, %dma_wait3A] : memref<10000x128xf32, #tpu.memory_space<vmem_shared>> -> memref<25x128xf32, #tpu.memory_space<vmem_shared>>
        %dma_wait3A_289 = arith.constant 0 : i32
        %dma_wait3A_290 = tpu.memref_slice %arg12[%add3A_45, %dma_wait3A_289] : memref<10000x128xf32, #tpu.memory_space<vmem_shared>> -> memref<25x128xf32, #tpu.memory_space<vmem_shared>>
        tpu.wait_dma2 semaphore(%run_scoped3A_283 : memref<!tpu.dma_semaphore, #tpu.memory_space<semaphore_mem>>) src(%arg11 : memref<25x128xf32, #tpu.memory_space<vmem>>) dst(%dma_wait3A_290 : memref<25x128xf32, #tpu.memory_space<vmem_shared>>)
        tpu.yield
      }) : () -> ()
      %mul3A_46 = arith.constant 625 : i32
      %mul3A_47 = arith.muli %arg1, %mul3A_46 : i32
      %add3A_48 = arith.constant 200 : i32
      %add3A_49 = arith.addi %mul3A_47, %add3A_48 : i32
      "tpu.region"() ({
        %run_scoped3A_283 = tpu.sem_alloc : memref<!tpu.dma_semaphore, #tpu.memory_space<semaphore_mem>>
        %dma_start3A_284 = arith.constant 0 : i32
        %dma_start3A_285 = tpu.memref_slice %arg12[%add3A_49, %dma_start3A_284] : memref<10000x128xf32, #tpu.memory_space<vmem_shared>> -> memref<25x128xf32, #tpu.memory_space<vmem_shared>>
        %dma_start3A_286 = arith.constant 0 : i32
        %dma_start3A_287 = tpu.memref_slice %arg12[%add3A_49, %dma_start3A_286] : memref<10000x128xf32, #tpu.memory_space<vmem_shared>> -> memref<25x128xf32, #tpu.memory_space<vmem_shared>>
        tpu.enqueue_dma source(%arg11 : memref<25x128xf32, #tpu.memory_space<vmem>>) target(%dma_start3A_287 : memref<25x128xf32, #tpu.memory_space<vmem_shared>>) target_semaphore(%run_scoped3A_283 : memref<!tpu.dma_semaphore, #tpu.memory_space<semaphore_mem>>)
        %dma_wait3A = arith.constant 0 : i32
        %dma_wait3A_288 = tpu.memref_slice %arg12[%add3A_49, %dma_wait3A] : memref<10000x128xf32, #tpu.memory_space<vmem_shared>> -> memref<25x128xf32, #tpu.memory_space<vmem_shared>>
        %dma_wait3A_289 = arith.constant 0 : i32
        %dma_wait3A_290 = tpu.memref_slice %arg12[%add3A_49, %dma_wait3A_289] : memref<10000x128xf32, #tpu.memory_space<vmem_shared>> -> memref<25x128xf32, #tpu.memory_space<vmem_shared>>
        tpu.wait_dma2 semaphore(%run_scoped3A_283 : memref<!tpu.dma_semaphore, #tpu.memory_space<semaphore_mem>>) src(%arg11 : memref<25x128xf32, #tpu.memory_space<vmem>>) dst(%dma_wait3A_290 : memref<25x128xf32, #tpu.memory_space<vmem_shared>>)
        tpu.yield
      }) : () -> ()
      %mul3A_50 = arith.constant 625 : i32
      %mul3A_51 = arith.muli %arg1, %mul3A_50 : i32
      %add3A_52 = arith.constant 225 : i32
      %add3A_53 = arith.addi %mul3A_51, %add3A_52 : i32
      "tpu.region"() ({
        %run_scoped3A_283 = tpu.sem_alloc : memref<!tpu.dma_semaphore, #tpu.memory_space<semaphore_mem>>
        %dma_start3A_284 = arith.constant 0 : i32
        %dma_start3A_285 = tpu.memref_slice %arg12[%add3A_53, %dma_start3A_284] : memref<10000x128xf32, #tpu.memory_space<vmem_shared>> -> memref<25x128xf32, #tpu.memory_space<vmem_shared>>
        %dma_start3A_286 = arith.constant 0 : i32
        %dma_start3A_287 = tpu.memref_slice %arg12[%add3A_53, %dma_start3A_286] : memref<10000x128xf32, #tpu.memory_space<vmem_shared>> -> memref<25x128xf32, #tpu.memory_space<vmem_shared>>
        tpu.enqueue_dma source(%arg11 : memref<25x128xf32, #tpu.memory_space<vmem>>) target(%dma_start3A_287 : memref<25x128xf32, #tpu.memory_space<vmem_shared>>) target_semaphore(%run_scoped3A_283 : memref<!tpu.dma_semaphore, #tpu.memory_space<semaphore_mem>>)
        %dma_wait3A = arith.constant 0 : i32
        %dma_wait3A_288 = tpu.memref_slice %arg12[%add3A_53, %dma_wait3A] : memref<10000x128xf32, #tpu.memory_space<vmem_shared>> -> memref<25x128xf32, #tpu.memory_space<vmem_shared>>
        %dma_wait3A_289 = arith.constant 0 : i32
        %dma_wait3A_290 = tpu.memref_slice %arg12[%add3A_53, %dma_wait3A_289] : memref<10000x128xf32, #tpu.memory_space<vmem_shared>> -> memref<25x128xf32, #tpu.memory_space<vmem_shared>>
        tpu.wait_dma2 semaphore(%run_scoped3A_283 : memref<!tpu.dma_semaphore, #tpu.memory_space<semaphore_mem>>) src(%arg11 : memref<25x128xf32, #tpu.memory_space<vmem>>) dst(%dma_wait3A_290 : memref<25x128xf32, #tpu.memory_space<vmem_shared>>)
        tpu.yield
      }) : () -> ()
      %mul3A_54 = arith.constant 625 : i32
      %mul3A_55 = arith.muli %arg1, %mul3A_54 : i32
      %add3A_56 = arith.constant 250 : i32
      %add3A_57 = arith.addi %mul3A_55, %add3A_56 : i32
      "tpu.region"() ({
        %run_scoped3A_283 = tpu.sem_alloc : memref<!tpu.dma_semaphore, #tpu.memory_space<semaphore_mem>>
        %dma_start3A_284 = arith.constant 0 : i32
        %dma_start3A_285 = tpu.memref_slice %arg12[%add3A_57, %dma_start3A_284] : memref<10000x128xf32, #tpu.memory_space<vmem_shared>> -> memref<25x128xf32, #tpu.memory_space<vmem_shared>>
        %dma_start3A_286 = arith.constant 0 : i32
        %dma_start3A_287 = tpu.memref_slice %arg12[%add3A_57, %dma_start3A_286] : memref<10000x128xf32, #tpu.memory_space<vmem_shared>> -> memref<25x128xf32, #tpu.memory_space<vmem_shared>>
        tpu.enqueue_dma source(%arg11 : memref<25x128xf32, #tpu.memory_space<vmem>>) target(%dma_start3A_287 : memref<25x128xf32, #tpu.memory_space<vmem_shared>>) target_semaphore(%run_scoped3A_283 : memref<!tpu.dma_semaphore, #tpu.memory_space<semaphore_mem>>)
        %dma_wait3A = arith.constant 0 : i32
        %dma_wait3A_288 = tpu.memref_slice %arg12[%add3A_57, %dma_wait3A] : memref<10000x128xf32, #tpu.memory_space<vmem_shared>> -> memref<25x128xf32, #tpu.memory_space<vmem_shared>>
        %dma_wait3A_289 = arith.constant 0 : i32
        %dma_wait3A_290 = tpu.memref_slice %arg12[%add3A_57, %dma_wait3A_289] : memref<10000x128xf32, #tpu.memory_space<vmem_shared>> -> memref<25x128xf32, #tpu.memory_space<vmem_shared>>
        tpu.wait_dma2 semaphore(%run_scoped3A_283 : memref<!tpu.dma_semaphore, #tpu.memory_space<semaphore_mem>>) src(%arg11 : memref<25x128xf32, #tpu.memory_space<vmem>>) dst(%dma_wait3A_290 : memref<25x128xf32, #tpu.memory_space<vmem_shared>>)
        tpu.yield
      }) : () -> ()
      %mul3A_58 = arith.constant 625 : i32
      %mul3A_59 = arith.muli %arg1, %mul3A_58 : i32
      %add3A_60 = arith.constant 275 : i32
      %add3A_61 = arith.addi %mul3A_59, %add3A_60 : i32
      "tpu.region"() ({
        %run_scoped3A_283 = tpu.sem_alloc : memref<!tpu.dma_semaphore, #tpu.memory_space<semaphore_mem>>
        %dma_start3A_284 = arith.constant 0 : i32
        %dma_start3A_285 = tpu.memref_slice %arg12[%add3A_61, %dma_start3A_284] : memref<10000x128xf32, #tpu.memory_space<vmem_shared>> -> memref<25x128xf32, #tpu.memory_space<vmem_shared>>
        %dma_start3A_286 = arith.constant 0 : i32
        %dma_start3A_287 = tpu.memref_slice %arg12[%add3A_61, %dma_start3A_286] : memref<10000x128xf32, #tpu.memory_space<vmem_shared>> -> memref<25x128xf32, #tpu.memory_space<vmem_shared>>
        tpu.enqueue_dma source(%arg11 : memref<25x128xf32, #tpu.memory_space<vmem>>) target(%dma_start3A_287 : memref<25x128xf32, #tpu.memory_space<vmem_shared>>) target_semaphore(%run_scoped3A_283 : memref<!tpu.dma_semaphore, #tpu.memory_space<semaphore_mem>>)
        %dma_wait3A = arith.constant 0 : i32
        %dma_wait3A_288 = tpu.memref_slice %arg12[%add3A_61, %dma_wait3A] : memref<10000x128xf32, #tpu.memory_space<vmem_shared>> -> memref<25x128xf32, #tpu.memory_space<vmem_shared>>
        %dma_wait3A_289 = arith.constant 0 : i32
        %dma_wait3A_290 = tpu.memref_slice %arg12[%add3A_61, %dma_wait3A_289] : memref<10000x128xf32, #tpu.memory_space<vmem_shared>> -> memref<25x128xf32, #tpu.memory_space<vmem_shared>>
        tpu.wait_dma2 semaphore(%run_scoped3A_283 : memref<!tpu.dma_semaphore, #tpu.memory_space<semaphore_mem>>) src(%arg11 : memref<25x128xf32, #tpu.memory_space<vmem>>) dst(%dma_wait3A_290 : memref<25x128xf32, #tpu.memory_space<vmem_shared>>)
        tpu.yield
      }) : () -> ()
      %mul3A_62 = arith.constant 625 : i32
      %mul3A_63 = arith.muli %arg1, %mul3A_62 : i32
      %add3A_64 = arith.constant 300 : i32
      %add3A_65 = arith.addi %mul3A_63, %add3A_64 : i32
      "tpu.region"() ({
        %run_scoped3A_283 = tpu.sem_alloc : memref<!tpu.dma_semaphore, #tpu.memory_space<semaphore_mem>>
        %dma_start3A_284 = arith.constant 0 : i32
        %dma_start3A_285 = tpu.memref_slice %arg12[%add3A_65, %dma_start3A_284] : memref<10000x128xf32, #tpu.memory_space<vmem_shared>> -> memref<25x128xf32, #tpu.memory_space<vmem_shared>>
        %dma_start3A_286 = arith.constant 0 : i32
        %dma_start3A_287 = tpu.memref_slice %arg12[%add3A_65, %dma_start3A_286] : memref<10000x128xf32, #tpu.memory_space<vmem_shared>> -> memref<25x128xf32, #tpu.memory_space<vmem_shared>>
        tpu.enqueue_dma source(%arg11 : memref<25x128xf32, #tpu.memory_space<vmem>>) target(%dma_start3A_287 : memref<25x128xf32, #tpu.memory_space<vmem_shared>>) target_semaphore(%run_scoped3A_283 : memref<!tpu.dma_semaphore, #tpu.memory_space<semaphore_mem>>)
        %dma_wait3A = arith.constant 0 : i32
        %dma_wait3A_288 = tpu.memref_slice %arg12[%add3A_65, %dma_wait3A] : memref<10000x128xf32, #tpu.memory_space<vmem_shared>> -> memref<25x128xf32, #tpu.memory_space<vmem_shared>>
        %dma_wait3A_289 = arith.constant 0 : i32
        %dma_wait3A_290 = tpu.memref_slice %arg12[%add3A_65, %dma_wait3A_289] : memref<10000x128xf32, #tpu.memory_space<vmem_shared>> -> memref<25x128xf32, #tpu.memory_space<vmem_shared>>
        tpu.wait_dma2 semaphore(%run_scoped3A_283 : memref<!tpu.dma_semaphore, #tpu.memory_space<semaphore_mem>>) src(%arg11 : memref<25x128xf32, #tpu.memory_space<vmem>>) dst(%dma_wait3A_290 : memref<25x128xf32, #tpu.memory_space<vmem_shared>>)
        tpu.yield
      }) : () -> ()
      %mul3A_66 = arith.constant 625 : i32
      %mul3A_67 = arith.muli %arg1, %mul3A_66 : i32
      %add3A_68 = arith.constant 325 : i32
      %add3A_69 = arith.addi %mul3A_67, %add3A_68 : i32
      "tpu.region"() ({
        %run_scoped3A_283 = tpu.sem_alloc : memref<!tpu.dma_semaphore, #tpu.memory_space<semaphore_mem>>
        %dma_start3A_284 = arith.constant 0 : i32
        %dma_start3A_285 = tpu.memref_slice %arg12[%add3A_69, %dma_start3A_284] : memref<10000x128xf32, #tpu.memory_space<vmem_shared>> -> memref<25x128xf32, #tpu.memory_space<vmem_shared>>
        %dma_start3A_286 = arith.constant 0 : i32
        %dma_start3A_287 = tpu.memref_slice %arg12[%add3A_69, %dma_start3A_286] : memref<10000x128xf32, #tpu.memory_space<vmem_shared>> -> memref<25x128xf32, #tpu.memory_space<vmem_shared>>
        tpu.enqueue_dma source(%arg11 : memref<25x128xf32, #tpu.memory_space<vmem>>) target(%dma_start3A_287 : memref<25x128xf32, #tpu.memory_space<vmem_shared>>) target_semaphore(%run_scoped3A_283 : memref<!tpu.dma_semaphore, #tpu.memory_space<semaphore_mem>>)
        %dma_wait3A = arith.constant 0 : i32
        %dma_wait3A_288 = tpu.memref_slice %arg12[%add3A_69, %dma_wait3A] : memref<10000x128xf32, #tpu.memory_space<vmem_shared>> -> memref<25x128xf32, #tpu.memory_space<vmem_shared>>
        %dma_wait3A_289 = arith.constant 0 : i32
        %dma_wait3A_290 = tpu.memref_slice %arg12[%add3A_69, %dma_wait3A_289] : memref<10000x128xf32, #tpu.memory_space<vmem_shared>> -> memref<25x128xf32, #tpu.memory_space<vmem_shared>>
        tpu.wait_dma2 semaphore(%run_scoped3A_283 : memref<!tpu.dma_semaphore, #tpu.memory_space<semaphore_mem>>) src(%arg11 : memref<25x128xf32, #tpu.memory_space<vmem>>) dst(%dma_wait3A_290 : memref<25x128xf32, #tpu.memory_space<vmem_shared>>)
        tpu.yield
      }) : () -> ()
      %mul3A_70 = arith.constant 625 : i32
      %mul3A_71 = arith.muli %arg1, %mul3A_70 : i32
      %add3A_72 = arith.constant 350 : i32
      %add3A_73 = arith.addi %mul3A_71, %add3A_72 : i32
      "tpu.region"() ({
        %run_scoped3A_283 = tpu.sem_alloc : memref<!tpu.dma_semaphore, #tpu.memory_space<semaphore_mem>>
        %dma_start3A_284 = arith.constant 0 : i32
        %dma_start3A_285 = tpu.memref_slice %arg12[%add3A_73, %dma_start3A_284] : memref<10000x128xf32, #tpu.memory_space<vmem_shared>> -> memref<25x128xf32, #tpu.memory_space<vmem_shared>>
        %dma_start3A_286 = arith.constant 0 : i32
        %dma_start3A_287 = tpu.memref_slice %arg12[%add3A_73, %dma_start3A_286] : memref<10000x128xf32, #tpu.memory_space<vmem_shared>> -> memref<25x128xf32, #tpu.memory_space<vmem_shared>>
        tpu.enqueue_dma source(%arg11 : memref<25x128xf32, #tpu.memory_space<vmem>>) target(%dma_start3A_287 : memref<25x128xf32, #tpu.memory_space<vmem_shared>>) target_semaphore(%run_scoped3A_283 : memref<!tpu.dma_semaphore, #tpu.memory_space<semaphore_mem>>)
        %dma_wait3A = arith.constant 0 : i32
        %dma_wait3A_288 = tpu.memref_slice %arg12[%add3A_73, %dma_wait3A] : memref<10000x128xf32, #tpu.memory_space<vmem_shared>> -> memref<25x128xf32, #tpu.memory_space<vmem_shared>>
        %dma_wait3A_289 = arith.constant 0 : i32
        %dma_wait3A_290 = tpu.memref_slice %arg12[%add3A_73, %dma_wait3A_289] : memref<10000x128xf32, #tpu.memory_space<vmem_shared>> -> memref<25x128xf32, #tpu.memory_space<vmem_shared>>
        tpu.wait_dma2 semaphore(%run_scoped3A_283 : memref<!tpu.dma_semaphore, #tpu.memory_space<semaphore_mem>>) src(%arg11 : memref<25x128xf32, #tpu.memory_space<vmem>>) dst(%dma_wait3A_290 : memref<25x128xf32, #tpu.memory_space<vmem_shared>>)
        tpu.yield
      }) : () -> ()
      %mul3A_74 = arith.constant 625 : i32
      %mul3A_75 = arith.muli %arg1, %mul3A_74 : i32
      %add3A_76 = arith.constant 375 : i32
      %add3A_77 = arith.addi %mul3A_75, %add3A_76 : i32
      "tpu.region"() ({
        %run_scoped3A_283 = tpu.sem_alloc : memref<!tpu.dma_semaphore, #tpu.memory_space<semaphore_mem>>
        %dma_start3A_284 = arith.constant 0 : i32
        %dma_start3A_285 = tpu.memref_slice %arg12[%add3A_77, %dma_start3A_284] : memref<10000x128xf32, #tpu.memory_space<vmem_shared>> -> memref<25x128xf32, #tpu.memory_space<vmem_shared>>
        %dma_start3A_286 = arith.constant 0 : i32
        %dma_start3A_287 = tpu.memref_slice %arg12[%add3A_77, %dma_start3A_286] : memref<10000x128xf32, #tpu.memory_space<vmem_shared>> -> memref<25x128xf32, #tpu.memory_space<vmem_shared>>
        tpu.enqueue_dma source(%arg11 : memref<25x128xf32, #tpu.memory_space<vmem>>) target(%dma_start3A_287 : memref<25x128xf32, #tpu.memory_space<vmem_shared>>) target_semaphore(%run_scoped3A_283 : memref<!tpu.dma_semaphore, #tpu.memory_space<semaphore_mem>>)
        %dma_wait3A = arith.constant 0 : i32
        %dma_wait3A_288 = tpu.memref_slice %arg12[%add3A_77, %dma_wait3A] : memref<10000x128xf32, #tpu.memory_space<vmem_shared>> -> memref<25x128xf32, #tpu.memory_space<vmem_shared>>
        %dma_wait3A_289 = arith.constant 0 : i32
        %dma_wait3A_290 = tpu.memref_slice %arg12[%add3A_77, %dma_wait3A_289] : memref<10000x128xf32, #tpu.memory_space<vmem_shared>> -> memref<25x128xf32, #tpu.memory_space<vmem_shared>>
        tpu.wait_dma2 semaphore(%run_scoped3A_283 : memref<!tpu.dma_semaphore, #tpu.memory_space<semaphore_mem>>) src(%arg11 : memref<25x128xf32, #tpu.memory_space<vmem>>) dst(%dma_wait3A_290 : memref<25x128xf32, #tpu.memory_space<vmem_shared>>)
        tpu.yield
      }) : () -> ()
      %mul3A_78 = arith.constant 625 : i32
      %mul3A_79 = arith.muli %arg1, %mul3A_78 : i32
      %add3A_80 = arith.constant 400 : i32
      %add3A_81 = arith.addi %mul3A_79, %add3A_80 : i32
      "tpu.region"() ({
        %run_scoped3A_283 = tpu.sem_alloc : memref<!tpu.dma_semaphore, #tpu.memory_space<semaphore_mem>>
        %dma_start3A_284 = arith.constant 0 : i32
        %dma_start3A_285 = tpu.memref_slice %arg12[%add3A_81, %dma_start3A_284] : memref<10000x128xf32, #tpu.memory_space<vmem_shared>> -> memref<25x128xf32, #tpu.memory_space<vmem_shared>>
        %dma_start3A_286 = arith.constant 0 : i32
        %dma_start3A_287 = tpu.memref_slice %arg12[%add3A_81, %dma_start3A_286] : memref<10000x128xf32, #tpu.memory_space<vmem_shared>> -> memref<25x128xf32, #tpu.memory_space<vmem_shared>>
        tpu.enqueue_dma source(%arg11 : memref<25x128xf32, #tpu.memory_space<vmem>>) target(%dma_start3A_287 : memref<25x128xf32, #tpu.memory_space<vmem_shared>>) target_semaphore(%run_scoped3A_283 : memref<!tpu.dma_semaphore, #tpu.memory_space<semaphore_mem>>)
        %dma_wait3A = arith.constant 0 : i32
        %dma_wait3A_288 = tpu.memref_slice %arg12[%add3A_81, %dma_wait3A] : memref<10000x128xf32, #tpu.memory_space<vmem_shared>> -> memref<25x128xf32, #tpu.memory_space<vmem_shared>>
        %dma_wait3A_289 = arith.constant 0 : i32
        %dma_wait3A_290 = tpu.memref_slice %arg12[%add3A_81, %dma_wait3A_289] : memref<10000x128xf32, #tpu.memory_space<vmem_shared>> -> memref<25x128xf32, #tpu.memory_space<vmem_shared>>
        tpu.wait_dma2 semaphore(%run_scoped3A_283 : memref<!tpu.dma_semaphore, #tpu.memory_space<semaphore_mem>>) src(%arg11 : memref<25x128xf32, #tpu.memory_space<vmem>>) dst(%dma_wait3A_290 : memref<25x128xf32, #tpu.memory_space<vmem_shared>>)
        tpu.yield
      }) : () -> ()
      %mul3A_82 = arith.constant 625 : i32
      %mul3A_83 = arith.muli %arg1, %mul3A_82 : i32
      %add3A_84 = arith.constant 425 : i32
      %add3A_85 = arith.addi %mul3A_83, %add3A_84 : i32
      "tpu.region"() ({
        %run_scoped3A_283 = tpu.sem_alloc : memref<!tpu.dma_semaphore, #tpu.memory_space<semaphore_mem>>
        %dma_start3A_284 = arith.constant 0 : i32
        %dma_start3A_285 = tpu.memref_slice %arg12[%add3A_85, %dma_start3A_284] : memref<10000x128xf32, #tpu.memory_space<vmem_shared>> -> memref<25x128xf32, #tpu.memory_space<vmem_shared>>
        %dma_start3A_286 = arith.constant 0 : i32
        %dma_start3A_287 = tpu.memref_slice %arg12[%add3A_85, %dma_start3A_286] : memref<10000x128xf32, #tpu.memory_space<vmem_shared>> -> memref<25x128xf32, #tpu.memory_space<vmem_shared>>
        tpu.enqueue_dma source(%arg11 : memref<25x128xf32, #tpu.memory_space<vmem>>) target(%dma_start3A_287 : memref<25x128xf32, #tpu.memory_space<vmem_shared>>) target_semaphore(%run_scoped3A_283 : memref<!tpu.dma_semaphore, #tpu.memory_space<semaphore_mem>>)
        %dma_wait3A = arith.constant 0 : i32
        %dma_wait3A_288 = tpu.memref_slice %arg12[%add3A_85, %dma_wait3A] : memref<10000x128xf32, #tpu.memory_space<vmem_shared>> -> memref<25x128xf32, #tpu.memory_space<vmem_shared>>
        %dma_wait3A_289 = arith.constant 0 : i32
        %dma_wait3A_290 = tpu.memref_slice %arg12[%add3A_85, %dma_wait3A_289] : memref<10000x128xf32, #tpu.memory_space<vmem_shared>> -> memref<25x128xf32, #tpu.memory_space<vmem_shared>>
        tpu.wait_dma2 semaphore(%run_scoped3A_283 : memref<!tpu.dma_semaphore, #tpu.memory_space<semaphore_mem>>) src(%arg11 : memref<25x128xf32, #tpu.memory_space<vmem>>) dst(%dma_wait3A_290 : memref<25x128xf32, #tpu.memory_space<vmem_shared>>)
        tpu.yield
      }) : () -> ()
      %mul3A_86 = arith.constant 625 : i32
      %mul3A_87 = arith.muli %arg1, %mul3A_86 : i32
      %add3A_88 = arith.constant 450 : i32
      %add3A_89 = arith.addi %mul3A_87, %add3A_88 : i32
      "tpu.region"() ({
        %run_scoped3A_283 = tpu.sem_alloc : memref<!tpu.dma_semaphore, #tpu.memory_space<semaphore_mem>>
        %dma_start3A_284 = arith.constant 0 : i32
        %dma_start3A_285 = tpu.memref_slice %arg12[%add3A_89, %dma_start3A_284] : memref<10000x128xf32, #tpu.memory_space<vmem_shared>> -> memref<25x128xf32, #tpu.memory_space<vmem_shared>>
        %dma_start3A_286 = arith.constant 0 : i32
        %dma_start3A_287 = tpu.memref_slice %arg12[%add3A_89, %dma_start3A_286] : memref<10000x128xf32, #tpu.memory_space<vmem_shared>> -> memref<25x128xf32, #tpu.memory_space<vmem_shared>>
        tpu.enqueue_dma source(%arg11 : memref<25x128xf32, #tpu.memory_space<vmem>>) target(%dma_start3A_287 : memref<25x128xf32, #tpu.memory_space<vmem_shared>>) target_semaphore(%run_scoped3A_283 : memref<!tpu.dma_semaphore, #tpu.memory_space<semaphore_mem>>)
        %dma_wait3A = arith.constant 0 : i32
        %dma_wait3A_288 = tpu.memref_slice %arg12[%add3A_89, %dma_wait3A] : memref<10000x128xf32, #tpu.memory_space<vmem_shared>> -> memref<25x128xf32, #tpu.memory_space<vmem_shared>>
        %dma_wait3A_289 = arith.constant 0 : i32
        %dma_wait3A_290 = tpu.memref_slice %arg12[%add3A_89, %dma_wait3A_289] : memref<10000x128xf32, #tpu.memory_space<vmem_shared>> -> memref<25x128xf32, #tpu.memory_space<vmem_shared>>
        tpu.wait_dma2 semaphore(%run_scoped3A_283 : memref<!tpu.dma_semaphore, #tpu.memory_space<semaphore_mem>>) src(%arg11 : memref<25x128xf32, #tpu.memory_space<vmem>>) dst(%dma_wait3A_290 : memref<25x128xf32, #tpu.memory_space<vmem_shared>>)
        tpu.yield
      }) : () -> ()
      %mul3A_90 = arith.constant 625 : i32
      %mul3A_91 = arith.muli %arg1, %mul3A_90 : i32
      %add3A_92 = arith.constant 475 : i32
      %add3A_93 = arith.addi %mul3A_91, %add3A_92 : i32
      "tpu.region"() ({
        %run_scoped3A_283 = tpu.sem_alloc : memref<!tpu.dma_semaphore, #tpu.memory_space<semaphore_mem>>
        %dma_start3A_284 = arith.constant 0 : i32
        %dma_start3A_285 = tpu.memref_slice %arg12[%add3A_93, %dma_start3A_284] : memref<10000x128xf32, #tpu.memory_space<vmem_shared>> -> memref<25x128xf32, #tpu.memory_space<vmem_shared>>
        %dma_start3A_286 = arith.constant 0 : i32
        %dma_start3A_287 = tpu.memref_slice %arg12[%add3A_93, %dma_start3A_286] : memref<10000x128xf32, #tpu.memory_space<vmem_shared>> -> memref<25x128xf32, #tpu.memory_space<vmem_shared>>
        tpu.enqueue_dma source(%arg11 : memref<25x128xf32, #tpu.memory_space<vmem>>) target(%dma_start3A_287 : memref<25x128xf32, #tpu.memory_space<vmem_shared>>) target_semaphore(%run_scoped3A_283 : memref<!tpu.dma_semaphore, #tpu.memory_space<semaphore_mem>>)
        %dma_wait3A = arith.constant 0 : i32
        %dma_wait3A_288 = tpu.memref_slice %arg12[%add3A_93, %dma_wait3A] : memref<10000x128xf32, #tpu.memory_space<vmem_shared>> -> memref<25x128xf32, #tpu.memory_space<vmem_shared>>
        %dma_wait3A_289 = arith.constant 0 : i32
        %dma_wait3A_290 = tpu.memref_slice %arg12[%add3A_93, %dma_wait3A_289] : memref<10000x128xf32, #tpu.memory_space<vmem_shared>> -> memref<25x128xf32, #tpu.memory_space<vmem_shared>>
        tpu.wait_dma2 semaphore(%run_scoped3A_283 : memref<!tpu.dma_semaphore, #tpu.memory_space<semaphore_mem>>) src(%arg11 : memref<25x128xf32, #tpu.memory_space<vmem>>) dst(%dma_wait3A_290 : memref<25x128xf32, #tpu.memory_space<vmem_shared>>)
        tpu.yield
      }) : () -> ()
      %mul3A_94 = arith.constant 625 : i32
      %mul3A_95 = arith.muli %arg1, %mul3A_94 : i32
      %add3A_96 = arith.constant 500 : i32
      %add3A_97 = arith.addi %mul3A_95, %add3A_96 : i32
      "tpu.region"() ({
        %run_scoped3A_283 = tpu.sem_alloc : memref<!tpu.dma_semaphore, #tpu.memory_space<semaphore_mem>>
        %dma_start3A_284 = arith.constant 0 : i32
        %dma_start3A_285 = tpu.memref_slice %arg12[%add3A_97, %dma_start3A_284] : memref<10000x128xf32, #tpu.memory_space<vmem_shared>> -> memref<25x128xf32, #tpu.memory_space<vmem_shared>>
        %dma_start3A_286 = arith.constant 0 : i32
        %dma_start3A_287 = tpu.memref_slice %arg12[%add3A_97, %dma_start3A_286] : memref<10000x128xf32, #tpu.memory_space<vmem_shared>> -> memref<25x128xf32, #tpu.memory_space<vmem_shared>>
        tpu.enqueue_dma source(%arg11 : memref<25x128xf32, #tpu.memory_space<vmem>>) target(%dma_start3A_287 : memref<25x128xf32, #tpu.memory_space<vmem_shared>>) target_semaphore(%run_scoped3A_283 : memref<!tpu.dma_semaphore, #tpu.memory_space<semaphore_mem>>)
        %dma_wait3A = arith.constant 0 : i32
        %dma_wait3A_288 = tpu.memref_slice %arg12[%add3A_97, %dma_wait3A] : memref<10000x128xf32, #tpu.memory_space<vmem_shared>> -> memref<25x128xf32, #tpu.memory_space<vmem_shared>>
        %dma_wait3A_289 = arith.constant 0 : i32
        %dma_wait3A_290 = tpu.memref_slice %arg12[%add3A_97, %dma_wait3A_289] : memref<10000x128xf32, #tpu.memory_space<vmem_shared>> -> memref<25x128xf32, #tpu.memory_space<vmem_shared>>
        tpu.wait_dma2 semaphore(%run_scoped3A_283 : memref<!tpu.dma_semaphore, #tpu.memory_space<semaphore_mem>>) src(%arg11 : memref<25x128xf32, #tpu.memory_space<vmem>>) dst(%dma_wait3A_290 : memref<25x128xf32, #tpu.memory_space<vmem_shared>>)
        tpu.yield
      }) : () -> ()
      %mul3A_98 = arith.constant 625 : i32
      %mul3A_99 = arith.muli %arg1, %mul3A_98 : i32
      %add3A_100 = arith.constant 525 : i32
      %add3A_101 = arith.addi %mul3A_99, %add3A_100 : i32
      "tpu.region"() ({
        %run_scoped3A_283 = tpu.sem_alloc : memref<!tpu.dma_semaphore, #tpu.memory_space<semaphore_mem>>
        %dma_start3A_284 = arith.constant 0 : i32
        %dma_start3A_285 = tpu.memref_slice %arg12[%add3A_101, %dma_start3A_284] : memref<10000x128xf32, #tpu.memory_space<vmem_shared>> -> memref<25x128xf32, #tpu.memory_space<vmem_shared>>
        %dma_start3A_286 = arith.constant 0 : i32
        %dma_start3A_287 = tpu.memref_slice %arg12[%add3A_101, %dma_start3A_286] : memref<10000x128xf32, #tpu.memory_space<vmem_shared>> -> memref<25x128xf32, #tpu.memory_space<vmem_shared>>
        tpu.enqueue_dma source(%arg11 : memref<25x128xf32, #tpu.memory_space<vmem>>) target(%dma_start3A_287 : memref<25x128xf32, #tpu.memory_space<vmem_shared>>) target_semaphore(%run_scoped3A_283 : memref<!tpu.dma_semaphore, #tpu.memory_space<semaphore_mem>>)
        %dma_wait3A = arith.constant 0 : i32
        %dma_wait3A_288 = tpu.memref_slice %arg12[%add3A_101, %dma_wait3A] : memref<10000x128xf32, #tpu.memory_space<vmem_shared>> -> memref<25x128xf32, #tpu.memory_space<vmem_shared>>
        %dma_wait3A_289 = arith.constant 0 : i32
        %dma_wait3A_290 = tpu.memref_slice %arg12[%add3A_101, %dma_wait3A_289] : memref<10000x128xf32, #tpu.memory_space<vmem_shared>> -> memref<25x128xf32, #tpu.memory_space<vmem_shared>>
        tpu.wait_dma2 semaphore(%run_scoped3A_283 : memref<!tpu.dma_semaphore, #tpu.memory_space<semaphore_mem>>) src(%arg11 : memref<25x128xf32, #tpu.memory_space<vmem>>) dst(%dma_wait3A_290 : memref<25x128xf32, #tpu.memory_space<vmem_shared>>)
        tpu.yield
      }) : () -> ()
      %mul3A_102 = arith.constant 625 : i32
      %mul3A_103 = arith.muli %arg1, %mul3A_102 : i32
      %add3A_104 = arith.constant 550 : i32
      %add3A_105 = arith.addi %mul3A_103, %add3A_104 : i32
      "tpu.region"() ({
        %run_scoped3A_283 = tpu.sem_alloc : memref<!tpu.dma_semaphore, #tpu.memory_space<semaphore_mem>>
        %dma_start3A_284 = arith.constant 0 : i32
        %dma_start3A_285 = tpu.memref_slice %arg12[%add3A_105, %dma_start3A_284] : memref<10000x128xf32, #tpu.memory_space<vmem_shared>> -> memref<25x128xf32, #tpu.memory_space<vmem_shared>>
        %dma_start3A_286 = arith.constant 0 : i32
        %dma_start3A_287 = tpu.memref_slice %arg12[%add3A_105, %dma_start3A_286] : memref<10000x128xf32, #tpu.memory_space<vmem_shared>> -> memref<25x128xf32, #tpu.memory_space<vmem_shared>>
        tpu.enqueue_dma source(%arg11 : memref<25x128xf32, #tpu.memory_space<vmem>>) target(%dma_start3A_287 : memref<25x128xf32, #tpu.memory_space<vmem_shared>>) target_semaphore(%run_scoped3A_283 : memref<!tpu.dma_semaphore, #tpu.memory_space<semaphore_mem>>)
        %dma_wait3A = arith.constant 0 : i32
        %dma_wait3A_288 = tpu.memref_slice %arg12[%add3A_105, %dma_wait3A] : memref<10000x128xf32, #tpu.memory_space<vmem_shared>> -> memref<25x128xf32, #tpu.memory_space<vmem_shared>>
        %dma_wait3A_289 = arith.constant 0 : i32
        %dma_wait3A_290 = tpu.memref_slice %arg12[%add3A_105, %dma_wait3A_289] : memref<10000x128xf32, #tpu.memory_space<vmem_shared>> -> memref<25x128xf32, #tpu.memory_space<vmem_shared>>
        tpu.wait_dma2 semaphore(%run_scoped3A_283 : memref<!tpu.dma_semaphore, #tpu.memory_space<semaphore_mem>>) src(%arg11 : memref<25x128xf32, #tpu.memory_space<vmem>>) dst(%dma_wait3A_290 : memref<25x128xf32, #tpu.memory_space<vmem_shared>>)
        tpu.yield
      }) : () -> ()
      %mul3A_106 = arith.constant 625 : i32
      %mul3A_107 = arith.muli %arg1, %mul3A_106 : i32
      %add3A_108 = arith.constant 575 : i32
      %add3A_109 = arith.addi %mul3A_107, %add3A_108 : i32
      "tpu.region"() ({
        %run_scoped3A_283 = tpu.sem_alloc : memref<!tpu.dma_semaphore, #tpu.memory_space<semaphore_mem>>
        %dma_start3A_284 = arith.constant 0 : i32
        %dma_start3A_285 = tpu.memref_slice %arg12[%add3A_109, %dma_start3A_284] : memref<10000x128xf32, #tpu.memory_space<vmem_shared>> -> memref<25x128xf32, #tpu.memory_space<vmem_shared>>
        %dma_start3A_286 = arith.constant 0 : i32
        %dma_start3A_287 = tpu.memref_slice %arg12[%add3A_109, %dma_start3A_286] : memref<10000x128xf32, #tpu.memory_space<vmem_shared>> -> memref<25x128xf32, #tpu.memory_space<vmem_shared>>
        tpu.enqueue_dma source(%arg11 : memref<25x128xf32, #tpu.memory_space<vmem>>) target(%dma_start3A_287 : memref<25x128xf32, #tpu.memory_space<vmem_shared>>) target_semaphore(%run_scoped3A_283 : memref<!tpu.dma_semaphore, #tpu.memory_space<semaphore_mem>>)
        %dma_wait3A = arith.constant 0 : i32
        %dma_wait3A_288 = tpu.memref_slice %arg12[%add3A_109, %dma_wait3A] : memref<10000x128xf32, #tpu.memory_space<vmem_shared>> -> memref<25x128xf32, #tpu.memory_space<vmem_shared>>
        %dma_wait3A_289 = arith.constant 0 : i32
        %dma_wait3A_290 = tpu.memref_slice %arg12[%add3A_109, %dma_wait3A_289] : memref<10000x128xf32, #tpu.memory_space<vmem_shared>> -> memref<25x128xf32, #tpu.memory_space<vmem_shared>>
        tpu.wait_dma2 semaphore(%run_scoped3A_283 : memref<!tpu.dma_semaphore, #tpu.memory_space<semaphore_mem>>) src(%arg11 : memref<25x128xf32, #tpu.memory_space<vmem>>) dst(%dma_wait3A_290 : memref<25x128xf32, #tpu.memory_space<vmem_shared>>)
        tpu.yield
      }) : () -> ()
      %mul3A_110 = arith.constant 625 : i32
      %mul3A_111 = arith.muli %arg1, %mul3A_110 : i32
      %add3A_112 = arith.constant 600 : i32
      %add3A_113 = arith.addi %mul3A_111, %add3A_112 : i32
      "tpu.region"() ({
        %run_scoped3A_283 = tpu.sem_alloc : memref<!tpu.dma_semaphore, #tpu.memory_space<semaphore_mem>>
        %dma_start3A_284 = arith.constant 0 : i32
        %dma_start3A_285 = tpu.memref_slice %arg12[%add3A_113, %dma_start3A_284] : memref<10000x128xf32, #tpu.memory_space<vmem_shared>> -> memref<25x128xf32, #tpu.memory_space<vmem_shared>>
        %dma_start3A_286 = arith.constant 0 : i32
        %dma_start3A_287 = tpu.memref_slice %arg12[%add3A_113, %dma_start3A_286] : memref<10000x128xf32, #tpu.memory_space<vmem_shared>> -> memref<25x128xf32, #tpu.memory_space<vmem_shared>>
        tpu.enqueue_dma source(%arg11 : memref<25x128xf32, #tpu.memory_space<vmem>>) target(%dma_start3A_287 : memref<25x128xf32, #tpu.memory_space<vmem_shared>>) target_semaphore(%run_scoped3A_283 : memref<!tpu.dma_semaphore, #tpu.memory_space<semaphore_mem>>)
        %dma_wait3A = arith.constant 0 : i32
        %dma_wait3A_288 = tpu.memref_slice %arg12[%add3A_113, %dma_wait3A] : memref<10000x128xf32, #tpu.memory_space<vmem_shared>> -> memref<25x128xf32, #tpu.memory_space<vmem_shared>>
        %dma_wait3A_289 = arith.constant 0 : i32
        %dma_wait3A_290 = tpu.memref_slice %arg12[%add3A_113, %dma_wait3A_289] : memref<10000x128xf32, #tpu.memory_space<vmem_shared>> -> memref<25x128xf32, #tpu.memory_space<vmem_shared>>
        tpu.wait_dma2 semaphore(%run_scoped3A_283 : memref<!tpu.dma_semaphore, #tpu.memory_space<semaphore_mem>>) src(%arg11 : memref<25x128xf32, #tpu.memory_space<vmem>>) dst(%dma_wait3A_290 : memref<25x128xf32, #tpu.memory_space<vmem_shared>>)
        tpu.yield
      }) : () -> ()
      %barrier3A = arith.constant 0 : index
      tpu.barrier barrier_id(%barrier3A)
      %run_scoped3A = arith.constant 1 : i32
      %run_scoped3A_114 = arith.constant 0 : i32
      %run_scoped3A_115 = arith.constant 0 : i32
      "tpu.region"() ({
        %run_scoped3A_283 = tpu.sem_alloc : memref<!tpu.dma_semaphore, #tpu.memory_space<semaphore_mem>>
        %dma_start3A_284 = arith.constant 0 : i32
        %dma_start3A_285 = tpu.memref_slice %arg8[%run_scoped3A_115, %dma_start3A_284] : memref<2x128xi32, #tpu.memory_space<vmem>> -> memref<1x128xi32, #tpu.memory_space<vmem>>
        %dma_start3A_286 = tpu.memref_squeeze %dma_start3A_285 : memref<1x128xi32, #tpu.memory_space<vmem>> -> memref<128xi32, #tpu.memory_space<vmem>>
        %dma_start3A_287 = arith.constant 0 : i32
        %dma_start3A_288 = tpu.memref_slice %arg6[%run_scoped3A, %run_scoped3A_114, %arg1, %dma_start3A_287] : memref<2x1x1250x128xi32, #tpu.memory_space<hbm>> -> memref<1x1x1x128xi32, #tpu.memory_space<hbm>>
        %dma_start3A_289 = tpu.memref_squeeze %dma_start3A_288 : memref<1x1x1x128xi32, #tpu.memory_space<hbm>> -> memref<128xi32, #tpu.memory_space<hbm>>
        %dma_start3A_290 = arith.constant 0 : i32
        %dma_start3A_291 = tpu.memref_slice %arg8[%run_scoped3A_115, %dma_start3A_290] : memref<2x128xi32, #tpu.memory_space<vmem>> -> memref<1x128xi32, #tpu.memory_space<vmem>>
        %dma_start3A_292 = tpu.memref_squeeze %dma_start3A_291 : memref<1x128xi32, #tpu.memory_space<vmem>> -> memref<128xi32, #tpu.memory_space<vmem>>
        %dma_start3A_293 = arith.constant 0 : i32
        %dma_start3A_294 = tpu.memref_slice %arg6[%run_scoped3A, %run_scoped3A_114, %arg1, %dma_start3A_293] : memref<2x1x1250x128xi32, #tpu.memory_space<hbm>> -> memref<1x1x1x128xi32, #tpu.memory_space<hbm>>
        %dma_start3A_295 = tpu.memref_squeeze %dma_start3A_294 : memref<1x1x1x128xi32, #tpu.memory_space<hbm>> -> memref<128xi32, #tpu.memory_space<hbm>>
        tpu.enqueue_dma source(%dma_start3A_295 : memref<128xi32, #tpu.memory_space<hbm>>) target(%dma_start3A_292 : memref<128xi32, #tpu.memory_space<vmem>>) target_semaphore(%run_scoped3A_283 : memref<!tpu.dma_semaphore, #tpu.memory_space<semaphore_mem>>)
        %dma_wait3A = arith.constant 0 : i32
        %dma_wait3A_296 = tpu.memref_slice %arg8[%run_scoped3A_115, %dma_wait3A] : memref<2x128xi32, #tpu.memory_space<vmem>> -> memref<1x128xi32, #tpu.memory_space<vmem>>
        %dma_wait3A_297 = tpu.memref_squeeze %dma_wait3A_296 : memref<1x128xi32, #tpu.memory_space<vmem>> -> memref<128xi32, #tpu.memory_space<vmem>>
        %dma_wait3A_298 = arith.constant 0 : i32
        %dma_wait3A_299 = tpu.memref_slice %arg6[%run_scoped3A, %run_scoped3A_114, %arg1, %dma_wait3A_298] : memref<2x1x1250x128xi32, #tpu.memory_space<hbm>> -> memref<1x1x1x128xi32, #tpu.memory_space<hbm>>
        %dma_wait3A_300 = tpu.memref_squeeze %dma_wait3A_299 : memref<1x1x1x128xi32, #tpu.memory_space<hbm>> -> memref<128xi32, #tpu.memory_space<hbm>>
        %dma_wait3A_301 = arith.constant 0 : i32
        %dma_wait3A_302 = tpu.memref_slice %arg8[%run_scoped3A_115, %dma_wait3A_301] : memref<2x128xi32, #tpu.memory_space<vmem>> -> memref<1x128xi32, #tpu.memory_space<vmem>>
        %dma_wait3A_303 = tpu.memref_squeeze %dma_wait3A_302 : memref<1x128xi32, #tpu.memory_space<vmem>> -> memref<128xi32, #tpu.memory_space<vmem>>
        %dma_wait3A_304 = arith.constant 0 : i32
        %dma_wait3A_305 = tpu.memref_slice %arg6[%run_scoped3A, %run_scoped3A_114, %arg1, %dma_wait3A_304] : memref<2x1x1250x128xi32, #tpu.memory_space<hbm>> -> memref<1x1x1x128xi32, #tpu.memory_space<hbm>>
        %dma_wait3A_306 = tpu.memref_squeeze %dma_wait3A_305 : memref<1x1x1x128xi32, #tpu.memory_space<hbm>> -> memref<128xi32, #tpu.memory_space<hbm>>
        tpu.wait_dma2 semaphore(%run_scoped3A_283 : memref<!tpu.dma_semaphore, #tpu.memory_space<semaphore_mem>>) src(%dma_wait3A_306 : memref<128xi32, #tpu.memory_space<hbm>>) dst(%dma_wait3A_303 : memref<128xi32, #tpu.memory_space<vmem>>)
        tpu.yield
      }) : () -> ()
      %add3A_116 = arith.constant 16 : i32
      %add3A_117 = arith.addi %arg1, %add3A_116 : i32
      %run_scoped3A_118 = arith.constant 1 : i32
      %run_scoped3A_119 = arith.constant 0 : i32
      %run_scoped3A_120 = arith.constant 1 : i32
      "tpu.region"() ({
        %run_scoped3A_283 = tpu.sem_alloc : memref<!tpu.dma_semaphore, #tpu.memory_space<semaphore_mem>>
        %dma_start3A_284 = arith.constant 0 : i32
        %dma_start3A_285 = tpu.memref_slice %arg8[%run_scoped3A_120, %dma_start3A_284] : memref<2x128xi32, #tpu.memory_space<vmem>> -> memref<1x128xi32, #tpu.memory_space<vmem>>
        %dma_start3A_286 = tpu.memref_squeeze %dma_start3A_285 : memref<1x128xi32, #tpu.memory_space<vmem>> -> memref<128xi32, #tpu.memory_space<vmem>>
        %dma_start3A_287 = arith.constant 0 : i32
        %dma_start3A_288 = tpu.memref_slice %arg6[%run_scoped3A_118, %run_scoped3A_119, %add3A_117, %dma_start3A_287] : memref<2x1x1250x128xi32, #tpu.memory_space<hbm>> -> memref<1x1x1x128xi32, #tpu.memory_space<hbm>>
        %dma_start3A_289 = tpu.memref_squeeze %dma_start3A_288 : memref<1x1x1x128xi32, #tpu.memory_space<hbm>> -> memref<128xi32, #tpu.memory_space<hbm>>
        %dma_start3A_290 = arith.constant 0 : i32
        %dma_start3A_291 = tpu.memref_slice %arg8[%run_scoped3A_120, %dma_start3A_290] : memref<2x128xi32, #tpu.memory_space<vmem>> -> memref<1x128xi32, #tpu.memory_space<vmem>>
        %dma_start3A_292 = tpu.memref_squeeze %dma_start3A_291 : memref<1x128xi32, #tpu.memory_space<vmem>> -> memref<128xi32, #tpu.memory_space<vmem>>
        %dma_start3A_293 = arith.constant 0 : i32
        %dma_start3A_294 = tpu.memref_slice %arg6[%run_scoped3A_118, %run_scoped3A_119, %add3A_117, %dma_start3A_293] : memref<2x1x1250x128xi32, #tpu.memory_space<hbm>> -> memref<1x1x1x128xi32, #tpu.memory_space<hbm>>
        %dma_start3A_295 = tpu.memref_squeeze %dma_start3A_294 : memref<1x1x1x128xi32, #tpu.memory_space<hbm>> -> memref<128xi32, #tpu.memory_space<hbm>>
        tpu.enqueue_dma source(%dma_start3A_295 : memref<128xi32, #tpu.memory_space<hbm>>) target(%dma_start3A_292 : memref<128xi32, #tpu.memory_space<vmem>>) target_semaphore(%run_scoped3A_283 : memref<!tpu.dma_semaphore, #tpu.memory_space<semaphore_mem>>)
        %dma_wait3A = arith.constant 0 : i32
        %dma_wait3A_296 = tpu.memref_slice %arg8[%run_scoped3A_120, %dma_wait3A] : memref<2x128xi32, #tpu.memory_space<vmem>> -> memref<1x128xi32, #tpu.memory_space<vmem>>
        %dma_wait3A_297 = tpu.memref_squeeze %dma_wait3A_296 : memref<1x128xi32, #tpu.memory_space<vmem>> -> memref<128xi32, #tpu.memory_space<vmem>>
        %dma_wait3A_298 = arith.constant 0 : i32
        %dma_wait3A_299 = tpu.memref_slice %arg6[%run_scoped3A_118, %run_scoped3A_119, %add3A_117, %dma_wait3A_298] : memref<2x1x1250x128xi32, #tpu.memory_space<hbm>> -> memref<1x1x1x128xi32, #tpu.memory_space<hbm>>
        %dma_wait3A_300 = tpu.memref_squeeze %dma_wait3A_299 : memref<1x1x1x128xi32, #tpu.memory_space<hbm>> -> memref<128xi32, #tpu.memory_space<hbm>>
        %dma_wait3A_301 = arith.constant 0 : i32
        %dma_wait3A_302 = tpu.memref_slice %arg8[%run_scoped3A_120, %dma_wait3A_301] : memref<2x128xi32, #tpu.memory_space<vmem>> -> memref<1x128xi32, #tpu.memory_space<vmem>>
        %dma_wait3A_303 = tpu.memref_squeeze %dma_wait3A_302 : memref<1x128xi32, #tpu.memory_space<vmem>> -> memref<128xi32, #tpu.memory_space<vmem>>
        %dma_wait3A_304 = arith.constant 0 : i32
        %dma_wait3A_305 = tpu.memref_slice %arg6[%run_scoped3A_118, %run_scoped3A_119, %add3A_117, %dma_wait3A_304] : memref<2x1x1250x128xi32, #tpu.memory_space<hbm>> -> memref<1x1x1x128xi32, #tpu.memory_space<hbm>>
        %dma_wait3A_306 = tpu.memref_squeeze %dma_wait3A_305 : memref<1x1x1x128xi32, #tpu.memory_space<hbm>> -> memref<128xi32, #tpu.memory_space<hbm>>
        tpu.wait_dma2 semaphore(%run_scoped3A_283 : memref<!tpu.dma_semaphore, #tpu.memory_space<semaphore_mem>>) src(%dma_wait3A_306 : memref<128xi32, #tpu.memory_space<hbm>>) dst(%dma_wait3A_303 : memref<128xi32, #tpu.memory_space<vmem>>)
        tpu.yield
      }) : () -> ()
      %mul3A_121 = arith.constant 128 : i32
      %mul3A_122 = arith.muli %arg1, %mul3A_121 : i32
      %dma_start3A = arith.constant 0 : i32
      %dma_start3A_123 = tpu.memref_slice %arg2[%mul3A_122, %dma_start3A] : memref<160000x128xf32, #tpu.memory_space<hbm>> -> memref<128x128xf32, #tpu.memory_space<hbm>>
      %dma_start3A_124 = arith.constant 0 : i32
      %dma_start3A_125 = tpu.memref_slice %arg2[%mul3A_122, %dma_start3A_124] : memref<160000x128xf32, #tpu.memory_space<hbm>> -> memref<128x128xf32, #tpu.memory_space<hbm>>
      tpu.enqueue_dma source(%dma_start3A_125 : memref<128x128xf32, #tpu.memory_space<hbm>>) target(%arg9 : memref<128x128xf32, #tpu.memory_space<vmem>>) target_semaphore(%arg13 : memref<!tpu.dma_semaphore, #tpu.memory_space<semaphore_mem>>)
      %add3A_126 = arith.constant 16 : i32
      %add3A_127 = arith.addi %arg1, %add3A_126 : i32
      %mul3A_128 = arith.constant 128 : i32
      %mul3A_129 = arith.muli %add3A_127, %mul3A_128 : i32
      %dma_start3A_130 = arith.constant 0 : i32
      %dma_start3A_131 = tpu.memref_slice %arg2[%mul3A_129, %dma_start3A_130] : memref<160000x128xf32, #tpu.memory_space<hbm>> -> memref<128x128xf32, #tpu.memory_space<hbm>>
      %dma_start3A_132 = arith.constant 0 : i32
      %dma_start3A_133 = tpu.memref_slice %arg2[%mul3A_129, %dma_start3A_132] : memref<160000x128xf32, #tpu.memory_space<hbm>> -> memref<128x128xf32, #tpu.memory_space<hbm>>
      tpu.enqueue_dma source(%dma_start3A_133 : memref<128x128xf32, #tpu.memory_space<hbm>>) target(%arg10 : memref<128x128xf32, #tpu.memory_space<vmem>>) target_semaphore(%arg14 : memref<!tpu.dma_semaphore, #tpu.memory_space<semaphore_mem>>)
      %scan3A_134 = arith.constant 0 : i32
      %scan3A_135 = arith.constant 0 : i32
      %scan3A_136 = arith.constant 40 : i32
      %scan3A_137 = arith.addi %scan3A_135, %scan3A_136 : i32
      %scan3A_138 = arith.constant 1 : i32
      scf.for %scan3A_283 = %scan3A_135 to %scan3A_137 step %scan3A_138  : i32 {
        %mul3A_284 = arith.constant 2 : i32
        %mul3A_285 = arith.muli %mul3A_284, %scan3A_283 : i32
        %add3A_286 = arith.constant 0 : i32
        %add3A_287 = arith.addi %mul3A_285, %add3A_286 : i32
        %lt3A_288 = arith.cmpi slt, %add3A_287, %add3A_2 : i32
        %convert_element_type3A_289 = arith.extui %lt3A_288 : i1 to i32
        %cond3A_290 = arith.constant 0 : i32
        %cond3A_291 = arith.cmpi ne, %convert_element_type3A_289, %cond3A_290 : i32
        scf.if %cond3A_291 {
          %dma_wait3A = arith.constant 0 : i32
          %dma_wait3A_300 = arith.constant 0 : i32
          %dma_wait3A_301 = tpu.memref_slice %arg2[%dma_wait3A, %dma_wait3A_300] : memref<160000x128xf32, #tpu.memory_space<hbm>> -> memref<128x128xf32, #tpu.memory_space<hbm>>
          %dma_wait3A_302 = arith.constant 0 : i32
          %dma_wait3A_303 = arith.constant 0 : i32
          %dma_wait3A_304 = tpu.memref_slice %arg2[%dma_wait3A_302, %dma_wait3A_303] : memref<160000x128xf32, #tpu.memory_space<hbm>> -> memref<128x128xf32, #tpu.memory_space<hbm>>
          tpu.wait_dma2 semaphore(%arg13 : memref<!tpu.dma_semaphore, #tpu.memory_space<semaphore_mem>>) src(%dma_wait3A_304 : memref<128x128xf32, #tpu.memory_space<hbm>>) dst(%arg9 : memref<128x128xf32, #tpu.memory_space<vmem>>)
          %run_scoped3A_305 = arith.constant 0 : i32
          "tpu.region"() ({
            %run_scoped3A_312 = tpu.sem_alloc : memref<!tpu.dma_semaphore, #tpu.memory_space<semaphore_mem>>
            %dma_start3A_313 = arith.constant 0 : i32
            %dma_start3A_314 = tpu.memref_slice %arg8[%run_scoped3A_305, %dma_start3A_313] : memref<2x128xi32, #tpu.memory_space<vmem>> -> memref<1x128xi32, #tpu.memory_space<vmem>>
            %dma_start3A_315 = tpu.memref_squeeze %dma_start3A_314 : memref<1x128xi32, #tpu.memory_space<vmem>> -> memref<128xi32, #tpu.memory_space<vmem>>
            %dma_start3A_316 = arith.constant 0 : i32
            %dma_start3A_317 = arith.constant 0 : i32
            %dma_start3A_318 = tpu.memref_slice %arg12[%dma_start3A_316, %dma_start3A_317] : memref<10000x128xf32, #tpu.memory_space<vmem_shared>> -> memref<10000x128xf32, #tpu.memory_space<vmem_shared>>
            tpu.enqueue_indirect_dma source(%arg9 : memref<128x128xf32, #tpu.memory_space<vmem>>) target(%dma_start3A_318 : memref<10000x128xf32, #tpu.memory_space<vmem_shared>>) offsets(%dma_start3A_315 : memref<128xi32, #tpu.memory_space<vmem>>) semaphore(%run_scoped3A_312 : memref<!tpu.dma_semaphore, #tpu.memory_space<semaphore_mem>>) {add = true}
            %dma_wait3A_319 = arith.constant 0 : i32
            %dma_wait3A_320 = tpu.memref_slice %arg8[%run_scoped3A_305, %dma_wait3A_319] : memref<2x128xi32, #tpu.memory_space<vmem>> -> memref<1x128xi32, #tpu.memory_space<vmem>>
            %dma_wait3A_321 = tpu.memref_squeeze %dma_wait3A_320 : memref<1x128xi32, #tpu.memory_space<vmem>> -> memref<128xi32, #tpu.memory_space<vmem>>
            %dma_wait3A_322 = arith.constant 0 : i32
            %dma_wait3A_323 = arith.constant 0 : i32
            %dma_wait3A_324 = tpu.memref_slice %arg12[%dma_wait3A_322, %dma_wait3A_323] : memref<10000x128xf32, #tpu.memory_space<vmem_shared>> -> memref<10000x128xf32, #tpu.memory_space<vmem_shared>>
            tpu.wait_indirect_dma semaphore(%run_scoped3A_312 : memref<!tpu.dma_semaphore, #tpu.memory_space<semaphore_mem>>) src(%arg9 : memref<128x128xf32, #tpu.memory_space<vmem>>) dst(%dma_wait3A_324 : memref<10000x128xf32, #tpu.memory_space<vmem_shared>>)
            tpu.yield
          }) : () -> ()
          %add3A_306 = arith.constant 2 : i32
          %add3A_307 = arith.addi %add3A_287, %add3A_306 : i32
          %lt3A_308 = arith.cmpi slt, %add3A_307, %add3A_2 : i32
          %convert_element_type3A_309 = arith.extui %lt3A_308 : i1 to i32
          %cond3A_310 = arith.constant 0 : i32
          %cond3A_311 = arith.cmpi ne, %convert_element_type3A_309, %cond3A_310 : i32
          scf.if %cond3A_311 {
            %mul3A_312 = arith.constant 16 : i32
            %mul3A_313 = arith.muli %mul3A_312, %add3A_307 : i32
            %add3A_314 = arith.addi %arg1, %mul3A_313 : i32
            %run_scoped3A_315 = arith.constant 1 : i32
            %run_scoped3A_316 = arith.constant 0 : i32
            %run_scoped3A_317 = arith.constant 0 : i32
            "tpu.region"() ({
              %run_scoped3A_327 = tpu.sem_alloc : memref<!tpu.dma_semaphore, #tpu.memory_space<semaphore_mem>>
              %dma_start3A_328 = arith.constant 0 : i32
              %dma_start3A_329 = tpu.memref_slice %arg8[%run_scoped3A_317, %dma_start3A_328] : memref<2x128xi32, #tpu.memory_space<vmem>> -> memref<1x128xi32, #tpu.memory_space<vmem>>
              %dma_start3A_330 = tpu.memref_squeeze %dma_start3A_329 : memref<1x128xi32, #tpu.memory_space<vmem>> -> memref<128xi32, #tpu.memory_space<vmem>>
              %dma_start3A_331 = arith.constant 0 : i32
              %dma_start3A_332 = tpu.memref_slice %arg6[%run_scoped3A_315, %run_scoped3A_316, %add3A_314, %dma_start3A_331] : memref<2x1x1250x128xi32, #tpu.memory_space<hbm>> -> memref<1x1x1x128xi32, #tpu.memory_space<hbm>>
              %dma_start3A_333 = tpu.memref_squeeze %dma_start3A_332 : memref<1x1x1x128xi32, #tpu.memory_space<hbm>> -> memref<128xi32, #tpu.memory_space<hbm>>
              %dma_start3A_334 = arith.constant 0 : i32
              %dma_start3A_335 = tpu.memref_slice %arg8[%run_scoped3A_317, %dma_start3A_334] : memref<2x128xi32, #tpu.memory_space<vmem>> -> memref<1x128xi32, #tpu.memory_space<vmem>>
              %dma_start3A_336 = tpu.memref_squeeze %dma_start3A_335 : memref<1x128xi32, #tpu.memory_space<vmem>> -> memref<128xi32, #tpu.memory_space<vmem>>
              %dma_start3A_337 = arith.constant 0 : i32
              %dma_start3A_338 = tpu.memref_slice %arg6[%run_scoped3A_315, %run_scoped3A_316, %add3A_314, %dma_start3A_337] : memref<2x1x1250x128xi32, #tpu.memory_space<hbm>> -> memref<1x1x1x128xi32, #tpu.memory_space<hbm>>
              %dma_start3A_339 = tpu.memref_squeeze %dma_start3A_338 : memref<1x1x1x128xi32, #tpu.memory_space<hbm>> -> memref<128xi32, #tpu.memory_space<hbm>>
              tpu.enqueue_dma source(%dma_start3A_339 : memref<128xi32, #tpu.memory_space<hbm>>) target(%dma_start3A_336 : memref<128xi32, #tpu.memory_space<vmem>>) target_semaphore(%run_scoped3A_327 : memref<!tpu.dma_semaphore, #tpu.memory_space<semaphore_mem>>)
              %dma_wait3A_340 = arith.constant 0 : i32
              %dma_wait3A_341 = tpu.memref_slice %arg8[%run_scoped3A_317, %dma_wait3A_340] : memref<2x128xi32, #tpu.memory_space<vmem>> -> memref<1x128xi32, #tpu.memory_space<vmem>>
              %dma_wait3A_342 = tpu.memref_squeeze %dma_wait3A_341 : memref<1x128xi32, #tpu.memory_space<vmem>> -> memref<128xi32, #tpu.memory_space<vmem>>
              %dma_wait3A_343 = arith.constant 0 : i32
              %dma_wait3A_344 = tpu.memref_slice %arg6[%run_scoped3A_315, %run_scoped3A_316, %add3A_314, %dma_wait3A_343] : memref<2x1x1250x128xi32, #tpu.memory_space<hbm>> -> memref<1x1x1x128xi32, #tpu.memory_space<hbm>>
              %dma_wait3A_345 = tpu.memref_squeeze %dma_wait3A_344 : memref<1x1x1x128xi32, #tpu.memory_space<hbm>> -> memref<128xi32, #tpu.memory_space<hbm>>
              %dma_wait3A_346 = arith.constant 0 : i32
              %dma_wait3A_347 = tpu.memref_slice %arg8[%run_scoped3A_317, %dma_wait3A_346] : memref<2x128xi32, #tpu.memory_space<vmem>> -> memref<1x128xi32, #tpu.memory_space<vmem>>
              %dma_wait3A_348 = tpu.memref_squeeze %dma_wait3A_347 : memref<1x128xi32, #tpu.memory_space<vmem>> -> memref<128xi32, #tpu.memory_space<vmem>>
              %dma_wait3A_349 = arith.constant 0 : i32
              %dma_wait3A_350 = tpu.memref_slice %arg6[%run_scoped3A_315, %run_scoped3A_316, %add3A_314, %dma_wait3A_349] : memref<2x1x1250x128xi32, #tpu.memory_space<hbm>> -> memref<1x1x1x128xi32, #tpu.memory_space<hbm>>
              %dma_wait3A_351 = tpu.memref_squeeze %dma_wait3A_350 : memref<1x1x1x128xi32, #tpu.memory_space<hbm>> -> memref<128xi32, #tpu.memory_space<hbm>>
              tpu.wait_dma2 semaphore(%run_scoped3A_327 : memref<!tpu.dma_semaphore, #tpu.memory_space<semaphore_mem>>) src(%dma_wait3A_351 : memref<128xi32, #tpu.memory_space<hbm>>) dst(%dma_wait3A_348 : memref<128xi32, #tpu.memory_space<vmem>>)
              tpu.yield
            }) : () -> ()
            %mul3A_318 = arith.constant 16 : i32
            %mul3A_319 = arith.muli %mul3A_318, %add3A_307 : i32
            %add3A_320 = arith.addi %arg1, %mul3A_319 : i32
            %mul3A_321 = arith.constant 128 : i32
            %mul3A_322 = arith.muli %add3A_320, %mul3A_321 : i32
            %dma_start3A_323 = arith.constant 0 : i32
            %dma_start3A_324 = tpu.memref_slice %arg2[%mul3A_322, %dma_start3A_323] : memref<160000x128xf32, #tpu.memory_space<hbm>> -> memref<128x128xf32, #tpu.memory_space<hbm>>
            %dma_start3A_325 = arith.constant 0 : i32
            %dma_start3A_326 = tpu.memref_slice %arg2[%mul3A_322, %dma_start3A_325] : memref<160000x128xf32, #tpu.memory_space<hbm>> -> memref<128x128xf32, #tpu.memory_space<hbm>>
            tpu.enqueue_dma source(%dma_start3A_326 : memref<128x128xf32, #tpu.memory_space<hbm>>) target(%arg9 : memref<128x128xf32, #tpu.memory_space<vmem>>) target_semaphore(%arg13 : memref<!tpu.dma_semaphore, #tpu.memory_space<semaphore_mem>>)
          } else {
          }
        } else {
        }
        %mul3A_292 = arith.constant 2 : i32
        %mul3A_293 = arith.muli %mul3A_292, %scan3A_283 : i32
        %add3A_294 = arith.constant 1 : i32
        %add3A_295 = arith.addi %mul3A_293, %add3A_294 : i32
        %lt3A_296 = arith.cmpi slt, %add3A_295, %add3A_2 : i32
        %convert_element_type3A_297 = arith.extui %lt3A_296 : i1 to i32
        %cond3A_298 = arith.constant 0 : i32
        %cond3A_299 = arith.cmpi ne, %convert_element_type3A_297, %cond3A_298 : i32
        scf.if %cond3A_299 {
          %dma_wait3A = arith.constant 0 : i32
          %dma_wait3A_300 = arith.constant 0 : i32
          %dma_wait3A_301 = tpu.memref_slice %arg2[%dma_wait3A, %dma_wait3A_300] : memref<160000x128xf32, #tpu.memory_space<hbm>> -> memref<128x128xf32, #tpu.memory_space<hbm>>
          %dma_wait3A_302 = arith.constant 0 : i32
          %dma_wait3A_303 = arith.constant 0 : i32
          %dma_wait3A_304 = tpu.memref_slice %arg2[%dma_wait3A_302, %dma_wait3A_303] : memref<160000x128xf32, #tpu.memory_space<hbm>> -> memref<128x128xf32, #tpu.memory_space<hbm>>
          tpu.wait_dma2 semaphore(%arg14 : memref<!tpu.dma_semaphore, #tpu.memory_space<semaphore_mem>>) src(%dma_wait3A_304 : memref<128x128xf32, #tpu.memory_space<hbm>>) dst(%arg10 : memref<128x128xf32, #tpu.memory_space<vmem>>)
          %run_scoped3A_305 = arith.constant 1 : i32
          "tpu.region"() ({
            %run_scoped3A_312 = tpu.sem_alloc : memref<!tpu.dma_semaphore, #tpu.memory_space<semaphore_mem>>
            %dma_start3A_313 = arith.constant 0 : i32
            %dma_start3A_314 = tpu.memref_slice %arg8[%run_scoped3A_305, %dma_start3A_313] : memref<2x128xi32, #tpu.memory_space<vmem>> -> memref<1x128xi32, #tpu.memory_space<vmem>>
            %dma_start3A_315 = tpu.memref_squeeze %dma_start3A_314 : memref<1x128xi32, #tpu.memory_space<vmem>> -> memref<128xi32, #tpu.memory_space<vmem>>
            %dma_start3A_316 = arith.constant 0 : i32
            %dma_start3A_317 = arith.constant 0 : i32
            %dma_start3A_318 = tpu.memref_slice %arg12[%dma_start3A_316, %dma_start3A_317] : memref<10000x128xf32, #tpu.memory_space<vmem_shared>> -> memref<10000x128xf32, #tpu.memory_space<vmem_shared>>
            tpu.enqueue_indirect_dma source(%arg10 : memref<128x128xf32, #tpu.memory_space<vmem>>) target(%dma_start3A_318 : memref<10000x128xf32, #tpu.memory_space<vmem_shared>>) offsets(%dma_start3A_315 : memref<128xi32, #tpu.memory_space<vmem>>) semaphore(%run_scoped3A_312 : memref<!tpu.dma_semaphore, #tpu.memory_space<semaphore_mem>>) {add = true}
            %dma_wait3A_319 = arith.constant 0 : i32
            %dma_wait3A_320 = tpu.memref_slice %arg8[%run_scoped3A_305, %dma_wait3A_319] : memref<2x128xi32, #tpu.memory_space<vmem>> -> memref<1x128xi32, #tpu.memory_space<vmem>>
            %dma_wait3A_321 = tpu.memref_squeeze %dma_wait3A_320 : memref<1x128xi32, #tpu.memory_space<vmem>> -> memref<128xi32, #tpu.memory_space<vmem>>
            %dma_wait3A_322 = arith.constant 0 : i32
            %dma_wait3A_323 = arith.constant 0 : i32
            %dma_wait3A_324 = tpu.memref_slice %arg12[%dma_wait3A_322, %dma_wait3A_323] : memref<10000x128xf32, #tpu.memory_space<vmem_shared>> -> memref<10000x128xf32, #tpu.memory_space<vmem_shared>>
            tpu.wait_indirect_dma semaphore(%run_scoped3A_312 : memref<!tpu.dma_semaphore, #tpu.memory_space<semaphore_mem>>) src(%arg10 : memref<128x128xf32, #tpu.memory_space<vmem>>) dst(%dma_wait3A_324 : memref<10000x128xf32, #tpu.memory_space<vmem_shared>>)
            tpu.yield
          }) : () -> ()
          %add3A_306 = arith.constant 2 : i32
          %add3A_307 = arith.addi %add3A_295, %add3A_306 : i32
          %lt3A_308 = arith.cmpi slt, %add3A_307, %add3A_2 : i32
          %convert_element_type3A_309 = arith.extui %lt3A_308 : i1 to i32
          %cond3A_310 = arith.constant 0 : i32
          %cond3A_311 = arith.cmpi ne, %convert_element_type3A_309, %cond3A_310 : i32
          scf.if %cond3A_311 {
            %mul3A_312 = arith.constant 16 : i32
            %mul3A_313 = arith.muli %mul3A_312, %add3A_307 : i32
            %add3A_314 = arith.addi %arg1, %mul3A_313 : i32
            %run_scoped3A_315 = arith.constant 1 : i32
            %run_scoped3A_316 = arith.constant 0 : i32
            %run_scoped3A_317 = arith.constant 1 : i32
            "tpu.region"() ({
              %run_scoped3A_327 = tpu.sem_alloc : memref<!tpu.dma_semaphore, #tpu.memory_space<semaphore_mem>>
              %dma_start3A_328 = arith.constant 0 : i32
              %dma_start3A_329 = tpu.memref_slice %arg8[%run_scoped3A_317, %dma_start3A_328] : memref<2x128xi32, #tpu.memory_space<vmem>> -> memref<1x128xi32, #tpu.memory_space<vmem>>
              %dma_start3A_330 = tpu.memref_squeeze %dma_start3A_329 : memref<1x128xi32, #tpu.memory_space<vmem>> -> memref<128xi32, #tpu.memory_space<vmem>>
              %dma_start3A_331 = arith.constant 0 : i32
              %dma_start3A_332 = tpu.memref_slice %arg6[%run_scoped3A_315, %run_scoped3A_316, %add3A_314, %dma_start3A_331] : memref<2x1x1250x128xi32, #tpu.memory_space<hbm>> -> memref<1x1x1x128xi32, #tpu.memory_space<hbm>>
              %dma_start3A_333 = tpu.memref_squeeze %dma_start3A_332 : memref<1x1x1x128xi32, #tpu.memory_space<hbm>> -> memref<128xi32, #tpu.memory_space<hbm>>
              %dma_start3A_334 = arith.constant 0 : i32
              %dma_start3A_335 = tpu.memref_slice %arg8[%run_scoped3A_317, %dma_start3A_334] : memref<2x128xi32, #tpu.memory_space<vmem>> -> memref<1x128xi32, #tpu.memory_space<vmem>>
              %dma_start3A_336 = tpu.memref_squeeze %dma_start3A_335 : memref<1x128xi32, #tpu.memory_space<vmem>> -> memref<128xi32, #tpu.memory_space<vmem>>
              %dma_start3A_337 = arith.constant 0 : i32
              %dma_start3A_338 = tpu.memref_slice %arg6[%run_scoped3A_315, %run_scoped3A_316, %add3A_314, %dma_start3A_337] : memref<2x1x1250x128xi32, #tpu.memory_space<hbm>> -> memref<1x1x1x128xi32, #tpu.memory_space<hbm>>
              %dma_start3A_339 = tpu.memref_squeeze %dma_start3A_338 : memref<1x1x1x128xi32, #tpu.memory_space<hbm>> -> memref<128xi32, #tpu.memory_space<hbm>>
              tpu.enqueue_dma source(%dma_start3A_339 : memref<128xi32, #tpu.memory_space<hbm>>) target(%dma_start3A_336 : memref<128xi32, #tpu.memory_space<vmem>>) target_semaphore(%run_scoped3A_327 : memref<!tpu.dma_semaphore, #tpu.memory_space<semaphore_mem>>)
              %dma_wait3A_340 = arith.constant 0 : i32
              %dma_wait3A_341 = tpu.memref_slice %arg8[%run_scoped3A_317, %dma_wait3A_340] : memref<2x128xi32, #tpu.memory_space<vmem>> -> memref<1x128xi32, #tpu.memory_space<vmem>>
              %dma_wait3A_342 = tpu.memref_squeeze %dma_wait3A_341 : memref<1x128xi32, #tpu.memory_space<vmem>> -> memref<128xi32, #tpu.memory_space<vmem>>
              %dma_wait3A_343 = arith.constant 0 : i32
              %dma_wait3A_344 = tpu.memref_slice %arg6[%run_scoped3A_315, %run_scoped3A_316, %add3A_314, %dma_wait3A_343] : memref<2x1x1250x128xi32, #tpu.memory_space<hbm>> -> memref<1x1x1x128xi32, #tpu.memory_space<hbm>>
              %dma_wait3A_345 = tpu.memref_squeeze %dma_wait3A_344 : memref<1x1x1x128xi32, #tpu.memory_space<hbm>> -> memref<128xi32, #tpu.memory_space<hbm>>
              %dma_wait3A_346 = arith.constant 0 : i32
              %dma_wait3A_347 = tpu.memref_slice %arg8[%run_scoped3A_317, %dma_wait3A_346] : memref<2x128xi32, #tpu.memory_space<vmem>> -> memref<1x128xi32, #tpu.memory_space<vmem>>
              %dma_wait3A_348 = tpu.memref_squeeze %dma_wait3A_347 : memref<1x128xi32, #tpu.memory_space<vmem>> -> memref<128xi32, #tpu.memory_space<vmem>>
              %dma_wait3A_349 = arith.constant 0 : i32
              %dma_wait3A_350 = tpu.memref_slice %arg6[%run_scoped3A_315, %run_scoped3A_316, %add3A_314, %dma_wait3A_349] : memref<2x1x1250x128xi32, #tpu.memory_space<hbm>> -> memref<1x1x1x128xi32, #tpu.memory_space<hbm>>
              %dma_wait3A_351 = tpu.memref_squeeze %dma_wait3A_350 : memref<1x1x1x128xi32, #tpu.memory_space<hbm>> -> memref<128xi32, #tpu.memory_space<hbm>>
              tpu.wait_dma2 semaphore(%run_scoped3A_327 : memref<!tpu.dma_semaphore, #tpu.memory_space<semaphore_mem>>) src(%dma_wait3A_351 : memref<128xi32, #tpu.memory_space<hbm>>) dst(%dma_wait3A_348 : memref<128xi32, #tpu.memory_space<vmem>>)
              tpu.yield
            }) : () -> ()
            %mul3A_318 = arith.constant 16 : i32
            %mul3A_319 = arith.muli %mul3A_318, %add3A_307 : i32
            %add3A_320 = arith.addi %arg1, %mul3A_319 : i32
            %mul3A_321 = arith.constant 128 : i32
            %mul3A_322 = arith.muli %add3A_320, %mul3A_321 : i32
            %dma_start3A_323 = arith.constant 0 : i32
            %dma_start3A_324 = tpu.memref_slice %arg2[%mul3A_322, %dma_start3A_323] : memref<160000x128xf32, #tpu.memory_space<hbm>> -> memref<128x128xf32, #tpu.memory_space<hbm>>
            %dma_start3A_325 = arith.constant 0 : i32
            %dma_start3A_326 = tpu.memref_slice %arg2[%mul3A_322, %dma_start3A_325] : memref<160000x128xf32, #tpu.memory_space<hbm>> -> memref<128x128xf32, #tpu.memory_space<hbm>>
            tpu.enqueue_dma source(%dma_start3A_326 : memref<128x128xf32, #tpu.memory_space<hbm>>) target(%arg10 : memref<128x128xf32, #tpu.memory_space<vmem>>) target_semaphore(%arg14 : memref<!tpu.dma_semaphore, #tpu.memory_space<semaphore_mem>>)
          } else {
          }
        } else {
        }
      }
      %scan3A_139 = arith.constant 40 : i32
      %barrier3A_140 = arith.constant 0 : index
      tpu.barrier barrier_id(%barrier3A_140)
      %mul3A_141 = arith.constant 625 : i32
      %mul3A_142 = arith.muli %arg1, %mul3A_141 : i32
      %mul3A_143 = arith.constant 625 : i32
      %mul3A_144 = arith.muli %arg1, %mul3A_143 : i32
      %run_scoped3A_145 = arith.constant 0 : i32
      "tpu.region"() ({
        %run_scoped3A_283 = tpu.sem_alloc : memref<!tpu.dma_semaphore, #tpu.memory_space<semaphore_mem>>
        %dma_start3A_284 = arith.constant 0 : i32
        %dma_start3A_285 = tpu.memref_slice %arg7[%mul3A_144, %run_scoped3A_145, %dma_start3A_284] : memref<10000x4x128xf32, #tpu.memory_space<hbm>> -> memref<625x1x128xf32, #tpu.memory_space<hbm>>
        %dma_start3A_286 = tpu.memref_squeeze %dma_start3A_285 : memref<625x1x128xf32, #tpu.memory_space<hbm>> -> memref<625x128xf32, #tpu.memory_space<hbm>>
        %dma_start3A_287 = arith.constant 0 : i32
        %dma_start3A_288 = tpu.memref_slice %arg12[%mul3A_142, %dma_start3A_287] : memref<10000x128xf32, #tpu.memory_space<vmem_shared>> -> memref<625x128xf32, #tpu.memory_space<vmem_shared>>
        tpu.enqueue_dma source(%dma_start3A_288 : memref<625x128xf32, #tpu.memory_space<vmem_shared>>) target(%dma_start3A_286 : memref<625x128xf32, #tpu.memory_space<hbm>>) target_semaphore(%run_scoped3A_283 : memref<!tpu.dma_semaphore, #tpu.memory_space<semaphore_mem>>)
        %dma_wait3A = arith.constant 0 : i32
        %dma_wait3A_289 = tpu.memref_slice %arg7[%mul3A_144, %run_scoped3A_145, %dma_wait3A] : memref<10000x4x128xf32, #tpu.memory_space<hbm>> -> memref<625x1x128xf32, #tpu.memory_space<hbm>>
        %dma_wait3A_290 = tpu.memref_squeeze %dma_wait3A_289 : memref<625x1x128xf32, #tpu.memory_space<hbm>> -> memref<625x128xf32, #tpu.memory_space<hbm>>
        %dma_wait3A_291 = arith.constant 0 : i32
        %dma_wait3A_292 = tpu.memref_slice %arg12[%mul3A_142, %dma_wait3A_291] : memref<10000x128xf32, #tpu.memory_space<vmem_shared>> -> memref<625x128xf32, #tpu.memory_space<vmem_shared>>
        tpu.wait_dma2 semaphore(%run_scoped3A_283 : memref<!tpu.dma_semaphore, #tpu.memory_space<semaphore_mem>>) src(%dma_wait3A_292 : memref<625x128xf32, #tpu.memory_space<vmem_shared>>) dst(%dma_wait3A_290 : memref<625x128xf32, #tpu.memory_space<hbm>>)
        tpu.yield
      }) : () -> ()
      %barrier3A_146 = arith.constant 0 : index
      tpu.barrier barrier_id(%barrier3A_146)
      %mul3A_147 = arith.constant 625 : i32
      %mul3A_148 = arith.muli %arg1, %mul3A_147 : i32
      %add3A_149 = arith.constant 0 : i32
      %add3A_150 = arith.addi %mul3A_148, %add3A_149 : i32
      "tpu.region"() ({
        %run_scoped3A_283 = tpu.sem_alloc : memref<!tpu.dma_semaphore, #tpu.memory_space<semaphore_mem>>
        %dma_start3A_284 = arith.constant 0 : i32
        %dma_start3A_285 = tpu.memref_slice %arg12[%add3A_150, %dma_start3A_284] : memref<10000x128xf32, #tpu.memory_space<vmem_shared>> -> memref<25x128xf32, #tpu.memory_space<vmem_shared>>
        %dma_start3A_286 = arith.constant 0 : i32
        %dma_start3A_287 = tpu.memref_slice %arg12[%add3A_150, %dma_start3A_286] : memref<10000x128xf32, #tpu.memory_space<vmem_shared>> -> memref<25x128xf32, #tpu.memory_space<vmem_shared>>
        tpu.enqueue_dma source(%arg11 : memref<25x128xf32, #tpu.memory_space<vmem>>) target(%dma_start3A_287 : memref<25x128xf32, #tpu.memory_space<vmem_shared>>) target_semaphore(%run_scoped3A_283 : memref<!tpu.dma_semaphore, #tpu.memory_space<semaphore_mem>>)
        %dma_wait3A = arith.constant 0 : i32
        %dma_wait3A_288 = tpu.memref_slice %arg12[%add3A_150, %dma_wait3A] : memref<10000x128xf32, #tpu.memory_space<vmem_shared>> -> memref<25x128xf32, #tpu.memory_space<vmem_shared>>
        %dma_wait3A_289 = arith.constant 0 : i32
        %dma_wait3A_290 = tpu.memref_slice %arg12[%add3A_150, %dma_wait3A_289] : memref<10000x128xf32, #tpu.memory_space<vmem_shared>> -> memref<25x128xf32, #tpu.memory_space<vmem_shared>>
        tpu.wait_dma2 semaphore(%run_scoped3A_283 : memref<!tpu.dma_semaphore, #tpu.memory_space<semaphore_mem>>) src(%arg11 : memref<25x128xf32, #tpu.memory_space<vmem>>) dst(%dma_wait3A_290 : memref<25x128xf32, #tpu.memory_space<vmem_shared>>)
        tpu.yield
      }) : () -> ()
      %mul3A_151 = arith.constant 625 : i32
      %mul3A_152 = arith.muli %arg1, %mul3A_151 : i32
      %add3A_153 = arith.constant 25 : i32
      %add3A_154 = arith.addi %mul3A_152, %add3A_153 : i32
      "tpu.region"() ({
        %run_scoped3A_283 = tpu.sem_alloc : memref<!tpu.dma_semaphore, #tpu.memory_space<semaphore_mem>>
        %dma_start3A_284 = arith.constant 0 : i32
        %dma_start3A_285 = tpu.memref_slice %arg12[%add3A_154, %dma_start3A_284] : memref<10000x128xf32, #tpu.memory_space<vmem_shared>> -> memref<25x128xf32, #tpu.memory_space<vmem_shared>>
        %dma_start3A_286 = arith.constant 0 : i32
        %dma_start3A_287 = tpu.memref_slice %arg12[%add3A_154, %dma_start3A_286] : memref<10000x128xf32, #tpu.memory_space<vmem_shared>> -> memref<25x128xf32, #tpu.memory_space<vmem_shared>>
        tpu.enqueue_dma source(%arg11 : memref<25x128xf32, #tpu.memory_space<vmem>>) target(%dma_start3A_287 : memref<25x128xf32, #tpu.memory_space<vmem_shared>>) target_semaphore(%run_scoped3A_283 : memref<!tpu.dma_semaphore, #tpu.memory_space<semaphore_mem>>)
        %dma_wait3A = arith.constant 0 : i32
        %dma_wait3A_288 = tpu.memref_slice %arg12[%add3A_154, %dma_wait3A] : memref<10000x128xf32, #tpu.memory_space<vmem_shared>> -> memref<25x128xf32, #tpu.memory_space<vmem_shared>>
        %dma_wait3A_289 = arith.constant 0 : i32
        %dma_wait3A_290 = tpu.memref_slice %arg12[%add3A_154, %dma_wait3A_289] : memref<10000x128xf32, #tpu.memory_space<vmem_shared>> -> memref<25x128xf32, #tpu.memory_space<vmem_shared>>
        tpu.wait_dma2 semaphore(%run_scoped3A_283 : memref<!tpu.dma_semaphore, #tpu.memory_space<semaphore_mem>>) src(%arg11 : memref<25x128xf32, #tpu.memory_space<vmem>>) dst(%dma_wait3A_290 : memref<25x128xf32, #tpu.memory_space<vmem_shared>>)
        tpu.yield
      }) : () -> ()
      %mul3A_155 = arith.constant 625 : i32
      %mul3A_156 = arith.muli %arg1, %mul3A_155 : i32
      %add3A_157 = arith.constant 50 : i32
      %add3A_158 = arith.addi %mul3A_156, %add3A_157 : i32
      "tpu.region"() ({
        %run_scoped3A_283 = tpu.sem_alloc : memref<!tpu.dma_semaphore, #tpu.memory_space<semaphore_mem>>
        %dma_start3A_284 = arith.constant 0 : i32
        %dma_start3A_285 = tpu.memref_slice %arg12[%add3A_158, %dma_start3A_284] : memref<10000x128xf32, #tpu.memory_space<vmem_shared>> -> memref<25x128xf32, #tpu.memory_space<vmem_shared>>
        %dma_start3A_286 = arith.constant 0 : i32
        %dma_start3A_287 = tpu.memref_slice %arg12[%add3A_158, %dma_start3A_286] : memref<10000x128xf32, #tpu.memory_space<vmem_shared>> -> memref<25x128xf32, #tpu.memory_space<vmem_shared>>
        tpu.enqueue_dma source(%arg11 : memref<25x128xf32, #tpu.memory_space<vmem>>) target(%dma_start3A_287 : memref<25x128xf32, #tpu.memory_space<vmem_shared>>) target_semaphore(%run_scoped3A_283 : memref<!tpu.dma_semaphore, #tpu.memory_space<semaphore_mem>>)
        %dma_wait3A = arith.constant 0 : i32
        %dma_wait3A_288 = tpu.memref_slice %arg12[%add3A_158, %dma_wait3A] : memref<10000x128xf32, #tpu.memory_space<vmem_shared>> -> memref<25x128xf32, #tpu.memory_space<vmem_shared>>
        %dma_wait3A_289 = arith.constant 0 : i32
        %dma_wait3A_290 = tpu.memref_slice %arg12[%add3A_158, %dma_wait3A_289] : memref<10000x128xf32, #tpu.memory_space<vmem_shared>> -> memref<25x128xf32, #tpu.memory_space<vmem_shared>>
        tpu.wait_dma2 semaphore(%run_scoped3A_283 : memref<!tpu.dma_semaphore, #tpu.memory_space<semaphore_mem>>) src(%arg11 : memref<25x128xf32, #tpu.memory_space<vmem>>) dst(%dma_wait3A_290 : memref<25x128xf32, #tpu.memory_space<vmem_shared>>)
        tpu.yield
      }) : () -> ()
      %mul3A_159 = arith.constant 625 : i32
      %mul3A_160 = arith.muli %arg1, %mul3A_159 : i32
      %add3A_161 = arith.constant 75 : i32
      %add3A_162 = arith.addi %mul3A_160, %add3A_161 : i32
      "tpu.region"() ({
        %run_scoped3A_283 = tpu.sem_alloc : memref<!tpu.dma_semaphore, #tpu.memory_space<semaphore_mem>>
        %dma_start3A_284 = arith.constant 0 : i32
        %dma_start3A_285 = tpu.memref_slice %arg12[%add3A_162, %dma_start3A_284] : memref<10000x128xf32, #tpu.memory_space<vmem_shared>> -> memref<25x128xf32, #tpu.memory_space<vmem_shared>>
        %dma_start3A_286 = arith.constant 0 : i32
        %dma_start3A_287 = tpu.memref_slice %arg12[%add3A_162, %dma_start3A_286] : memref<10000x128xf32, #tpu.memory_space<vmem_shared>> -> memref<25x128xf32, #tpu.memory_space<vmem_shared>>
        tpu.enqueue_dma source(%arg11 : memref<25x128xf32, #tpu.memory_space<vmem>>) target(%dma_start3A_287 : memref<25x128xf32, #tpu.memory_space<vmem_shared>>) target_semaphore(%run_scoped3A_283 : memref<!tpu.dma_semaphore, #tpu.memory_space<semaphore_mem>>)
        %dma_wait3A = arith.constant 0 : i32
        %dma_wait3A_288 = tpu.memref_slice %arg12[%add3A_162, %dma_wait3A] : memref<10000x128xf32, #tpu.memory_space<vmem_shared>> -> memref<25x128xf32, #tpu.memory_space<vmem_shared>>
        %dma_wait3A_289 = arith.constant 0 : i32
        %dma_wait3A_290 = tpu.memref_slice %arg12[%add3A_162, %dma_wait3A_289] : memref<10000x128xf32, #tpu.memory_space<vmem_shared>> -> memref<25x128xf32, #tpu.memory_space<vmem_shared>>
        tpu.wait_dma2 semaphore(%run_scoped3A_283 : memref<!tpu.dma_semaphore, #tpu.memory_space<semaphore_mem>>) src(%arg11 : memref<25x128xf32, #tpu.memory_space<vmem>>) dst(%dma_wait3A_290 : memref<25x128xf32, #tpu.memory_space<vmem_shared>>)
        tpu.yield
      }) : () -> ()
      %mul3A_163 = arith.constant 625 : i32
      %mul3A_164 = arith.muli %arg1, %mul3A_163 : i32
      %add3A_165 = arith.constant 100 : i32
      %add3A_166 = arith.addi %mul3A_164, %add3A_165 : i32
      "tpu.region"() ({
        %run_scoped3A_283 = tpu.sem_alloc : memref<!tpu.dma_semaphore, #tpu.memory_space<semaphore_mem>>
        %dma_start3A_284 = arith.constant 0 : i32
        %dma_start3A_285 = tpu.memref_slice %arg12[%add3A_166, %dma_start3A_284] : memref<10000x128xf32, #tpu.memory_space<vmem_shared>> -> memref<25x128xf32, #tpu.memory_space<vmem_shared>>
        %dma_start3A_286 = arith.constant 0 : i32
        %dma_start3A_287 = tpu.memref_slice %arg12[%add3A_166, %dma_start3A_286] : memref<10000x128xf32, #tpu.memory_space<vmem_shared>> -> memref<25x128xf32, #tpu.memory_space<vmem_shared>>
        tpu.enqueue_dma source(%arg11 : memref<25x128xf32, #tpu.memory_space<vmem>>) target(%dma_start3A_287 : memref<25x128xf32, #tpu.memory_space<vmem_shared>>) target_semaphore(%run_scoped3A_283 : memref<!tpu.dma_semaphore, #tpu.memory_space<semaphore_mem>>)
        %dma_wait3A = arith.constant 0 : i32
        %dma_wait3A_288 = tpu.memref_slice %arg12[%add3A_166, %dma_wait3A] : memref<10000x128xf32, #tpu.memory_space<vmem_shared>> -> memref<25x128xf32, #tpu.memory_space<vmem_shared>>
        %dma_wait3A_289 = arith.constant 0 : i32
        %dma_wait3A_290 = tpu.memref_slice %arg12[%add3A_166, %dma_wait3A_289] : memref<10000x128xf32, #tpu.memory_space<vmem_shared>> -> memref<25x128xf32, #tpu.memory_space<vmem_shared>>
        tpu.wait_dma2 semaphore(%run_scoped3A_283 : memref<!tpu.dma_semaphore, #tpu.memory_space<semaphore_mem>>) src(%arg11 : memref<25x128xf32, #tpu.memory_space<vmem>>) dst(%dma_wait3A_290 : memref<25x128xf32, #tpu.memory_space<vmem_shared>>)
        tpu.yield
      }) : () -> ()
      %mul3A_167 = arith.constant 625 : i32
      %mul3A_168 = arith.muli %arg1, %mul3A_167 : i32
      %add3A_169 = arith.constant 125 : i32
      %add3A_170 = arith.addi %mul3A_168, %add3A_169 : i32
      "tpu.region"() ({
        %run_scoped3A_283 = tpu.sem_alloc : memref<!tpu.dma_semaphore, #tpu.memory_space<semaphore_mem>>
        %dma_start3A_284 = arith.constant 0 : i32
        %dma_start3A_285 = tpu.memref_slice %arg12[%add3A_170, %dma_start3A_284] : memref<10000x128xf32, #tpu.memory_space<vmem_shared>> -> memref<25x128xf32, #tpu.memory_space<vmem_shared>>
        %dma_start3A_286 = arith.constant 0 : i32
        %dma_start3A_287 = tpu.memref_slice %arg12[%add3A_170, %dma_start3A_286] : memref<10000x128xf32, #tpu.memory_space<vmem_shared>> -> memref<25x128xf32, #tpu.memory_space<vmem_shared>>
        tpu.enqueue_dma source(%arg11 : memref<25x128xf32, #tpu.memory_space<vmem>>) target(%dma_start3A_287 : memref<25x128xf32, #tpu.memory_space<vmem_shared>>) target_semaphore(%run_scoped3A_283 : memref<!tpu.dma_semaphore, #tpu.memory_space<semaphore_mem>>)
        %dma_wait3A = arith.constant 0 : i32
        %dma_wait3A_288 = tpu.memref_slice %arg12[%add3A_170, %dma_wait3A] : memref<10000x128xf32, #tpu.memory_space<vmem_shared>> -> memref<25x128xf32, #tpu.memory_space<vmem_shared>>
        %dma_wait3A_289 = arith.constant 0 : i32
        %dma_wait3A_290 = tpu.memref_slice %arg12[%add3A_170, %dma_wait3A_289] : memref<10000x128xf32, #tpu.memory_space<vmem_shared>> -> memref<25x128xf32, #tpu.memory_space<vmem_shared>>
        tpu.wait_dma2 semaphore(%run_scoped3A_283 : memref<!tpu.dma_semaphore, #tpu.memory_space<semaphore_mem>>) src(%arg11 : memref<25x128xf32, #tpu.memory_space<vmem>>) dst(%dma_wait3A_290 : memref<25x128xf32, #tpu.memory_space<vmem_shared>>)
        tpu.yield
      }) : () -> ()
      %mul3A_171 = arith.constant 625 : i32
      %mul3A_172 = arith.muli %arg1, %mul3A_171 : i32
      %add3A_173 = arith.constant 150 : i32
      %add3A_174 = arith.addi %mul3A_172, %add3A_173 : i32
      "tpu.region"() ({
        %run_scoped3A_283 = tpu.sem_alloc : memref<!tpu.dma_semaphore, #tpu.memory_space<semaphore_mem>>
        %dma_start3A_284 = arith.constant 0 : i32
        %dma_start3A_285 = tpu.memref_slice %arg12[%add3A_174, %dma_start3A_284] : memref<10000x128xf32, #tpu.memory_space<vmem_shared>> -> memref<25x128xf32, #tpu.memory_space<vmem_shared>>
        %dma_start3A_286 = arith.constant 0 : i32
        %dma_start3A_287 = tpu.memref_slice %arg12[%add3A_174, %dma_start3A_286] : memref<10000x128xf32, #tpu.memory_space<vmem_shared>> -> memref<25x128xf32, #tpu.memory_space<vmem_shared>>
        tpu.enqueue_dma source(%arg11 : memref<25x128xf32, #tpu.memory_space<vmem>>) target(%dma_start3A_287 : memref<25x128xf32, #tpu.memory_space<vmem_shared>>) target_semaphore(%run_scoped3A_283 : memref<!tpu.dma_semaphore, #tpu.memory_space<semaphore_mem>>)
        %dma_wait3A = arith.constant 0 : i32
        %dma_wait3A_288 = tpu.memref_slice %arg12[%add3A_174, %dma_wait3A] : memref<10000x128xf32, #tpu.memory_space<vmem_shared>> -> memref<25x128xf32, #tpu.memory_space<vmem_shared>>
        %dma_wait3A_289 = arith.constant 0 : i32
        %dma_wait3A_290 = tpu.memref_slice %arg12[%add3A_174, %dma_wait3A_289] : memref<10000x128xf32, #tpu.memory_space<vmem_shared>> -> memref<25x128xf32, #tpu.memory_space<vmem_shared>>
        tpu.wait_dma2 semaphore(%run_scoped3A_283 : memref<!tpu.dma_semaphore, #tpu.memory_space<semaphore_mem>>) src(%arg11 : memref<25x128xf32, #tpu.memory_space<vmem>>) dst(%dma_wait3A_290 : memref<25x128xf32, #tpu.memory_space<vmem_shared>>)
        tpu.yield
      }) : () -> ()
      %mul3A_175 = arith.constant 625 : i32
      %mul3A_176 = arith.muli %arg1, %mul3A_175 : i32
      %add3A_177 = arith.constant 175 : i32
      %add3A_178 = arith.addi %mul3A_176, %add3A_177 : i32
      "tpu.region"() ({
        %run_scoped3A_283 = tpu.sem_alloc : memref<!tpu.dma_semaphore, #tpu.memory_space<semaphore_mem>>
        %dma_start3A_284 = arith.constant 0 : i32
        %dma_start3A_285 = tpu.memref_slice %arg12[%add3A_178, %dma_start3A_284] : memref<10000x128xf32, #tpu.memory_space<vmem_shared>> -> memref<25x128xf32, #tpu.memory_space<vmem_shared>>
        %dma_start3A_286 = arith.constant 0 : i32
        %dma_start3A_287 = tpu.memref_slice %arg12[%add3A_178, %dma_start3A_286] : memref<10000x128xf32, #tpu.memory_space<vmem_shared>> -> memref<25x128xf32, #tpu.memory_space<vmem_shared>>
        tpu.enqueue_dma source(%arg11 : memref<25x128xf32, #tpu.memory_space<vmem>>) target(%dma_start3A_287 : memref<25x128xf32, #tpu.memory_space<vmem_shared>>) target_semaphore(%run_scoped3A_283 : memref<!tpu.dma_semaphore, #tpu.memory_space<semaphore_mem>>)
        %dma_wait3A = arith.constant 0 : i32
        %dma_wait3A_288 = tpu.memref_slice %arg12[%add3A_178, %dma_wait3A] : memref<10000x128xf32, #tpu.memory_space<vmem_shared>> -> memref<25x128xf32, #tpu.memory_space<vmem_shared>>
        %dma_wait3A_289 = arith.constant 0 : i32
        %dma_wait3A_290 = tpu.memref_slice %arg12[%add3A_178, %dma_wait3A_289] : memref<10000x128xf32, #tpu.memory_space<vmem_shared>> -> memref<25x128xf32, #tpu.memory_space<vmem_shared>>
        tpu.wait_dma2 semaphore(%run_scoped3A_283 : memref<!tpu.dma_semaphore, #tpu.memory_space<semaphore_mem>>) src(%arg11 : memref<25x128xf32, #tpu.memory_space<vmem>>) dst(%dma_wait3A_290 : memref<25x128xf32, #tpu.memory_space<vmem_shared>>)
        tpu.yield
      }) : () -> ()
      %mul3A_179 = arith.constant 625 : i32
      %mul3A_180 = arith.muli %arg1, %mul3A_179 : i32
      %add3A_181 = arith.constant 200 : i32
      %add3A_182 = arith.addi %mul3A_180, %add3A_181 : i32
      "tpu.region"() ({
        %run_scoped3A_283 = tpu.sem_alloc : memref<!tpu.dma_semaphore, #tpu.memory_space<semaphore_mem>>
        %dma_start3A_284 = arith.constant 0 : i32
        %dma_start3A_285 = tpu.memref_slice %arg12[%add3A_182, %dma_start3A_284] : memref<10000x128xf32, #tpu.memory_space<vmem_shared>> -> memref<25x128xf32, #tpu.memory_space<vmem_shared>>
        %dma_start3A_286 = arith.constant 0 : i32
        %dma_start3A_287 = tpu.memref_slice %arg12[%add3A_182, %dma_start3A_286] : memref<10000x128xf32, #tpu.memory_space<vmem_shared>> -> memref<25x128xf32, #tpu.memory_space<vmem_shared>>
        tpu.enqueue_dma source(%arg11 : memref<25x128xf32, #tpu.memory_space<vmem>>) target(%dma_start3A_287 : memref<25x128xf32, #tpu.memory_space<vmem_shared>>) target_semaphore(%run_scoped3A_283 : memref<!tpu.dma_semaphore, #tpu.memory_space<semaphore_mem>>)
        %dma_wait3A = arith.constant 0 : i32
        %dma_wait3A_288 = tpu.memref_slice %arg12[%add3A_182, %dma_wait3A] : memref<10000x128xf32, #tpu.memory_space<vmem_shared>> -> memref<25x128xf32, #tpu.memory_space<vmem_shared>>
        %dma_wait3A_289 = arith.constant 0 : i32
        %dma_wait3A_290 = tpu.memref_slice %arg12[%add3A_182, %dma_wait3A_289] : memref<10000x128xf32, #tpu.memory_space<vmem_shared>> -> memref<25x128xf32, #tpu.memory_space<vmem_shared>>
        tpu.wait_dma2 semaphore(%run_scoped3A_283 : memref<!tpu.dma_semaphore, #tpu.memory_space<semaphore_mem>>) src(%arg11 : memref<25x128xf32, #tpu.memory_space<vmem>>) dst(%dma_wait3A_290 : memref<25x128xf32, #tpu.memory_space<vmem_shared>>)
        tpu.yield
      }) : () -> ()
      %mul3A_183 = arith.constant 625 : i32
      %mul3A_184 = arith.muli %arg1, %mul3A_183 : i32
      %add3A_185 = arith.constant 225 : i32
      %add3A_186 = arith.addi %mul3A_184, %add3A_185 : i32
      "tpu.region"() ({
        %run_scoped3A_283 = tpu.sem_alloc : memref<!tpu.dma_semaphore, #tpu.memory_space<semaphore_mem>>
        %dma_start3A_284 = arith.constant 0 : i32
        %dma_start3A_285 = tpu.memref_slice %arg12[%add3A_186, %dma_start3A_284] : memref<10000x128xf32, #tpu.memory_space<vmem_shared>> -> memref<25x128xf32, #tpu.memory_space<vmem_shared>>
        %dma_start3A_286 = arith.constant 0 : i32
        %dma_start3A_287 = tpu.memref_slice %arg12[%add3A_186, %dma_start3A_286] : memref<10000x128xf32, #tpu.memory_space<vmem_shared>> -> memref<25x128xf32, #tpu.memory_space<vmem_shared>>
        tpu.enqueue_dma source(%arg11 : memref<25x128xf32, #tpu.memory_space<vmem>>) target(%dma_start3A_287 : memref<25x128xf32, #tpu.memory_space<vmem_shared>>) target_semaphore(%run_scoped3A_283 : memref<!tpu.dma_semaphore, #tpu.memory_space<semaphore_mem>>)
        %dma_wait3A = arith.constant 0 : i32
        %dma_wait3A_288 = tpu.memref_slice %arg12[%add3A_186, %dma_wait3A] : memref<10000x128xf32, #tpu.memory_space<vmem_shared>> -> memref<25x128xf32, #tpu.memory_space<vmem_shared>>
        %dma_wait3A_289 = arith.constant 0 : i32
        %dma_wait3A_290 = tpu.memref_slice %arg12[%add3A_186, %dma_wait3A_289] : memref<10000x128xf32, #tpu.memory_space<vmem_shared>> -> memref<25x128xf32, #tpu.memory_space<vmem_shared>>
        tpu.wait_dma2 semaphore(%run_scoped3A_283 : memref<!tpu.dma_semaphore, #tpu.memory_space<semaphore_mem>>) src(%arg11 : memref<25x128xf32, #tpu.memory_space<vmem>>) dst(%dma_wait3A_290 : memref<25x128xf32, #tpu.memory_space<vmem_shared>>)
        tpu.yield
      }) : () -> ()
      %mul3A_187 = arith.constant 625 : i32
      %mul3A_188 = arith.muli %arg1, %mul3A_187 : i32
      %add3A_189 = arith.constant 250 : i32
      %add3A_190 = arith.addi %mul3A_188, %add3A_189 : i32
      "tpu.region"() ({
        %run_scoped3A_283 = tpu.sem_alloc : memref<!tpu.dma_semaphore, #tpu.memory_space<semaphore_mem>>
        %dma_start3A_284 = arith.constant 0 : i32
        %dma_start3A_285 = tpu.memref_slice %arg12[%add3A_190, %dma_start3A_284] : memref<10000x128xf32, #tpu.memory_space<vmem_shared>> -> memref<25x128xf32, #tpu.memory_space<vmem_shared>>
        %dma_start3A_286 = arith.constant 0 : i32
        %dma_start3A_287 = tpu.memref_slice %arg12[%add3A_190, %dma_start3A_286] : memref<10000x128xf32, #tpu.memory_space<vmem_shared>> -> memref<25x128xf32, #tpu.memory_space<vmem_shared>>
        tpu.enqueue_dma source(%arg11 : memref<25x128xf32, #tpu.memory_space<vmem>>) target(%dma_start3A_287 : memref<25x128xf32, #tpu.memory_space<vmem_shared>>) target_semaphore(%run_scoped3A_283 : memref<!tpu.dma_semaphore, #tpu.memory_space<semaphore_mem>>)
        %dma_wait3A = arith.constant 0 : i32
        %dma_wait3A_288 = tpu.memref_slice %arg12[%add3A_190, %dma_wait3A] : memref<10000x128xf32, #tpu.memory_space<vmem_shared>> -> memref<25x128xf32, #tpu.memory_space<vmem_shared>>
        %dma_wait3A_289 = arith.constant 0 : i32
        %dma_wait3A_290 = tpu.memref_slice %arg12[%add3A_190, %dma_wait3A_289] : memref<10000x128xf32, #tpu.memory_space<vmem_shared>> -> memref<25x128xf32, #tpu.memory_space<vmem_shared>>
        tpu.wait_dma2 semaphore(%run_scoped3A_283 : memref<!tpu.dma_semaphore, #tpu.memory_space<semaphore_mem>>) src(%arg11 : memref<25x128xf32, #tpu.memory_space<vmem>>) dst(%dma_wait3A_290 : memref<25x128xf32, #tpu.memory_space<vmem_shared>>)
        tpu.yield
      }) : () -> ()
      %mul3A_191 = arith.constant 625 : i32
      %mul3A_192 = arith.muli %arg1, %mul3A_191 : i32
      %add3A_193 = arith.constant 275 : i32
      %add3A_194 = arith.addi %mul3A_192, %add3A_193 : i32
      "tpu.region"() ({
        %run_scoped3A_283 = tpu.sem_alloc : memref<!tpu.dma_semaphore, #tpu.memory_space<semaphore_mem>>
        %dma_start3A_284 = arith.constant 0 : i32
        %dma_start3A_285 = tpu.memref_slice %arg12[%add3A_194, %dma_start3A_284] : memref<10000x128xf32, #tpu.memory_space<vmem_shared>> -> memref<25x128xf32, #tpu.memory_space<vmem_shared>>
        %dma_start3A_286 = arith.constant 0 : i32
        %dma_start3A_287 = tpu.memref_slice %arg12[%add3A_194, %dma_start3A_286] : memref<10000x128xf32, #tpu.memory_space<vmem_shared>> -> memref<25x128xf32, #tpu.memory_space<vmem_shared>>
        tpu.enqueue_dma source(%arg11 : memref<25x128xf32, #tpu.memory_space<vmem>>) target(%dma_start3A_287 : memref<25x128xf32, #tpu.memory_space<vmem_shared>>) target_semaphore(%run_scoped3A_283 : memref<!tpu.dma_semaphore, #tpu.memory_space<semaphore_mem>>)
        %dma_wait3A = arith.constant 0 : i32
        %dma_wait3A_288 = tpu.memref_slice %arg12[%add3A_194, %dma_wait3A] : memref<10000x128xf32, #tpu.memory_space<vmem_shared>> -> memref<25x128xf32, #tpu.memory_space<vmem_shared>>
        %dma_wait3A_289 = arith.constant 0 : i32
        %dma_wait3A_290 = tpu.memref_slice %arg12[%add3A_194, %dma_wait3A_289] : memref<10000x128xf32, #tpu.memory_space<vmem_shared>> -> memref<25x128xf32, #tpu.memory_space<vmem_shared>>
        tpu.wait_dma2 semaphore(%run_scoped3A_283 : memref<!tpu.dma_semaphore, #tpu.memory_space<semaphore_mem>>) src(%arg11 : memref<25x128xf32, #tpu.memory_space<vmem>>) dst(%dma_wait3A_290 : memref<25x128xf32, #tpu.memory_space<vmem_shared>>)
        tpu.yield
      }) : () -> ()
      %mul3A_195 = arith.constant 625 : i32
      %mul3A_196 = arith.muli %arg1, %mul3A_195 : i32
      %add3A_197 = arith.constant 300 : i32
      %add3A_198 = arith.addi %mul3A_196, %add3A_197 : i32
      "tpu.region"() ({
        %run_scoped3A_283 = tpu.sem_alloc : memref<!tpu.dma_semaphore, #tpu.memory_space<semaphore_mem>>
        %dma_start3A_284 = arith.constant 0 : i32
        %dma_start3A_285 = tpu.memref_slice %arg12[%add3A_198, %dma_start3A_284] : memref<10000x128xf32, #tpu.memory_space<vmem_shared>> -> memref<25x128xf32, #tpu.memory_space<vmem_shared>>
        %dma_start3A_286 = arith.constant 0 : i32
        %dma_start3A_287 = tpu.memref_slice %arg12[%add3A_198, %dma_start3A_286] : memref<10000x128xf32, #tpu.memory_space<vmem_shared>> -> memref<25x128xf32, #tpu.memory_space<vmem_shared>>
        tpu.enqueue_dma source(%arg11 : memref<25x128xf32, #tpu.memory_space<vmem>>) target(%dma_start3A_287 : memref<25x128xf32, #tpu.memory_space<vmem_shared>>) target_semaphore(%run_scoped3A_283 : memref<!tpu.dma_semaphore, #tpu.memory_space<semaphore_mem>>)
        %dma_wait3A = arith.constant 0 : i32
        %dma_wait3A_288 = tpu.memref_slice %arg12[%add3A_198, %dma_wait3A] : memref<10000x128xf32, #tpu.memory_space<vmem_shared>> -> memref<25x128xf32, #tpu.memory_space<vmem_shared>>
        %dma_wait3A_289 = arith.constant 0 : i32
        %dma_wait3A_290 = tpu.memref_slice %arg12[%add3A_198, %dma_wait3A_289] : memref<10000x128xf32, #tpu.memory_space<vmem_shared>> -> memref<25x128xf32, #tpu.memory_space<vmem_shared>>
        tpu.wait_dma2 semaphore(%run_scoped3A_283 : memref<!tpu.dma_semaphore, #tpu.memory_space<semaphore_mem>>) src(%arg11 : memref<25x128xf32, #tpu.memory_space<vmem>>) dst(%dma_wait3A_290 : memref<25x128xf32, #tpu.memory_space<vmem_shared>>)
        tpu.yield
      }) : () -> ()
      %mul3A_199 = arith.constant 625 : i32
      %mul3A_200 = arith.muli %arg1, %mul3A_199 : i32
      %add3A_201 = arith.constant 325 : i32
      %add3A_202 = arith.addi %mul3A_200, %add3A_201 : i32
      "tpu.region"() ({
        %run_scoped3A_283 = tpu.sem_alloc : memref<!tpu.dma_semaphore, #tpu.memory_space<semaphore_mem>>
        %dma_start3A_284 = arith.constant 0 : i32
        %dma_start3A_285 = tpu.memref_slice %arg12[%add3A_202, %dma_start3A_284] : memref<10000x128xf32, #tpu.memory_space<vmem_shared>> -> memref<25x128xf32, #tpu.memory_space<vmem_shared>>
        %dma_start3A_286 = arith.constant 0 : i32
        %dma_start3A_287 = tpu.memref_slice %arg12[%add3A_202, %dma_start3A_286] : memref<10000x128xf32, #tpu.memory_space<vmem_shared>> -> memref<25x128xf32, #tpu.memory_space<vmem_shared>>
        tpu.enqueue_dma source(%arg11 : memref<25x128xf32, #tpu.memory_space<vmem>>) target(%dma_start3A_287 : memref<25x128xf32, #tpu.memory_space<vmem_shared>>) target_semaphore(%run_scoped3A_283 : memref<!tpu.dma_semaphore, #tpu.memory_space<semaphore_mem>>)
        %dma_wait3A = arith.constant 0 : i32
        %dma_wait3A_288 = tpu.memref_slice %arg12[%add3A_202, %dma_wait3A] : memref<10000x128xf32, #tpu.memory_space<vmem_shared>> -> memref<25x128xf32, #tpu.memory_space<vmem_shared>>
        %dma_wait3A_289 = arith.constant 0 : i32
        %dma_wait3A_290 = tpu.memref_slice %arg12[%add3A_202, %dma_wait3A_289] : memref<10000x128xf32, #tpu.memory_space<vmem_shared>> -> memref<25x128xf32, #tpu.memory_space<vmem_shared>>
        tpu.wait_dma2 semaphore(%run_scoped3A_283 : memref<!tpu.dma_semaphore, #tpu.memory_space<semaphore_mem>>) src(%arg11 : memref<25x128xf32, #tpu.memory_space<vmem>>) dst(%dma_wait3A_290 : memref<25x128xf32, #tpu.memory_space<vmem_shared>>)
        tpu.yield
      }) : () -> ()
      %mul3A_203 = arith.constant 625 : i32
      %mul3A_204 = arith.muli %arg1, %mul3A_203 : i32
      %add3A_205 = arith.constant 350 : i32
      %add3A_206 = arith.addi %mul3A_204, %add3A_205 : i32
      "tpu.region"() ({
        %run_scoped3A_283 = tpu.sem_alloc : memref<!tpu.dma_semaphore, #tpu.memory_space<semaphore_mem>>
        %dma_start3A_284 = arith.constant 0 : i32
        %dma_start3A_285 = tpu.memref_slice %arg12[%add3A_206, %dma_start3A_284] : memref<10000x128xf32, #tpu.memory_space<vmem_shared>> -> memref<25x128xf32, #tpu.memory_space<vmem_shared>>
        %dma_start3A_286 = arith.constant 0 : i32
        %dma_start3A_287 = tpu.memref_slice %arg12[%add3A_206, %dma_start3A_286] : memref<10000x128xf32, #tpu.memory_space<vmem_shared>> -> memref<25x128xf32, #tpu.memory_space<vmem_shared>>
        tpu.enqueue_dma source(%arg11 : memref<25x128xf32, #tpu.memory_space<vmem>>) target(%dma_start3A_287 : memref<25x128xf32, #tpu.memory_space<vmem_shared>>) target_semaphore(%run_scoped3A_283 : memref<!tpu.dma_semaphore, #tpu.memory_space<semaphore_mem>>)
        %dma_wait3A = arith.constant 0 : i32
        %dma_wait3A_288 = tpu.memref_slice %arg12[%add3A_206, %dma_wait3A] : memref<10000x128xf32, #tpu.memory_space<vmem_shared>> -> memref<25x128xf32, #tpu.memory_space<vmem_shared>>
        %dma_wait3A_289 = arith.constant 0 : i32
        %dma_wait3A_290 = tpu.memref_slice %arg12[%add3A_206, %dma_wait3A_289] : memref<10000x128xf32, #tpu.memory_space<vmem_shared>> -> memref<25x128xf32, #tpu.memory_space<vmem_shared>>
        tpu.wait_dma2 semaphore(%run_scoped3A_283 : memref<!tpu.dma_semaphore, #tpu.memory_space<semaphore_mem>>) src(%arg11 : memref<25x128xf32, #tpu.memory_space<vmem>>) dst(%dma_wait3A_290 : memref<25x128xf32, #tpu.memory_space<vmem_shared>>)
        tpu.yield
      }) : () -> ()
      %mul3A_207 = arith.constant 625 : i32
      %mul3A_208 = arith.muli %arg1, %mul3A_207 : i32
      %add3A_209 = arith.constant 375 : i32
      %add3A_210 = arith.addi %mul3A_208, %add3A_209 : i32
      "tpu.region"() ({
        %run_scoped3A_283 = tpu.sem_alloc : memref<!tpu.dma_semaphore, #tpu.memory_space<semaphore_mem>>
        %dma_start3A_284 = arith.constant 0 : i32
        %dma_start3A_285 = tpu.memref_slice %arg12[%add3A_210, %dma_start3A_284] : memref<10000x128xf32, #tpu.memory_space<vmem_shared>> -> memref<25x128xf32, #tpu.memory_space<vmem_shared>>
        %dma_start3A_286 = arith.constant 0 : i32
        %dma_start3A_287 = tpu.memref_slice %arg12[%add3A_210, %dma_start3A_286] : memref<10000x128xf32, #tpu.memory_space<vmem_shared>> -> memref<25x128xf32, #tpu.memory_space<vmem_shared>>
        tpu.enqueue_dma source(%arg11 : memref<25x128xf32, #tpu.memory_space<vmem>>) target(%dma_start3A_287 : memref<25x128xf32, #tpu.memory_space<vmem_shared>>) target_semaphore(%run_scoped3A_283 : memref<!tpu.dma_semaphore, #tpu.memory_space<semaphore_mem>>)
        %dma_wait3A = arith.constant 0 : i32
        %dma_wait3A_288 = tpu.memref_slice %arg12[%add3A_210, %dma_wait3A] : memref<10000x128xf32, #tpu.memory_space<vmem_shared>> -> memref<25x128xf32, #tpu.memory_space<vmem_shared>>
        %dma_wait3A_289 = arith.constant 0 : i32
        %dma_wait3A_290 = tpu.memref_slice %arg12[%add3A_210, %dma_wait3A_289] : memref<10000x128xf32, #tpu.memory_space<vmem_shared>> -> memref<25x128xf32, #tpu.memory_space<vmem_shared>>
        tpu.wait_dma2 semaphore(%run_scoped3A_283 : memref<!tpu.dma_semaphore, #tpu.memory_space<semaphore_mem>>) src(%arg11 : memref<25x128xf32, #tpu.memory_space<vmem>>) dst(%dma_wait3A_290 : memref<25x128xf32, #tpu.memory_space<vmem_shared>>)
        tpu.yield
      }) : () -> ()
      %mul3A_211 = arith.constant 625 : i32
      %mul3A_212 = arith.muli %arg1, %mul3A_211 : i32
      %add3A_213 = arith.constant 400 : i32
      %add3A_214 = arith.addi %mul3A_212, %add3A_213 : i32
      "tpu.region"() ({
        %run_scoped3A_283 = tpu.sem_alloc : memref<!tpu.dma_semaphore, #tpu.memory_space<semaphore_mem>>
        %dma_start3A_284 = arith.constant 0 : i32
        %dma_start3A_285 = tpu.memref_slice %arg12[%add3A_214, %dma_start3A_284] : memref<10000x128xf32, #tpu.memory_space<vmem_shared>> -> memref<25x128xf32, #tpu.memory_space<vmem_shared>>
        %dma_start3A_286 = arith.constant 0 : i32
        %dma_start3A_287 = tpu.memref_slice %arg12[%add3A_214, %dma_start3A_286] : memref<10000x128xf32, #tpu.memory_space<vmem_shared>> -> memref<25x128xf32, #tpu.memory_space<vmem_shared>>
        tpu.enqueue_dma source(%arg11 : memref<25x128xf32, #tpu.memory_space<vmem>>) target(%dma_start3A_287 : memref<25x128xf32, #tpu.memory_space<vmem_shared>>) target_semaphore(%run_scoped3A_283 : memref<!tpu.dma_semaphore, #tpu.memory_space<semaphore_mem>>)
        %dma_wait3A = arith.constant 0 : i32
        %dma_wait3A_288 = tpu.memref_slice %arg12[%add3A_214, %dma_wait3A] : memref<10000x128xf32, #tpu.memory_space<vmem_shared>> -> memref<25x128xf32, #tpu.memory_space<vmem_shared>>
        %dma_wait3A_289 = arith.constant 0 : i32
        %dma_wait3A_290 = tpu.memref_slice %arg12[%add3A_214, %dma_wait3A_289] : memref<10000x128xf32, #tpu.memory_space<vmem_shared>> -> memref<25x128xf32, #tpu.memory_space<vmem_shared>>
        tpu.wait_dma2 semaphore(%run_scoped3A_283 : memref<!tpu.dma_semaphore, #tpu.memory_space<semaphore_mem>>) src(%arg11 : memref<25x128xf32, #tpu.memory_space<vmem>>) dst(%dma_wait3A_290 : memref<25x128xf32, #tpu.memory_space<vmem_shared>>)
        tpu.yield
      }) : () -> ()
      %mul3A_215 = arith.constant 625 : i32
      %mul3A_216 = arith.muli %arg1, %mul3A_215 : i32
      %add3A_217 = arith.constant 425 : i32
      %add3A_218 = arith.addi %mul3A_216, %add3A_217 : i32
      "tpu.region"() ({
        %run_scoped3A_283 = tpu.sem_alloc : memref<!tpu.dma_semaphore, #tpu.memory_space<semaphore_mem>>
        %dma_start3A_284 = arith.constant 0 : i32
        %dma_start3A_285 = tpu.memref_slice %arg12[%add3A_218, %dma_start3A_284] : memref<10000x128xf32, #tpu.memory_space<vmem_shared>> -> memref<25x128xf32, #tpu.memory_space<vmem_shared>>
        %dma_start3A_286 = arith.constant 0 : i32
        %dma_start3A_287 = tpu.memref_slice %arg12[%add3A_218, %dma_start3A_286] : memref<10000x128xf32, #tpu.memory_space<vmem_shared>> -> memref<25x128xf32, #tpu.memory_space<vmem_shared>>
        tpu.enqueue_dma source(%arg11 : memref<25x128xf32, #tpu.memory_space<vmem>>) target(%dma_start3A_287 : memref<25x128xf32, #tpu.memory_space<vmem_shared>>) target_semaphore(%run_scoped3A_283 : memref<!tpu.dma_semaphore, #tpu.memory_space<semaphore_mem>>)
        %dma_wait3A = arith.constant 0 : i32
        %dma_wait3A_288 = tpu.memref_slice %arg12[%add3A_218, %dma_wait3A] : memref<10000x128xf32, #tpu.memory_space<vmem_shared>> -> memref<25x128xf32, #tpu.memory_space<vmem_shared>>
        %dma_wait3A_289 = arith.constant 0 : i32
        %dma_wait3A_290 = tpu.memref_slice %arg12[%add3A_218, %dma_wait3A_289] : memref<10000x128xf32, #tpu.memory_space<vmem_shared>> -> memref<25x128xf32, #tpu.memory_space<vmem_shared>>
        tpu.wait_dma2 semaphore(%run_scoped3A_283 : memref<!tpu.dma_semaphore, #tpu.memory_space<semaphore_mem>>) src(%arg11 : memref<25x128xf32, #tpu.memory_space<vmem>>) dst(%dma_wait3A_290 : memref<25x128xf32, #tpu.memory_space<vmem_shared>>)
        tpu.yield
      }) : () -> ()
      %mul3A_219 = arith.constant 625 : i32
      %mul3A_220 = arith.muli %arg1, %mul3A_219 : i32
      %add3A_221 = arith.constant 450 : i32
      %add3A_222 = arith.addi %mul3A_220, %add3A_221 : i32
      "tpu.region"() ({
        %run_scoped3A_283 = tpu.sem_alloc : memref<!tpu.dma_semaphore, #tpu.memory_space<semaphore_mem>>
        %dma_start3A_284 = arith.constant 0 : i32
        %dma_start3A_285 = tpu.memref_slice %arg12[%add3A_222, %dma_start3A_284] : memref<10000x128xf32, #tpu.memory_space<vmem_shared>> -> memref<25x128xf32, #tpu.memory_space<vmem_shared>>
        %dma_start3A_286 = arith.constant 0 : i32
        %dma_start3A_287 = tpu.memref_slice %arg12[%add3A_222, %dma_start3A_286] : memref<10000x128xf32, #tpu.memory_space<vmem_shared>> -> memref<25x128xf32, #tpu.memory_space<vmem_shared>>
        tpu.enqueue_dma source(%arg11 : memref<25x128xf32, #tpu.memory_space<vmem>>) target(%dma_start3A_287 : memref<25x128xf32, #tpu.memory_space<vmem_shared>>) target_semaphore(%run_scoped3A_283 : memref<!tpu.dma_semaphore, #tpu.memory_space<semaphore_mem>>)
        %dma_wait3A = arith.constant 0 : i32
        %dma_wait3A_288 = tpu.memref_slice %arg12[%add3A_222, %dma_wait3A] : memref<10000x128xf32, #tpu.memory_space<vmem_shared>> -> memref<25x128xf32, #tpu.memory_space<vmem_shared>>
        %dma_wait3A_289 = arith.constant 0 : i32
        %dma_wait3A_290 = tpu.memref_slice %arg12[%add3A_222, %dma_wait3A_289] : memref<10000x128xf32, #tpu.memory_space<vmem_shared>> -> memref<25x128xf32, #tpu.memory_space<vmem_shared>>
        tpu.wait_dma2 semaphore(%run_scoped3A_283 : memref<!tpu.dma_semaphore, #tpu.memory_space<semaphore_mem>>) src(%arg11 : memref<25x128xf32, #tpu.memory_space<vmem>>) dst(%dma_wait3A_290 : memref<25x128xf32, #tpu.memory_space<vmem_shared>>)
        tpu.yield
      }) : () -> ()
      %mul3A_223 = arith.constant 625 : i32
      %mul3A_224 = arith.muli %arg1, %mul3A_223 : i32
      %add3A_225 = arith.constant 475 : i32
      %add3A_226 = arith.addi %mul3A_224, %add3A_225 : i32
      "tpu.region"() ({
        %run_scoped3A_283 = tpu.sem_alloc : memref<!tpu.dma_semaphore, #tpu.memory_space<semaphore_mem>>
        %dma_start3A_284 = arith.constant 0 : i32
        %dma_start3A_285 = tpu.memref_slice %arg12[%add3A_226, %dma_start3A_284] : memref<10000x128xf32, #tpu.memory_space<vmem_shared>> -> memref<25x128xf32, #tpu.memory_space<vmem_shared>>
        %dma_start3A_286 = arith.constant 0 : i32
        %dma_start3A_287 = tpu.memref_slice %arg12[%add3A_226, %dma_start3A_286] : memref<10000x128xf32, #tpu.memory_space<vmem_shared>> -> memref<25x128xf32, #tpu.memory_space<vmem_shared>>
        tpu.enqueue_dma source(%arg11 : memref<25x128xf32, #tpu.memory_space<vmem>>) target(%dma_start3A_287 : memref<25x128xf32, #tpu.memory_space<vmem_shared>>) target_semaphore(%run_scoped3A_283 : memref<!tpu.dma_semaphore, #tpu.memory_space<semaphore_mem>>)
        %dma_wait3A = arith.constant 0 : i32
        %dma_wait3A_288 = tpu.memref_slice %arg12[%add3A_226, %dma_wait3A] : memref<10000x128xf32, #tpu.memory_space<vmem_shared>> -> memref<25x128xf32, #tpu.memory_space<vmem_shared>>
        %dma_wait3A_289 = arith.constant 0 : i32
        %dma_wait3A_290 = tpu.memref_slice %arg12[%add3A_226, %dma_wait3A_289] : memref<10000x128xf32, #tpu.memory_space<vmem_shared>> -> memref<25x128xf32, #tpu.memory_space<vmem_shared>>
        tpu.wait_dma2 semaphore(%run_scoped3A_283 : memref<!tpu.dma_semaphore, #tpu.memory_space<semaphore_mem>>) src(%arg11 : memref<25x128xf32, #tpu.memory_space<vmem>>) dst(%dma_wait3A_290 : memref<25x128xf32, #tpu.memory_space<vmem_shared>>)
        tpu.yield
      }) : () -> ()
      %mul3A_227 = arith.constant 625 : i32
      %mul3A_228 = arith.muli %arg1, %mul3A_227 : i32
      %add3A_229 = arith.constant 500 : i32
      %add3A_230 = arith.addi %mul3A_228, %add3A_229 : i32
      "tpu.region"() ({
        %run_scoped3A_283 = tpu.sem_alloc : memref<!tpu.dma_semaphore, #tpu.memory_space<semaphore_mem>>
        %dma_start3A_284 = arith.constant 0 : i32
        %dma_start3A_285 = tpu.memref_slice %arg12[%add3A_230, %dma_start3A_284] : memref<10000x128xf32, #tpu.memory_space<vmem_shared>> -> memref<25x128xf32, #tpu.memory_space<vmem_shared>>
        %dma_start3A_286 = arith.constant 0 : i32
        %dma_start3A_287 = tpu.memref_slice %arg12[%add3A_230, %dma_start3A_286] : memref<10000x128xf32, #tpu.memory_space<vmem_shared>> -> memref<25x128xf32, #tpu.memory_space<vmem_shared>>
        tpu.enqueue_dma source(%arg11 : memref<25x128xf32, #tpu.memory_space<vmem>>) target(%dma_start3A_287 : memref<25x128xf32, #tpu.memory_space<vmem_shared>>) target_semaphore(%run_scoped3A_283 : memref<!tpu.dma_semaphore, #tpu.memory_space<semaphore_mem>>)
        %dma_wait3A = arith.constant 0 : i32
        %dma_wait3A_288 = tpu.memref_slice %arg12[%add3A_230, %dma_wait3A] : memref<10000x128xf32, #tpu.memory_space<vmem_shared>> -> memref<25x128xf32, #tpu.memory_space<vmem_shared>>
        %dma_wait3A_289 = arith.constant 0 : i32
        %dma_wait3A_290 = tpu.memref_slice %arg12[%add3A_230, %dma_wait3A_289] : memref<10000x128xf32, #tpu.memory_space<vmem_shared>> -> memref<25x128xf32, #tpu.memory_space<vmem_shared>>
        tpu.wait_dma2 semaphore(%run_scoped3A_283 : memref<!tpu.dma_semaphore, #tpu.memory_space<semaphore_mem>>) src(%arg11 : memref<25x128xf32, #tpu.memory_space<vmem>>) dst(%dma_wait3A_290 : memref<25x128xf32, #tpu.memory_space<vmem_shared>>)
        tpu.yield
      }) : () -> ()
      %mul3A_231 = arith.constant 625 : i32
      %mul3A_232 = arith.muli %arg1, %mul3A_231 : i32
      %add3A_233 = arith.constant 525 : i32
      %add3A_234 = arith.addi %mul3A_232, %add3A_233 : i32
      "tpu.region"() ({
        %run_scoped3A_283 = tpu.sem_alloc : memref<!tpu.dma_semaphore, #tpu.memory_space<semaphore_mem>>
        %dma_start3A_284 = arith.constant 0 : i32
        %dma_start3A_285 = tpu.memref_slice %arg12[%add3A_234, %dma_start3A_284] : memref<10000x128xf32, #tpu.memory_space<vmem_shared>> -> memref<25x128xf32, #tpu.memory_space<vmem_shared>>
        %dma_start3A_286 = arith.constant 0 : i32
        %dma_start3A_287 = tpu.memref_slice %arg12[%add3A_234, %dma_start3A_286] : memref<10000x128xf32, #tpu.memory_space<vmem_shared>> -> memref<25x128xf32, #tpu.memory_space<vmem_shared>>
        tpu.enqueue_dma source(%arg11 : memref<25x128xf32, #tpu.memory_space<vmem>>) target(%dma_start3A_287 : memref<25x128xf32, #tpu.memory_space<vmem_shared>>) target_semaphore(%run_scoped3A_283 : memref<!tpu.dma_semaphore, #tpu.memory_space<semaphore_mem>>)
        %dma_wait3A = arith.constant 0 : i32
        %dma_wait3A_288 = tpu.memref_slice %arg12[%add3A_234, %dma_wait3A] : memref<10000x128xf32, #tpu.memory_space<vmem_shared>> -> memref<25x128xf32, #tpu.memory_space<vmem_shared>>
        %dma_wait3A_289 = arith.constant 0 : i32
        %dma_wait3A_290 = tpu.memref_slice %arg12[%add3A_234, %dma_wait3A_289] : memref<10000x128xf32, #tpu.memory_space<vmem_shared>> -> memref<25x128xf32, #tpu.memory_space<vmem_shared>>
        tpu.wait_dma2 semaphore(%run_scoped3A_283 : memref<!tpu.dma_semaphore, #tpu.memory_space<semaphore_mem>>) src(%arg11 : memref<25x128xf32, #tpu.memory_space<vmem>>) dst(%dma_wait3A_290 : memref<25x128xf32, #tpu.memory_space<vmem_shared>>)
        tpu.yield
      }) : () -> ()
      %mul3A_235 = arith.constant 625 : i32
      %mul3A_236 = arith.muli %arg1, %mul3A_235 : i32
      %add3A_237 = arith.constant 550 : i32
      %add3A_238 = arith.addi %mul3A_236, %add3A_237 : i32
      "tpu.region"() ({
        %run_scoped3A_283 = tpu.sem_alloc : memref<!tpu.dma_semaphore, #tpu.memory_space<semaphore_mem>>
        %dma_start3A_284 = arith.constant 0 : i32
        %dma_start3A_285 = tpu.memref_slice %arg12[%add3A_238, %dma_start3A_284] : memref<10000x128xf32, #tpu.memory_space<vmem_shared>> -> memref<25x128xf32, #tpu.memory_space<vmem_shared>>
        %dma_start3A_286 = arith.constant 0 : i32
        %dma_start3A_287 = tpu.memref_slice %arg12[%add3A_238, %dma_start3A_286] : memref<10000x128xf32, #tpu.memory_space<vmem_shared>> -> memref<25x128xf32, #tpu.memory_space<vmem_shared>>
        tpu.enqueue_dma source(%arg11 : memref<25x128xf32, #tpu.memory_space<vmem>>) target(%dma_start3A_287 : memref<25x128xf32, #tpu.memory_space<vmem_shared>>) target_semaphore(%run_scoped3A_283 : memref<!tpu.dma_semaphore, #tpu.memory_space<semaphore_mem>>)
        %dma_wait3A = arith.constant 0 : i32
        %dma_wait3A_288 = tpu.memref_slice %arg12[%add3A_238, %dma_wait3A] : memref<10000x128xf32, #tpu.memory_space<vmem_shared>> -> memref<25x128xf32, #tpu.memory_space<vmem_shared>>
        %dma_wait3A_289 = arith.constant 0 : i32
        %dma_wait3A_290 = tpu.memref_slice %arg12[%add3A_238, %dma_wait3A_289] : memref<10000x128xf32, #tpu.memory_space<vmem_shared>> -> memref<25x128xf32, #tpu.memory_space<vmem_shared>>
        tpu.wait_dma2 semaphore(%run_scoped3A_283 : memref<!tpu.dma_semaphore, #tpu.memory_space<semaphore_mem>>) src(%arg11 : memref<25x128xf32, #tpu.memory_space<vmem>>) dst(%dma_wait3A_290 : memref<25x128xf32, #tpu.memory_space<vmem_shared>>)
        tpu.yield
      }) : () -> ()
      %mul3A_239 = arith.constant 625 : i32
      %mul3A_240 = arith.muli %arg1, %mul3A_239 : i32
      %add3A_241 = arith.constant 575 : i32
      %add3A_242 = arith.addi %mul3A_240, %add3A_241 : i32
      "tpu.region"() ({
        %run_scoped3A_283 = tpu.sem_alloc : memref<!tpu.dma_semaphore, #tpu.memory_space<semaphore_mem>>
        %dma_start3A_284 = arith.constant 0 : i32
        %dma_start3A_285 = tpu.memref_slice %arg12[%add3A_242, %dma_start3A_284] : memref<10000x128xf32, #tpu.memory_space<vmem_shared>> -> memref<25x128xf32, #tpu.memory_space<vmem_shared>>
        %dma_start3A_286 = arith.constant 0 : i32
        %dma_start3A_287 = tpu.memref_slice %arg12[%add3A_242, %dma_start3A_286] : memref<10000x128xf32, #tpu.memory_space<vmem_shared>> -> memref<25x128xf32, #tpu.memory_space<vmem_shared>>
        tpu.enqueue_dma source(%arg11 : memref<25x128xf32, #tpu.memory_space<vmem>>) target(%dma_start3A_287 : memref<25x128xf32, #tpu.memory_space<vmem_shared>>) target_semaphore(%run_scoped3A_283 : memref<!tpu.dma_semaphore, #tpu.memory_space<semaphore_mem>>)
        %dma_wait3A = arith.constant 0 : i32
        %dma_wait3A_288 = tpu.memref_slice %arg12[%add3A_242, %dma_wait3A] : memref<10000x128xf32, #tpu.memory_space<vmem_shared>> -> memref<25x128xf32, #tpu.memory_space<vmem_shared>>
        %dma_wait3A_289 = arith.constant 0 : i32
        %dma_wait3A_290 = tpu.memref_slice %arg12[%add3A_242, %dma_wait3A_289] : memref<10000x128xf32, #tpu.memory_space<vmem_shared>> -> memref<25x128xf32, #tpu.memory_space<vmem_shared>>
        tpu.wait_dma2 semaphore(%run_scoped3A_283 : memref<!tpu.dma_semaphore, #tpu.memory_space<semaphore_mem>>) src(%arg11 : memref<25x128xf32, #tpu.memory_space<vmem>>) dst(%dma_wait3A_290 : memref<25x128xf32, #tpu.memory_space<vmem_shared>>)
        tpu.yield
      }) : () -> ()
      %mul3A_243 = arith.constant 625 : i32
      %mul3A_244 = arith.muli %arg1, %mul3A_243 : i32
      %add3A_245 = arith.constant 600 : i32
      %add3A_246 = arith.addi %mul3A_244, %add3A_245 : i32
      "tpu.region"() ({
        %run_scoped3A_283 = tpu.sem_alloc : memref<!tpu.dma_semaphore, #tpu.memory_space<semaphore_mem>>
        %dma_start3A_284 = arith.constant 0 : i32
        %dma_start3A_285 = tpu.memref_slice %arg12[%add3A_246, %dma_start3A_284] : memref<10000x128xf32, #tpu.memory_space<vmem_shared>> -> memref<25x128xf32, #tpu.memory_space<vmem_shared>>
        %dma_start3A_286 = arith.constant 0 : i32
        %dma_start3A_287 = tpu.memref_slice %arg12[%add3A_246, %dma_start3A_286] : memref<10000x128xf32, #tpu.memory_space<vmem_shared>> -> memref<25x128xf32, #tpu.memory_space<vmem_shared>>
        tpu.enqueue_dma source(%arg11 : memref<25x128xf32, #tpu.memory_space<vmem>>) target(%dma_start3A_287 : memref<25x128xf32, #tpu.memory_space<vmem_shared>>) target_semaphore(%run_scoped3A_283 : memref<!tpu.dma_semaphore, #tpu.memory_space<semaphore_mem>>)
        %dma_wait3A = arith.constant 0 : i32
        %dma_wait3A_288 = tpu.memref_slice %arg12[%add3A_246, %dma_wait3A] : memref<10000x128xf32, #tpu.memory_space<vmem_shared>> -> memref<25x128xf32, #tpu.memory_space<vmem_shared>>
        %dma_wait3A_289 = arith.constant 0 : i32
        %dma_wait3A_290 = tpu.memref_slice %arg12[%add3A_246, %dma_wait3A_289] : memref<10000x128xf32, #tpu.memory_space<vmem_shared>> -> memref<25x128xf32, #tpu.memory_space<vmem_shared>>
        tpu.wait_dma2 semaphore(%run_scoped3A_283 : memref<!tpu.dma_semaphore, #tpu.memory_space<semaphore_mem>>) src(%arg11 : memref<25x128xf32, #tpu.memory_space<vmem>>) dst(%dma_wait3A_290 : memref<25x128xf32, #tpu.memory_space<vmem_shared>>)
        tpu.yield
      }) : () -> ()
      %barrier3A_247 = arith.constant 0 : index
      tpu.barrier barrier_id(%barrier3A_247)
      %run_scoped3A_248 = arith.constant 1 : i32
      %run_scoped3A_249 = arith.constant 0 : i32
      %run_scoped3A_250 = arith.constant 0 : i32
      "tpu.region"() ({
        %run_scoped3A_283 = tpu.sem_alloc : memref<!tpu.dma_semaphore, #tpu.memory_space<semaphore_mem>>
        %dma_start3A_284 = arith.constant 0 : i32
        %dma_start3A_285 = tpu.memref_slice %arg8[%run_scoped3A_250, %dma_start3A_284] : memref<2x128xi32, #tpu.memory_space<vmem>> -> memref<1x128xi32, #tpu.memory_space<vmem>>
        %dma_start3A_286 = tpu.memref_squeeze %dma_start3A_285 : memref<1x128xi32, #tpu.memory_space<vmem>> -> memref<128xi32, #tpu.memory_space<vmem>>
        %dma_start3A_287 = arith.constant 0 : i32
        %dma_start3A_288 = tpu.memref_slice %arg6[%run_scoped3A_248, %run_scoped3A_249, %arg1, %dma_start3A_287] : memref<2x1x1250x128xi32, #tpu.memory_space<hbm>> -> memref<1x1x1x128xi32, #tpu.memory_space<hbm>>
        %dma_start3A_289 = tpu.memref_squeeze %dma_start3A_288 : memref<1x1x1x128xi32, #tpu.memory_space<hbm>> -> memref<128xi32, #tpu.memory_space<hbm>>
        %dma_start3A_290 = arith.constant 0 : i32
        %dma_start3A_291 = tpu.memref_slice %arg8[%run_scoped3A_250, %dma_start3A_290] : memref<2x128xi32, #tpu.memory_space<vmem>> -> memref<1x128xi32, #tpu.memory_space<vmem>>
        %dma_start3A_292 = tpu.memref_squeeze %dma_start3A_291 : memref<1x128xi32, #tpu.memory_space<vmem>> -> memref<128xi32, #tpu.memory_space<vmem>>
        %dma_start3A_293 = arith.constant 0 : i32
        %dma_start3A_294 = tpu.memref_slice %arg6[%run_scoped3A_248, %run_scoped3A_249, %arg1, %dma_start3A_293] : memref<2x1x1250x128xi32, #tpu.memory_space<hbm>> -> memref<1x1x1x128xi32, #tpu.memory_space<hbm>>
        %dma_start3A_295 = tpu.memref_squeeze %dma_start3A_294 : memref<1x1x1x128xi32, #tpu.memory_space<hbm>> -> memref<128xi32, #tpu.memory_space<hbm>>
        tpu.enqueue_dma source(%dma_start3A_295 : memref<128xi32, #tpu.memory_space<hbm>>) target(%dma_start3A_292 : memref<128xi32, #tpu.memory_space<vmem>>) target_semaphore(%run_scoped3A_283 : memref<!tpu.dma_semaphore, #tpu.memory_space<semaphore_mem>>)
        %dma_wait3A = arith.constant 0 : i32
        %dma_wait3A_296 = tpu.memref_slice %arg8[%run_scoped3A_250, %dma_wait3A] : memref<2x128xi32, #tpu.memory_space<vmem>> -> memref<1x128xi32, #tpu.memory_space<vmem>>
        %dma_wait3A_297 = tpu.memref_squeeze %dma_wait3A_296 : memref<1x128xi32, #tpu.memory_space<vmem>> -> memref<128xi32, #tpu.memory_space<vmem>>
        %dma_wait3A_298 = arith.constant 0 : i32
        %dma_wait3A_299 = tpu.memref_slice %arg6[%run_scoped3A_248, %run_scoped3A_249, %arg1, %dma_wait3A_298] : memref<2x1x1250x128xi32, #tpu.memory_space<hbm>> -> memref<1x1x1x128xi32, #tpu.memory_space<hbm>>
        %dma_wait3A_300 = tpu.memref_squeeze %dma_wait3A_299 : memref<1x1x1x128xi32, #tpu.memory_space<hbm>> -> memref<128xi32, #tpu.memory_space<hbm>>
        %dma_wait3A_301 = arith.constant 0 : i32
        %dma_wait3A_302 = tpu.memref_slice %arg8[%run_scoped3A_250, %dma_wait3A_301] : memref<2x128xi32, #tpu.memory_space<vmem>> -> memref<1x128xi32, #tpu.memory_space<vmem>>
        %dma_wait3A_303 = tpu.memref_squeeze %dma_wait3A_302 : memref<1x128xi32, #tpu.memory_space<vmem>> -> memref<128xi32, #tpu.memory_space<vmem>>
        %dma_wait3A_304 = arith.constant 0 : i32
        %dma_wait3A_305 = tpu.memref_slice %arg6[%run_scoped3A_248, %run_scoped3A_249, %arg1, %dma_wait3A_304] : memref<2x1x1250x128xi32, #tpu.memory_space<hbm>> -> memref<1x1x1x128xi32, #tpu.memory_space<hbm>>
        %dma_wait3A_306 = tpu.memref_squeeze %dma_wait3A_305 : memref<1x1x1x128xi32, #tpu.memory_space<hbm>> -> memref<128xi32, #tpu.memory_space<hbm>>
        tpu.wait_dma2 semaphore(%run_scoped3A_283 : memref<!tpu.dma_semaphore, #tpu.memory_space<semaphore_mem>>) src(%dma_wait3A_306 : memref<128xi32, #tpu.memory_space<hbm>>) dst(%dma_wait3A_303 : memref<128xi32, #tpu.memory_space<vmem>>)
        tpu.yield
      }) : () -> ()
      %add3A_251 = arith.constant 16 : i32
      %add3A_252 = arith.addi %arg1, %add3A_251 : i32
      %run_scoped3A_253 = arith.constant 1 : i32
      %run_scoped3A_254 = arith.constant 0 : i32
      %run_scoped3A_255 = arith.constant 1 : i32
      "tpu.region"() ({
        %run_scoped3A_283 = tpu.sem_alloc : memref<!tpu.dma_semaphore, #tpu.memory_space<semaphore_mem>>
        %dma_start3A_284 = arith.constant 0 : i32
        %dma_start3A_285 = tpu.memref_slice %arg8[%run_scoped3A_255, %dma_start3A_284] : memref<2x128xi32, #tpu.memory_space<vmem>> -> memref<1x128xi32, #tpu.memory_space<vmem>>
        %dma_start3A_286 = tpu.memref_squeeze %dma_start3A_285 : memref<1x128xi32, #tpu.memory_space<vmem>> -> memref<128xi32, #tpu.memory_space<vmem>>
        %dma_start3A_287 = arith.constant 0 : i32
        %dma_start3A_288 = tpu.memref_slice %arg6[%run_scoped3A_253, %run_scoped3A_254, %add3A_252, %dma_start3A_287] : memref<2x1x1250x128xi32, #tpu.memory_space<hbm>> -> memref<1x1x1x128xi32, #tpu.memory_space<hbm>>
        %dma_start3A_289 = tpu.memref_squeeze %dma_start3A_288 : memref<1x1x1x128xi32, #tpu.memory_space<hbm>> -> memref<128xi32, #tpu.memory_space<hbm>>
        %dma_start3A_290 = arith.constant 0 : i32
        %dma_start3A_291 = tpu.memref_slice %arg8[%run_scoped3A_255, %dma_start3A_290] : memref<2x128xi32, #tpu.memory_space<vmem>> -> memref<1x128xi32, #tpu.memory_space<vmem>>
        %dma_start3A_292 = tpu.memref_squeeze %dma_start3A_291 : memref<1x128xi32, #tpu.memory_space<vmem>> -> memref<128xi32, #tpu.memory_space<vmem>>
        %dma_start3A_293 = arith.constant 0 : i32
        %dma_start3A_294 = tpu.memref_slice %arg6[%run_scoped3A_253, %run_scoped3A_254, %add3A_252, %dma_start3A_293] : memref<2x1x1250x128xi32, #tpu.memory_space<hbm>> -> memref<1x1x1x128xi32, #tpu.memory_space<hbm>>
        %dma_start3A_295 = tpu.memref_squeeze %dma_start3A_294 : memref<1x1x1x128xi32, #tpu.memory_space<hbm>> -> memref<128xi32, #tpu.memory_space<hbm>>
        tpu.enqueue_dma source(%dma_start3A_295 : memref<128xi32, #tpu.memory_space<hbm>>) target(%dma_start3A_292 : memref<128xi32, #tpu.memory_space<vmem>>) target_semaphore(%run_scoped3A_283 : memref<!tpu.dma_semaphore, #tpu.memory_space<semaphore_mem>>)
        %dma_wait3A = arith.constant 0 : i32
        %dma_wait3A_296 = tpu.memref_slice %arg8[%run_scoped3A_255, %dma_wait3A] : memref<2x128xi32, #tpu.memory_space<vmem>> -> memref<1x128xi32, #tpu.memory_space<vmem>>
        %dma_wait3A_297 = tpu.memref_squeeze %dma_wait3A_296 : memref<1x128xi32, #tpu.memory_space<vmem>> -> memref<128xi32, #tpu.memory_space<vmem>>
        %dma_wait3A_298 = arith.constant 0 : i32
        %dma_wait3A_299 = tpu.memref_slice %arg6[%run_scoped3A_253, %run_scoped3A_254, %add3A_252, %dma_wait3A_298] : memref<2x1x1250x128xi32, #tpu.memory_space<hbm>> -> memref<1x1x1x128xi32, #tpu.memory_space<hbm>>
        %dma_wait3A_300 = tpu.memref_squeeze %dma_wait3A_299 : memref<1x1x1x128xi32, #tpu.memory_space<hbm>> -> memref<128xi32, #tpu.memory_space<hbm>>
        %dma_wait3A_301 = arith.constant 0 : i32
        %dma_wait3A_302 = tpu.memref_slice %arg8[%run_scoped3A_255, %dma_wait3A_301] : memref<2x128xi32, #tpu.memory_space<vmem>> -> memref<1x128xi32, #tpu.memory_space<vmem>>
        %dma_wait3A_303 = tpu.memref_squeeze %dma_wait3A_302 : memref<1x128xi32, #tpu.memory_space<vmem>> -> memref<128xi32, #tpu.memory_space<vmem>>
        %dma_wait3A_304 = arith.constant 0 : i32
        %dma_wait3A_305 = tpu.memref_slice %arg6[%run_scoped3A_253, %run_scoped3A_254, %add3A_252, %dma_wait3A_304] : memref<2x1x1250x128xi32, #tpu.memory_space<hbm>> -> memref<1x1x1x128xi32, #tpu.memory_space<hbm>>
        %dma_wait3A_306 = tpu.memref_squeeze %dma_wait3A_305 : memref<1x1x1x128xi32, #tpu.memory_space<hbm>> -> memref<128xi32, #tpu.memory_space<hbm>>
        tpu.wait_dma2 semaphore(%run_scoped3A_283 : memref<!tpu.dma_semaphore, #tpu.memory_space<semaphore_mem>>) src(%dma_wait3A_306 : memref<128xi32, #tpu.memory_space<hbm>>) dst(%dma_wait3A_303 : memref<128xi32, #tpu.memory_space<vmem>>)
        tpu.yield
      }) : () -> ()
      %mul3A_256 = arith.constant 128 : i32
      %mul3A_257 = arith.muli %arg1, %mul3A_256 : i32
      %dma_start3A_258 = arith.constant 0 : i32
      %dma_start3A_259 = tpu.memref_slice %arg3[%mul3A_257, %dma_start3A_258] : memref<160000x128xf32, #tpu.memory_space<hbm>> -> memref<128x128xf32, #tpu.memory_space<hbm>>
      %dma_start3A_260 = arith.constant 0 : i32
      %dma_start3A_261 = tpu.memref_slice %arg3[%mul3A_257, %dma_start3A_260] : memref<160000x128xf32, #tpu.memory_space<hbm>> -> memref<128x128xf32, #tpu.memory_space<hbm>>
      tpu.enqueue_dma source(%dma_start3A_261 : memref<128x128xf32, #tpu.memory_space<hbm>>) target(%arg9 : memref<128x128xf32, #tpu.memory_space<vmem>>) target_semaphore(%arg13 : memref<!tpu.dma_semaphore, #tpu.memory_space<semaphore_mem>>)
      %add3A_262 = arith.constant 16 : i32
      %add3A_263 = arith.addi %arg1, %add3A_262 : i32
      %mul3A_264 = arith.constant 128 : i32
      %mul3A_265 = arith.muli %add3A_263, %mul3A_264 : i32
      %dma_start3A_266 = arith.constant 0 : i32
      %dma_start3A_267 = tpu.memref_slice %arg3[%mul3A_265, %dma_start3A_266] : memref<160000x128xf32, #tpu.memory_space<hbm>> -> memref<128x128xf32, #tpu.memory_space<hbm>>
      %dma_start3A_268 = arith.constant 0 : i32
      %dma_start3A_269 = tpu.memref_slice %arg3[%mul3A_265, %dma_start3A_268] : memref<160000x128xf32, #tpu.memory_space<hbm>> -> memref<128x128xf32, #tpu.memory_space<hbm>>
      tpu.enqueue_dma source(%dma_start3A_269 : memref<128x128xf32, #tpu.memory_space<hbm>>) target(%arg10 : memref<128x128xf32, #tpu.memory_space<vmem>>) target_semaphore(%arg14 : memref<!tpu.dma_semaphore, #tpu.memory_space<semaphore_mem>>)
      %scan3A_270 = arith.constant 0 : i32
      %scan3A_271 = arith.constant 0 : i32
      %scan3A_272 = arith.constant 40 : i32
      %scan3A_273 = arith.addi %scan3A_271, %scan3A_272 : i32
      %scan3A_274 = arith.constant 1 : i32
      scf.for %scan3A_283 = %scan3A_271 to %scan3A_273 step %scan3A_274  : i32 {
        %mul3A_284 = arith.constant 2 : i32
        %mul3A_285 = arith.muli %mul3A_284, %scan3A_283 : i32
        %add3A_286 = arith.constant 0 : i32
        %add3A_287 = arith.addi %mul3A_285, %add3A_286 : i32
        %lt3A_288 = arith.cmpi slt, %add3A_287, %add3A_2 : i32
        %convert_element_type3A_289 = arith.extui %lt3A_288 : i1 to i32
        %cond3A_290 = arith.constant 0 : i32
        %cond3A_291 = arith.cmpi ne, %convert_element_type3A_289, %cond3A_290 : i32
        scf.if %cond3A_291 {
          %dma_wait3A = arith.constant 0 : i32
          %dma_wait3A_300 = arith.constant 0 : i32
          %dma_wait3A_301 = tpu.memref_slice %arg3[%dma_wait3A, %dma_wait3A_300] : memref<160000x128xf32, #tpu.memory_space<hbm>> -> memref<128x128xf32, #tpu.memory_space<hbm>>
          %dma_wait3A_302 = arith.constant 0 : i32
          %dma_wait3A_303 = arith.constant 0 : i32
          %dma_wait3A_304 = tpu.memref_slice %arg3[%dma_wait3A_302, %dma_wait3A_303] : memref<160000x128xf32, #tpu.memory_space<hbm>> -> memref<128x128xf32, #tpu.memory_space<hbm>>
          tpu.wait_dma2 semaphore(%arg13 : memref<!tpu.dma_semaphore, #tpu.memory_space<semaphore_mem>>) src(%dma_wait3A_304 : memref<128x128xf32, #tpu.memory_space<hbm>>) dst(%arg9 : memref<128x128xf32, #tpu.memory_space<vmem>>)
          %run_scoped3A_305 = arith.constant 0 : i32
          "tpu.region"() ({
            %run_scoped3A_312 = tpu.sem_alloc : memref<!tpu.dma_semaphore, #tpu.memory_space<semaphore_mem>>
            %dma_start3A_313 = arith.constant 0 : i32
            %dma_start3A_314 = tpu.memref_slice %arg8[%run_scoped3A_305, %dma_start3A_313] : memref<2x128xi32, #tpu.memory_space<vmem>> -> memref<1x128xi32, #tpu.memory_space<vmem>>
            %dma_start3A_315 = tpu.memref_squeeze %dma_start3A_314 : memref<1x128xi32, #tpu.memory_space<vmem>> -> memref<128xi32, #tpu.memory_space<vmem>>
            %dma_start3A_316 = arith.constant 0 : i32
            %dma_start3A_317 = arith.constant 0 : i32
            %dma_start3A_318 = tpu.memref_slice %arg12[%dma_start3A_316, %dma_start3A_317] : memref<10000x128xf32, #tpu.memory_space<vmem_shared>> -> memref<10000x128xf32, #tpu.memory_space<vmem_shared>>
            tpu.enqueue_indirect_dma source(%arg9 : memref<128x128xf32, #tpu.memory_space<vmem>>) target(%dma_start3A_318 : memref<10000x128xf32, #tpu.memory_space<vmem_shared>>) offsets(%dma_start3A_315 : memref<128xi32, #tpu.memory_space<vmem>>) semaphore(%run_scoped3A_312 : memref<!tpu.dma_semaphore, #tpu.memory_space<semaphore_mem>>) {add = true}
            %dma_wait3A_319 = arith.constant 0 : i32
            %dma_wait3A_320 = tpu.memref_slice %arg8[%run_scoped3A_305, %dma_wait3A_319] : memref<2x128xi32, #tpu.memory_space<vmem>> -> memref<1x128xi32, #tpu.memory_space<vmem>>
            %dma_wait3A_321 = tpu.memref_squeeze %dma_wait3A_320 : memref<1x128xi32, #tpu.memory_space<vmem>> -> memref<128xi32, #tpu.memory_space<vmem>>
            %dma_wait3A_322 = arith.constant 0 : i32
            %dma_wait3A_323 = arith.constant 0 : i32
            %dma_wait3A_324 = tpu.memref_slice %arg12[%dma_wait3A_322, %dma_wait3A_323] : memref<10000x128xf32, #tpu.memory_space<vmem_shared>> -> memref<10000x128xf32, #tpu.memory_space<vmem_shared>>
            tpu.wait_indirect_dma semaphore(%run_scoped3A_312 : memref<!tpu.dma_semaphore, #tpu.memory_space<semaphore_mem>>) src(%arg9 : memref<128x128xf32, #tpu.memory_space<vmem>>) dst(%dma_wait3A_324 : memref<10000x128xf32, #tpu.memory_space<vmem_shared>>)
            tpu.yield
          }) : () -> ()
          %add3A_306 = arith.constant 2 : i32
          %add3A_307 = arith.addi %add3A_287, %add3A_306 : i32
          %lt3A_308 = arith.cmpi slt, %add3A_307, %add3A_2 : i32
          %convert_element_type3A_309 = arith.extui %lt3A_308 : i1 to i32
          %cond3A_310 = arith.constant 0 : i32
          %cond3A_311 = arith.cmpi ne, %convert_element_type3A_309, %cond3A_310 : i32
          scf.if %cond3A_311 {
            %mul3A_312 = arith.constant 16 : i32
            %mul3A_313 = arith.muli %mul3A_312, %add3A_307 : i32
            %add3A_314 = arith.addi %arg1, %mul3A_313 : i32
            %run_scoped3A_315 = arith.constant 1 : i32
            %run_scoped3A_316 = arith.constant 0 : i32
            %run_scoped3A_317 = arith.constant 0 : i32
            "tpu.region"() ({
              %run_scoped3A_327 = tpu.sem_alloc : memref<!tpu.dma_semaphore, #tpu.memory_space<semaphore_mem>>
              %dma_start3A_328 = arith.constant 0 : i32
              %dma_start3A_329 = tpu.memref_slice %arg8[%run_scoped3A_317, %dma_start3A_328] : memref<2x128xi32, #tpu.memory_space<vmem>> -> memref<1x128xi32, #tpu.memory_space<vmem>>
              %dma_start3A_330 = tpu.memref_squeeze %dma_start3A_329 : memref<1x128xi32, #tpu.memory_space<vmem>> -> memref<128xi32, #tpu.memory_space<vmem>>
              %dma_start3A_331 = arith.constant 0 : i32
              %dma_start3A_332 = tpu.memref_slice %arg6[%run_scoped3A_315, %run_scoped3A_316, %add3A_314, %dma_start3A_331] : memref<2x1x1250x128xi32, #tpu.memory_space<hbm>> -> memref<1x1x1x128xi32, #tpu.memory_space<hbm>>
              %dma_start3A_333 = tpu.memref_squeeze %dma_start3A_332 : memref<1x1x1x128xi32, #tpu.memory_space<hbm>> -> memref<128xi32, #tpu.memory_space<hbm>>
              %dma_start3A_334 = arith.constant 0 : i32
              %dma_start3A_335 = tpu.memref_slice %arg8[%run_scoped3A_317, %dma_start3A_334] : memref<2x128xi32, #tpu.memory_space<vmem>> -> memref<1x128xi32, #tpu.memory_space<vmem>>
              %dma_start3A_336 = tpu.memref_squeeze %dma_start3A_335 : memref<1x128xi32, #tpu.memory_space<vmem>> -> memref<128xi32, #tpu.memory_space<vmem>>
              %dma_start3A_337 = arith.constant 0 : i32
              %dma_start3A_338 = tpu.memref_slice %arg6[%run_scoped3A_315, %run_scoped3A_316, %add3A_314, %dma_start3A_337] : memref<2x1x1250x128xi32, #tpu.memory_space<hbm>> -> memref<1x1x1x128xi32, #tpu.memory_space<hbm>>
              %dma_start3A_339 = tpu.memref_squeeze %dma_start3A_338 : memref<1x1x1x128xi32, #tpu.memory_space<hbm>> -> memref<128xi32, #tpu.memory_space<hbm>>
              tpu.enqueue_dma source(%dma_start3A_339 : memref<128xi32, #tpu.memory_space<hbm>>) target(%dma_start3A_336 : memref<128xi32, #tpu.memory_space<vmem>>) target_semaphore(%run_scoped3A_327 : memref<!tpu.dma_semaphore, #tpu.memory_space<semaphore_mem>>)
              %dma_wait3A_340 = arith.constant 0 : i32
              %dma_wait3A_341 = tpu.memref_slice %arg8[%run_scoped3A_317, %dma_wait3A_340] : memref<2x128xi32, #tpu.memory_space<vmem>> -> memref<1x128xi32, #tpu.memory_space<vmem>>
              %dma_wait3A_342 = tpu.memref_squeeze %dma_wait3A_341 : memref<1x128xi32, #tpu.memory_space<vmem>> -> memref<128xi32, #tpu.memory_space<vmem>>
              %dma_wait3A_343 = arith.constant 0 : i32
              %dma_wait3A_344 = tpu.memref_slice %arg6[%run_scoped3A_315, %run_scoped3A_316, %add3A_314, %dma_wait3A_343] : memref<2x1x1250x128xi32, #tpu.memory_space<hbm>> -> memref<1x1x1x128xi32, #tpu.memory_space<hbm>>
              %dma_wait3A_345 = tpu.memref_squeeze %dma_wait3A_344 : memref<1x1x1x128xi32, #tpu.memory_space<hbm>> -> memref<128xi32, #tpu.memory_space<hbm>>
              %dma_wait3A_346 = arith.constant 0 : i32
              %dma_wait3A_347 = tpu.memref_slice %arg8[%run_scoped3A_317, %dma_wait3A_346] : memref<2x128xi32, #tpu.memory_space<vmem>> -> memref<1x128xi32, #tpu.memory_space<vmem>>
              %dma_wait3A_348 = tpu.memref_squeeze %dma_wait3A_347 : memref<1x128xi32, #tpu.memory_space<vmem>> -> memref<128xi32, #tpu.memory_space<vmem>>
              %dma_wait3A_349 = arith.constant 0 : i32
              %dma_wait3A_350 = tpu.memref_slice %arg6[%run_scoped3A_315, %run_scoped3A_316, %add3A_314, %dma_wait3A_349] : memref<2x1x1250x128xi32, #tpu.memory_space<hbm>> -> memref<1x1x1x128xi32, #tpu.memory_space<hbm>>
              %dma_wait3A_351 = tpu.memref_squeeze %dma_wait3A_350 : memref<1x1x1x128xi32, #tpu.memory_space<hbm>> -> memref<128xi32, #tpu.memory_space<hbm>>
              tpu.wait_dma2 semaphore(%run_scoped3A_327 : memref<!tpu.dma_semaphore, #tpu.memory_space<semaphore_mem>>) src(%dma_wait3A_351 : memref<128xi32, #tpu.memory_space<hbm>>) dst(%dma_wait3A_348 : memref<128xi32, #tpu.memory_space<vmem>>)
              tpu.yield
            }) : () -> ()
            %mul3A_318 = arith.constant 16 : i32
            %mul3A_319 = arith.muli %mul3A_318, %add3A_307 : i32
            %add3A_320 = arith.addi %arg1, %mul3A_319 : i32
            %mul3A_321 = arith.constant 128 : i32
            %mul3A_322 = arith.muli %add3A_320, %mul3A_321 : i32
            %dma_start3A_323 = arith.constant 0 : i32
            %dma_start3A_324 = tpu.memref_slice %arg3[%mul3A_322, %dma_start3A_323] : memref<160000x128xf32, #tpu.memory_space<hbm>> -> memref<128x128xf32, #tpu.memory_space<hbm>>
            %dma_start3A_325 = arith.constant 0 : i32
            %dma_start3A_326 = tpu.memref_slice %arg3[%mul3A_322, %dma_start3A_325] : memref<160000x128xf32, #tpu.memory_space<hbm>> -> memref<128x128xf32, #tpu.memory_space<hbm>>
            tpu.enqueue_dma source(%dma_start3A_326 : memref<128x128xf32, #tpu.memory_space<hbm>>) target(%arg9 : memref<128x128xf32, #tpu.memory_space<vmem>>) target_semaphore(%arg13 : memref<!tpu.dma_semaphore, #tpu.memory_space<semaphore_mem>>)
          } else {
          }
        } else {
        }
        %mul3A_292 = arith.constant 2 : i32
        %mul3A_293 = arith.muli %mul3A_292, %scan3A_283 : i32
        %add3A_294 = arith.constant 1 : i32
        %add3A_295 = arith.addi %mul3A_293, %add3A_294 : i32
        %lt3A_296 = arith.cmpi slt, %add3A_295, %add3A_2 : i32
        %convert_element_type3A_297 = arith.extui %lt3A_296 : i1 to i32
        %cond3A_298 = arith.constant 0 : i32
        %cond3A_299 = arith.cmpi ne, %convert_element_type3A_297, %cond3A_298 : i32
        scf.if %cond3A_299 {
          %dma_wait3A = arith.constant 0 : i32
          %dma_wait3A_300 = arith.constant 0 : i32
          %dma_wait3A_301 = tpu.memref_slice %arg3[%dma_wait3A, %dma_wait3A_300] : memref<160000x128xf32, #tpu.memory_space<hbm>> -> memref<128x128xf32, #tpu.memory_space<hbm>>
          %dma_wait3A_302 = arith.constant 0 : i32
          %dma_wait3A_303 = arith.constant 0 : i32
          %dma_wait3A_304 = tpu.memref_slice %arg3[%dma_wait3A_302, %dma_wait3A_303] : memref<160000x128xf32, #tpu.memory_space<hbm>> -> memref<128x128xf32, #tpu.memory_space<hbm>>
          tpu.wait_dma2 semaphore(%arg14 : memref<!tpu.dma_semaphore, #tpu.memory_space<semaphore_mem>>) src(%dma_wait3A_304 : memref<128x128xf32, #tpu.memory_space<hbm>>) dst(%arg10 : memref<128x128xf32, #tpu.memory_space<vmem>>)
          %run_scoped3A_305 = arith.constant 1 : i32
          "tpu.region"() ({
            %run_scoped3A_312 = tpu.sem_alloc : memref<!tpu.dma_semaphore, #tpu.memory_space<semaphore_mem>>
            %dma_start3A_313 = arith.constant 0 : i32
            %dma_start3A_314 = tpu.memref_slice %arg8[%run_scoped3A_305, %dma_start3A_313] : memref<2x128xi32, #tpu.memory_space<vmem>> -> memref<1x128xi32, #tpu.memory_space<vmem>>
            %dma_start3A_315 = tpu.memref_squeeze %dma_start3A_314 : memref<1x128xi32, #tpu.memory_space<vmem>> -> memref<128xi32, #tpu.memory_space<vmem>>
            %dma_start3A_316 = arith.constant 0 : i32
            %dma_start3A_317 = arith.constant 0 : i32
            %dma_start3A_318 = tpu.memref_slice %arg12[%dma_start3A_316, %dma_start3A_317] : memref<10000x128xf32, #tpu.memory_space<vmem_shared>> -> memref<10000x128xf32, #tpu.memory_space<vmem_shared>>
            tpu.enqueue_indirect_dma source(%arg10 : memref<128x128xf32, #tpu.memory_space<vmem>>) target(%dma_start3A_318 : memref<10000x128xf32, #tpu.memory_space<vmem_shared>>) offsets(%dma_start3A_315 : memref<128xi32, #tpu.memory_space<vmem>>) semaphore(%run_scoped3A_312 : memref<!tpu.dma_semaphore, #tpu.memory_space<semaphore_mem>>) {add = true}
            %dma_wait3A_319 = arith.constant 0 : i32
            %dma_wait3A_320 = tpu.memref_slice %arg8[%run_scoped3A_305, %dma_wait3A_319] : memref<2x128xi32, #tpu.memory_space<vmem>> -> memref<1x128xi32, #tpu.memory_space<vmem>>
            %dma_wait3A_321 = tpu.memref_squeeze %dma_wait3A_320 : memref<1x128xi32, #tpu.memory_space<vmem>> -> memref<128xi32, #tpu.memory_space<vmem>>
            %dma_wait3A_322 = arith.constant 0 : i32
            %dma_wait3A_323 = arith.constant 0 : i32
            %dma_wait3A_324 = tpu.memref_slice %arg12[%dma_wait3A_322, %dma_wait3A_323] : memref<10000x128xf32, #tpu.memory_space<vmem_shared>> -> memref<10000x128xf32, #tpu.memory_space<vmem_shared>>
            tpu.wait_indirect_dma semaphore(%run_scoped3A_312 : memref<!tpu.dma_semaphore, #tpu.memory_space<semaphore_mem>>) src(%arg10 : memref<128x128xf32, #tpu.memory_space<vmem>>) dst(%dma_wait3A_324 : memref<10000x128xf32, #tpu.memory_space<vmem_shared>>)
            tpu.yield
          }) : () -> ()
          %add3A_306 = arith.constant 2 : i32
          %add3A_307 = arith.addi %add3A_295, %add3A_306 : i32
          %lt3A_308 = arith.cmpi slt, %add3A_307, %add3A_2 : i32
          %convert_element_type3A_309 = arith.extui %lt3A_308 : i1 to i32
          %cond3A_310 = arith.constant 0 : i32
          %cond3A_311 = arith.cmpi ne, %convert_element_type3A_309, %cond3A_310 : i32
          scf.if %cond3A_311 {
            %mul3A_312 = arith.constant 16 : i32
            %mul3A_313 = arith.muli %mul3A_312, %add3A_307 : i32
            %add3A_314 = arith.addi %arg1, %mul3A_313 : i32
            %run_scoped3A_315 = arith.constant 1 : i32
            %run_scoped3A_316 = arith.constant 0 : i32
            %run_scoped3A_317 = arith.constant 1 : i32
            "tpu.region"() ({
              %run_scoped3A_327 = tpu.sem_alloc : memref<!tpu.dma_semaphore, #tpu.memory_space<semaphore_mem>>
              %dma_start3A_328 = arith.constant 0 : i32
              %dma_start3A_329 = tpu.memref_slice %arg8[%run_scoped3A_317, %dma_start3A_328] : memref<2x128xi32, #tpu.memory_space<vmem>> -> memref<1x128xi32, #tpu.memory_space<vmem>>
              %dma_start3A_330 = tpu.memref_squeeze %dma_start3A_329 : memref<1x128xi32, #tpu.memory_space<vmem>> -> memref<128xi32, #tpu.memory_space<vmem>>
              %dma_start3A_331 = arith.constant 0 : i32
              %dma_start3A_332 = tpu.memref_slice %arg6[%run_scoped3A_315, %run_scoped3A_316, %add3A_314, %dma_start3A_331] : memref<2x1x1250x128xi32, #tpu.memory_space<hbm>> -> memref<1x1x1x128xi32, #tpu.memory_space<hbm>>
              %dma_start3A_333 = tpu.memref_squeeze %dma_start3A_332 : memref<1x1x1x128xi32, #tpu.memory_space<hbm>> -> memref<128xi32, #tpu.memory_space<hbm>>
              %dma_start3A_334 = arith.constant 0 : i32
              %dma_start3A_335 = tpu.memref_slice %arg8[%run_scoped3A_317, %dma_start3A_334] : memref<2x128xi32, #tpu.memory_space<vmem>> -> memref<1x128xi32, #tpu.memory_space<vmem>>
              %dma_start3A_336 = tpu.memref_squeeze %dma_start3A_335 : memref<1x128xi32, #tpu.memory_space<vmem>> -> memref<128xi32, #tpu.memory_space<vmem>>
              %dma_start3A_337 = arith.constant 0 : i32
              %dma_start3A_338 = tpu.memref_slice %arg6[%run_scoped3A_315, %run_scoped3A_316, %add3A_314, %dma_start3A_337] : memref<2x1x1250x128xi32, #tpu.memory_space<hbm>> -> memref<1x1x1x128xi32, #tpu.memory_space<hbm>>
              %dma_start3A_339 = tpu.memref_squeeze %dma_start3A_338 : memref<1x1x1x128xi32, #tpu.memory_space<hbm>> -> memref<128xi32, #tpu.memory_space<hbm>>
              tpu.enqueue_dma source(%dma_start3A_339 : memref<128xi32, #tpu.memory_space<hbm>>) target(%dma_start3A_336 : memref<128xi32, #tpu.memory_space<vmem>>) target_semaphore(%run_scoped3A_327 : memref<!tpu.dma_semaphore, #tpu.memory_space<semaphore_mem>>)
              %dma_wait3A_340 = arith.constant 0 : i32
              %dma_wait3A_341 = tpu.memref_slice %arg8[%run_scoped3A_317, %dma_wait3A_340] : memref<2x128xi32, #tpu.memory_space<vmem>> -> memref<1x128xi32, #tpu.memory_space<vmem>>
              %dma_wait3A_342 = tpu.memref_squeeze %dma_wait3A_341 : memref<1x128xi32, #tpu.memory_space<vmem>> -> memref<128xi32, #tpu.memory_space<vmem>>
              %dma_wait3A_343 = arith.constant 0 : i32
              %dma_wait3A_344 = tpu.memref_slice %arg6[%run_scoped3A_315, %run_scoped3A_316, %add3A_314, %dma_wait3A_343] : memref<2x1x1250x128xi32, #tpu.memory_space<hbm>> -> memref<1x1x1x128xi32, #tpu.memory_space<hbm>>
              %dma_wait3A_345 = tpu.memref_squeeze %dma_wait3A_344 : memref<1x1x1x128xi32, #tpu.memory_space<hbm>> -> memref<128xi32, #tpu.memory_space<hbm>>
              %dma_wait3A_346 = arith.constant 0 : i32
              %dma_wait3A_347 = tpu.memref_slice %arg8[%run_scoped3A_317, %dma_wait3A_346] : memref<2x128xi32, #tpu.memory_space<vmem>> -> memref<1x128xi32, #tpu.memory_space<vmem>>
              %dma_wait3A_348 = tpu.memref_squeeze %dma_wait3A_347 : memref<1x128xi32, #tpu.memory_space<vmem>> -> memref<128xi32, #tpu.memory_space<vmem>>
              %dma_wait3A_349 = arith.constant 0 : i32
              %dma_wait3A_350 = tpu.memref_slice %arg6[%run_scoped3A_315, %run_scoped3A_316, %add3A_314, %dma_wait3A_349] : memref<2x1x1250x128xi32, #tpu.memory_space<hbm>> -> memref<1x1x1x128xi32, #tpu.memory_space<hbm>>
              %dma_wait3A_351 = tpu.memref_squeeze %dma_wait3A_350 : memref<1x1x1x128xi32, #tpu.memory_space<hbm>> -> memref<128xi32, #tpu.memory_space<hbm>>
              tpu.wait_dma2 semaphore(%run_scoped3A_327 : memref<!tpu.dma_semaphore, #tpu.memory_space<semaphore_mem>>) src(%dma_wait3A_351 : memref<128xi32, #tpu.memory_space<hbm>>) dst(%dma_wait3A_348 : memref<128xi32, #tpu.memory_space<vmem>>)
              tpu.yield
            }) : () -> ()
            %mul3A_318 = arith.constant 16 : i32
            %mul3A_319 = arith.muli %mul3A_318, %add3A_307 : i32
            %add3A_320 = arith.addi %arg1, %mul3A_319 : i32
            %mul3A_321 = arith.constant 128 : i32
            %mul3A_322 = arith.muli %add3A_320, %mul3A_321 : i32
            %dma_start3A_323 = arith.constant 0 : i32
            %dma_start3A_324 = tpu.memref_slice %arg3[%mul3A_322, %dma_start3A_323] : memref<160000x128xf32, #tpu.memory_space<hbm>> -> memref<128x128xf32, #tpu.memory_space<hbm>>
            %dma_start3A_325 = arith.constant 0 : i32
            %dma_start3A_326 = tpu.memref_slice %arg3[%mul3A_322, %dma_start3A_325] : memref<160000x128xf32, #tpu.memory_space<hbm>> -> memref<128x128xf32, #tpu.memory_space<hbm>>
            tpu.enqueue_dma source(%dma_start3A_326 : memref<128x128xf32, #tpu.memory_space<hbm>>) target(%arg10 : memref<128x128xf32, #tpu.memory_space<vmem>>) target_semaphore(%arg14 : memref<!tpu.dma_semaphore, #tpu.memory_space<semaphore_mem>>)
          } else {
          }
        } else {
        }
      }
      %scan3A_275 = arith.constant 40 : i32
      %barrier3A_276 = arith.constant 0 : index
      tpu.barrier barrier_id(%barrier3A_276)
      %mul3A_277 = arith.constant 625 : i32
      %mul3A_278 = arith.muli %arg1, %mul3A_277 : i32
      %mul3A_279 = arith.constant 625 : i32
      %mul3A_280 = arith.muli %arg1, %mul3A_279 : i32
      %run_scoped3A_281 = arith.constant 1 : i32
      "tpu.region"() ({
        %run_scoped3A_283 = tpu.sem_alloc : memref<!tpu.dma_semaphore, #tpu.memory_space<semaphore_mem>>
        %dma_start3A_284 = arith.constant 0 : i32
        %dma_start3A_285 = tpu.memref_slice %arg7[%mul3A_280, %run_scoped3A_281, %dma_start3A_284] : memref<10000x4x128xf32, #tpu.memory_space<hbm>> -> memref<625x1x128xf32, #tpu.memory_space<hbm>>
        %dma_start3A_286 = tpu.memref_squeeze %dma_start3A_285 : memref<625x1x128xf32, #tpu.memory_space<hbm>> -> memref<625x128xf32, #tpu.memory_space<hbm>>
        %dma_start3A_287 = arith.constant 0 : i32
        %dma_start3A_288 = tpu.memref_slice %arg12[%mul3A_278, %dma_start3A_287] : memref<10000x128xf32, #tpu.memory_space<vmem_shared>> -> memref<625x128xf32, #tpu.memory_space<vmem_shared>>
        tpu.enqueue_dma source(%dma_start3A_288 : memref<625x128xf32, #tpu.memory_space<vmem_shared>>) target(%dma_start3A_286 : memref<625x128xf32, #tpu.memory_space<hbm>>) target_semaphore(%run_scoped3A_283 : memref<!tpu.dma_semaphore, #tpu.memory_space<semaphore_mem>>)
        %dma_wait3A = arith.constant 0 : i32
        %dma_wait3A_289 = tpu.memref_slice %arg7[%mul3A_280, %run_scoped3A_281, %dma_wait3A] : memref<10000x4x128xf32, #tpu.memory_space<hbm>> -> memref<625x1x128xf32, #tpu.memory_space<hbm>>
        %dma_wait3A_290 = tpu.memref_squeeze %dma_wait3A_289 : memref<625x1x128xf32, #tpu.memory_space<hbm>> -> memref<625x128xf32, #tpu.memory_space<hbm>>
        %dma_wait3A_291 = arith.constant 0 : i32
        %dma_wait3A_292 = tpu.memref_slice %arg12[%mul3A_278, %dma_wait3A_291] : memref<10000x128xf32, #tpu.memory_space<vmem_shared>> -> memref<625x128xf32, #tpu.memory_space<vmem_shared>>
        tpu.wait_dma2 semaphore(%run_scoped3A_283 : memref<!tpu.dma_semaphore, #tpu.memory_space<semaphore_mem>>) src(%dma_wait3A_292 : memref<625x128xf32, #tpu.memory_space<vmem_shared>>) dst(%dma_wait3A_290 : memref<625x128xf32, #tpu.memory_space<hbm>>)
        tpu.yield
      }) : () -> ()
      %barrier3A_282 = arith.constant 0 : index
      tpu.barrier barrier_id(%barrier3A_282)
    } else {
    }
    %eq3A_10 = arith.constant 1 : i32
    %eq3A_11 = arith.cmpi eq, %arg0, %eq3A_10 : i32
    %convert_element_type3A_12 = arith.extui %eq3A_11 : i1 to i32
    %cond3A_13 = arith.constant 0 : i32
    %cond3A_14 = arith.cmpi ne, %convert_element_type3A_12, %cond3A_13 : i32
    scf.if %cond3A_14 {
      %mul3A = arith.constant 625 : i32
      %mul3A_15 = arith.muli %arg1, %mul3A : i32
      %add3A_16 = arith.constant 0 : i32
      %add3A_17 = arith.addi %mul3A_15, %add3A_16 : i32
      "tpu.region"() ({
        %run_scoped3A_283 = tpu.sem_alloc : memref<!tpu.dma_semaphore, #tpu.memory_space<semaphore_mem>>
        %dma_start3A_284 = arith.constant 0 : i32
        %dma_start3A_285 = tpu.memref_slice %arg12[%add3A_17, %dma_start3A_284] : memref<10000x128xf32, #tpu.memory_space<vmem_shared>> -> memref<25x128xf32, #tpu.memory_space<vmem_shared>>
        %dma_start3A_286 = arith.constant 0 : i32
        %dma_start3A_287 = tpu.memref_slice %arg12[%add3A_17, %dma_start3A_286] : memref<10000x128xf32, #tpu.memory_space<vmem_shared>> -> memref<25x128xf32, #tpu.memory_space<vmem_shared>>
        tpu.enqueue_dma source(%arg11 : memref<25x128xf32, #tpu.memory_space<vmem>>) target(%dma_start3A_287 : memref<25x128xf32, #tpu.memory_space<vmem_shared>>) target_semaphore(%run_scoped3A_283 : memref<!tpu.dma_semaphore, #tpu.memory_space<semaphore_mem>>)
        %dma_wait3A = arith.constant 0 : i32
        %dma_wait3A_288 = tpu.memref_slice %arg12[%add3A_17, %dma_wait3A] : memref<10000x128xf32, #tpu.memory_space<vmem_shared>> -> memref<25x128xf32, #tpu.memory_space<vmem_shared>>
        %dma_wait3A_289 = arith.constant 0 : i32
        %dma_wait3A_290 = tpu.memref_slice %arg12[%add3A_17, %dma_wait3A_289] : memref<10000x128xf32, #tpu.memory_space<vmem_shared>> -> memref<25x128xf32, #tpu.memory_space<vmem_shared>>
        tpu.wait_dma2 semaphore(%run_scoped3A_283 : memref<!tpu.dma_semaphore, #tpu.memory_space<semaphore_mem>>) src(%arg11 : memref<25x128xf32, #tpu.memory_space<vmem>>) dst(%dma_wait3A_290 : memref<25x128xf32, #tpu.memory_space<vmem_shared>>)
        tpu.yield
      }) : () -> ()
      %mul3A_18 = arith.constant 625 : i32
      %mul3A_19 = arith.muli %arg1, %mul3A_18 : i32
      %add3A_20 = arith.constant 25 : i32
      %add3A_21 = arith.addi %mul3A_19, %add3A_20 : i32
      "tpu.region"() ({
        %run_scoped3A_283 = tpu.sem_alloc : memref<!tpu.dma_semaphore, #tpu.memory_space<semaphore_mem>>
        %dma_start3A_284 = arith.constant 0 : i32
        %dma_start3A_285 = tpu.memref_slice %arg12[%add3A_21, %dma_start3A_284] : memref<10000x128xf32, #tpu.memory_space<vmem_shared>> -> memref<25x128xf32, #tpu.memory_space<vmem_shared>>
        %dma_start3A_286 = arith.constant 0 : i32
        %dma_start3A_287 = tpu.memref_slice %arg12[%add3A_21, %dma_start3A_286] : memref<10000x128xf32, #tpu.memory_space<vmem_shared>> -> memref<25x128xf32, #tpu.memory_space<vmem_shared>>
        tpu.enqueue_dma source(%arg11 : memref<25x128xf32, #tpu.memory_space<vmem>>) target(%dma_start3A_287 : memref<25x128xf32, #tpu.memory_space<vmem_shared>>) target_semaphore(%run_scoped3A_283 : memref<!tpu.dma_semaphore, #tpu.memory_space<semaphore_mem>>)
        %dma_wait3A = arith.constant 0 : i32
        %dma_wait3A_288 = tpu.memref_slice %arg12[%add3A_21, %dma_wait3A] : memref<10000x128xf32, #tpu.memory_space<vmem_shared>> -> memref<25x128xf32, #tpu.memory_space<vmem_shared>>
        %dma_wait3A_289 = arith.constant 0 : i32
        %dma_wait3A_290 = tpu.memref_slice %arg12[%add3A_21, %dma_wait3A_289] : memref<10000x128xf32, #tpu.memory_space<vmem_shared>> -> memref<25x128xf32, #tpu.memory_space<vmem_shared>>
        tpu.wait_dma2 semaphore(%run_scoped3A_283 : memref<!tpu.dma_semaphore, #tpu.memory_space<semaphore_mem>>) src(%arg11 : memref<25x128xf32, #tpu.memory_space<vmem>>) dst(%dma_wait3A_290 : memref<25x128xf32, #tpu.memory_space<vmem_shared>>)
        tpu.yield
      }) : () -> ()
      %mul3A_22 = arith.constant 625 : i32
      %mul3A_23 = arith.muli %arg1, %mul3A_22 : i32
      %add3A_24 = arith.constant 50 : i32
      %add3A_25 = arith.addi %mul3A_23, %add3A_24 : i32
      "tpu.region"() ({
        %run_scoped3A_283 = tpu.sem_alloc : memref<!tpu.dma_semaphore, #tpu.memory_space<semaphore_mem>>
        %dma_start3A_284 = arith.constant 0 : i32
        %dma_start3A_285 = tpu.memref_slice %arg12[%add3A_25, %dma_start3A_284] : memref<10000x128xf32, #tpu.memory_space<vmem_shared>> -> memref<25x128xf32, #tpu.memory_space<vmem_shared>>
        %dma_start3A_286 = arith.constant 0 : i32
        %dma_start3A_287 = tpu.memref_slice %arg12[%add3A_25, %dma_start3A_286] : memref<10000x128xf32, #tpu.memory_space<vmem_shared>> -> memref<25x128xf32, #tpu.memory_space<vmem_shared>>
        tpu.enqueue_dma source(%arg11 : memref<25x128xf32, #tpu.memory_space<vmem>>) target(%dma_start3A_287 : memref<25x128xf32, #tpu.memory_space<vmem_shared>>) target_semaphore(%run_scoped3A_283 : memref<!tpu.dma_semaphore, #tpu.memory_space<semaphore_mem>>)
        %dma_wait3A = arith.constant 0 : i32
        %dma_wait3A_288 = tpu.memref_slice %arg12[%add3A_25, %dma_wait3A] : memref<10000x128xf32, #tpu.memory_space<vmem_shared>> -> memref<25x128xf32, #tpu.memory_space<vmem_shared>>
        %dma_wait3A_289 = arith.constant 0 : i32
        %dma_wait3A_290 = tpu.memref_slice %arg12[%add3A_25, %dma_wait3A_289] : memref<10000x128xf32, #tpu.memory_space<vmem_shared>> -> memref<25x128xf32, #tpu.memory_space<vmem_shared>>
        tpu.wait_dma2 semaphore(%run_scoped3A_283 : memref<!tpu.dma_semaphore, #tpu.memory_space<semaphore_mem>>) src(%arg11 : memref<25x128xf32, #tpu.memory_space<vmem>>) dst(%dma_wait3A_290 : memref<25x128xf32, #tpu.memory_space<vmem_shared>>)
        tpu.yield
      }) : () -> ()
      %mul3A_26 = arith.constant 625 : i32
      %mul3A_27 = arith.muli %arg1, %mul3A_26 : i32
      %add3A_28 = arith.constant 75 : i32
      %add3A_29 = arith.addi %mul3A_27, %add3A_28 : i32
      "tpu.region"() ({
        %run_scoped3A_283 = tpu.sem_alloc : memref<!tpu.dma_semaphore, #tpu.memory_space<semaphore_mem>>
        %dma_start3A_284 = arith.constant 0 : i32
        %dma_start3A_285 = tpu.memref_slice %arg12[%add3A_29, %dma_start3A_284] : memref<10000x128xf32, #tpu.memory_space<vmem_shared>> -> memref<25x128xf32, #tpu.memory_space<vmem_shared>>
        %dma_start3A_286 = arith.constant 0 : i32
        %dma_start3A_287 = tpu.memref_slice %arg12[%add3A_29, %dma_start3A_286] : memref<10000x128xf32, #tpu.memory_space<vmem_shared>> -> memref<25x128xf32, #tpu.memory_space<vmem_shared>>
        tpu.enqueue_dma source(%arg11 : memref<25x128xf32, #tpu.memory_space<vmem>>) target(%dma_start3A_287 : memref<25x128xf32, #tpu.memory_space<vmem_shared>>) target_semaphore(%run_scoped3A_283 : memref<!tpu.dma_semaphore, #tpu.memory_space<semaphore_mem>>)
        %dma_wait3A = arith.constant 0 : i32
        %dma_wait3A_288 = tpu.memref_slice %arg12[%add3A_29, %dma_wait3A] : memref<10000x128xf32, #tpu.memory_space<vmem_shared>> -> memref<25x128xf32, #tpu.memory_space<vmem_shared>>
        %dma_wait3A_289 = arith.constant 0 : i32
        %dma_wait3A_290 = tpu.memref_slice %arg12[%add3A_29, %dma_wait3A_289] : memref<10000x128xf32, #tpu.memory_space<vmem_shared>> -> memref<25x128xf32, #tpu.memory_space<vmem_shared>>
        tpu.wait_dma2 semaphore(%run_scoped3A_283 : memref<!tpu.dma_semaphore, #tpu.memory_space<semaphore_mem>>) src(%arg11 : memref<25x128xf32, #tpu.memory_space<vmem>>) dst(%dma_wait3A_290 : memref<25x128xf32, #tpu.memory_space<vmem_shared>>)
        tpu.yield
      }) : () -> ()
      %mul3A_30 = arith.constant 625 : i32
      %mul3A_31 = arith.muli %arg1, %mul3A_30 : i32
      %add3A_32 = arith.constant 100 : i32
      %add3A_33 = arith.addi %mul3A_31, %add3A_32 : i32
      "tpu.region"() ({
        %run_scoped3A_283 = tpu.sem_alloc : memref<!tpu.dma_semaphore, #tpu.memory_space<semaphore_mem>>
        %dma_start3A_284 = arith.constant 0 : i32
        %dma_start3A_285 = tpu.memref_slice %arg12[%add3A_33, %dma_start3A_284] : memref<10000x128xf32, #tpu.memory_space<vmem_shared>> -> memref<25x128xf32, #tpu.memory_space<vmem_shared>>
        %dma_start3A_286 = arith.constant 0 : i32
        %dma_start3A_287 = tpu.memref_slice %arg12[%add3A_33, %dma_start3A_286] : memref<10000x128xf32, #tpu.memory_space<vmem_shared>> -> memref<25x128xf32, #tpu.memory_space<vmem_shared>>
        tpu.enqueue_dma source(%arg11 : memref<25x128xf32, #tpu.memory_space<vmem>>) target(%dma_start3A_287 : memref<25x128xf32, #tpu.memory_space<vmem_shared>>) target_semaphore(%run_scoped3A_283 : memref<!tpu.dma_semaphore, #tpu.memory_space<semaphore_mem>>)
        %dma_wait3A = arith.constant 0 : i32
        %dma_wait3A_288 = tpu.memref_slice %arg12[%add3A_33, %dma_wait3A] : memref<10000x128xf32, #tpu.memory_space<vmem_shared>> -> memref<25x128xf32, #tpu.memory_space<vmem_shared>>
        %dma_wait3A_289 = arith.constant 0 : i32
        %dma_wait3A_290 = tpu.memref_slice %arg12[%add3A_33, %dma_wait3A_289] : memref<10000x128xf32, #tpu.memory_space<vmem_shared>> -> memref<25x128xf32, #tpu.memory_space<vmem_shared>>
        tpu.wait_dma2 semaphore(%run_scoped3A_283 : memref<!tpu.dma_semaphore, #tpu.memory_space<semaphore_mem>>) src(%arg11 : memref<25x128xf32, #tpu.memory_space<vmem>>) dst(%dma_wait3A_290 : memref<25x128xf32, #tpu.memory_space<vmem_shared>>)
        tpu.yield
      }) : () -> ()
      %mul3A_34 = arith.constant 625 : i32
      %mul3A_35 = arith.muli %arg1, %mul3A_34 : i32
      %add3A_36 = arith.constant 125 : i32
      %add3A_37 = arith.addi %mul3A_35, %add3A_36 : i32
      "tpu.region"() ({
        %run_scoped3A_283 = tpu.sem_alloc : memref<!tpu.dma_semaphore, #tpu.memory_space<semaphore_mem>>
        %dma_start3A_284 = arith.constant 0 : i32
        %dma_start3A_285 = tpu.memref_slice %arg12[%add3A_37, %dma_start3A_284] : memref<10000x128xf32, #tpu.memory_space<vmem_shared>> -> memref<25x128xf32, #tpu.memory_space<vmem_shared>>
        %dma_start3A_286 = arith.constant 0 : i32
        %dma_start3A_287 = tpu.memref_slice %arg12[%add3A_37, %dma_start3A_286] : memref<10000x128xf32, #tpu.memory_space<vmem_shared>> -> memref<25x128xf32, #tpu.memory_space<vmem_shared>>
        tpu.enqueue_dma source(%arg11 : memref<25x128xf32, #tpu.memory_space<vmem>>) target(%dma_start3A_287 : memref<25x128xf32, #tpu.memory_space<vmem_shared>>) target_semaphore(%run_scoped3A_283 : memref<!tpu.dma_semaphore, #tpu.memory_space<semaphore_mem>>)
        %dma_wait3A = arith.constant 0 : i32
        %dma_wait3A_288 = tpu.memref_slice %arg12[%add3A_37, %dma_wait3A] : memref<10000x128xf32, #tpu.memory_space<vmem_shared>> -> memref<25x128xf32, #tpu.memory_space<vmem_shared>>
        %dma_wait3A_289 = arith.constant 0 : i32
        %dma_wait3A_290 = tpu.memref_slice %arg12[%add3A_37, %dma_wait3A_289] : memref<10000x128xf32, #tpu.memory_space<vmem_shared>> -> memref<25x128xf32, #tpu.memory_space<vmem_shared>>
        tpu.wait_dma2 semaphore(%run_scoped3A_283 : memref<!tpu.dma_semaphore, #tpu.memory_space<semaphore_mem>>) src(%arg11 : memref<25x128xf32, #tpu.memory_space<vmem>>) dst(%dma_wait3A_290 : memref<25x128xf32, #tpu.memory_space<vmem_shared>>)
        tpu.yield
      }) : () -> ()
      %mul3A_38 = arith.constant 625 : i32
      %mul3A_39 = arith.muli %arg1, %mul3A_38 : i32
      %add3A_40 = arith.constant 150 : i32
      %add3A_41 = arith.addi %mul3A_39, %add3A_40 : i32
      "tpu.region"() ({
        %run_scoped3A_283 = tpu.sem_alloc : memref<!tpu.dma_semaphore, #tpu.memory_space<semaphore_mem>>
        %dma_start3A_284 = arith.constant 0 : i32
        %dma_start3A_285 = tpu.memref_slice %arg12[%add3A_41, %dma_start3A_284] : memref<10000x128xf32, #tpu.memory_space<vmem_shared>> -> memref<25x128xf32, #tpu.memory_space<vmem_shared>>
        %dma_start3A_286 = arith.constant 0 : i32
        %dma_start3A_287 = tpu.memref_slice %arg12[%add3A_41, %dma_start3A_286] : memref<10000x128xf32, #tpu.memory_space<vmem_shared>> -> memref<25x128xf32, #tpu.memory_space<vmem_shared>>
        tpu.enqueue_dma source(%arg11 : memref<25x128xf32, #tpu.memory_space<vmem>>) target(%dma_start3A_287 : memref<25x128xf32, #tpu.memory_space<vmem_shared>>) target_semaphore(%run_scoped3A_283 : memref<!tpu.dma_semaphore, #tpu.memory_space<semaphore_mem>>)
        %dma_wait3A = arith.constant 0 : i32
        %dma_wait3A_288 = tpu.memref_slice %arg12[%add3A_41, %dma_wait3A] : memref<10000x128xf32, #tpu.memory_space<vmem_shared>> -> memref<25x128xf32, #tpu.memory_space<vmem_shared>>
        %dma_wait3A_289 = arith.constant 0 : i32
        %dma_wait3A_290 = tpu.memref_slice %arg12[%add3A_41, %dma_wait3A_289] : memref<10000x128xf32, #tpu.memory_space<vmem_shared>> -> memref<25x128xf32, #tpu.memory_space<vmem_shared>>
        tpu.wait_dma2 semaphore(%run_scoped3A_283 : memref<!tpu.dma_semaphore, #tpu.memory_space<semaphore_mem>>) src(%arg11 : memref<25x128xf32, #tpu.memory_space<vmem>>) dst(%dma_wait3A_290 : memref<25x128xf32, #tpu.memory_space<vmem_shared>>)
        tpu.yield
      }) : () -> ()
      %mul3A_42 = arith.constant 625 : i32
      %mul3A_43 = arith.muli %arg1, %mul3A_42 : i32
      %add3A_44 = arith.constant 175 : i32
      %add3A_45 = arith.addi %mul3A_43, %add3A_44 : i32
      "tpu.region"() ({
        %run_scoped3A_283 = tpu.sem_alloc : memref<!tpu.dma_semaphore, #tpu.memory_space<semaphore_mem>>
        %dma_start3A_284 = arith.constant 0 : i32
        %dma_start3A_285 = tpu.memref_slice %arg12[%add3A_45, %dma_start3A_284] : memref<10000x128xf32, #tpu.memory_space<vmem_shared>> -> memref<25x128xf32, #tpu.memory_space<vmem_shared>>
        %dma_start3A_286 = arith.constant 0 : i32
        %dma_start3A_287 = tpu.memref_slice %arg12[%add3A_45, %dma_start3A_286] : memref<10000x128xf32, #tpu.memory_space<vmem_shared>> -> memref<25x128xf32, #tpu.memory_space<vmem_shared>>
        tpu.enqueue_dma source(%arg11 : memref<25x128xf32, #tpu.memory_space<vmem>>) target(%dma_start3A_287 : memref<25x128xf32, #tpu.memory_space<vmem_shared>>) target_semaphore(%run_scoped3A_283 : memref<!tpu.dma_semaphore, #tpu.memory_space<semaphore_mem>>)
        %dma_wait3A = arith.constant 0 : i32
        %dma_wait3A_288 = tpu.memref_slice %arg12[%add3A_45, %dma_wait3A] : memref<10000x128xf32, #tpu.memory_space<vmem_shared>> -> memref<25x128xf32, #tpu.memory_space<vmem_shared>>
        %dma_wait3A_289 = arith.constant 0 : i32
        %dma_wait3A_290 = tpu.memref_slice %arg12[%add3A_45, %dma_wait3A_289] : memref<10000x128xf32, #tpu.memory_space<vmem_shared>> -> memref<25x128xf32, #tpu.memory_space<vmem_shared>>
        tpu.wait_dma2 semaphore(%run_scoped3A_283 : memref<!tpu.dma_semaphore, #tpu.memory_space<semaphore_mem>>) src(%arg11 : memref<25x128xf32, #tpu.memory_space<vmem>>) dst(%dma_wait3A_290 : memref<25x128xf32, #tpu.memory_space<vmem_shared>>)
        tpu.yield
      }) : () -> ()
      %mul3A_46 = arith.constant 625 : i32
      %mul3A_47 = arith.muli %arg1, %mul3A_46 : i32
      %add3A_48 = arith.constant 200 : i32
      %add3A_49 = arith.addi %mul3A_47, %add3A_48 : i32
      "tpu.region"() ({
        %run_scoped3A_283 = tpu.sem_alloc : memref<!tpu.dma_semaphore, #tpu.memory_space<semaphore_mem>>
        %dma_start3A_284 = arith.constant 0 : i32
        %dma_start3A_285 = tpu.memref_slice %arg12[%add3A_49, %dma_start3A_284] : memref<10000x128xf32, #tpu.memory_space<vmem_shared>> -> memref<25x128xf32, #tpu.memory_space<vmem_shared>>
        %dma_start3A_286 = arith.constant 0 : i32
        %dma_start3A_287 = tpu.memref_slice %arg12[%add3A_49, %dma_start3A_286] : memref<10000x128xf32, #tpu.memory_space<vmem_shared>> -> memref<25x128xf32, #tpu.memory_space<vmem_shared>>
        tpu.enqueue_dma source(%arg11 : memref<25x128xf32, #tpu.memory_space<vmem>>) target(%dma_start3A_287 : memref<25x128xf32, #tpu.memory_space<vmem_shared>>) target_semaphore(%run_scoped3A_283 : memref<!tpu.dma_semaphore, #tpu.memory_space<semaphore_mem>>)
        %dma_wait3A = arith.constant 0 : i32
        %dma_wait3A_288 = tpu.memref_slice %arg12[%add3A_49, %dma_wait3A] : memref<10000x128xf32, #tpu.memory_space<vmem_shared>> -> memref<25x128xf32, #tpu.memory_space<vmem_shared>>
        %dma_wait3A_289 = arith.constant 0 : i32
        %dma_wait3A_290 = tpu.memref_slice %arg12[%add3A_49, %dma_wait3A_289] : memref<10000x128xf32, #tpu.memory_space<vmem_shared>> -> memref<25x128xf32, #tpu.memory_space<vmem_shared>>
        tpu.wait_dma2 semaphore(%run_scoped3A_283 : memref<!tpu.dma_semaphore, #tpu.memory_space<semaphore_mem>>) src(%arg11 : memref<25x128xf32, #tpu.memory_space<vmem>>) dst(%dma_wait3A_290 : memref<25x128xf32, #tpu.memory_space<vmem_shared>>)
        tpu.yield
      }) : () -> ()
      %mul3A_50 = arith.constant 625 : i32
      %mul3A_51 = arith.muli %arg1, %mul3A_50 : i32
      %add3A_52 = arith.constant 225 : i32
      %add3A_53 = arith.addi %mul3A_51, %add3A_52 : i32
      "tpu.region"() ({
        %run_scoped3A_283 = tpu.sem_alloc : memref<!tpu.dma_semaphore, #tpu.memory_space<semaphore_mem>>
        %dma_start3A_284 = arith.constant 0 : i32
        %dma_start3A_285 = tpu.memref_slice %arg12[%add3A_53, %dma_start3A_284] : memref<10000x128xf32, #tpu.memory_space<vmem_shared>> -> memref<25x128xf32, #tpu.memory_space<vmem_shared>>
        %dma_start3A_286 = arith.constant 0 : i32
        %dma_start3A_287 = tpu.memref_slice %arg12[%add3A_53, %dma_start3A_286] : memref<10000x128xf32, #tpu.memory_space<vmem_shared>> -> memref<25x128xf32, #tpu.memory_space<vmem_shared>>
        tpu.enqueue_dma source(%arg11 : memref<25x128xf32, #tpu.memory_space<vmem>>) target(%dma_start3A_287 : memref<25x128xf32, #tpu.memory_space<vmem_shared>>) target_semaphore(%run_scoped3A_283 : memref<!tpu.dma_semaphore, #tpu.memory_space<semaphore_mem>>)
        %dma_wait3A = arith.constant 0 : i32
        %dma_wait3A_288 = tpu.memref_slice %arg12[%add3A_53, %dma_wait3A] : memref<10000x128xf32, #tpu.memory_space<vmem_shared>> -> memref<25x128xf32, #tpu.memory_space<vmem_shared>>
        %dma_wait3A_289 = arith.constant 0 : i32
        %dma_wait3A_290 = tpu.memref_slice %arg12[%add3A_53, %dma_wait3A_289] : memref<10000x128xf32, #tpu.memory_space<vmem_shared>> -> memref<25x128xf32, #tpu.memory_space<vmem_shared>>
        tpu.wait_dma2 semaphore(%run_scoped3A_283 : memref<!tpu.dma_semaphore, #tpu.memory_space<semaphore_mem>>) src(%arg11 : memref<25x128xf32, #tpu.memory_space<vmem>>) dst(%dma_wait3A_290 : memref<25x128xf32, #tpu.memory_space<vmem_shared>>)
        tpu.yield
      }) : () -> ()
      %mul3A_54 = arith.constant 625 : i32
      %mul3A_55 = arith.muli %arg1, %mul3A_54 : i32
      %add3A_56 = arith.constant 250 : i32
      %add3A_57 = arith.addi %mul3A_55, %add3A_56 : i32
      "tpu.region"() ({
        %run_scoped3A_283 = tpu.sem_alloc : memref<!tpu.dma_semaphore, #tpu.memory_space<semaphore_mem>>
        %dma_start3A_284 = arith.constant 0 : i32
        %dma_start3A_285 = tpu.memref_slice %arg12[%add3A_57, %dma_start3A_284] : memref<10000x128xf32, #tpu.memory_space<vmem_shared>> -> memref<25x128xf32, #tpu.memory_space<vmem_shared>>
        %dma_start3A_286 = arith.constant 0 : i32
        %dma_start3A_287 = tpu.memref_slice %arg12[%add3A_57, %dma_start3A_286] : memref<10000x128xf32, #tpu.memory_space<vmem_shared>> -> memref<25x128xf32, #tpu.memory_space<vmem_shared>>
        tpu.enqueue_dma source(%arg11 : memref<25x128xf32, #tpu.memory_space<vmem>>) target(%dma_start3A_287 : memref<25x128xf32, #tpu.memory_space<vmem_shared>>) target_semaphore(%run_scoped3A_283 : memref<!tpu.dma_semaphore, #tpu.memory_space<semaphore_mem>>)
        %dma_wait3A = arith.constant 0 : i32
        %dma_wait3A_288 = tpu.memref_slice %arg12[%add3A_57, %dma_wait3A] : memref<10000x128xf32, #tpu.memory_space<vmem_shared>> -> memref<25x128xf32, #tpu.memory_space<vmem_shared>>
        %dma_wait3A_289 = arith.constant 0 : i32
        %dma_wait3A_290 = tpu.memref_slice %arg12[%add3A_57, %dma_wait3A_289] : memref<10000x128xf32, #tpu.memory_space<vmem_shared>> -> memref<25x128xf32, #tpu.memory_space<vmem_shared>>
        tpu.wait_dma2 semaphore(%run_scoped3A_283 : memref<!tpu.dma_semaphore, #tpu.memory_space<semaphore_mem>>) src(%arg11 : memref<25x128xf32, #tpu.memory_space<vmem>>) dst(%dma_wait3A_290 : memref<25x128xf32, #tpu.memory_space<vmem_shared>>)
        tpu.yield
      }) : () -> ()
      %mul3A_58 = arith.constant 625 : i32
      %mul3A_59 = arith.muli %arg1, %mul3A_58 : i32
      %add3A_60 = arith.constant 275 : i32
      %add3A_61 = arith.addi %mul3A_59, %add3A_60 : i32
      "tpu.region"() ({
        %run_scoped3A_283 = tpu.sem_alloc : memref<!tpu.dma_semaphore, #tpu.memory_space<semaphore_mem>>
        %dma_start3A_284 = arith.constant 0 : i32
        %dma_start3A_285 = tpu.memref_slice %arg12[%add3A_61, %dma_start3A_284] : memref<10000x128xf32, #tpu.memory_space<vmem_shared>> -> memref<25x128xf32, #tpu.memory_space<vmem_shared>>
        %dma_start3A_286 = arith.constant 0 : i32
        %dma_start3A_287 = tpu.memref_slice %arg12[%add3A_61, %dma_start3A_286] : memref<10000x128xf32, #tpu.memory_space<vmem_shared>> -> memref<25x128xf32, #tpu.memory_space<vmem_shared>>
        tpu.enqueue_dma source(%arg11 : memref<25x128xf32, #tpu.memory_space<vmem>>) target(%dma_start3A_287 : memref<25x128xf32, #tpu.memory_space<vmem_shared>>) target_semaphore(%run_scoped3A_283 : memref<!tpu.dma_semaphore, #tpu.memory_space<semaphore_mem>>)
        %dma_wait3A = arith.constant 0 : i32
        %dma_wait3A_288 = tpu.memref_slice %arg12[%add3A_61, %dma_wait3A] : memref<10000x128xf32, #tpu.memory_space<vmem_shared>> -> memref<25x128xf32, #tpu.memory_space<vmem_shared>>
        %dma_wait3A_289 = arith.constant 0 : i32
        %dma_wait3A_290 = tpu.memref_slice %arg12[%add3A_61, %dma_wait3A_289] : memref<10000x128xf32, #tpu.memory_space<vmem_shared>> -> memref<25x128xf32, #tpu.memory_space<vmem_shared>>
        tpu.wait_dma2 semaphore(%run_scoped3A_283 : memref<!tpu.dma_semaphore, #tpu.memory_space<semaphore_mem>>) src(%arg11 : memref<25x128xf32, #tpu.memory_space<vmem>>) dst(%dma_wait3A_290 : memref<25x128xf32, #tpu.memory_space<vmem_shared>>)
        tpu.yield
      }) : () -> ()
      %mul3A_62 = arith.constant 625 : i32
      %mul3A_63 = arith.muli %arg1, %mul3A_62 : i32
      %add3A_64 = arith.constant 300 : i32
      %add3A_65 = arith.addi %mul3A_63, %add3A_64 : i32
      "tpu.region"() ({
        %run_scoped3A_283 = tpu.sem_alloc : memref<!tpu.dma_semaphore, #tpu.memory_space<semaphore_mem>>
        %dma_start3A_284 = arith.constant 0 : i32
        %dma_start3A_285 = tpu.memref_slice %arg12[%add3A_65, %dma_start3A_284] : memref<10000x128xf32, #tpu.memory_space<vmem_shared>> -> memref<25x128xf32, #tpu.memory_space<vmem_shared>>
        %dma_start3A_286 = arith.constant 0 : i32
        %dma_start3A_287 = tpu.memref_slice %arg12[%add3A_65, %dma_start3A_286] : memref<10000x128xf32, #tpu.memory_space<vmem_shared>> -> memref<25x128xf32, #tpu.memory_space<vmem_shared>>
        tpu.enqueue_dma source(%arg11 : memref<25x128xf32, #tpu.memory_space<vmem>>) target(%dma_start3A_287 : memref<25x128xf32, #tpu.memory_space<vmem_shared>>) target_semaphore(%run_scoped3A_283 : memref<!tpu.dma_semaphore, #tpu.memory_space<semaphore_mem>>)
        %dma_wait3A = arith.constant 0 : i32
        %dma_wait3A_288 = tpu.memref_slice %arg12[%add3A_65, %dma_wait3A] : memref<10000x128xf32, #tpu.memory_space<vmem_shared>> -> memref<25x128xf32, #tpu.memory_space<vmem_shared>>
        %dma_wait3A_289 = arith.constant 0 : i32
        %dma_wait3A_290 = tpu.memref_slice %arg12[%add3A_65, %dma_wait3A_289] : memref<10000x128xf32, #tpu.memory_space<vmem_shared>> -> memref<25x128xf32, #tpu.memory_space<vmem_shared>>
        tpu.wait_dma2 semaphore(%run_scoped3A_283 : memref<!tpu.dma_semaphore, #tpu.memory_space<semaphore_mem>>) src(%arg11 : memref<25x128xf32, #tpu.memory_space<vmem>>) dst(%dma_wait3A_290 : memref<25x128xf32, #tpu.memory_space<vmem_shared>>)
        tpu.yield
      }) : () -> ()
      %mul3A_66 = arith.constant 625 : i32
      %mul3A_67 = arith.muli %arg1, %mul3A_66 : i32
      %add3A_68 = arith.constant 325 : i32
      %add3A_69 = arith.addi %mul3A_67, %add3A_68 : i32
      "tpu.region"() ({
        %run_scoped3A_283 = tpu.sem_alloc : memref<!tpu.dma_semaphore, #tpu.memory_space<semaphore_mem>>
        %dma_start3A_284 = arith.constant 0 : i32
        %dma_start3A_285 = tpu.memref_slice %arg12[%add3A_69, %dma_start3A_284] : memref<10000x128xf32, #tpu.memory_space<vmem_shared>> -> memref<25x128xf32, #tpu.memory_space<vmem_shared>>
        %dma_start3A_286 = arith.constant 0 : i32
        %dma_start3A_287 = tpu.memref_slice %arg12[%add3A_69, %dma_start3A_286] : memref<10000x128xf32, #tpu.memory_space<vmem_shared>> -> memref<25x128xf32, #tpu.memory_space<vmem_shared>>
        tpu.enqueue_dma source(%arg11 : memref<25x128xf32, #tpu.memory_space<vmem>>) target(%dma_start3A_287 : memref<25x128xf32, #tpu.memory_space<vmem_shared>>) target_semaphore(%run_scoped3A_283 : memref<!tpu.dma_semaphore, #tpu.memory_space<semaphore_mem>>)
        %dma_wait3A = arith.constant 0 : i32
        %dma_wait3A_288 = tpu.memref_slice %arg12[%add3A_69, %dma_wait3A] : memref<10000x128xf32, #tpu.memory_space<vmem_shared>> -> memref<25x128xf32, #tpu.memory_space<vmem_shared>>
        %dma_wait3A_289 = arith.constant 0 : i32
        %dma_wait3A_290 = tpu.memref_slice %arg12[%add3A_69, %dma_wait3A_289] : memref<10000x128xf32, #tpu.memory_space<vmem_shared>> -> memref<25x128xf32, #tpu.memory_space<vmem_shared>>
        tpu.wait_dma2 semaphore(%run_scoped3A_283 : memref<!tpu.dma_semaphore, #tpu.memory_space<semaphore_mem>>) src(%arg11 : memref<25x128xf32, #tpu.memory_space<vmem>>) dst(%dma_wait3A_290 : memref<25x128xf32, #tpu.memory_space<vmem_shared>>)
        tpu.yield
      }) : () -> ()
      %mul3A_70 = arith.constant 625 : i32
      %mul3A_71 = arith.muli %arg1, %mul3A_70 : i32
      %add3A_72 = arith.constant 350 : i32
      %add3A_73 = arith.addi %mul3A_71, %add3A_72 : i32
      "tpu.region"() ({
        %run_scoped3A_283 = tpu.sem_alloc : memref<!tpu.dma_semaphore, #tpu.memory_space<semaphore_mem>>
        %dma_start3A_284 = arith.constant 0 : i32
        %dma_start3A_285 = tpu.memref_slice %arg12[%add3A_73, %dma_start3A_284] : memref<10000x128xf32, #tpu.memory_space<vmem_shared>> -> memref<25x128xf32, #tpu.memory_space<vmem_shared>>
        %dma_start3A_286 = arith.constant 0 : i32
        %dma_start3A_287 = tpu.memref_slice %arg12[%add3A_73, %dma_start3A_286] : memref<10000x128xf32, #tpu.memory_space<vmem_shared>> -> memref<25x128xf32, #tpu.memory_space<vmem_shared>>
        tpu.enqueue_dma source(%arg11 : memref<25x128xf32, #tpu.memory_space<vmem>>) target(%dma_start3A_287 : memref<25x128xf32, #tpu.memory_space<vmem_shared>>) target_semaphore(%run_scoped3A_283 : memref<!tpu.dma_semaphore, #tpu.memory_space<semaphore_mem>>)
        %dma_wait3A = arith.constant 0 : i32
        %dma_wait3A_288 = tpu.memref_slice %arg12[%add3A_73, %dma_wait3A] : memref<10000x128xf32, #tpu.memory_space<vmem_shared>> -> memref<25x128xf32, #tpu.memory_space<vmem_shared>>
        %dma_wait3A_289 = arith.constant 0 : i32
        %dma_wait3A_290 = tpu.memref_slice %arg12[%add3A_73, %dma_wait3A_289] : memref<10000x128xf32, #tpu.memory_space<vmem_shared>> -> memref<25x128xf32, #tpu.memory_space<vmem_shared>>
        tpu.wait_dma2 semaphore(%run_scoped3A_283 : memref<!tpu.dma_semaphore, #tpu.memory_space<semaphore_mem>>) src(%arg11 : memref<25x128xf32, #tpu.memory_space<vmem>>) dst(%dma_wait3A_290 : memref<25x128xf32, #tpu.memory_space<vmem_shared>>)
        tpu.yield
      }) : () -> ()
      %mul3A_74 = arith.constant 625 : i32
      %mul3A_75 = arith.muli %arg1, %mul3A_74 : i32
      %add3A_76 = arith.constant 375 : i32
      %add3A_77 = arith.addi %mul3A_75, %add3A_76 : i32
      "tpu.region"() ({
        %run_scoped3A_283 = tpu.sem_alloc : memref<!tpu.dma_semaphore, #tpu.memory_space<semaphore_mem>>
        %dma_start3A_284 = arith.constant 0 : i32
        %dma_start3A_285 = tpu.memref_slice %arg12[%add3A_77, %dma_start3A_284] : memref<10000x128xf32, #tpu.memory_space<vmem_shared>> -> memref<25x128xf32, #tpu.memory_space<vmem_shared>>
        %dma_start3A_286 = arith.constant 0 : i32
        %dma_start3A_287 = tpu.memref_slice %arg12[%add3A_77, %dma_start3A_286] : memref<10000x128xf32, #tpu.memory_space<vmem_shared>> -> memref<25x128xf32, #tpu.memory_space<vmem_shared>>
        tpu.enqueue_dma source(%arg11 : memref<25x128xf32, #tpu.memory_space<vmem>>) target(%dma_start3A_287 : memref<25x128xf32, #tpu.memory_space<vmem_shared>>) target_semaphore(%run_scoped3A_283 : memref<!tpu.dma_semaphore, #tpu.memory_space<semaphore_mem>>)
        %dma_wait3A = arith.constant 0 : i32
        %dma_wait3A_288 = tpu.memref_slice %arg12[%add3A_77, %dma_wait3A] : memref<10000x128xf32, #tpu.memory_space<vmem_shared>> -> memref<25x128xf32, #tpu.memory_space<vmem_shared>>
        %dma_wait3A_289 = arith.constant 0 : i32
        %dma_wait3A_290 = tpu.memref_slice %arg12[%add3A_77, %dma_wait3A_289] : memref<10000x128xf32, #tpu.memory_space<vmem_shared>> -> memref<25x128xf32, #tpu.memory_space<vmem_shared>>
        tpu.wait_dma2 semaphore(%run_scoped3A_283 : memref<!tpu.dma_semaphore, #tpu.memory_space<semaphore_mem>>) src(%arg11 : memref<25x128xf32, #tpu.memory_space<vmem>>) dst(%dma_wait3A_290 : memref<25x128xf32, #tpu.memory_space<vmem_shared>>)
        tpu.yield
      }) : () -> ()
      %mul3A_78 = arith.constant 625 : i32
      %mul3A_79 = arith.muli %arg1, %mul3A_78 : i32
      %add3A_80 = arith.constant 400 : i32
      %add3A_81 = arith.addi %mul3A_79, %add3A_80 : i32
      "tpu.region"() ({
        %run_scoped3A_283 = tpu.sem_alloc : memref<!tpu.dma_semaphore, #tpu.memory_space<semaphore_mem>>
        %dma_start3A_284 = arith.constant 0 : i32
        %dma_start3A_285 = tpu.memref_slice %arg12[%add3A_81, %dma_start3A_284] : memref<10000x128xf32, #tpu.memory_space<vmem_shared>> -> memref<25x128xf32, #tpu.memory_space<vmem_shared>>
        %dma_start3A_286 = arith.constant 0 : i32
        %dma_start3A_287 = tpu.memref_slice %arg12[%add3A_81, %dma_start3A_286] : memref<10000x128xf32, #tpu.memory_space<vmem_shared>> -> memref<25x128xf32, #tpu.memory_space<vmem_shared>>
        tpu.enqueue_dma source(%arg11 : memref<25x128xf32, #tpu.memory_space<vmem>>) target(%dma_start3A_287 : memref<25x128xf32, #tpu.memory_space<vmem_shared>>) target_semaphore(%run_scoped3A_283 : memref<!tpu.dma_semaphore, #tpu.memory_space<semaphore_mem>>)
        %dma_wait3A = arith.constant 0 : i32
        %dma_wait3A_288 = tpu.memref_slice %arg12[%add3A_81, %dma_wait3A] : memref<10000x128xf32, #tpu.memory_space<vmem_shared>> -> memref<25x128xf32, #tpu.memory_space<vmem_shared>>
        %dma_wait3A_289 = arith.constant 0 : i32
        %dma_wait3A_290 = tpu.memref_slice %arg12[%add3A_81, %dma_wait3A_289] : memref<10000x128xf32, #tpu.memory_space<vmem_shared>> -> memref<25x128xf32, #tpu.memory_space<vmem_shared>>
        tpu.wait_dma2 semaphore(%run_scoped3A_283 : memref<!tpu.dma_semaphore, #tpu.memory_space<semaphore_mem>>) src(%arg11 : memref<25x128xf32, #tpu.memory_space<vmem>>) dst(%dma_wait3A_290 : memref<25x128xf32, #tpu.memory_space<vmem_shared>>)
        tpu.yield
      }) : () -> ()
      %mul3A_82 = arith.constant 625 : i32
      %mul3A_83 = arith.muli %arg1, %mul3A_82 : i32
      %add3A_84 = arith.constant 425 : i32
      %add3A_85 = arith.addi %mul3A_83, %add3A_84 : i32
      "tpu.region"() ({
        %run_scoped3A_283 = tpu.sem_alloc : memref<!tpu.dma_semaphore, #tpu.memory_space<semaphore_mem>>
        %dma_start3A_284 = arith.constant 0 : i32
        %dma_start3A_285 = tpu.memref_slice %arg12[%add3A_85, %dma_start3A_284] : memref<10000x128xf32, #tpu.memory_space<vmem_shared>> -> memref<25x128xf32, #tpu.memory_space<vmem_shared>>
        %dma_start3A_286 = arith.constant 0 : i32
        %dma_start3A_287 = tpu.memref_slice %arg12[%add3A_85, %dma_start3A_286] : memref<10000x128xf32, #tpu.memory_space<vmem_shared>> -> memref<25x128xf32, #tpu.memory_space<vmem_shared>>
        tpu.enqueue_dma source(%arg11 : memref<25x128xf32, #tpu.memory_space<vmem>>) target(%dma_start3A_287 : memref<25x128xf32, #tpu.memory_space<vmem_shared>>) target_semaphore(%run_scoped3A_283 : memref<!tpu.dma_semaphore, #tpu.memory_space<semaphore_mem>>)
        %dma_wait3A = arith.constant 0 : i32
        %dma_wait3A_288 = tpu.memref_slice %arg12[%add3A_85, %dma_wait3A] : memref<10000x128xf32, #tpu.memory_space<vmem_shared>> -> memref<25x128xf32, #tpu.memory_space<vmem_shared>>
        %dma_wait3A_289 = arith.constant 0 : i32
        %dma_wait3A_290 = tpu.memref_slice %arg12[%add3A_85, %dma_wait3A_289] : memref<10000x128xf32, #tpu.memory_space<vmem_shared>> -> memref<25x128xf32, #tpu.memory_space<vmem_shared>>
        tpu.wait_dma2 semaphore(%run_scoped3A_283 : memref<!tpu.dma_semaphore, #tpu.memory_space<semaphore_mem>>) src(%arg11 : memref<25x128xf32, #tpu.memory_space<vmem>>) dst(%dma_wait3A_290 : memref<25x128xf32, #tpu.memory_space<vmem_shared>>)
        tpu.yield
      }) : () -> ()
      %mul3A_86 = arith.constant 625 : i32
      %mul3A_87 = arith.muli %arg1, %mul3A_86 : i32
      %add3A_88 = arith.constant 450 : i32
      %add3A_89 = arith.addi %mul3A_87, %add3A_88 : i32
      "tpu.region"() ({
        %run_scoped3A_283 = tpu.sem_alloc : memref<!tpu.dma_semaphore, #tpu.memory_space<semaphore_mem>>
        %dma_start3A_284 = arith.constant 0 : i32
        %dma_start3A_285 = tpu.memref_slice %arg12[%add3A_89, %dma_start3A_284] : memref<10000x128xf32, #tpu.memory_space<vmem_shared>> -> memref<25x128xf32, #tpu.memory_space<vmem_shared>>
        %dma_start3A_286 = arith.constant 0 : i32
        %dma_start3A_287 = tpu.memref_slice %arg12[%add3A_89, %dma_start3A_286] : memref<10000x128xf32, #tpu.memory_space<vmem_shared>> -> memref<25x128xf32, #tpu.memory_space<vmem_shared>>
        tpu.enqueue_dma source(%arg11 : memref<25x128xf32, #tpu.memory_space<vmem>>) target(%dma_start3A_287 : memref<25x128xf32, #tpu.memory_space<vmem_shared>>) target_semaphore(%run_scoped3A_283 : memref<!tpu.dma_semaphore, #tpu.memory_space<semaphore_mem>>)
        %dma_wait3A = arith.constant 0 : i32
        %dma_wait3A_288 = tpu.memref_slice %arg12[%add3A_89, %dma_wait3A] : memref<10000x128xf32, #tpu.memory_space<vmem_shared>> -> memref<25x128xf32, #tpu.memory_space<vmem_shared>>
        %dma_wait3A_289 = arith.constant 0 : i32
        %dma_wait3A_290 = tpu.memref_slice %arg12[%add3A_89, %dma_wait3A_289] : memref<10000x128xf32, #tpu.memory_space<vmem_shared>> -> memref<25x128xf32, #tpu.memory_space<vmem_shared>>
        tpu.wait_dma2 semaphore(%run_scoped3A_283 : memref<!tpu.dma_semaphore, #tpu.memory_space<semaphore_mem>>) src(%arg11 : memref<25x128xf32, #tpu.memory_space<vmem>>) dst(%dma_wait3A_290 : memref<25x128xf32, #tpu.memory_space<vmem_shared>>)
        tpu.yield
      }) : () -> ()
      %mul3A_90 = arith.constant 625 : i32
      %mul3A_91 = arith.muli %arg1, %mul3A_90 : i32
      %add3A_92 = arith.constant 475 : i32
      %add3A_93 = arith.addi %mul3A_91, %add3A_92 : i32
      "tpu.region"() ({
        %run_scoped3A_283 = tpu.sem_alloc : memref<!tpu.dma_semaphore, #tpu.memory_space<semaphore_mem>>
        %dma_start3A_284 = arith.constant 0 : i32
        %dma_start3A_285 = tpu.memref_slice %arg12[%add3A_93, %dma_start3A_284] : memref<10000x128xf32, #tpu.memory_space<vmem_shared>> -> memref<25x128xf32, #tpu.memory_space<vmem_shared>>
        %dma_start3A_286 = arith.constant 0 : i32
        %dma_start3A_287 = tpu.memref_slice %arg12[%add3A_93, %dma_start3A_286] : memref<10000x128xf32, #tpu.memory_space<vmem_shared>> -> memref<25x128xf32, #tpu.memory_space<vmem_shared>>
        tpu.enqueue_dma source(%arg11 : memref<25x128xf32, #tpu.memory_space<vmem>>) target(%dma_start3A_287 : memref<25x128xf32, #tpu.memory_space<vmem_shared>>) target_semaphore(%run_scoped3A_283 : memref<!tpu.dma_semaphore, #tpu.memory_space<semaphore_mem>>)
        %dma_wait3A = arith.constant 0 : i32
        %dma_wait3A_288 = tpu.memref_slice %arg12[%add3A_93, %dma_wait3A] : memref<10000x128xf32, #tpu.memory_space<vmem_shared>> -> memref<25x128xf32, #tpu.memory_space<vmem_shared>>
        %dma_wait3A_289 = arith.constant 0 : i32
        %dma_wait3A_290 = tpu.memref_slice %arg12[%add3A_93, %dma_wait3A_289] : memref<10000x128xf32, #tpu.memory_space<vmem_shared>> -> memref<25x128xf32, #tpu.memory_space<vmem_shared>>
        tpu.wait_dma2 semaphore(%run_scoped3A_283 : memref<!tpu.dma_semaphore, #tpu.memory_space<semaphore_mem>>) src(%arg11 : memref<25x128xf32, #tpu.memory_space<vmem>>) dst(%dma_wait3A_290 : memref<25x128xf32, #tpu.memory_space<vmem_shared>>)
        tpu.yield
      }) : () -> ()
      %mul3A_94 = arith.constant 625 : i32
      %mul3A_95 = arith.muli %arg1, %mul3A_94 : i32
      %add3A_96 = arith.constant 500 : i32
      %add3A_97 = arith.addi %mul3A_95, %add3A_96 : i32
      "tpu.region"() ({
        %run_scoped3A_283 = tpu.sem_alloc : memref<!tpu.dma_semaphore, #tpu.memory_space<semaphore_mem>>
        %dma_start3A_284 = arith.constant 0 : i32
        %dma_start3A_285 = tpu.memref_slice %arg12[%add3A_97, %dma_start3A_284] : memref<10000x128xf32, #tpu.memory_space<vmem_shared>> -> memref<25x128xf32, #tpu.memory_space<vmem_shared>>
        %dma_start3A_286 = arith.constant 0 : i32
        %dma_start3A_287 = tpu.memref_slice %arg12[%add3A_97, %dma_start3A_286] : memref<10000x128xf32, #tpu.memory_space<vmem_shared>> -> memref<25x128xf32, #tpu.memory_space<vmem_shared>>
        tpu.enqueue_dma source(%arg11 : memref<25x128xf32, #tpu.memory_space<vmem>>) target(%dma_start3A_287 : memref<25x128xf32, #tpu.memory_space<vmem_shared>>) target_semaphore(%run_scoped3A_283 : memref<!tpu.dma_semaphore, #tpu.memory_space<semaphore_mem>>)
        %dma_wait3A = arith.constant 0 : i32
        %dma_wait3A_288 = tpu.memref_slice %arg12[%add3A_97, %dma_wait3A] : memref<10000x128xf32, #tpu.memory_space<vmem_shared>> -> memref<25x128xf32, #tpu.memory_space<vmem_shared>>
        %dma_wait3A_289 = arith.constant 0 : i32
        %dma_wait3A_290 = tpu.memref_slice %arg12[%add3A_97, %dma_wait3A_289] : memref<10000x128xf32, #tpu.memory_space<vmem_shared>> -> memref<25x128xf32, #tpu.memory_space<vmem_shared>>
        tpu.wait_dma2 semaphore(%run_scoped3A_283 : memref<!tpu.dma_semaphore, #tpu.memory_space<semaphore_mem>>) src(%arg11 : memref<25x128xf32, #tpu.memory_space<vmem>>) dst(%dma_wait3A_290 : memref<25x128xf32, #tpu.memory_space<vmem_shared>>)
        tpu.yield
      }) : () -> ()
      %mul3A_98 = arith.constant 625 : i32
      %mul3A_99 = arith.muli %arg1, %mul3A_98 : i32
      %add3A_100 = arith.constant 525 : i32
      %add3A_101 = arith.addi %mul3A_99, %add3A_100 : i32
      "tpu.region"() ({
        %run_scoped3A_283 = tpu.sem_alloc : memref<!tpu.dma_semaphore, #tpu.memory_space<semaphore_mem>>
        %dma_start3A_284 = arith.constant 0 : i32
        %dma_start3A_285 = tpu.memref_slice %arg12[%add3A_101, %dma_start3A_284] : memref<10000x128xf32, #tpu.memory_space<vmem_shared>> -> memref<25x128xf32, #tpu.memory_space<vmem_shared>>
        %dma_start3A_286 = arith.constant 0 : i32
        %dma_start3A_287 = tpu.memref_slice %arg12[%add3A_101, %dma_start3A_286] : memref<10000x128xf32, #tpu.memory_space<vmem_shared>> -> memref<25x128xf32, #tpu.memory_space<vmem_shared>>
        tpu.enqueue_dma source(%arg11 : memref<25x128xf32, #tpu.memory_space<vmem>>) target(%dma_start3A_287 : memref<25x128xf32, #tpu.memory_space<vmem_shared>>) target_semaphore(%run_scoped3A_283 : memref<!tpu.dma_semaphore, #tpu.memory_space<semaphore_mem>>)
        %dma_wait3A = arith.constant 0 : i32
        %dma_wait3A_288 = tpu.memref_slice %arg12[%add3A_101, %dma_wait3A] : memref<10000x128xf32, #tpu.memory_space<vmem_shared>> -> memref<25x128xf32, #tpu.memory_space<vmem_shared>>
        %dma_wait3A_289 = arith.constant 0 : i32
        %dma_wait3A_290 = tpu.memref_slice %arg12[%add3A_101, %dma_wait3A_289] : memref<10000x128xf32, #tpu.memory_space<vmem_shared>> -> memref<25x128xf32, #tpu.memory_space<vmem_shared>>
        tpu.wait_dma2 semaphore(%run_scoped3A_283 : memref<!tpu.dma_semaphore, #tpu.memory_space<semaphore_mem>>) src(%arg11 : memref<25x128xf32, #tpu.memory_space<vmem>>) dst(%dma_wait3A_290 : memref<25x128xf32, #tpu.memory_space<vmem_shared>>)
        tpu.yield
      }) : () -> ()
      %mul3A_102 = arith.constant 625 : i32
      %mul3A_103 = arith.muli %arg1, %mul3A_102 : i32
      %add3A_104 = arith.constant 550 : i32
      %add3A_105 = arith.addi %mul3A_103, %add3A_104 : i32
      "tpu.region"() ({
        %run_scoped3A_283 = tpu.sem_alloc : memref<!tpu.dma_semaphore, #tpu.memory_space<semaphore_mem>>
        %dma_start3A_284 = arith.constant 0 : i32
        %dma_start3A_285 = tpu.memref_slice %arg12[%add3A_105, %dma_start3A_284] : memref<10000x128xf32, #tpu.memory_space<vmem_shared>> -> memref<25x128xf32, #tpu.memory_space<vmem_shared>>
        %dma_start3A_286 = arith.constant 0 : i32
        %dma_start3A_287 = tpu.memref_slice %arg12[%add3A_105, %dma_start3A_286] : memref<10000x128xf32, #tpu.memory_space<vmem_shared>> -> memref<25x128xf32, #tpu.memory_space<vmem_shared>>
        tpu.enqueue_dma source(%arg11 : memref<25x128xf32, #tpu.memory_space<vmem>>) target(%dma_start3A_287 : memref<25x128xf32, #tpu.memory_space<vmem_shared>>) target_semaphore(%run_scoped3A_283 : memref<!tpu.dma_semaphore, #tpu.memory_space<semaphore_mem>>)
        %dma_wait3A = arith.constant 0 : i32
        %dma_wait3A_288 = tpu.memref_slice %arg12[%add3A_105, %dma_wait3A] : memref<10000x128xf32, #tpu.memory_space<vmem_shared>> -> memref<25x128xf32, #tpu.memory_space<vmem_shared>>
        %dma_wait3A_289 = arith.constant 0 : i32
        %dma_wait3A_290 = tpu.memref_slice %arg12[%add3A_105, %dma_wait3A_289] : memref<10000x128xf32, #tpu.memory_space<vmem_shared>> -> memref<25x128xf32, #tpu.memory_space<vmem_shared>>
        tpu.wait_dma2 semaphore(%run_scoped3A_283 : memref<!tpu.dma_semaphore, #tpu.memory_space<semaphore_mem>>) src(%arg11 : memref<25x128xf32, #tpu.memory_space<vmem>>) dst(%dma_wait3A_290 : memref<25x128xf32, #tpu.memory_space<vmem_shared>>)
        tpu.yield
      }) : () -> ()
      %mul3A_106 = arith.constant 625 : i32
      %mul3A_107 = arith.muli %arg1, %mul3A_106 : i32
      %add3A_108 = arith.constant 575 : i32
      %add3A_109 = arith.addi %mul3A_107, %add3A_108 : i32
      "tpu.region"() ({
        %run_scoped3A_283 = tpu.sem_alloc : memref<!tpu.dma_semaphore, #tpu.memory_space<semaphore_mem>>
        %dma_start3A_284 = arith.constant 0 : i32
        %dma_start3A_285 = tpu.memref_slice %arg12[%add3A_109, %dma_start3A_284] : memref<10000x128xf32, #tpu.memory_space<vmem_shared>> -> memref<25x128xf32, #tpu.memory_space<vmem_shared>>
        %dma_start3A_286 = arith.constant 0 : i32
        %dma_start3A_287 = tpu.memref_slice %arg12[%add3A_109, %dma_start3A_286] : memref<10000x128xf32, #tpu.memory_space<vmem_shared>> -> memref<25x128xf32, #tpu.memory_space<vmem_shared>>
        tpu.enqueue_dma source(%arg11 : memref<25x128xf32, #tpu.memory_space<vmem>>) target(%dma_start3A_287 : memref<25x128xf32, #tpu.memory_space<vmem_shared>>) target_semaphore(%run_scoped3A_283 : memref<!tpu.dma_semaphore, #tpu.memory_space<semaphore_mem>>)
        %dma_wait3A = arith.constant 0 : i32
        %dma_wait3A_288 = tpu.memref_slice %arg12[%add3A_109, %dma_wait3A] : memref<10000x128xf32, #tpu.memory_space<vmem_shared>> -> memref<25x128xf32, #tpu.memory_space<vmem_shared>>
        %dma_wait3A_289 = arith.constant 0 : i32
        %dma_wait3A_290 = tpu.memref_slice %arg12[%add3A_109, %dma_wait3A_289] : memref<10000x128xf32, #tpu.memory_space<vmem_shared>> -> memref<25x128xf32, #tpu.memory_space<vmem_shared>>
        tpu.wait_dma2 semaphore(%run_scoped3A_283 : memref<!tpu.dma_semaphore, #tpu.memory_space<semaphore_mem>>) src(%arg11 : memref<25x128xf32, #tpu.memory_space<vmem>>) dst(%dma_wait3A_290 : memref<25x128xf32, #tpu.memory_space<vmem_shared>>)
        tpu.yield
      }) : () -> ()
      %mul3A_110 = arith.constant 625 : i32
      %mul3A_111 = arith.muli %arg1, %mul3A_110 : i32
      %add3A_112 = arith.constant 600 : i32
      %add3A_113 = arith.addi %mul3A_111, %add3A_112 : i32
      "tpu.region"() ({
        %run_scoped3A_283 = tpu.sem_alloc : memref<!tpu.dma_semaphore, #tpu.memory_space<semaphore_mem>>
        %dma_start3A_284 = arith.constant 0 : i32
        %dma_start3A_285 = tpu.memref_slice %arg12[%add3A_113, %dma_start3A_284] : memref<10000x128xf32, #tpu.memory_space<vmem_shared>> -> memref<25x128xf32, #tpu.memory_space<vmem_shared>>
        %dma_start3A_286 = arith.constant 0 : i32
        %dma_start3A_287 = tpu.memref_slice %arg12[%add3A_113, %dma_start3A_286] : memref<10000x128xf32, #tpu.memory_space<vmem_shared>> -> memref<25x128xf32, #tpu.memory_space<vmem_shared>>
        tpu.enqueue_dma source(%arg11 : memref<25x128xf32, #tpu.memory_space<vmem>>) target(%dma_start3A_287 : memref<25x128xf32, #tpu.memory_space<vmem_shared>>) target_semaphore(%run_scoped3A_283 : memref<!tpu.dma_semaphore, #tpu.memory_space<semaphore_mem>>)
        %dma_wait3A = arith.constant 0 : i32
        %dma_wait3A_288 = tpu.memref_slice %arg12[%add3A_113, %dma_wait3A] : memref<10000x128xf32, #tpu.memory_space<vmem_shared>> -> memref<25x128xf32, #tpu.memory_space<vmem_shared>>
        %dma_wait3A_289 = arith.constant 0 : i32
        %dma_wait3A_290 = tpu.memref_slice %arg12[%add3A_113, %dma_wait3A_289] : memref<10000x128xf32, #tpu.memory_space<vmem_shared>> -> memref<25x128xf32, #tpu.memory_space<vmem_shared>>
        tpu.wait_dma2 semaphore(%run_scoped3A_283 : memref<!tpu.dma_semaphore, #tpu.memory_space<semaphore_mem>>) src(%arg11 : memref<25x128xf32, #tpu.memory_space<vmem>>) dst(%dma_wait3A_290 : memref<25x128xf32, #tpu.memory_space<vmem_shared>>)
        tpu.yield
      }) : () -> ()
      %barrier3A = arith.constant 0 : index
      tpu.barrier barrier_id(%barrier3A)
      %run_scoped3A = arith.constant 1 : i32
      %run_scoped3A_114 = arith.constant 0 : i32
      %run_scoped3A_115 = arith.constant 0 : i32
      "tpu.region"() ({
        %run_scoped3A_283 = tpu.sem_alloc : memref<!tpu.dma_semaphore, #tpu.memory_space<semaphore_mem>>
        %dma_start3A_284 = arith.constant 0 : i32
        %dma_start3A_285 = tpu.memref_slice %arg8[%run_scoped3A_115, %dma_start3A_284] : memref<2x128xi32, #tpu.memory_space<vmem>> -> memref<1x128xi32, #tpu.memory_space<vmem>>
        %dma_start3A_286 = tpu.memref_squeeze %dma_start3A_285 : memref<1x128xi32, #tpu.memory_space<vmem>> -> memref<128xi32, #tpu.memory_space<vmem>>
        %dma_start3A_287 = arith.constant 0 : i32
        %dma_start3A_288 = tpu.memref_slice %arg6[%run_scoped3A, %run_scoped3A_114, %arg1, %dma_start3A_287] : memref<2x1x1250x128xi32, #tpu.memory_space<hbm>> -> memref<1x1x1x128xi32, #tpu.memory_space<hbm>>
        %dma_start3A_289 = tpu.memref_squeeze %dma_start3A_288 : memref<1x1x1x128xi32, #tpu.memory_space<hbm>> -> memref<128xi32, #tpu.memory_space<hbm>>
        %dma_start3A_290 = arith.constant 0 : i32
        %dma_start3A_291 = tpu.memref_slice %arg8[%run_scoped3A_115, %dma_start3A_290] : memref<2x128xi32, #tpu.memory_space<vmem>> -> memref<1x128xi32, #tpu.memory_space<vmem>>
        %dma_start3A_292 = tpu.memref_squeeze %dma_start3A_291 : memref<1x128xi32, #tpu.memory_space<vmem>> -> memref<128xi32, #tpu.memory_space<vmem>>
        %dma_start3A_293 = arith.constant 0 : i32
        %dma_start3A_294 = tpu.memref_slice %arg6[%run_scoped3A, %run_scoped3A_114, %arg1, %dma_start3A_293] : memref<2x1x1250x128xi32, #tpu.memory_space<hbm>> -> memref<1x1x1x128xi32, #tpu.memory_space<hbm>>
        %dma_start3A_295 = tpu.memref_squeeze %dma_start3A_294 : memref<1x1x1x128xi32, #tpu.memory_space<hbm>> -> memref<128xi32, #tpu.memory_space<hbm>>
        tpu.enqueue_dma source(%dma_start3A_295 : memref<128xi32, #tpu.memory_space<hbm>>) target(%dma_start3A_292 : memref<128xi32, #tpu.memory_space<vmem>>) target_semaphore(%run_scoped3A_283 : memref<!tpu.dma_semaphore, #tpu.memory_space<semaphore_mem>>)
        %dma_wait3A = arith.constant 0 : i32
        %dma_wait3A_296 = tpu.memref_slice %arg8[%run_scoped3A_115, %dma_wait3A] : memref<2x128xi32, #tpu.memory_space<vmem>> -> memref<1x128xi32, #tpu.memory_space<vmem>>
        %dma_wait3A_297 = tpu.memref_squeeze %dma_wait3A_296 : memref<1x128xi32, #tpu.memory_space<vmem>> -> memref<128xi32, #tpu.memory_space<vmem>>
        %dma_wait3A_298 = arith.constant 0 : i32
        %dma_wait3A_299 = tpu.memref_slice %arg6[%run_scoped3A, %run_scoped3A_114, %arg1, %dma_wait3A_298] : memref<2x1x1250x128xi32, #tpu.memory_space<hbm>> -> memref<1x1x1x128xi32, #tpu.memory_space<hbm>>
        %dma_wait3A_300 = tpu.memref_squeeze %dma_wait3A_299 : memref<1x1x1x128xi32, #tpu.memory_space<hbm>> -> memref<128xi32, #tpu.memory_space<hbm>>
        %dma_wait3A_301 = arith.constant 0 : i32
        %dma_wait3A_302 = tpu.memref_slice %arg8[%run_scoped3A_115, %dma_wait3A_301] : memref<2x128xi32, #tpu.memory_space<vmem>> -> memref<1x128xi32, #tpu.memory_space<vmem>>
        %dma_wait3A_303 = tpu.memref_squeeze %dma_wait3A_302 : memref<1x128xi32, #tpu.memory_space<vmem>> -> memref<128xi32, #tpu.memory_space<vmem>>
        %dma_wait3A_304 = arith.constant 0 : i32
        %dma_wait3A_305 = tpu.memref_slice %arg6[%run_scoped3A, %run_scoped3A_114, %arg1, %dma_wait3A_304] : memref<2x1x1250x128xi32, #tpu.memory_space<hbm>> -> memref<1x1x1x128xi32, #tpu.memory_space<hbm>>
        %dma_wait3A_306 = tpu.memref_squeeze %dma_wait3A_305 : memref<1x1x1x128xi32, #tpu.memory_space<hbm>> -> memref<128xi32, #tpu.memory_space<hbm>>
        tpu.wait_dma2 semaphore(%run_scoped3A_283 : memref<!tpu.dma_semaphore, #tpu.memory_space<semaphore_mem>>) src(%dma_wait3A_306 : memref<128xi32, #tpu.memory_space<hbm>>) dst(%dma_wait3A_303 : memref<128xi32, #tpu.memory_space<vmem>>)
        tpu.yield
      }) : () -> ()
      %add3A_116 = arith.constant 16 : i32
      %add3A_117 = arith.addi %arg1, %add3A_116 : i32
      %run_scoped3A_118 = arith.constant 1 : i32
      %run_scoped3A_119 = arith.constant 0 : i32
      %run_scoped3A_120 = arith.constant 1 : i32
      "tpu.region"() ({
        %run_scoped3A_283 = tpu.sem_alloc : memref<!tpu.dma_semaphore, #tpu.memory_space<semaphore_mem>>
        %dma_start3A_284 = arith.constant 0 : i32
        %dma_start3A_285 = tpu.memref_slice %arg8[%run_scoped3A_120, %dma_start3A_284] : memref<2x128xi32, #tpu.memory_space<vmem>> -> memref<1x128xi32, #tpu.memory_space<vmem>>
        %dma_start3A_286 = tpu.memref_squeeze %dma_start3A_285 : memref<1x128xi32, #tpu.memory_space<vmem>> -> memref<128xi32, #tpu.memory_space<vmem>>
        %dma_start3A_287 = arith.constant 0 : i32
        %dma_start3A_288 = tpu.memref_slice %arg6[%run_scoped3A_118, %run_scoped3A_119, %add3A_117, %dma_start3A_287] : memref<2x1x1250x128xi32, #tpu.memory_space<hbm>> -> memref<1x1x1x128xi32, #tpu.memory_space<hbm>>
        %dma_start3A_289 = tpu.memref_squeeze %dma_start3A_288 : memref<1x1x1x128xi32, #tpu.memory_space<hbm>> -> memref<128xi32, #tpu.memory_space<hbm>>
        %dma_start3A_290 = arith.constant 0 : i32
        %dma_start3A_291 = tpu.memref_slice %arg8[%run_scoped3A_120, %dma_start3A_290] : memref<2x128xi32, #tpu.memory_space<vmem>> -> memref<1x128xi32, #tpu.memory_space<vmem>>
        %dma_start3A_292 = tpu.memref_squeeze %dma_start3A_291 : memref<1x128xi32, #tpu.memory_space<vmem>> -> memref<128xi32, #tpu.memory_space<vmem>>
        %dma_start3A_293 = arith.constant 0 : i32
        %dma_start3A_294 = tpu.memref_slice %arg6[%run_scoped3A_118, %run_scoped3A_119, %add3A_117, %dma_start3A_293] : memref<2x1x1250x128xi32, #tpu.memory_space<hbm>> -> memref<1x1x1x128xi32, #tpu.memory_space<hbm>>
        %dma_start3A_295 = tpu.memref_squeeze %dma_start3A_294 : memref<1x1x1x128xi32, #tpu.memory_space<hbm>> -> memref<128xi32, #tpu.memory_space<hbm>>
        tpu.enqueue_dma source(%dma_start3A_295 : memref<128xi32, #tpu.memory_space<hbm>>) target(%dma_start3A_292 : memref<128xi32, #tpu.memory_space<vmem>>) target_semaphore(%run_scoped3A_283 : memref<!tpu.dma_semaphore, #tpu.memory_space<semaphore_mem>>)
        %dma_wait3A = arith.constant 0 : i32
        %dma_wait3A_296 = tpu.memref_slice %arg8[%run_scoped3A_120, %dma_wait3A] : memref<2x128xi32, #tpu.memory_space<vmem>> -> memref<1x128xi32, #tpu.memory_space<vmem>>
        %dma_wait3A_297 = tpu.memref_squeeze %dma_wait3A_296 : memref<1x128xi32, #tpu.memory_space<vmem>> -> memref<128xi32, #tpu.memory_space<vmem>>
        %dma_wait3A_298 = arith.constant 0 : i32
        %dma_wait3A_299 = tpu.memref_slice %arg6[%run_scoped3A_118, %run_scoped3A_119, %add3A_117, %dma_wait3A_298] : memref<2x1x1250x128xi32, #tpu.memory_space<hbm>> -> memref<1x1x1x128xi32, #tpu.memory_space<hbm>>
        %dma_wait3A_300 = tpu.memref_squeeze %dma_wait3A_299 : memref<1x1x1x128xi32, #tpu.memory_space<hbm>> -> memref<128xi32, #tpu.memory_space<hbm>>
        %dma_wait3A_301 = arith.constant 0 : i32
        %dma_wait3A_302 = tpu.memref_slice %arg8[%run_scoped3A_120, %dma_wait3A_301] : memref<2x128xi32, #tpu.memory_space<vmem>> -> memref<1x128xi32, #tpu.memory_space<vmem>>
        %dma_wait3A_303 = tpu.memref_squeeze %dma_wait3A_302 : memref<1x128xi32, #tpu.memory_space<vmem>> -> memref<128xi32, #tpu.memory_space<vmem>>
        %dma_wait3A_304 = arith.constant 0 : i32
        %dma_wait3A_305 = tpu.memref_slice %arg6[%run_scoped3A_118, %run_scoped3A_119, %add3A_117, %dma_wait3A_304] : memref<2x1x1250x128xi32, #tpu.memory_space<hbm>> -> memref<1x1x1x128xi32, #tpu.memory_space<hbm>>
        %dma_wait3A_306 = tpu.memref_squeeze %dma_wait3A_305 : memref<1x1x1x128xi32, #tpu.memory_space<hbm>> -> memref<128xi32, #tpu.memory_space<hbm>>
        tpu.wait_dma2 semaphore(%run_scoped3A_283 : memref<!tpu.dma_semaphore, #tpu.memory_space<semaphore_mem>>) src(%dma_wait3A_306 : memref<128xi32, #tpu.memory_space<hbm>>) dst(%dma_wait3A_303 : memref<128xi32, #tpu.memory_space<vmem>>)
        tpu.yield
      }) : () -> ()
      %mul3A_121 = arith.constant 128 : i32
      %mul3A_122 = arith.muli %arg1, %mul3A_121 : i32
      %dma_start3A = arith.constant 0 : i32
      %dma_start3A_123 = tpu.memref_slice %arg4[%mul3A_122, %dma_start3A] : memref<160000x128xf32, #tpu.memory_space<hbm>> -> memref<128x128xf32, #tpu.memory_space<hbm>>
      %dma_start3A_124 = arith.constant 0 : i32
      %dma_start3A_125 = tpu.memref_slice %arg4[%mul3A_122, %dma_start3A_124] : memref<160000x128xf32, #tpu.memory_space<hbm>> -> memref<128x128xf32, #tpu.memory_space<hbm>>
      tpu.enqueue_dma source(%dma_start3A_125 : memref<128x128xf32, #tpu.memory_space<hbm>>) target(%arg9 : memref<128x128xf32, #tpu.memory_space<vmem>>) target_semaphore(%arg13 : memref<!tpu.dma_semaphore, #tpu.memory_space<semaphore_mem>>)
      %add3A_126 = arith.constant 16 : i32
      %add3A_127 = arith.addi %arg1, %add3A_126 : i32
      %mul3A_128 = arith.constant 128 : i32
      %mul3A_129 = arith.muli %add3A_127, %mul3A_128 : i32
      %dma_start3A_130 = arith.constant 0 : i32
      %dma_start3A_131 = tpu.memref_slice %arg4[%mul3A_129, %dma_start3A_130] : memref<160000x128xf32, #tpu.memory_space<hbm>> -> memref<128x128xf32, #tpu.memory_space<hbm>>
      %dma_start3A_132 = arith.constant 0 : i32
      %dma_start3A_133 = tpu.memref_slice %arg4[%mul3A_129, %dma_start3A_132] : memref<160000x128xf32, #tpu.memory_space<hbm>> -> memref<128x128xf32, #tpu.memory_space<hbm>>
      tpu.enqueue_dma source(%dma_start3A_133 : memref<128x128xf32, #tpu.memory_space<hbm>>) target(%arg10 : memref<128x128xf32, #tpu.memory_space<vmem>>) target_semaphore(%arg14 : memref<!tpu.dma_semaphore, #tpu.memory_space<semaphore_mem>>)
      %scan3A_134 = arith.constant 0 : i32
      %scan3A_135 = arith.constant 0 : i32
      %scan3A_136 = arith.constant 40 : i32
      %scan3A_137 = arith.addi %scan3A_135, %scan3A_136 : i32
      %scan3A_138 = arith.constant 1 : i32
      scf.for %scan3A_283 = %scan3A_135 to %scan3A_137 step %scan3A_138  : i32 {
        %mul3A_284 = arith.constant 2 : i32
        %mul3A_285 = arith.muli %mul3A_284, %scan3A_283 : i32
        %add3A_286 = arith.constant 0 : i32
        %add3A_287 = arith.addi %mul3A_285, %add3A_286 : i32
        %lt3A_288 = arith.cmpi slt, %add3A_287, %add3A_2 : i32
        %convert_element_type3A_289 = arith.extui %lt3A_288 : i1 to i32
        %cond3A_290 = arith.constant 0 : i32
        %cond3A_291 = arith.cmpi ne, %convert_element_type3A_289, %cond3A_290 : i32
        scf.if %cond3A_291 {
          %dma_wait3A = arith.constant 0 : i32
          %dma_wait3A_300 = arith.constant 0 : i32
          %dma_wait3A_301 = tpu.memref_slice %arg4[%dma_wait3A, %dma_wait3A_300] : memref<160000x128xf32, #tpu.memory_space<hbm>> -> memref<128x128xf32, #tpu.memory_space<hbm>>
          %dma_wait3A_302 = arith.constant 0 : i32
          %dma_wait3A_303 = arith.constant 0 : i32
          %dma_wait3A_304 = tpu.memref_slice %arg4[%dma_wait3A_302, %dma_wait3A_303] : memref<160000x128xf32, #tpu.memory_space<hbm>> -> memref<128x128xf32, #tpu.memory_space<hbm>>
          tpu.wait_dma2 semaphore(%arg13 : memref<!tpu.dma_semaphore, #tpu.memory_space<semaphore_mem>>) src(%dma_wait3A_304 : memref<128x128xf32, #tpu.memory_space<hbm>>) dst(%arg9 : memref<128x128xf32, #tpu.memory_space<vmem>>)
          %run_scoped3A_305 = arith.constant 0 : i32
          "tpu.region"() ({
            %run_scoped3A_312 = tpu.sem_alloc : memref<!tpu.dma_semaphore, #tpu.memory_space<semaphore_mem>>
            %dma_start3A_313 = arith.constant 0 : i32
            %dma_start3A_314 = tpu.memref_slice %arg8[%run_scoped3A_305, %dma_start3A_313] : memref<2x128xi32, #tpu.memory_space<vmem>> -> memref<1x128xi32, #tpu.memory_space<vmem>>
            %dma_start3A_315 = tpu.memref_squeeze %dma_start3A_314 : memref<1x128xi32, #tpu.memory_space<vmem>> -> memref<128xi32, #tpu.memory_space<vmem>>
            %dma_start3A_316 = arith.constant 0 : i32
            %dma_start3A_317 = arith.constant 0 : i32
            %dma_start3A_318 = tpu.memref_slice %arg12[%dma_start3A_316, %dma_start3A_317] : memref<10000x128xf32, #tpu.memory_space<vmem_shared>> -> memref<10000x128xf32, #tpu.memory_space<vmem_shared>>
            tpu.enqueue_indirect_dma source(%arg9 : memref<128x128xf32, #tpu.memory_space<vmem>>) target(%dma_start3A_318 : memref<10000x128xf32, #tpu.memory_space<vmem_shared>>) offsets(%dma_start3A_315 : memref<128xi32, #tpu.memory_space<vmem>>) semaphore(%run_scoped3A_312 : memref<!tpu.dma_semaphore, #tpu.memory_space<semaphore_mem>>) {add = true}
            %dma_wait3A_319 = arith.constant 0 : i32
            %dma_wait3A_320 = tpu.memref_slice %arg8[%run_scoped3A_305, %dma_wait3A_319] : memref<2x128xi32, #tpu.memory_space<vmem>> -> memref<1x128xi32, #tpu.memory_space<vmem>>
            %dma_wait3A_321 = tpu.memref_squeeze %dma_wait3A_320 : memref<1x128xi32, #tpu.memory_space<vmem>> -> memref<128xi32, #tpu.memory_space<vmem>>
            %dma_wait3A_322 = arith.constant 0 : i32
            %dma_wait3A_323 = arith.constant 0 : i32
            %dma_wait3A_324 = tpu.memref_slice %arg12[%dma_wait3A_322, %dma_wait3A_323] : memref<10000x128xf32, #tpu.memory_space<vmem_shared>> -> memref<10000x128xf32, #tpu.memory_space<vmem_shared>>
            tpu.wait_indirect_dma semaphore(%run_scoped3A_312 : memref<!tpu.dma_semaphore, #tpu.memory_space<semaphore_mem>>) src(%arg9 : memref<128x128xf32, #tpu.memory_space<vmem>>) dst(%dma_wait3A_324 : memref<10000x128xf32, #tpu.memory_space<vmem_shared>>)
            tpu.yield
          }) : () -> ()
          %add3A_306 = arith.constant 2 : i32
          %add3A_307 = arith.addi %add3A_287, %add3A_306 : i32
          %lt3A_308 = arith.cmpi slt, %add3A_307, %add3A_2 : i32
          %convert_element_type3A_309 = arith.extui %lt3A_308 : i1 to i32
          %cond3A_310 = arith.constant 0 : i32
          %cond3A_311 = arith.cmpi ne, %convert_element_type3A_309, %cond3A_310 : i32
          scf.if %cond3A_311 {
            %mul3A_312 = arith.constant 16 : i32
            %mul3A_313 = arith.muli %mul3A_312, %add3A_307 : i32
            %add3A_314 = arith.addi %arg1, %mul3A_313 : i32
            %run_scoped3A_315 = arith.constant 1 : i32
            %run_scoped3A_316 = arith.constant 0 : i32
            %run_scoped3A_317 = arith.constant 0 : i32
            "tpu.region"() ({
              %run_scoped3A_327 = tpu.sem_alloc : memref<!tpu.dma_semaphore, #tpu.memory_space<semaphore_mem>>
              %dma_start3A_328 = arith.constant 0 : i32
              %dma_start3A_329 = tpu.memref_slice %arg8[%run_scoped3A_317, %dma_start3A_328] : memref<2x128xi32, #tpu.memory_space<vmem>> -> memref<1x128xi32, #tpu.memory_space<vmem>>
              %dma_start3A_330 = tpu.memref_squeeze %dma_start3A_329 : memref<1x128xi32, #tpu.memory_space<vmem>> -> memref<128xi32, #tpu.memory_space<vmem>>
              %dma_start3A_331 = arith.constant 0 : i32
              %dma_start3A_332 = tpu.memref_slice %arg6[%run_scoped3A_315, %run_scoped3A_316, %add3A_314, %dma_start3A_331] : memref<2x1x1250x128xi32, #tpu.memory_space<hbm>> -> memref<1x1x1x128xi32, #tpu.memory_space<hbm>>
              %dma_start3A_333 = tpu.memref_squeeze %dma_start3A_332 : memref<1x1x1x128xi32, #tpu.memory_space<hbm>> -> memref<128xi32, #tpu.memory_space<hbm>>
              %dma_start3A_334 = arith.constant 0 : i32
              %dma_start3A_335 = tpu.memref_slice %arg8[%run_scoped3A_317, %dma_start3A_334] : memref<2x128xi32, #tpu.memory_space<vmem>> -> memref<1x128xi32, #tpu.memory_space<vmem>>
              %dma_start3A_336 = tpu.memref_squeeze %dma_start3A_335 : memref<1x128xi32, #tpu.memory_space<vmem>> -> memref<128xi32, #tpu.memory_space<vmem>>
              %dma_start3A_337 = arith.constant 0 : i32
              %dma_start3A_338 = tpu.memref_slice %arg6[%run_scoped3A_315, %run_scoped3A_316, %add3A_314, %dma_start3A_337] : memref<2x1x1250x128xi32, #tpu.memory_space<hbm>> -> memref<1x1x1x128xi32, #tpu.memory_space<hbm>>
              %dma_start3A_339 = tpu.memref_squeeze %dma_start3A_338 : memref<1x1x1x128xi32, #tpu.memory_space<hbm>> -> memref<128xi32, #tpu.memory_space<hbm>>
              tpu.enqueue_dma source(%dma_start3A_339 : memref<128xi32, #tpu.memory_space<hbm>>) target(%dma_start3A_336 : memref<128xi32, #tpu.memory_space<vmem>>) target_semaphore(%run_scoped3A_327 : memref<!tpu.dma_semaphore, #tpu.memory_space<semaphore_mem>>)
              %dma_wait3A_340 = arith.constant 0 : i32
              %dma_wait3A_341 = tpu.memref_slice %arg8[%run_scoped3A_317, %dma_wait3A_340] : memref<2x128xi32, #tpu.memory_space<vmem>> -> memref<1x128xi32, #tpu.memory_space<vmem>>
              %dma_wait3A_342 = tpu.memref_squeeze %dma_wait3A_341 : memref<1x128xi32, #tpu.memory_space<vmem>> -> memref<128xi32, #tpu.memory_space<vmem>>
              %dma_wait3A_343 = arith.constant 0 : i32
              %dma_wait3A_344 = tpu.memref_slice %arg6[%run_scoped3A_315, %run_scoped3A_316, %add3A_314, %dma_wait3A_343] : memref<2x1x1250x128xi32, #tpu.memory_space<hbm>> -> memref<1x1x1x128xi32, #tpu.memory_space<hbm>>
              %dma_wait3A_345 = tpu.memref_squeeze %dma_wait3A_344 : memref<1x1x1x128xi32, #tpu.memory_space<hbm>> -> memref<128xi32, #tpu.memory_space<hbm>>
              %dma_wait3A_346 = arith.constant 0 : i32
              %dma_wait3A_347 = tpu.memref_slice %arg8[%run_scoped3A_317, %dma_wait3A_346] : memref<2x128xi32, #tpu.memory_space<vmem>> -> memref<1x128xi32, #tpu.memory_space<vmem>>
              %dma_wait3A_348 = tpu.memref_squeeze %dma_wait3A_347 : memref<1x128xi32, #tpu.memory_space<vmem>> -> memref<128xi32, #tpu.memory_space<vmem>>
              %dma_wait3A_349 = arith.constant 0 : i32
              %dma_wait3A_350 = tpu.memref_slice %arg6[%run_scoped3A_315, %run_scoped3A_316, %add3A_314, %dma_wait3A_349] : memref<2x1x1250x128xi32, #tpu.memory_space<hbm>> -> memref<1x1x1x128xi32, #tpu.memory_space<hbm>>
              %dma_wait3A_351 = tpu.memref_squeeze %dma_wait3A_350 : memref<1x1x1x128xi32, #tpu.memory_space<hbm>> -> memref<128xi32, #tpu.memory_space<hbm>>
              tpu.wait_dma2 semaphore(%run_scoped3A_327 : memref<!tpu.dma_semaphore, #tpu.memory_space<semaphore_mem>>) src(%dma_wait3A_351 : memref<128xi32, #tpu.memory_space<hbm>>) dst(%dma_wait3A_348 : memref<128xi32, #tpu.memory_space<vmem>>)
              tpu.yield
            }) : () -> ()
            %mul3A_318 = arith.constant 16 : i32
            %mul3A_319 = arith.muli %mul3A_318, %add3A_307 : i32
            %add3A_320 = arith.addi %arg1, %mul3A_319 : i32
            %mul3A_321 = arith.constant 128 : i32
            %mul3A_322 = arith.muli %add3A_320, %mul3A_321 : i32
            %dma_start3A_323 = arith.constant 0 : i32
            %dma_start3A_324 = tpu.memref_slice %arg4[%mul3A_322, %dma_start3A_323] : memref<160000x128xf32, #tpu.memory_space<hbm>> -> memref<128x128xf32, #tpu.memory_space<hbm>>
            %dma_start3A_325 = arith.constant 0 : i32
            %dma_start3A_326 = tpu.memref_slice %arg4[%mul3A_322, %dma_start3A_325] : memref<160000x128xf32, #tpu.memory_space<hbm>> -> memref<128x128xf32, #tpu.memory_space<hbm>>
            tpu.enqueue_dma source(%dma_start3A_326 : memref<128x128xf32, #tpu.memory_space<hbm>>) target(%arg9 : memref<128x128xf32, #tpu.memory_space<vmem>>) target_semaphore(%arg13 : memref<!tpu.dma_semaphore, #tpu.memory_space<semaphore_mem>>)
          } else {
          }
        } else {
        }
        %mul3A_292 = arith.constant 2 : i32
        %mul3A_293 = arith.muli %mul3A_292, %scan3A_283 : i32
        %add3A_294 = arith.constant 1 : i32
        %add3A_295 = arith.addi %mul3A_293, %add3A_294 : i32
        %lt3A_296 = arith.cmpi slt, %add3A_295, %add3A_2 : i32
        %convert_element_type3A_297 = arith.extui %lt3A_296 : i1 to i32
        %cond3A_298 = arith.constant 0 : i32
        %cond3A_299 = arith.cmpi ne, %convert_element_type3A_297, %cond3A_298 : i32
        scf.if %cond3A_299 {
          %dma_wait3A = arith.constant 0 : i32
          %dma_wait3A_300 = arith.constant 0 : i32
          %dma_wait3A_301 = tpu.memref_slice %arg4[%dma_wait3A, %dma_wait3A_300] : memref<160000x128xf32, #tpu.memory_space<hbm>> -> memref<128x128xf32, #tpu.memory_space<hbm>>
          %dma_wait3A_302 = arith.constant 0 : i32
          %dma_wait3A_303 = arith.constant 0 : i32
          %dma_wait3A_304 = tpu.memref_slice %arg4[%dma_wait3A_302, %dma_wait3A_303] : memref<160000x128xf32, #tpu.memory_space<hbm>> -> memref<128x128xf32, #tpu.memory_space<hbm>>
          tpu.wait_dma2 semaphore(%arg14 : memref<!tpu.dma_semaphore, #tpu.memory_space<semaphore_mem>>) src(%dma_wait3A_304 : memref<128x128xf32, #tpu.memory_space<hbm>>) dst(%arg10 : memref<128x128xf32, #tpu.memory_space<vmem>>)
          %run_scoped3A_305 = arith.constant 1 : i32
          "tpu.region"() ({
            %run_scoped3A_312 = tpu.sem_alloc : memref<!tpu.dma_semaphore, #tpu.memory_space<semaphore_mem>>
            %dma_start3A_313 = arith.constant 0 : i32
            %dma_start3A_314 = tpu.memref_slice %arg8[%run_scoped3A_305, %dma_start3A_313] : memref<2x128xi32, #tpu.memory_space<vmem>> -> memref<1x128xi32, #tpu.memory_space<vmem>>
            %dma_start3A_315 = tpu.memref_squeeze %dma_start3A_314 : memref<1x128xi32, #tpu.memory_space<vmem>> -> memref<128xi32, #tpu.memory_space<vmem>>
            %dma_start3A_316 = arith.constant 0 : i32
            %dma_start3A_317 = arith.constant 0 : i32
            %dma_start3A_318 = tpu.memref_slice %arg12[%dma_start3A_316, %dma_start3A_317] : memref<10000x128xf32, #tpu.memory_space<vmem_shared>> -> memref<10000x128xf32, #tpu.memory_space<vmem_shared>>
            tpu.enqueue_indirect_dma source(%arg10 : memref<128x128xf32, #tpu.memory_space<vmem>>) target(%dma_start3A_318 : memref<10000x128xf32, #tpu.memory_space<vmem_shared>>) offsets(%dma_start3A_315 : memref<128xi32, #tpu.memory_space<vmem>>) semaphore(%run_scoped3A_312 : memref<!tpu.dma_semaphore, #tpu.memory_space<semaphore_mem>>) {add = true}
            %dma_wait3A_319 = arith.constant 0 : i32
            %dma_wait3A_320 = tpu.memref_slice %arg8[%run_scoped3A_305, %dma_wait3A_319] : memref<2x128xi32, #tpu.memory_space<vmem>> -> memref<1x128xi32, #tpu.memory_space<vmem>>
            %dma_wait3A_321 = tpu.memref_squeeze %dma_wait3A_320 : memref<1x128xi32, #tpu.memory_space<vmem>> -> memref<128xi32, #tpu.memory_space<vmem>>
            %dma_wait3A_322 = arith.constant 0 : i32
            %dma_wait3A_323 = arith.constant 0 : i32
            %dma_wait3A_324 = tpu.memref_slice %arg12[%dma_wait3A_322, %dma_wait3A_323] : memref<10000x128xf32, #tpu.memory_space<vmem_shared>> -> memref<10000x128xf32, #tpu.memory_space<vmem_shared>>
            tpu.wait_indirect_dma semaphore(%run_scoped3A_312 : memref<!tpu.dma_semaphore, #tpu.memory_space<semaphore_mem>>) src(%arg10 : memref<128x128xf32, #tpu.memory_space<vmem>>) dst(%dma_wait3A_324 : memref<10000x128xf32, #tpu.memory_space<vmem_shared>>)
            tpu.yield
          }) : () -> ()
          %add3A_306 = arith.constant 2 : i32
          %add3A_307 = arith.addi %add3A_295, %add3A_306 : i32
          %lt3A_308 = arith.cmpi slt, %add3A_307, %add3A_2 : i32
          %convert_element_type3A_309 = arith.extui %lt3A_308 : i1 to i32
          %cond3A_310 = arith.constant 0 : i32
          %cond3A_311 = arith.cmpi ne, %convert_element_type3A_309, %cond3A_310 : i32
          scf.if %cond3A_311 {
            %mul3A_312 = arith.constant 16 : i32
            %mul3A_313 = arith.muli %mul3A_312, %add3A_307 : i32
            %add3A_314 = arith.addi %arg1, %mul3A_313 : i32
            %run_scoped3A_315 = arith.constant 1 : i32
            %run_scoped3A_316 = arith.constant 0 : i32
            %run_scoped3A_317 = arith.constant 1 : i32
            "tpu.region"() ({
              %run_scoped3A_327 = tpu.sem_alloc : memref<!tpu.dma_semaphore, #tpu.memory_space<semaphore_mem>>
              %dma_start3A_328 = arith.constant 0 : i32
              %dma_start3A_329 = tpu.memref_slice %arg8[%run_scoped3A_317, %dma_start3A_328] : memref<2x128xi32, #tpu.memory_space<vmem>> -> memref<1x128xi32, #tpu.memory_space<vmem>>
              %dma_start3A_330 = tpu.memref_squeeze %dma_start3A_329 : memref<1x128xi32, #tpu.memory_space<vmem>> -> memref<128xi32, #tpu.memory_space<vmem>>
              %dma_start3A_331 = arith.constant 0 : i32
              %dma_start3A_332 = tpu.memref_slice %arg6[%run_scoped3A_315, %run_scoped3A_316, %add3A_314, %dma_start3A_331] : memref<2x1x1250x128xi32, #tpu.memory_space<hbm>> -> memref<1x1x1x128xi32, #tpu.memory_space<hbm>>
              %dma_start3A_333 = tpu.memref_squeeze %dma_start3A_332 : memref<1x1x1x128xi32, #tpu.memory_space<hbm>> -> memref<128xi32, #tpu.memory_space<hbm>>
              %dma_start3A_334 = arith.constant 0 : i32
              %dma_start3A_335 = tpu.memref_slice %arg8[%run_scoped3A_317, %dma_start3A_334] : memref<2x128xi32, #tpu.memory_space<vmem>> -> memref<1x128xi32, #tpu.memory_space<vmem>>
              %dma_start3A_336 = tpu.memref_squeeze %dma_start3A_335 : memref<1x128xi32, #tpu.memory_space<vmem>> -> memref<128xi32, #tpu.memory_space<vmem>>
              %dma_start3A_337 = arith.constant 0 : i32
              %dma_start3A_338 = tpu.memref_slice %arg6[%run_scoped3A_315, %run_scoped3A_316, %add3A_314, %dma_start3A_337] : memref<2x1x1250x128xi32, #tpu.memory_space<hbm>> -> memref<1x1x1x128xi32, #tpu.memory_space<hbm>>
              %dma_start3A_339 = tpu.memref_squeeze %dma_start3A_338 : memref<1x1x1x128xi32, #tpu.memory_space<hbm>> -> memref<128xi32, #tpu.memory_space<hbm>>
              tpu.enqueue_dma source(%dma_start3A_339 : memref<128xi32, #tpu.memory_space<hbm>>) target(%dma_start3A_336 : memref<128xi32, #tpu.memory_space<vmem>>) target_semaphore(%run_scoped3A_327 : memref<!tpu.dma_semaphore, #tpu.memory_space<semaphore_mem>>)
              %dma_wait3A_340 = arith.constant 0 : i32
              %dma_wait3A_341 = tpu.memref_slice %arg8[%run_scoped3A_317, %dma_wait3A_340] : memref<2x128xi32, #tpu.memory_space<vmem>> -> memref<1x128xi32, #tpu.memory_space<vmem>>
              %dma_wait3A_342 = tpu.memref_squeeze %dma_wait3A_341 : memref<1x128xi32, #tpu.memory_space<vmem>> -> memref<128xi32, #tpu.memory_space<vmem>>
              %dma_wait3A_343 = arith.constant 0 : i32
              %dma_wait3A_344 = tpu.memref_slice %arg6[%run_scoped3A_315, %run_scoped3A_316, %add3A_314, %dma_wait3A_343] : memref<2x1x1250x128xi32, #tpu.memory_space<hbm>> -> memref<1x1x1x128xi32, #tpu.memory_space<hbm>>
              %dma_wait3A_345 = tpu.memref_squeeze %dma_wait3A_344 : memref<1x1x1x128xi32, #tpu.memory_space<hbm>> -> memref<128xi32, #tpu.memory_space<hbm>>
              %dma_wait3A_346 = arith.constant 0 : i32
              %dma_wait3A_347 = tpu.memref_slice %arg8[%run_scoped3A_317, %dma_wait3A_346] : memref<2x128xi32, #tpu.memory_space<vmem>> -> memref<1x128xi32, #tpu.memory_space<vmem>>
              %dma_wait3A_348 = tpu.memref_squeeze %dma_wait3A_347 : memref<1x128xi32, #tpu.memory_space<vmem>> -> memref<128xi32, #tpu.memory_space<vmem>>
              %dma_wait3A_349 = arith.constant 0 : i32
              %dma_wait3A_350 = tpu.memref_slice %arg6[%run_scoped3A_315, %run_scoped3A_316, %add3A_314, %dma_wait3A_349] : memref<2x1x1250x128xi32, #tpu.memory_space<hbm>> -> memref<1x1x1x128xi32, #tpu.memory_space<hbm>>
              %dma_wait3A_351 = tpu.memref_squeeze %dma_wait3A_350 : memref<1x1x1x128xi32, #tpu.memory_space<hbm>> -> memref<128xi32, #tpu.memory_space<hbm>>
              tpu.wait_dma2 semaphore(%run_scoped3A_327 : memref<!tpu.dma_semaphore, #tpu.memory_space<semaphore_mem>>) src(%dma_wait3A_351 : memref<128xi32, #tpu.memory_space<hbm>>) dst(%dma_wait3A_348 : memref<128xi32, #tpu.memory_space<vmem>>)
              tpu.yield
            }) : () -> ()
            %mul3A_318 = arith.constant 16 : i32
            %mul3A_319 = arith.muli %mul3A_318, %add3A_307 : i32
            %add3A_320 = arith.addi %arg1, %mul3A_319 : i32
            %mul3A_321 = arith.constant 128 : i32
            %mul3A_322 = arith.muli %add3A_320, %mul3A_321 : i32
            %dma_start3A_323 = arith.constant 0 : i32
            %dma_start3A_324 = tpu.memref_slice %arg4[%mul3A_322, %dma_start3A_323] : memref<160000x128xf32, #tpu.memory_space<hbm>> -> memref<128x128xf32, #tpu.memory_space<hbm>>
            %dma_start3A_325 = arith.constant 0 : i32
            %dma_start3A_326 = tpu.memref_slice %arg4[%mul3A_322, %dma_start3A_325] : memref<160000x128xf32, #tpu.memory_space<hbm>> -> memref<128x128xf32, #tpu.memory_space<hbm>>
            tpu.enqueue_dma source(%dma_start3A_326 : memref<128x128xf32, #tpu.memory_space<hbm>>) target(%arg10 : memref<128x128xf32, #tpu.memory_space<vmem>>) target_semaphore(%arg14 : memref<!tpu.dma_semaphore, #tpu.memory_space<semaphore_mem>>)
          } else {
          }
        } else {
        }
      }
      %scan3A_139 = arith.constant 40 : i32
      %barrier3A_140 = arith.constant 0 : index
      tpu.barrier barrier_id(%barrier3A_140)
      %mul3A_141 = arith.constant 625 : i32
      %mul3A_142 = arith.muli %arg1, %mul3A_141 : i32
      %mul3A_143 = arith.constant 625 : i32
      %mul3A_144 = arith.muli %arg1, %mul3A_143 : i32
      %run_scoped3A_145 = arith.constant 2 : i32
      "tpu.region"() ({
        %run_scoped3A_283 = tpu.sem_alloc : memref<!tpu.dma_semaphore, #tpu.memory_space<semaphore_mem>>
        %dma_start3A_284 = arith.constant 0 : i32
        %dma_start3A_285 = tpu.memref_slice %arg7[%mul3A_144, %run_scoped3A_145, %dma_start3A_284] : memref<10000x4x128xf32, #tpu.memory_space<hbm>> -> memref<625x1x128xf32, #tpu.memory_space<hbm>>
        %dma_start3A_286 = tpu.memref_squeeze %dma_start3A_285 : memref<625x1x128xf32, #tpu.memory_space<hbm>> -> memref<625x128xf32, #tpu.memory_space<hbm>>
        %dma_start3A_287 = arith.constant 0 : i32
        %dma_start3A_288 = tpu.memref_slice %arg12[%mul3A_142, %dma_start3A_287] : memref<10000x128xf32, #tpu.memory_space<vmem_shared>> -> memref<625x128xf32, #tpu.memory_space<vmem_shared>>
        tpu.enqueue_dma source(%dma_start3A_288 : memref<625x128xf32, #tpu.memory_space<vmem_shared>>) target(%dma_start3A_286 : memref<625x128xf32, #tpu.memory_space<hbm>>) target_semaphore(%run_scoped3A_283 : memref<!tpu.dma_semaphore, #tpu.memory_space<semaphore_mem>>)
        %dma_wait3A = arith.constant 0 : i32
        %dma_wait3A_289 = tpu.memref_slice %arg7[%mul3A_144, %run_scoped3A_145, %dma_wait3A] : memref<10000x4x128xf32, #tpu.memory_space<hbm>> -> memref<625x1x128xf32, #tpu.memory_space<hbm>>
        %dma_wait3A_290 = tpu.memref_squeeze %dma_wait3A_289 : memref<625x1x128xf32, #tpu.memory_space<hbm>> -> memref<625x128xf32, #tpu.memory_space<hbm>>
        %dma_wait3A_291 = arith.constant 0 : i32
        %dma_wait3A_292 = tpu.memref_slice %arg12[%mul3A_142, %dma_wait3A_291] : memref<10000x128xf32, #tpu.memory_space<vmem_shared>> -> memref<625x128xf32, #tpu.memory_space<vmem_shared>>
        tpu.wait_dma2 semaphore(%run_scoped3A_283 : memref<!tpu.dma_semaphore, #tpu.memory_space<semaphore_mem>>) src(%dma_wait3A_292 : memref<625x128xf32, #tpu.memory_space<vmem_shared>>) dst(%dma_wait3A_290 : memref<625x128xf32, #tpu.memory_space<hbm>>)
        tpu.yield
      }) : () -> ()
      %barrier3A_146 = arith.constant 0 : index
      tpu.barrier barrier_id(%barrier3A_146)
      %mul3A_147 = arith.constant 625 : i32
      %mul3A_148 = arith.muli %arg1, %mul3A_147 : i32
      %add3A_149 = arith.constant 0 : i32
      %add3A_150 = arith.addi %mul3A_148, %add3A_149 : i32
      "tpu.region"() ({
        %run_scoped3A_283 = tpu.sem_alloc : memref<!tpu.dma_semaphore, #tpu.memory_space<semaphore_mem>>
        %dma_start3A_284 = arith.constant 0 : i32
        %dma_start3A_285 = tpu.memref_slice %arg12[%add3A_150, %dma_start3A_284] : memref<10000x128xf32, #tpu.memory_space<vmem_shared>> -> memref<25x128xf32, #tpu.memory_space<vmem_shared>>
        %dma_start3A_286 = arith.constant 0 : i32
        %dma_start3A_287 = tpu.memref_slice %arg12[%add3A_150, %dma_start3A_286] : memref<10000x128xf32, #tpu.memory_space<vmem_shared>> -> memref<25x128xf32, #tpu.memory_space<vmem_shared>>
        tpu.enqueue_dma source(%arg11 : memref<25x128xf32, #tpu.memory_space<vmem>>) target(%dma_start3A_287 : memref<25x128xf32, #tpu.memory_space<vmem_shared>>) target_semaphore(%run_scoped3A_283 : memref<!tpu.dma_semaphore, #tpu.memory_space<semaphore_mem>>)
        %dma_wait3A = arith.constant 0 : i32
        %dma_wait3A_288 = tpu.memref_slice %arg12[%add3A_150, %dma_wait3A] : memref<10000x128xf32, #tpu.memory_space<vmem_shared>> -> memref<25x128xf32, #tpu.memory_space<vmem_shared>>
        %dma_wait3A_289 = arith.constant 0 : i32
        %dma_wait3A_290 = tpu.memref_slice %arg12[%add3A_150, %dma_wait3A_289] : memref<10000x128xf32, #tpu.memory_space<vmem_shared>> -> memref<25x128xf32, #tpu.memory_space<vmem_shared>>
        tpu.wait_dma2 semaphore(%run_scoped3A_283 : memref<!tpu.dma_semaphore, #tpu.memory_space<semaphore_mem>>) src(%arg11 : memref<25x128xf32, #tpu.memory_space<vmem>>) dst(%dma_wait3A_290 : memref<25x128xf32, #tpu.memory_space<vmem_shared>>)
        tpu.yield
      }) : () -> ()
      %mul3A_151 = arith.constant 625 : i32
      %mul3A_152 = arith.muli %arg1, %mul3A_151 : i32
      %add3A_153 = arith.constant 25 : i32
      %add3A_154 = arith.addi %mul3A_152, %add3A_153 : i32
      "tpu.region"() ({
        %run_scoped3A_283 = tpu.sem_alloc : memref<!tpu.dma_semaphore, #tpu.memory_space<semaphore_mem>>
        %dma_start3A_284 = arith.constant 0 : i32
        %dma_start3A_285 = tpu.memref_slice %arg12[%add3A_154, %dma_start3A_284] : memref<10000x128xf32, #tpu.memory_space<vmem_shared>> -> memref<25x128xf32, #tpu.memory_space<vmem_shared>>
        %dma_start3A_286 = arith.constant 0 : i32
        %dma_start3A_287 = tpu.memref_slice %arg12[%add3A_154, %dma_start3A_286] : memref<10000x128xf32, #tpu.memory_space<vmem_shared>> -> memref<25x128xf32, #tpu.memory_space<vmem_shared>>
        tpu.enqueue_dma source(%arg11 : memref<25x128xf32, #tpu.memory_space<vmem>>) target(%dma_start3A_287 : memref<25x128xf32, #tpu.memory_space<vmem_shared>>) target_semaphore(%run_scoped3A_283 : memref<!tpu.dma_semaphore, #tpu.memory_space<semaphore_mem>>)
        %dma_wait3A = arith.constant 0 : i32
        %dma_wait3A_288 = tpu.memref_slice %arg12[%add3A_154, %dma_wait3A] : memref<10000x128xf32, #tpu.memory_space<vmem_shared>> -> memref<25x128xf32, #tpu.memory_space<vmem_shared>>
        %dma_wait3A_289 = arith.constant 0 : i32
        %dma_wait3A_290 = tpu.memref_slice %arg12[%add3A_154, %dma_wait3A_289] : memref<10000x128xf32, #tpu.memory_space<vmem_shared>> -> memref<25x128xf32, #tpu.memory_space<vmem_shared>>
        tpu.wait_dma2 semaphore(%run_scoped3A_283 : memref<!tpu.dma_semaphore, #tpu.memory_space<semaphore_mem>>) src(%arg11 : memref<25x128xf32, #tpu.memory_space<vmem>>) dst(%dma_wait3A_290 : memref<25x128xf32, #tpu.memory_space<vmem_shared>>)
        tpu.yield
      }) : () -> ()
      %mul3A_155 = arith.constant 625 : i32
      %mul3A_156 = arith.muli %arg1, %mul3A_155 : i32
      %add3A_157 = arith.constant 50 : i32
      %add3A_158 = arith.addi %mul3A_156, %add3A_157 : i32
      "tpu.region"() ({
        %run_scoped3A_283 = tpu.sem_alloc : memref<!tpu.dma_semaphore, #tpu.memory_space<semaphore_mem>>
        %dma_start3A_284 = arith.constant 0 : i32
        %dma_start3A_285 = tpu.memref_slice %arg12[%add3A_158, %dma_start3A_284] : memref<10000x128xf32, #tpu.memory_space<vmem_shared>> -> memref<25x128xf32, #tpu.memory_space<vmem_shared>>
        %dma_start3A_286 = arith.constant 0 : i32
        %dma_start3A_287 = tpu.memref_slice %arg12[%add3A_158, %dma_start3A_286] : memref<10000x128xf32, #tpu.memory_space<vmem_shared>> -> memref<25x128xf32, #tpu.memory_space<vmem_shared>>
        tpu.enqueue_dma source(%arg11 : memref<25x128xf32, #tpu.memory_space<vmem>>) target(%dma_start3A_287 : memref<25x128xf32, #tpu.memory_space<vmem_shared>>) target_semaphore(%run_scoped3A_283 : memref<!tpu.dma_semaphore, #tpu.memory_space<semaphore_mem>>)
        %dma_wait3A = arith.constant 0 : i32
        %dma_wait3A_288 = tpu.memref_slice %arg12[%add3A_158, %dma_wait3A] : memref<10000x128xf32, #tpu.memory_space<vmem_shared>> -> memref<25x128xf32, #tpu.memory_space<vmem_shared>>
        %dma_wait3A_289 = arith.constant 0 : i32
        %dma_wait3A_290 = tpu.memref_slice %arg12[%add3A_158, %dma_wait3A_289] : memref<10000x128xf32, #tpu.memory_space<vmem_shared>> -> memref<25x128xf32, #tpu.memory_space<vmem_shared>>
        tpu.wait_dma2 semaphore(%run_scoped3A_283 : memref<!tpu.dma_semaphore, #tpu.memory_space<semaphore_mem>>) src(%arg11 : memref<25x128xf32, #tpu.memory_space<vmem>>) dst(%dma_wait3A_290 : memref<25x128xf32, #tpu.memory_space<vmem_shared>>)
        tpu.yield
      }) : () -> ()
      %mul3A_159 = arith.constant 625 : i32
      %mul3A_160 = arith.muli %arg1, %mul3A_159 : i32
      %add3A_161 = arith.constant 75 : i32
      %add3A_162 = arith.addi %mul3A_160, %add3A_161 : i32
      "tpu.region"() ({
        %run_scoped3A_283 = tpu.sem_alloc : memref<!tpu.dma_semaphore, #tpu.memory_space<semaphore_mem>>
        %dma_start3A_284 = arith.constant 0 : i32
        %dma_start3A_285 = tpu.memref_slice %arg12[%add3A_162, %dma_start3A_284] : memref<10000x128xf32, #tpu.memory_space<vmem_shared>> -> memref<25x128xf32, #tpu.memory_space<vmem_shared>>
        %dma_start3A_286 = arith.constant 0 : i32
        %dma_start3A_287 = tpu.memref_slice %arg12[%add3A_162, %dma_start3A_286] : memref<10000x128xf32, #tpu.memory_space<vmem_shared>> -> memref<25x128xf32, #tpu.memory_space<vmem_shared>>
        tpu.enqueue_dma source(%arg11 : memref<25x128xf32, #tpu.memory_space<vmem>>) target(%dma_start3A_287 : memref<25x128xf32, #tpu.memory_space<vmem_shared>>) target_semaphore(%run_scoped3A_283 : memref<!tpu.dma_semaphore, #tpu.memory_space<semaphore_mem>>)
        %dma_wait3A = arith.constant 0 : i32
        %dma_wait3A_288 = tpu.memref_slice %arg12[%add3A_162, %dma_wait3A] : memref<10000x128xf32, #tpu.memory_space<vmem_shared>> -> memref<25x128xf32, #tpu.memory_space<vmem_shared>>
        %dma_wait3A_289 = arith.constant 0 : i32
        %dma_wait3A_290 = tpu.memref_slice %arg12[%add3A_162, %dma_wait3A_289] : memref<10000x128xf32, #tpu.memory_space<vmem_shared>> -> memref<25x128xf32, #tpu.memory_space<vmem_shared>>
        tpu.wait_dma2 semaphore(%run_scoped3A_283 : memref<!tpu.dma_semaphore, #tpu.memory_space<semaphore_mem>>) src(%arg11 : memref<25x128xf32, #tpu.memory_space<vmem>>) dst(%dma_wait3A_290 : memref<25x128xf32, #tpu.memory_space<vmem_shared>>)
        tpu.yield
      }) : () -> ()
      %mul3A_163 = arith.constant 625 : i32
      %mul3A_164 = arith.muli %arg1, %mul3A_163 : i32
      %add3A_165 = arith.constant 100 : i32
      %add3A_166 = arith.addi %mul3A_164, %add3A_165 : i32
      "tpu.region"() ({
        %run_scoped3A_283 = tpu.sem_alloc : memref<!tpu.dma_semaphore, #tpu.memory_space<semaphore_mem>>
        %dma_start3A_284 = arith.constant 0 : i32
        %dma_start3A_285 = tpu.memref_slice %arg12[%add3A_166, %dma_start3A_284] : memref<10000x128xf32, #tpu.memory_space<vmem_shared>> -> memref<25x128xf32, #tpu.memory_space<vmem_shared>>
        %dma_start3A_286 = arith.constant 0 : i32
        %dma_start3A_287 = tpu.memref_slice %arg12[%add3A_166, %dma_start3A_286] : memref<10000x128xf32, #tpu.memory_space<vmem_shared>> -> memref<25x128xf32, #tpu.memory_space<vmem_shared>>
        tpu.enqueue_dma source(%arg11 : memref<25x128xf32, #tpu.memory_space<vmem>>) target(%dma_start3A_287 : memref<25x128xf32, #tpu.memory_space<vmem_shared>>) target_semaphore(%run_scoped3A_283 : memref<!tpu.dma_semaphore, #tpu.memory_space<semaphore_mem>>)
        %dma_wait3A = arith.constant 0 : i32
        %dma_wait3A_288 = tpu.memref_slice %arg12[%add3A_166, %dma_wait3A] : memref<10000x128xf32, #tpu.memory_space<vmem_shared>> -> memref<25x128xf32, #tpu.memory_space<vmem_shared>>
        %dma_wait3A_289 = arith.constant 0 : i32
        %dma_wait3A_290 = tpu.memref_slice %arg12[%add3A_166, %dma_wait3A_289] : memref<10000x128xf32, #tpu.memory_space<vmem_shared>> -> memref<25x128xf32, #tpu.memory_space<vmem_shared>>
        tpu.wait_dma2 semaphore(%run_scoped3A_283 : memref<!tpu.dma_semaphore, #tpu.memory_space<semaphore_mem>>) src(%arg11 : memref<25x128xf32, #tpu.memory_space<vmem>>) dst(%dma_wait3A_290 : memref<25x128xf32, #tpu.memory_space<vmem_shared>>)
        tpu.yield
      }) : () -> ()
      %mul3A_167 = arith.constant 625 : i32
      %mul3A_168 = arith.muli %arg1, %mul3A_167 : i32
      %add3A_169 = arith.constant 125 : i32
      %add3A_170 = arith.addi %mul3A_168, %add3A_169 : i32
      "tpu.region"() ({
        %run_scoped3A_283 = tpu.sem_alloc : memref<!tpu.dma_semaphore, #tpu.memory_space<semaphore_mem>>
        %dma_start3A_284 = arith.constant 0 : i32
        %dma_start3A_285 = tpu.memref_slice %arg12[%add3A_170, %dma_start3A_284] : memref<10000x128xf32, #tpu.memory_space<vmem_shared>> -> memref<25x128xf32, #tpu.memory_space<vmem_shared>>
        %dma_start3A_286 = arith.constant 0 : i32
        %dma_start3A_287 = tpu.memref_slice %arg12[%add3A_170, %dma_start3A_286] : memref<10000x128xf32, #tpu.memory_space<vmem_shared>> -> memref<25x128xf32, #tpu.memory_space<vmem_shared>>
        tpu.enqueue_dma source(%arg11 : memref<25x128xf32, #tpu.memory_space<vmem>>) target(%dma_start3A_287 : memref<25x128xf32, #tpu.memory_space<vmem_shared>>) target_semaphore(%run_scoped3A_283 : memref<!tpu.dma_semaphore, #tpu.memory_space<semaphore_mem>>)
        %dma_wait3A = arith.constant 0 : i32
        %dma_wait3A_288 = tpu.memref_slice %arg12[%add3A_170, %dma_wait3A] : memref<10000x128xf32, #tpu.memory_space<vmem_shared>> -> memref<25x128xf32, #tpu.memory_space<vmem_shared>>
        %dma_wait3A_289 = arith.constant 0 : i32
        %dma_wait3A_290 = tpu.memref_slice %arg12[%add3A_170, %dma_wait3A_289] : memref<10000x128xf32, #tpu.memory_space<vmem_shared>> -> memref<25x128xf32, #tpu.memory_space<vmem_shared>>
        tpu.wait_dma2 semaphore(%run_scoped3A_283 : memref<!tpu.dma_semaphore, #tpu.memory_space<semaphore_mem>>) src(%arg11 : memref<25x128xf32, #tpu.memory_space<vmem>>) dst(%dma_wait3A_290 : memref<25x128xf32, #tpu.memory_space<vmem_shared>>)
        tpu.yield
      }) : () -> ()
      %mul3A_171 = arith.constant 625 : i32
      %mul3A_172 = arith.muli %arg1, %mul3A_171 : i32
      %add3A_173 = arith.constant 150 : i32
      %add3A_174 = arith.addi %mul3A_172, %add3A_173 : i32
      "tpu.region"() ({
        %run_scoped3A_283 = tpu.sem_alloc : memref<!tpu.dma_semaphore, #tpu.memory_space<semaphore_mem>>
        %dma_start3A_284 = arith.constant 0 : i32
        %dma_start3A_285 = tpu.memref_slice %arg12[%add3A_174, %dma_start3A_284] : memref<10000x128xf32, #tpu.memory_space<vmem_shared>> -> memref<25x128xf32, #tpu.memory_space<vmem_shared>>
        %dma_start3A_286 = arith.constant 0 : i32
        %dma_start3A_287 = tpu.memref_slice %arg12[%add3A_174, %dma_start3A_286] : memref<10000x128xf32, #tpu.memory_space<vmem_shared>> -> memref<25x128xf32, #tpu.memory_space<vmem_shared>>
        tpu.enqueue_dma source(%arg11 : memref<25x128xf32, #tpu.memory_space<vmem>>) target(%dma_start3A_287 : memref<25x128xf32, #tpu.memory_space<vmem_shared>>) target_semaphore(%run_scoped3A_283 : memref<!tpu.dma_semaphore, #tpu.memory_space<semaphore_mem>>)
        %dma_wait3A = arith.constant 0 : i32
        %dma_wait3A_288 = tpu.memref_slice %arg12[%add3A_174, %dma_wait3A] : memref<10000x128xf32, #tpu.memory_space<vmem_shared>> -> memref<25x128xf32, #tpu.memory_space<vmem_shared>>
        %dma_wait3A_289 = arith.constant 0 : i32
        %dma_wait3A_290 = tpu.memref_slice %arg12[%add3A_174, %dma_wait3A_289] : memref<10000x128xf32, #tpu.memory_space<vmem_shared>> -> memref<25x128xf32, #tpu.memory_space<vmem_shared>>
        tpu.wait_dma2 semaphore(%run_scoped3A_283 : memref<!tpu.dma_semaphore, #tpu.memory_space<semaphore_mem>>) src(%arg11 : memref<25x128xf32, #tpu.memory_space<vmem>>) dst(%dma_wait3A_290 : memref<25x128xf32, #tpu.memory_space<vmem_shared>>)
        tpu.yield
      }) : () -> ()
      %mul3A_175 = arith.constant 625 : i32
      %mul3A_176 = arith.muli %arg1, %mul3A_175 : i32
      %add3A_177 = arith.constant 175 : i32
      %add3A_178 = arith.addi %mul3A_176, %add3A_177 : i32
      "tpu.region"() ({
        %run_scoped3A_283 = tpu.sem_alloc : memref<!tpu.dma_semaphore, #tpu.memory_space<semaphore_mem>>
        %dma_start3A_284 = arith.constant 0 : i32
        %dma_start3A_285 = tpu.memref_slice %arg12[%add3A_178, %dma_start3A_284] : memref<10000x128xf32, #tpu.memory_space<vmem_shared>> -> memref<25x128xf32, #tpu.memory_space<vmem_shared>>
        %dma_start3A_286 = arith.constant 0 : i32
        %dma_start3A_287 = tpu.memref_slice %arg12[%add3A_178, %dma_start3A_286] : memref<10000x128xf32, #tpu.memory_space<vmem_shared>> -> memref<25x128xf32, #tpu.memory_space<vmem_shared>>
        tpu.enqueue_dma source(%arg11 : memref<25x128xf32, #tpu.memory_space<vmem>>) target(%dma_start3A_287 : memref<25x128xf32, #tpu.memory_space<vmem_shared>>) target_semaphore(%run_scoped3A_283 : memref<!tpu.dma_semaphore, #tpu.memory_space<semaphore_mem>>)
        %dma_wait3A = arith.constant 0 : i32
        %dma_wait3A_288 = tpu.memref_slice %arg12[%add3A_178, %dma_wait3A] : memref<10000x128xf32, #tpu.memory_space<vmem_shared>> -> memref<25x128xf32, #tpu.memory_space<vmem_shared>>
        %dma_wait3A_289 = arith.constant 0 : i32
        %dma_wait3A_290 = tpu.memref_slice %arg12[%add3A_178, %dma_wait3A_289] : memref<10000x128xf32, #tpu.memory_space<vmem_shared>> -> memref<25x128xf32, #tpu.memory_space<vmem_shared>>
        tpu.wait_dma2 semaphore(%run_scoped3A_283 : memref<!tpu.dma_semaphore, #tpu.memory_space<semaphore_mem>>) src(%arg11 : memref<25x128xf32, #tpu.memory_space<vmem>>) dst(%dma_wait3A_290 : memref<25x128xf32, #tpu.memory_space<vmem_shared>>)
        tpu.yield
      }) : () -> ()
      %mul3A_179 = arith.constant 625 : i32
      %mul3A_180 = arith.muli %arg1, %mul3A_179 : i32
      %add3A_181 = arith.constant 200 : i32
      %add3A_182 = arith.addi %mul3A_180, %add3A_181 : i32
      "tpu.region"() ({
        %run_scoped3A_283 = tpu.sem_alloc : memref<!tpu.dma_semaphore, #tpu.memory_space<semaphore_mem>>
        %dma_start3A_284 = arith.constant 0 : i32
        %dma_start3A_285 = tpu.memref_slice %arg12[%add3A_182, %dma_start3A_284] : memref<10000x128xf32, #tpu.memory_space<vmem_shared>> -> memref<25x128xf32, #tpu.memory_space<vmem_shared>>
        %dma_start3A_286 = arith.constant 0 : i32
        %dma_start3A_287 = tpu.memref_slice %arg12[%add3A_182, %dma_start3A_286] : memref<10000x128xf32, #tpu.memory_space<vmem_shared>> -> memref<25x128xf32, #tpu.memory_space<vmem_shared>>
        tpu.enqueue_dma source(%arg11 : memref<25x128xf32, #tpu.memory_space<vmem>>) target(%dma_start3A_287 : memref<25x128xf32, #tpu.memory_space<vmem_shared>>) target_semaphore(%run_scoped3A_283 : memref<!tpu.dma_semaphore, #tpu.memory_space<semaphore_mem>>)
        %dma_wait3A = arith.constant 0 : i32
        %dma_wait3A_288 = tpu.memref_slice %arg12[%add3A_182, %dma_wait3A] : memref<10000x128xf32, #tpu.memory_space<vmem_shared>> -> memref<25x128xf32, #tpu.memory_space<vmem_shared>>
        %dma_wait3A_289 = arith.constant 0 : i32
        %dma_wait3A_290 = tpu.memref_slice %arg12[%add3A_182, %dma_wait3A_289] : memref<10000x128xf32, #tpu.memory_space<vmem_shared>> -> memref<25x128xf32, #tpu.memory_space<vmem_shared>>
        tpu.wait_dma2 semaphore(%run_scoped3A_283 : memref<!tpu.dma_semaphore, #tpu.memory_space<semaphore_mem>>) src(%arg11 : memref<25x128xf32, #tpu.memory_space<vmem>>) dst(%dma_wait3A_290 : memref<25x128xf32, #tpu.memory_space<vmem_shared>>)
        tpu.yield
      }) : () -> ()
      %mul3A_183 = arith.constant 625 : i32
      %mul3A_184 = arith.muli %arg1, %mul3A_183 : i32
      %add3A_185 = arith.constant 225 : i32
      %add3A_186 = arith.addi %mul3A_184, %add3A_185 : i32
      "tpu.region"() ({
        %run_scoped3A_283 = tpu.sem_alloc : memref<!tpu.dma_semaphore, #tpu.memory_space<semaphore_mem>>
        %dma_start3A_284 = arith.constant 0 : i32
        %dma_start3A_285 = tpu.memref_slice %arg12[%add3A_186, %dma_start3A_284] : memref<10000x128xf32, #tpu.memory_space<vmem_shared>> -> memref<25x128xf32, #tpu.memory_space<vmem_shared>>
        %dma_start3A_286 = arith.constant 0 : i32
        %dma_start3A_287 = tpu.memref_slice %arg12[%add3A_186, %dma_start3A_286] : memref<10000x128xf32, #tpu.memory_space<vmem_shared>> -> memref<25x128xf32, #tpu.memory_space<vmem_shared>>
        tpu.enqueue_dma source(%arg11 : memref<25x128xf32, #tpu.memory_space<vmem>>) target(%dma_start3A_287 : memref<25x128xf32, #tpu.memory_space<vmem_shared>>) target_semaphore(%run_scoped3A_283 : memref<!tpu.dma_semaphore, #tpu.memory_space<semaphore_mem>>)
        %dma_wait3A = arith.constant 0 : i32
        %dma_wait3A_288 = tpu.memref_slice %arg12[%add3A_186, %dma_wait3A] : memref<10000x128xf32, #tpu.memory_space<vmem_shared>> -> memref<25x128xf32, #tpu.memory_space<vmem_shared>>
        %dma_wait3A_289 = arith.constant 0 : i32
        %dma_wait3A_290 = tpu.memref_slice %arg12[%add3A_186, %dma_wait3A_289] : memref<10000x128xf32, #tpu.memory_space<vmem_shared>> -> memref<25x128xf32, #tpu.memory_space<vmem_shared>>
        tpu.wait_dma2 semaphore(%run_scoped3A_283 : memref<!tpu.dma_semaphore, #tpu.memory_space<semaphore_mem>>) src(%arg11 : memref<25x128xf32, #tpu.memory_space<vmem>>) dst(%dma_wait3A_290 : memref<25x128xf32, #tpu.memory_space<vmem_shared>>)
        tpu.yield
      }) : () -> ()
      %mul3A_187 = arith.constant 625 : i32
      %mul3A_188 = arith.muli %arg1, %mul3A_187 : i32
      %add3A_189 = arith.constant 250 : i32
      %add3A_190 = arith.addi %mul3A_188, %add3A_189 : i32
      "tpu.region"() ({
        %run_scoped3A_283 = tpu.sem_alloc : memref<!tpu.dma_semaphore, #tpu.memory_space<semaphore_mem>>
        %dma_start3A_284 = arith.constant 0 : i32
        %dma_start3A_285 = tpu.memref_slice %arg12[%add3A_190, %dma_start3A_284] : memref<10000x128xf32, #tpu.memory_space<vmem_shared>> -> memref<25x128xf32, #tpu.memory_space<vmem_shared>>
        %dma_start3A_286 = arith.constant 0 : i32
        %dma_start3A_287 = tpu.memref_slice %arg12[%add3A_190, %dma_start3A_286] : memref<10000x128xf32, #tpu.memory_space<vmem_shared>> -> memref<25x128xf32, #tpu.memory_space<vmem_shared>>
        tpu.enqueue_dma source(%arg11 : memref<25x128xf32, #tpu.memory_space<vmem>>) target(%dma_start3A_287 : memref<25x128xf32, #tpu.memory_space<vmem_shared>>) target_semaphore(%run_scoped3A_283 : memref<!tpu.dma_semaphore, #tpu.memory_space<semaphore_mem>>)
        %dma_wait3A = arith.constant 0 : i32
        %dma_wait3A_288 = tpu.memref_slice %arg12[%add3A_190, %dma_wait3A] : memref<10000x128xf32, #tpu.memory_space<vmem_shared>> -> memref<25x128xf32, #tpu.memory_space<vmem_shared>>
        %dma_wait3A_289 = arith.constant 0 : i32
        %dma_wait3A_290 = tpu.memref_slice %arg12[%add3A_190, %dma_wait3A_289] : memref<10000x128xf32, #tpu.memory_space<vmem_shared>> -> memref<25x128xf32, #tpu.memory_space<vmem_shared>>
        tpu.wait_dma2 semaphore(%run_scoped3A_283 : memref<!tpu.dma_semaphore, #tpu.memory_space<semaphore_mem>>) src(%arg11 : memref<25x128xf32, #tpu.memory_space<vmem>>) dst(%dma_wait3A_290 : memref<25x128xf32, #tpu.memory_space<vmem_shared>>)
        tpu.yield
      }) : () -> ()
      %mul3A_191 = arith.constant 625 : i32
      %mul3A_192 = arith.muli %arg1, %mul3A_191 : i32
      %add3A_193 = arith.constant 275 : i32
      %add3A_194 = arith.addi %mul3A_192, %add3A_193 : i32
      "tpu.region"() ({
        %run_scoped3A_283 = tpu.sem_alloc : memref<!tpu.dma_semaphore, #tpu.memory_space<semaphore_mem>>
        %dma_start3A_284 = arith.constant 0 : i32
        %dma_start3A_285 = tpu.memref_slice %arg12[%add3A_194, %dma_start3A_284] : memref<10000x128xf32, #tpu.memory_space<vmem_shared>> -> memref<25x128xf32, #tpu.memory_space<vmem_shared>>
        %dma_start3A_286 = arith.constant 0 : i32
        %dma_start3A_287 = tpu.memref_slice %arg12[%add3A_194, %dma_start3A_286] : memref<10000x128xf32, #tpu.memory_space<vmem_shared>> -> memref<25x128xf32, #tpu.memory_space<vmem_shared>>
        tpu.enqueue_dma source(%arg11 : memref<25x128xf32, #tpu.memory_space<vmem>>) target(%dma_start3A_287 : memref<25x128xf32, #tpu.memory_space<vmem_shared>>) target_semaphore(%run_scoped3A_283 : memref<!tpu.dma_semaphore, #tpu.memory_space<semaphore_mem>>)
        %dma_wait3A = arith.constant 0 : i32
        %dma_wait3A_288 = tpu.memref_slice %arg12[%add3A_194, %dma_wait3A] : memref<10000x128xf32, #tpu.memory_space<vmem_shared>> -> memref<25x128xf32, #tpu.memory_space<vmem_shared>>
        %dma_wait3A_289 = arith.constant 0 : i32
        %dma_wait3A_290 = tpu.memref_slice %arg12[%add3A_194, %dma_wait3A_289] : memref<10000x128xf32, #tpu.memory_space<vmem_shared>> -> memref<25x128xf32, #tpu.memory_space<vmem_shared>>
        tpu.wait_dma2 semaphore(%run_scoped3A_283 : memref<!tpu.dma_semaphore, #tpu.memory_space<semaphore_mem>>) src(%arg11 : memref<25x128xf32, #tpu.memory_space<vmem>>) dst(%dma_wait3A_290 : memref<25x128xf32, #tpu.memory_space<vmem_shared>>)
        tpu.yield
      }) : () -> ()
      %mul3A_195 = arith.constant 625 : i32
      %mul3A_196 = arith.muli %arg1, %mul3A_195 : i32
      %add3A_197 = arith.constant 300 : i32
      %add3A_198 = arith.addi %mul3A_196, %add3A_197 : i32
      "tpu.region"() ({
        %run_scoped3A_283 = tpu.sem_alloc : memref<!tpu.dma_semaphore, #tpu.memory_space<semaphore_mem>>
        %dma_start3A_284 = arith.constant 0 : i32
        %dma_start3A_285 = tpu.memref_slice %arg12[%add3A_198, %dma_start3A_284] : memref<10000x128xf32, #tpu.memory_space<vmem_shared>> -> memref<25x128xf32, #tpu.memory_space<vmem_shared>>
        %dma_start3A_286 = arith.constant 0 : i32
        %dma_start3A_287 = tpu.memref_slice %arg12[%add3A_198, %dma_start3A_286] : memref<10000x128xf32, #tpu.memory_space<vmem_shared>> -> memref<25x128xf32, #tpu.memory_space<vmem_shared>>
        tpu.enqueue_dma source(%arg11 : memref<25x128xf32, #tpu.memory_space<vmem>>) target(%dma_start3A_287 : memref<25x128xf32, #tpu.memory_space<vmem_shared>>) target_semaphore(%run_scoped3A_283 : memref<!tpu.dma_semaphore, #tpu.memory_space<semaphore_mem>>)
        %dma_wait3A = arith.constant 0 : i32
        %dma_wait3A_288 = tpu.memref_slice %arg12[%add3A_198, %dma_wait3A] : memref<10000x128xf32, #tpu.memory_space<vmem_shared>> -> memref<25x128xf32, #tpu.memory_space<vmem_shared>>
        %dma_wait3A_289 = arith.constant 0 : i32
        %dma_wait3A_290 = tpu.memref_slice %arg12[%add3A_198, %dma_wait3A_289] : memref<10000x128xf32, #tpu.memory_space<vmem_shared>> -> memref<25x128xf32, #tpu.memory_space<vmem_shared>>
        tpu.wait_dma2 semaphore(%run_scoped3A_283 : memref<!tpu.dma_semaphore, #tpu.memory_space<semaphore_mem>>) src(%arg11 : memref<25x128xf32, #tpu.memory_space<vmem>>) dst(%dma_wait3A_290 : memref<25x128xf32, #tpu.memory_space<vmem_shared>>)
        tpu.yield
      }) : () -> ()
      %mul3A_199 = arith.constant 625 : i32
      %mul3A_200 = arith.muli %arg1, %mul3A_199 : i32
      %add3A_201 = arith.constant 325 : i32
      %add3A_202 = arith.addi %mul3A_200, %add3A_201 : i32
      "tpu.region"() ({
        %run_scoped3A_283 = tpu.sem_alloc : memref<!tpu.dma_semaphore, #tpu.memory_space<semaphore_mem>>
        %dma_start3A_284 = arith.constant 0 : i32
        %dma_start3A_285 = tpu.memref_slice %arg12[%add3A_202, %dma_start3A_284] : memref<10000x128xf32, #tpu.memory_space<vmem_shared>> -> memref<25x128xf32, #tpu.memory_space<vmem_shared>>
        %dma_start3A_286 = arith.constant 0 : i32
        %dma_start3A_287 = tpu.memref_slice %arg12[%add3A_202, %dma_start3A_286] : memref<10000x128xf32, #tpu.memory_space<vmem_shared>> -> memref<25x128xf32, #tpu.memory_space<vmem_shared>>
        tpu.enqueue_dma source(%arg11 : memref<25x128xf32, #tpu.memory_space<vmem>>) target(%dma_start3A_287 : memref<25x128xf32, #tpu.memory_space<vmem_shared>>) target_semaphore(%run_scoped3A_283 : memref<!tpu.dma_semaphore, #tpu.memory_space<semaphore_mem>>)
        %dma_wait3A = arith.constant 0 : i32
        %dma_wait3A_288 = tpu.memref_slice %arg12[%add3A_202, %dma_wait3A] : memref<10000x128xf32, #tpu.memory_space<vmem_shared>> -> memref<25x128xf32, #tpu.memory_space<vmem_shared>>
        %dma_wait3A_289 = arith.constant 0 : i32
        %dma_wait3A_290 = tpu.memref_slice %arg12[%add3A_202, %dma_wait3A_289] : memref<10000x128xf32, #tpu.memory_space<vmem_shared>> -> memref<25x128xf32, #tpu.memory_space<vmem_shared>>
        tpu.wait_dma2 semaphore(%run_scoped3A_283 : memref<!tpu.dma_semaphore, #tpu.memory_space<semaphore_mem>>) src(%arg11 : memref<25x128xf32, #tpu.memory_space<vmem>>) dst(%dma_wait3A_290 : memref<25x128xf32, #tpu.memory_space<vmem_shared>>)
        tpu.yield
      }) : () -> ()
      %mul3A_203 = arith.constant 625 : i32
      %mul3A_204 = arith.muli %arg1, %mul3A_203 : i32
      %add3A_205 = arith.constant 350 : i32
      %add3A_206 = arith.addi %mul3A_204, %add3A_205 : i32
      "tpu.region"() ({
        %run_scoped3A_283 = tpu.sem_alloc : memref<!tpu.dma_semaphore, #tpu.memory_space<semaphore_mem>>
        %dma_start3A_284 = arith.constant 0 : i32
        %dma_start3A_285 = tpu.memref_slice %arg12[%add3A_206, %dma_start3A_284] : memref<10000x128xf32, #tpu.memory_space<vmem_shared>> -> memref<25x128xf32, #tpu.memory_space<vmem_shared>>
        %dma_start3A_286 = arith.constant 0 : i32
        %dma_start3A_287 = tpu.memref_slice %arg12[%add3A_206, %dma_start3A_286] : memref<10000x128xf32, #tpu.memory_space<vmem_shared>> -> memref<25x128xf32, #tpu.memory_space<vmem_shared>>
        tpu.enqueue_dma source(%arg11 : memref<25x128xf32, #tpu.memory_space<vmem>>) target(%dma_start3A_287 : memref<25x128xf32, #tpu.memory_space<vmem_shared>>) target_semaphore(%run_scoped3A_283 : memref<!tpu.dma_semaphore, #tpu.memory_space<semaphore_mem>>)
        %dma_wait3A = arith.constant 0 : i32
        %dma_wait3A_288 = tpu.memref_slice %arg12[%add3A_206, %dma_wait3A] : memref<10000x128xf32, #tpu.memory_space<vmem_shared>> -> memref<25x128xf32, #tpu.memory_space<vmem_shared>>
        %dma_wait3A_289 = arith.constant 0 : i32
        %dma_wait3A_290 = tpu.memref_slice %arg12[%add3A_206, %dma_wait3A_289] : memref<10000x128xf32, #tpu.memory_space<vmem_shared>> -> memref<25x128xf32, #tpu.memory_space<vmem_shared>>
        tpu.wait_dma2 semaphore(%run_scoped3A_283 : memref<!tpu.dma_semaphore, #tpu.memory_space<semaphore_mem>>) src(%arg11 : memref<25x128xf32, #tpu.memory_space<vmem>>) dst(%dma_wait3A_290 : memref<25x128xf32, #tpu.memory_space<vmem_shared>>)
        tpu.yield
      }) : () -> ()
      %mul3A_207 = arith.constant 625 : i32
      %mul3A_208 = arith.muli %arg1, %mul3A_207 : i32
      %add3A_209 = arith.constant 375 : i32
      %add3A_210 = arith.addi %mul3A_208, %add3A_209 : i32
      "tpu.region"() ({
        %run_scoped3A_283 = tpu.sem_alloc : memref<!tpu.dma_semaphore, #tpu.memory_space<semaphore_mem>>
        %dma_start3A_284 = arith.constant 0 : i32
        %dma_start3A_285 = tpu.memref_slice %arg12[%add3A_210, %dma_start3A_284] : memref<10000x128xf32, #tpu.memory_space<vmem_shared>> -> memref<25x128xf32, #tpu.memory_space<vmem_shared>>
        %dma_start3A_286 = arith.constant 0 : i32
        %dma_start3A_287 = tpu.memref_slice %arg12[%add3A_210, %dma_start3A_286] : memref<10000x128xf32, #tpu.memory_space<vmem_shared>> -> memref<25x128xf32, #tpu.memory_space<vmem_shared>>
        tpu.enqueue_dma source(%arg11 : memref<25x128xf32, #tpu.memory_space<vmem>>) target(%dma_start3A_287 : memref<25x128xf32, #tpu.memory_space<vmem_shared>>) target_semaphore(%run_scoped3A_283 : memref<!tpu.dma_semaphore, #tpu.memory_space<semaphore_mem>>)
        %dma_wait3A = arith.constant 0 : i32
        %dma_wait3A_288 = tpu.memref_slice %arg12[%add3A_210, %dma_wait3A] : memref<10000x128xf32, #tpu.memory_space<vmem_shared>> -> memref<25x128xf32, #tpu.memory_space<vmem_shared>>
        %dma_wait3A_289 = arith.constant 0 : i32
        %dma_wait3A_290 = tpu.memref_slice %arg12[%add3A_210, %dma_wait3A_289] : memref<10000x128xf32, #tpu.memory_space<vmem_shared>> -> memref<25x128xf32, #tpu.memory_space<vmem_shared>>
        tpu.wait_dma2 semaphore(%run_scoped3A_283 : memref<!tpu.dma_semaphore, #tpu.memory_space<semaphore_mem>>) src(%arg11 : memref<25x128xf32, #tpu.memory_space<vmem>>) dst(%dma_wait3A_290 : memref<25x128xf32, #tpu.memory_space<vmem_shared>>)
        tpu.yield
      }) : () -> ()
      %mul3A_211 = arith.constant 625 : i32
      %mul3A_212 = arith.muli %arg1, %mul3A_211 : i32
      %add3A_213 = arith.constant 400 : i32
      %add3A_214 = arith.addi %mul3A_212, %add3A_213 : i32
      "tpu.region"() ({
        %run_scoped3A_283 = tpu.sem_alloc : memref<!tpu.dma_semaphore, #tpu.memory_space<semaphore_mem>>
        %dma_start3A_284 = arith.constant 0 : i32
        %dma_start3A_285 = tpu.memref_slice %arg12[%add3A_214, %dma_start3A_284] : memref<10000x128xf32, #tpu.memory_space<vmem_shared>> -> memref<25x128xf32, #tpu.memory_space<vmem_shared>>
        %dma_start3A_286 = arith.constant 0 : i32
        %dma_start3A_287 = tpu.memref_slice %arg12[%add3A_214, %dma_start3A_286] : memref<10000x128xf32, #tpu.memory_space<vmem_shared>> -> memref<25x128xf32, #tpu.memory_space<vmem_shared>>
        tpu.enqueue_dma source(%arg11 : memref<25x128xf32, #tpu.memory_space<vmem>>) target(%dma_start3A_287 : memref<25x128xf32, #tpu.memory_space<vmem_shared>>) target_semaphore(%run_scoped3A_283 : memref<!tpu.dma_semaphore, #tpu.memory_space<semaphore_mem>>)
        %dma_wait3A = arith.constant 0 : i32
        %dma_wait3A_288 = tpu.memref_slice %arg12[%add3A_214, %dma_wait3A] : memref<10000x128xf32, #tpu.memory_space<vmem_shared>> -> memref<25x128xf32, #tpu.memory_space<vmem_shared>>
        %dma_wait3A_289 = arith.constant 0 : i32
        %dma_wait3A_290 = tpu.memref_slice %arg12[%add3A_214, %dma_wait3A_289] : memref<10000x128xf32, #tpu.memory_space<vmem_shared>> -> memref<25x128xf32, #tpu.memory_space<vmem_shared>>
        tpu.wait_dma2 semaphore(%run_scoped3A_283 : memref<!tpu.dma_semaphore, #tpu.memory_space<semaphore_mem>>) src(%arg11 : memref<25x128xf32, #tpu.memory_space<vmem>>) dst(%dma_wait3A_290 : memref<25x128xf32, #tpu.memory_space<vmem_shared>>)
        tpu.yield
      }) : () -> ()
      %mul3A_215 = arith.constant 625 : i32
      %mul3A_216 = arith.muli %arg1, %mul3A_215 : i32
      %add3A_217 = arith.constant 425 : i32
      %add3A_218 = arith.addi %mul3A_216, %add3A_217 : i32
      "tpu.region"() ({
        %run_scoped3A_283 = tpu.sem_alloc : memref<!tpu.dma_semaphore, #tpu.memory_space<semaphore_mem>>
        %dma_start3A_284 = arith.constant 0 : i32
        %dma_start3A_285 = tpu.memref_slice %arg12[%add3A_218, %dma_start3A_284] : memref<10000x128xf32, #tpu.memory_space<vmem_shared>> -> memref<25x128xf32, #tpu.memory_space<vmem_shared>>
        %dma_start3A_286 = arith.constant 0 : i32
        %dma_start3A_287 = tpu.memref_slice %arg12[%add3A_218, %dma_start3A_286] : memref<10000x128xf32, #tpu.memory_space<vmem_shared>> -> memref<25x128xf32, #tpu.memory_space<vmem_shared>>
        tpu.enqueue_dma source(%arg11 : memref<25x128xf32, #tpu.memory_space<vmem>>) target(%dma_start3A_287 : memref<25x128xf32, #tpu.memory_space<vmem_shared>>) target_semaphore(%run_scoped3A_283 : memref<!tpu.dma_semaphore, #tpu.memory_space<semaphore_mem>>)
        %dma_wait3A = arith.constant 0 : i32
        %dma_wait3A_288 = tpu.memref_slice %arg12[%add3A_218, %dma_wait3A] : memref<10000x128xf32, #tpu.memory_space<vmem_shared>> -> memref<25x128xf32, #tpu.memory_space<vmem_shared>>
        %dma_wait3A_289 = arith.constant 0 : i32
        %dma_wait3A_290 = tpu.memref_slice %arg12[%add3A_218, %dma_wait3A_289] : memref<10000x128xf32, #tpu.memory_space<vmem_shared>> -> memref<25x128xf32, #tpu.memory_space<vmem_shared>>
        tpu.wait_dma2 semaphore(%run_scoped3A_283 : memref<!tpu.dma_semaphore, #tpu.memory_space<semaphore_mem>>) src(%arg11 : memref<25x128xf32, #tpu.memory_space<vmem>>) dst(%dma_wait3A_290 : memref<25x128xf32, #tpu.memory_space<vmem_shared>>)
        tpu.yield
      }) : () -> ()
      %mul3A_219 = arith.constant 625 : i32
      %mul3A_220 = arith.muli %arg1, %mul3A_219 : i32
      %add3A_221 = arith.constant 450 : i32
      %add3A_222 = arith.addi %mul3A_220, %add3A_221 : i32
      "tpu.region"() ({
        %run_scoped3A_283 = tpu.sem_alloc : memref<!tpu.dma_semaphore, #tpu.memory_space<semaphore_mem>>
        %dma_start3A_284 = arith.constant 0 : i32
        %dma_start3A_285 = tpu.memref_slice %arg12[%add3A_222, %dma_start3A_284] : memref<10000x128xf32, #tpu.memory_space<vmem_shared>> -> memref<25x128xf32, #tpu.memory_space<vmem_shared>>
        %dma_start3A_286 = arith.constant 0 : i32
        %dma_start3A_287 = tpu.memref_slice %arg12[%add3A_222, %dma_start3A_286] : memref<10000x128xf32, #tpu.memory_space<vmem_shared>> -> memref<25x128xf32, #tpu.memory_space<vmem_shared>>
        tpu.enqueue_dma source(%arg11 : memref<25x128xf32, #tpu.memory_space<vmem>>) target(%dma_start3A_287 : memref<25x128xf32, #tpu.memory_space<vmem_shared>>) target_semaphore(%run_scoped3A_283 : memref<!tpu.dma_semaphore, #tpu.memory_space<semaphore_mem>>)
        %dma_wait3A = arith.constant 0 : i32
        %dma_wait3A_288 = tpu.memref_slice %arg12[%add3A_222, %dma_wait3A] : memref<10000x128xf32, #tpu.memory_space<vmem_shared>> -> memref<25x128xf32, #tpu.memory_space<vmem_shared>>
        %dma_wait3A_289 = arith.constant 0 : i32
        %dma_wait3A_290 = tpu.memref_slice %arg12[%add3A_222, %dma_wait3A_289] : memref<10000x128xf32, #tpu.memory_space<vmem_shared>> -> memref<25x128xf32, #tpu.memory_space<vmem_shared>>
        tpu.wait_dma2 semaphore(%run_scoped3A_283 : memref<!tpu.dma_semaphore, #tpu.memory_space<semaphore_mem>>) src(%arg11 : memref<25x128xf32, #tpu.memory_space<vmem>>) dst(%dma_wait3A_290 : memref<25x128xf32, #tpu.memory_space<vmem_shared>>)
        tpu.yield
      }) : () -> ()
      %mul3A_223 = arith.constant 625 : i32
      %mul3A_224 = arith.muli %arg1, %mul3A_223 : i32
      %add3A_225 = arith.constant 475 : i32
      %add3A_226 = arith.addi %mul3A_224, %add3A_225 : i32
      "tpu.region"() ({
        %run_scoped3A_283 = tpu.sem_alloc : memref<!tpu.dma_semaphore, #tpu.memory_space<semaphore_mem>>
        %dma_start3A_284 = arith.constant 0 : i32
        %dma_start3A_285 = tpu.memref_slice %arg12[%add3A_226, %dma_start3A_284] : memref<10000x128xf32, #tpu.memory_space<vmem_shared>> -> memref<25x128xf32, #tpu.memory_space<vmem_shared>>
        %dma_start3A_286 = arith.constant 0 : i32
        %dma_start3A_287 = tpu.memref_slice %arg12[%add3A_226, %dma_start3A_286] : memref<10000x128xf32, #tpu.memory_space<vmem_shared>> -> memref<25x128xf32, #tpu.memory_space<vmem_shared>>
        tpu.enqueue_dma source(%arg11 : memref<25x128xf32, #tpu.memory_space<vmem>>) target(%dma_start3A_287 : memref<25x128xf32, #tpu.memory_space<vmem_shared>>) target_semaphore(%run_scoped3A_283 : memref<!tpu.dma_semaphore, #tpu.memory_space<semaphore_mem>>)
        %dma_wait3A = arith.constant 0 : i32
        %dma_wait3A_288 = tpu.memref_slice %arg12[%add3A_226, %dma_wait3A] : memref<10000x128xf32, #tpu.memory_space<vmem_shared>> -> memref<25x128xf32, #tpu.memory_space<vmem_shared>>
        %dma_wait3A_289 = arith.constant 0 : i32
        %dma_wait3A_290 = tpu.memref_slice %arg12[%add3A_226, %dma_wait3A_289] : memref<10000x128xf32, #tpu.memory_space<vmem_shared>> -> memref<25x128xf32, #tpu.memory_space<vmem_shared>>
        tpu.wait_dma2 semaphore(%run_scoped3A_283 : memref<!tpu.dma_semaphore, #tpu.memory_space<semaphore_mem>>) src(%arg11 : memref<25x128xf32, #tpu.memory_space<vmem>>) dst(%dma_wait3A_290 : memref<25x128xf32, #tpu.memory_space<vmem_shared>>)
        tpu.yield
      }) : () -> ()
      %mul3A_227 = arith.constant 625 : i32
      %mul3A_228 = arith.muli %arg1, %mul3A_227 : i32
      %add3A_229 = arith.constant 500 : i32
      %add3A_230 = arith.addi %mul3A_228, %add3A_229 : i32
      "tpu.region"() ({
        %run_scoped3A_283 = tpu.sem_alloc : memref<!tpu.dma_semaphore, #tpu.memory_space<semaphore_mem>>
        %dma_start3A_284 = arith.constant 0 : i32
        %dma_start3A_285 = tpu.memref_slice %arg12[%add3A_230, %dma_start3A_284] : memref<10000x128xf32, #tpu.memory_space<vmem_shared>> -> memref<25x128xf32, #tpu.memory_space<vmem_shared>>
        %dma_start3A_286 = arith.constant 0 : i32
        %dma_start3A_287 = tpu.memref_slice %arg12[%add3A_230, %dma_start3A_286] : memref<10000x128xf32, #tpu.memory_space<vmem_shared>> -> memref<25x128xf32, #tpu.memory_space<vmem_shared>>
        tpu.enqueue_dma source(%arg11 : memref<25x128xf32, #tpu.memory_space<vmem>>) target(%dma_start3A_287 : memref<25x128xf32, #tpu.memory_space<vmem_shared>>) target_semaphore(%run_scoped3A_283 : memref<!tpu.dma_semaphore, #tpu.memory_space<semaphore_mem>>)
        %dma_wait3A = arith.constant 0 : i32
        %dma_wait3A_288 = tpu.memref_slice %arg12[%add3A_230, %dma_wait3A] : memref<10000x128xf32, #tpu.memory_space<vmem_shared>> -> memref<25x128xf32, #tpu.memory_space<vmem_shared>>
        %dma_wait3A_289 = arith.constant 0 : i32
        %dma_wait3A_290 = tpu.memref_slice %arg12[%add3A_230, %dma_wait3A_289] : memref<10000x128xf32, #tpu.memory_space<vmem_shared>> -> memref<25x128xf32, #tpu.memory_space<vmem_shared>>
        tpu.wait_dma2 semaphore(%run_scoped3A_283 : memref<!tpu.dma_semaphore, #tpu.memory_space<semaphore_mem>>) src(%arg11 : memref<25x128xf32, #tpu.memory_space<vmem>>) dst(%dma_wait3A_290 : memref<25x128xf32, #tpu.memory_space<vmem_shared>>)
        tpu.yield
      }) : () -> ()
      %mul3A_231 = arith.constant 625 : i32
      %mul3A_232 = arith.muli %arg1, %mul3A_231 : i32
      %add3A_233 = arith.constant 525 : i32
      %add3A_234 = arith.addi %mul3A_232, %add3A_233 : i32
      "tpu.region"() ({
        %run_scoped3A_283 = tpu.sem_alloc : memref<!tpu.dma_semaphore, #tpu.memory_space<semaphore_mem>>
        %dma_start3A_284 = arith.constant 0 : i32
        %dma_start3A_285 = tpu.memref_slice %arg12[%add3A_234, %dma_start3A_284] : memref<10000x128xf32, #tpu.memory_space<vmem_shared>> -> memref<25x128xf32, #tpu.memory_space<vmem_shared>>
        %dma_start3A_286 = arith.constant 0 : i32
        %dma_start3A_287 = tpu.memref_slice %arg12[%add3A_234, %dma_start3A_286] : memref<10000x128xf32, #tpu.memory_space<vmem_shared>> -> memref<25x128xf32, #tpu.memory_space<vmem_shared>>
        tpu.enqueue_dma source(%arg11 : memref<25x128xf32, #tpu.memory_space<vmem>>) target(%dma_start3A_287 : memref<25x128xf32, #tpu.memory_space<vmem_shared>>) target_semaphore(%run_scoped3A_283 : memref<!tpu.dma_semaphore, #tpu.memory_space<semaphore_mem>>)
        %dma_wait3A = arith.constant 0 : i32
        %dma_wait3A_288 = tpu.memref_slice %arg12[%add3A_234, %dma_wait3A] : memref<10000x128xf32, #tpu.memory_space<vmem_shared>> -> memref<25x128xf32, #tpu.memory_space<vmem_shared>>
        %dma_wait3A_289 = arith.constant 0 : i32
        %dma_wait3A_290 = tpu.memref_slice %arg12[%add3A_234, %dma_wait3A_289] : memref<10000x128xf32, #tpu.memory_space<vmem_shared>> -> memref<25x128xf32, #tpu.memory_space<vmem_shared>>
        tpu.wait_dma2 semaphore(%run_scoped3A_283 : memref<!tpu.dma_semaphore, #tpu.memory_space<semaphore_mem>>) src(%arg11 : memref<25x128xf32, #tpu.memory_space<vmem>>) dst(%dma_wait3A_290 : memref<25x128xf32, #tpu.memory_space<vmem_shared>>)
        tpu.yield
      }) : () -> ()
      %mul3A_235 = arith.constant 625 : i32
      %mul3A_236 = arith.muli %arg1, %mul3A_235 : i32
      %add3A_237 = arith.constant 550 : i32
      %add3A_238 = arith.addi %mul3A_236, %add3A_237 : i32
      "tpu.region"() ({
        %run_scoped3A_283 = tpu.sem_alloc : memref<!tpu.dma_semaphore, #tpu.memory_space<semaphore_mem>>
        %dma_start3A_284 = arith.constant 0 : i32
        %dma_start3A_285 = tpu.memref_slice %arg12[%add3A_238, %dma_start3A_284] : memref<10000x128xf32, #tpu.memory_space<vmem_shared>> -> memref<25x128xf32, #tpu.memory_space<vmem_shared>>
        %dma_start3A_286 = arith.constant 0 : i32
        %dma_start3A_287 = tpu.memref_slice %arg12[%add3A_238, %dma_start3A_286] : memref<10000x128xf32, #tpu.memory_space<vmem_shared>> -> memref<25x128xf32, #tpu.memory_space<vmem_shared>>
        tpu.enqueue_dma source(%arg11 : memref<25x128xf32, #tpu.memory_space<vmem>>) target(%dma_start3A_287 : memref<25x128xf32, #tpu.memory_space<vmem_shared>>) target_semaphore(%run_scoped3A_283 : memref<!tpu.dma_semaphore, #tpu.memory_space<semaphore_mem>>)
        %dma_wait3A = arith.constant 0 : i32
        %dma_wait3A_288 = tpu.memref_slice %arg12[%add3A_238, %dma_wait3A] : memref<10000x128xf32, #tpu.memory_space<vmem_shared>> -> memref<25x128xf32, #tpu.memory_space<vmem_shared>>
        %dma_wait3A_289 = arith.constant 0 : i32
        %dma_wait3A_290 = tpu.memref_slice %arg12[%add3A_238, %dma_wait3A_289] : memref<10000x128xf32, #tpu.memory_space<vmem_shared>> -> memref<25x128xf32, #tpu.memory_space<vmem_shared>>
        tpu.wait_dma2 semaphore(%run_scoped3A_283 : memref<!tpu.dma_semaphore, #tpu.memory_space<semaphore_mem>>) src(%arg11 : memref<25x128xf32, #tpu.memory_space<vmem>>) dst(%dma_wait3A_290 : memref<25x128xf32, #tpu.memory_space<vmem_shared>>)
        tpu.yield
      }) : () -> ()
      %mul3A_239 = arith.constant 625 : i32
      %mul3A_240 = arith.muli %arg1, %mul3A_239 : i32
      %add3A_241 = arith.constant 575 : i32
      %add3A_242 = arith.addi %mul3A_240, %add3A_241 : i32
      "tpu.region"() ({
        %run_scoped3A_283 = tpu.sem_alloc : memref<!tpu.dma_semaphore, #tpu.memory_space<semaphore_mem>>
        %dma_start3A_284 = arith.constant 0 : i32
        %dma_start3A_285 = tpu.memref_slice %arg12[%add3A_242, %dma_start3A_284] : memref<10000x128xf32, #tpu.memory_space<vmem_shared>> -> memref<25x128xf32, #tpu.memory_space<vmem_shared>>
        %dma_start3A_286 = arith.constant 0 : i32
        %dma_start3A_287 = tpu.memref_slice %arg12[%add3A_242, %dma_start3A_286] : memref<10000x128xf32, #tpu.memory_space<vmem_shared>> -> memref<25x128xf32, #tpu.memory_space<vmem_shared>>
        tpu.enqueue_dma source(%arg11 : memref<25x128xf32, #tpu.memory_space<vmem>>) target(%dma_start3A_287 : memref<25x128xf32, #tpu.memory_space<vmem_shared>>) target_semaphore(%run_scoped3A_283 : memref<!tpu.dma_semaphore, #tpu.memory_space<semaphore_mem>>)
        %dma_wait3A = arith.constant 0 : i32
        %dma_wait3A_288 = tpu.memref_slice %arg12[%add3A_242, %dma_wait3A] : memref<10000x128xf32, #tpu.memory_space<vmem_shared>> -> memref<25x128xf32, #tpu.memory_space<vmem_shared>>
        %dma_wait3A_289 = arith.constant 0 : i32
        %dma_wait3A_290 = tpu.memref_slice %arg12[%add3A_242, %dma_wait3A_289] : memref<10000x128xf32, #tpu.memory_space<vmem_shared>> -> memref<25x128xf32, #tpu.memory_space<vmem_shared>>
        tpu.wait_dma2 semaphore(%run_scoped3A_283 : memref<!tpu.dma_semaphore, #tpu.memory_space<semaphore_mem>>) src(%arg11 : memref<25x128xf32, #tpu.memory_space<vmem>>) dst(%dma_wait3A_290 : memref<25x128xf32, #tpu.memory_space<vmem_shared>>)
        tpu.yield
      }) : () -> ()
      %mul3A_243 = arith.constant 625 : i32
      %mul3A_244 = arith.muli %arg1, %mul3A_243 : i32
      %add3A_245 = arith.constant 600 : i32
      %add3A_246 = arith.addi %mul3A_244, %add3A_245 : i32
      "tpu.region"() ({
        %run_scoped3A_283 = tpu.sem_alloc : memref<!tpu.dma_semaphore, #tpu.memory_space<semaphore_mem>>
        %dma_start3A_284 = arith.constant 0 : i32
        %dma_start3A_285 = tpu.memref_slice %arg12[%add3A_246, %dma_start3A_284] : memref<10000x128xf32, #tpu.memory_space<vmem_shared>> -> memref<25x128xf32, #tpu.memory_space<vmem_shared>>
        %dma_start3A_286 = arith.constant 0 : i32
        %dma_start3A_287 = tpu.memref_slice %arg12[%add3A_246, %dma_start3A_286] : memref<10000x128xf32, #tpu.memory_space<vmem_shared>> -> memref<25x128xf32, #tpu.memory_space<vmem_shared>>
        tpu.enqueue_dma source(%arg11 : memref<25x128xf32, #tpu.memory_space<vmem>>) target(%dma_start3A_287 : memref<25x128xf32, #tpu.memory_space<vmem_shared>>) target_semaphore(%run_scoped3A_283 : memref<!tpu.dma_semaphore, #tpu.memory_space<semaphore_mem>>)
        %dma_wait3A = arith.constant 0 : i32
        %dma_wait3A_288 = tpu.memref_slice %arg12[%add3A_246, %dma_wait3A] : memref<10000x128xf32, #tpu.memory_space<vmem_shared>> -> memref<25x128xf32, #tpu.memory_space<vmem_shared>>
        %dma_wait3A_289 = arith.constant 0 : i32
        %dma_wait3A_290 = tpu.memref_slice %arg12[%add3A_246, %dma_wait3A_289] : memref<10000x128xf32, #tpu.memory_space<vmem_shared>> -> memref<25x128xf32, #tpu.memory_space<vmem_shared>>
        tpu.wait_dma2 semaphore(%run_scoped3A_283 : memref<!tpu.dma_semaphore, #tpu.memory_space<semaphore_mem>>) src(%arg11 : memref<25x128xf32, #tpu.memory_space<vmem>>) dst(%dma_wait3A_290 : memref<25x128xf32, #tpu.memory_space<vmem_shared>>)
        tpu.yield
      }) : () -> ()
      %barrier3A_247 = arith.constant 0 : index
      tpu.barrier barrier_id(%barrier3A_247)
      %run_scoped3A_248 = arith.constant 1 : i32
      %run_scoped3A_249 = arith.constant 0 : i32
      %run_scoped3A_250 = arith.constant 0 : i32
      "tpu.region"() ({
        %run_scoped3A_283 = tpu.sem_alloc : memref<!tpu.dma_semaphore, #tpu.memory_space<semaphore_mem>>
        %dma_start3A_284 = arith.constant 0 : i32
        %dma_start3A_285 = tpu.memref_slice %arg8[%run_scoped3A_250, %dma_start3A_284] : memref<2x128xi32, #tpu.memory_space<vmem>> -> memref<1x128xi32, #tpu.memory_space<vmem>>
        %dma_start3A_286 = tpu.memref_squeeze %dma_start3A_285 : memref<1x128xi32, #tpu.memory_space<vmem>> -> memref<128xi32, #tpu.memory_space<vmem>>
        %dma_start3A_287 = arith.constant 0 : i32
        %dma_start3A_288 = tpu.memref_slice %arg6[%run_scoped3A_248, %run_scoped3A_249, %arg1, %dma_start3A_287] : memref<2x1x1250x128xi32, #tpu.memory_space<hbm>> -> memref<1x1x1x128xi32, #tpu.memory_space<hbm>>
        %dma_start3A_289 = tpu.memref_squeeze %dma_start3A_288 : memref<1x1x1x128xi32, #tpu.memory_space<hbm>> -> memref<128xi32, #tpu.memory_space<hbm>>
        %dma_start3A_290 = arith.constant 0 : i32
        %dma_start3A_291 = tpu.memref_slice %arg8[%run_scoped3A_250, %dma_start3A_290] : memref<2x128xi32, #tpu.memory_space<vmem>> -> memref<1x128xi32, #tpu.memory_space<vmem>>
        %dma_start3A_292 = tpu.memref_squeeze %dma_start3A_291 : memref<1x128xi32, #tpu.memory_space<vmem>> -> memref<128xi32, #tpu.memory_space<vmem>>
        %dma_start3A_293 = arith.constant 0 : i32
        %dma_start3A_294 = tpu.memref_slice %arg6[%run_scoped3A_248, %run_scoped3A_249, %arg1, %dma_start3A_293] : memref<2x1x1250x128xi32, #tpu.memory_space<hbm>> -> memref<1x1x1x128xi32, #tpu.memory_space<hbm>>
        %dma_start3A_295 = tpu.memref_squeeze %dma_start3A_294 : memref<1x1x1x128xi32, #tpu.memory_space<hbm>> -> memref<128xi32, #tpu.memory_space<hbm>>
        tpu.enqueue_dma source(%dma_start3A_295 : memref<128xi32, #tpu.memory_space<hbm>>) target(%dma_start3A_292 : memref<128xi32, #tpu.memory_space<vmem>>) target_semaphore(%run_scoped3A_283 : memref<!tpu.dma_semaphore, #tpu.memory_space<semaphore_mem>>)
        %dma_wait3A = arith.constant 0 : i32
        %dma_wait3A_296 = tpu.memref_slice %arg8[%run_scoped3A_250, %dma_wait3A] : memref<2x128xi32, #tpu.memory_space<vmem>> -> memref<1x128xi32, #tpu.memory_space<vmem>>
        %dma_wait3A_297 = tpu.memref_squeeze %dma_wait3A_296 : memref<1x128xi32, #tpu.memory_space<vmem>> -> memref<128xi32, #tpu.memory_space<vmem>>
        %dma_wait3A_298 = arith.constant 0 : i32
        %dma_wait3A_299 = tpu.memref_slice %arg6[%run_scoped3A_248, %run_scoped3A_249, %arg1, %dma_wait3A_298] : memref<2x1x1250x128xi32, #tpu.memory_space<hbm>> -> memref<1x1x1x128xi32, #tpu.memory_space<hbm>>
        %dma_wait3A_300 = tpu.memref_squeeze %dma_wait3A_299 : memref<1x1x1x128xi32, #tpu.memory_space<hbm>> -> memref<128xi32, #tpu.memory_space<hbm>>
        %dma_wait3A_301 = arith.constant 0 : i32
        %dma_wait3A_302 = tpu.memref_slice %arg8[%run_scoped3A_250, %dma_wait3A_301] : memref<2x128xi32, #tpu.memory_space<vmem>> -> memref<1x128xi32, #tpu.memory_space<vmem>>
        %dma_wait3A_303 = tpu.memref_squeeze %dma_wait3A_302 : memref<1x128xi32, #tpu.memory_space<vmem>> -> memref<128xi32, #tpu.memory_space<vmem>>
        %dma_wait3A_304 = arith.constant 0 : i32
        %dma_wait3A_305 = tpu.memref_slice %arg6[%run_scoped3A_248, %run_scoped3A_249, %arg1, %dma_wait3A_304] : memref<2x1x1250x128xi32, #tpu.memory_space<hbm>> -> memref<1x1x1x128xi32, #tpu.memory_space<hbm>>
        %dma_wait3A_306 = tpu.memref_squeeze %dma_wait3A_305 : memref<1x1x1x128xi32, #tpu.memory_space<hbm>> -> memref<128xi32, #tpu.memory_space<hbm>>
        tpu.wait_dma2 semaphore(%run_scoped3A_283 : memref<!tpu.dma_semaphore, #tpu.memory_space<semaphore_mem>>) src(%dma_wait3A_306 : memref<128xi32, #tpu.memory_space<hbm>>) dst(%dma_wait3A_303 : memref<128xi32, #tpu.memory_space<vmem>>)
        tpu.yield
      }) : () -> ()
      %add3A_251 = arith.constant 16 : i32
      %add3A_252 = arith.addi %arg1, %add3A_251 : i32
      %run_scoped3A_253 = arith.constant 1 : i32
      %run_scoped3A_254 = arith.constant 0 : i32
      %run_scoped3A_255 = arith.constant 1 : i32
      "tpu.region"() ({
        %run_scoped3A_283 = tpu.sem_alloc : memref<!tpu.dma_semaphore, #tpu.memory_space<semaphore_mem>>
        %dma_start3A_284 = arith.constant 0 : i32
        %dma_start3A_285 = tpu.memref_slice %arg8[%run_scoped3A_255, %dma_start3A_284] : memref<2x128xi32, #tpu.memory_space<vmem>> -> memref<1x128xi32, #tpu.memory_space<vmem>>
        %dma_start3A_286 = tpu.memref_squeeze %dma_start3A_285 : memref<1x128xi32, #tpu.memory_space<vmem>> -> memref<128xi32, #tpu.memory_space<vmem>>
        %dma_start3A_287 = arith.constant 0 : i32
        %dma_start3A_288 = tpu.memref_slice %arg6[%run_scoped3A_253, %run_scoped3A_254, %add3A_252, %dma_start3A_287] : memref<2x1x1250x128xi32, #tpu.memory_space<hbm>> -> memref<1x1x1x128xi32, #tpu.memory_space<hbm>>
        %dma_start3A_289 = tpu.memref_squeeze %dma_start3A_288 : memref<1x1x1x128xi32, #tpu.memory_space<hbm>> -> memref<128xi32, #tpu.memory_space<hbm>>
        %dma_start3A_290 = arith.constant 0 : i32
        %dma_start3A_291 = tpu.memref_slice %arg8[%run_scoped3A_255, %dma_start3A_290] : memref<2x128xi32, #tpu.memory_space<vmem>> -> memref<1x128xi32, #tpu.memory_space<vmem>>
        %dma_start3A_292 = tpu.memref_squeeze %dma_start3A_291 : memref<1x128xi32, #tpu.memory_space<vmem>> -> memref<128xi32, #tpu.memory_space<vmem>>
        %dma_start3A_293 = arith.constant 0 : i32
        %dma_start3A_294 = tpu.memref_slice %arg6[%run_scoped3A_253, %run_scoped3A_254, %add3A_252, %dma_start3A_293] : memref<2x1x1250x128xi32, #tpu.memory_space<hbm>> -> memref<1x1x1x128xi32, #tpu.memory_space<hbm>>
        %dma_start3A_295 = tpu.memref_squeeze %dma_start3A_294 : memref<1x1x1x128xi32, #tpu.memory_space<hbm>> -> memref<128xi32, #tpu.memory_space<hbm>>
        tpu.enqueue_dma source(%dma_start3A_295 : memref<128xi32, #tpu.memory_space<hbm>>) target(%dma_start3A_292 : memref<128xi32, #tpu.memory_space<vmem>>) target_semaphore(%run_scoped3A_283 : memref<!tpu.dma_semaphore, #tpu.memory_space<semaphore_mem>>)
        %dma_wait3A = arith.constant 0 : i32
        %dma_wait3A_296 = tpu.memref_slice %arg8[%run_scoped3A_255, %dma_wait3A] : memref<2x128xi32, #tpu.memory_space<vmem>> -> memref<1x128xi32, #tpu.memory_space<vmem>>
        %dma_wait3A_297 = tpu.memref_squeeze %dma_wait3A_296 : memref<1x128xi32, #tpu.memory_space<vmem>> -> memref<128xi32, #tpu.memory_space<vmem>>
        %dma_wait3A_298 = arith.constant 0 : i32
        %dma_wait3A_299 = tpu.memref_slice %arg6[%run_scoped3A_253, %run_scoped3A_254, %add3A_252, %dma_wait3A_298] : memref<2x1x1250x128xi32, #tpu.memory_space<hbm>> -> memref<1x1x1x128xi32, #tpu.memory_space<hbm>>
        %dma_wait3A_300 = tpu.memref_squeeze %dma_wait3A_299 : memref<1x1x1x128xi32, #tpu.memory_space<hbm>> -> memref<128xi32, #tpu.memory_space<hbm>>
        %dma_wait3A_301 = arith.constant 0 : i32
        %dma_wait3A_302 = tpu.memref_slice %arg8[%run_scoped3A_255, %dma_wait3A_301] : memref<2x128xi32, #tpu.memory_space<vmem>> -> memref<1x128xi32, #tpu.memory_space<vmem>>
        %dma_wait3A_303 = tpu.memref_squeeze %dma_wait3A_302 : memref<1x128xi32, #tpu.memory_space<vmem>> -> memref<128xi32, #tpu.memory_space<vmem>>
        %dma_wait3A_304 = arith.constant 0 : i32
        %dma_wait3A_305 = tpu.memref_slice %arg6[%run_scoped3A_253, %run_scoped3A_254, %add3A_252, %dma_wait3A_304] : memref<2x1x1250x128xi32, #tpu.memory_space<hbm>> -> memref<1x1x1x128xi32, #tpu.memory_space<hbm>>
        %dma_wait3A_306 = tpu.memref_squeeze %dma_wait3A_305 : memref<1x1x1x128xi32, #tpu.memory_space<hbm>> -> memref<128xi32, #tpu.memory_space<hbm>>
        tpu.wait_dma2 semaphore(%run_scoped3A_283 : memref<!tpu.dma_semaphore, #tpu.memory_space<semaphore_mem>>) src(%dma_wait3A_306 : memref<128xi32, #tpu.memory_space<hbm>>) dst(%dma_wait3A_303 : memref<128xi32, #tpu.memory_space<vmem>>)
        tpu.yield
      }) : () -> ()
      %mul3A_256 = arith.constant 128 : i32
      %mul3A_257 = arith.muli %arg1, %mul3A_256 : i32
      %dma_start3A_258 = arith.constant 0 : i32
      %dma_start3A_259 = tpu.memref_slice %arg5[%mul3A_257, %dma_start3A_258] : memref<160000x128xf32, #tpu.memory_space<hbm>> -> memref<128x128xf32, #tpu.memory_space<hbm>>
      %dma_start3A_260 = arith.constant 0 : i32
      %dma_start3A_261 = tpu.memref_slice %arg5[%mul3A_257, %dma_start3A_260] : memref<160000x128xf32, #tpu.memory_space<hbm>> -> memref<128x128xf32, #tpu.memory_space<hbm>>
      tpu.enqueue_dma source(%dma_start3A_261 : memref<128x128xf32, #tpu.memory_space<hbm>>) target(%arg9 : memref<128x128xf32, #tpu.memory_space<vmem>>) target_semaphore(%arg13 : memref<!tpu.dma_semaphore, #tpu.memory_space<semaphore_mem>>)
      %add3A_262 = arith.constant 16 : i32
      %add3A_263 = arith.addi %arg1, %add3A_262 : i32
      %mul3A_264 = arith.constant 128 : i32
      %mul3A_265 = arith.muli %add3A_263, %mul3A_264 : i32
      %dma_start3A_266 = arith.constant 0 : i32
      %dma_start3A_267 = tpu.memref_slice %arg5[%mul3A_265, %dma_start3A_266] : memref<160000x128xf32, #tpu.memory_space<hbm>> -> memref<128x128xf32, #tpu.memory_space<hbm>>
      %dma_start3A_268 = arith.constant 0 : i32
      %dma_start3A_269 = tpu.memref_slice %arg5[%mul3A_265, %dma_start3A_268] : memref<160000x128xf32, #tpu.memory_space<hbm>> -> memref<128x128xf32, #tpu.memory_space<hbm>>
      tpu.enqueue_dma source(%dma_start3A_269 : memref<128x128xf32, #tpu.memory_space<hbm>>) target(%arg10 : memref<128x128xf32, #tpu.memory_space<vmem>>) target_semaphore(%arg14 : memref<!tpu.dma_semaphore, #tpu.memory_space<semaphore_mem>>)
      %scan3A_270 = arith.constant 0 : i32
      %scan3A_271 = arith.constant 0 : i32
      %scan3A_272 = arith.constant 40 : i32
      %scan3A_273 = arith.addi %scan3A_271, %scan3A_272 : i32
      %scan3A_274 = arith.constant 1 : i32
      scf.for %scan3A_283 = %scan3A_271 to %scan3A_273 step %scan3A_274  : i32 {
        %mul3A_284 = arith.constant 2 : i32
        %mul3A_285 = arith.muli %mul3A_284, %scan3A_283 : i32
        %add3A_286 = arith.constant 0 : i32
        %add3A_287 = arith.addi %mul3A_285, %add3A_286 : i32
        %lt3A_288 = arith.cmpi slt, %add3A_287, %add3A_2 : i32
        %convert_element_type3A_289 = arith.extui %lt3A_288 : i1 to i32
        %cond3A_290 = arith.constant 0 : i32
        %cond3A_291 = arith.cmpi ne, %convert_element_type3A_289, %cond3A_290 : i32
        scf.if %cond3A_291 {
          %dma_wait3A = arith.constant 0 : i32
          %dma_wait3A_300 = arith.constant 0 : i32
          %dma_wait3A_301 = tpu.memref_slice %arg5[%dma_wait3A, %dma_wait3A_300] : memref<160000x128xf32, #tpu.memory_space<hbm>> -> memref<128x128xf32, #tpu.memory_space<hbm>>
          %dma_wait3A_302 = arith.constant 0 : i32
          %dma_wait3A_303 = arith.constant 0 : i32
          %dma_wait3A_304 = tpu.memref_slice %arg5[%dma_wait3A_302, %dma_wait3A_303] : memref<160000x128xf32, #tpu.memory_space<hbm>> -> memref<128x128xf32, #tpu.memory_space<hbm>>
          tpu.wait_dma2 semaphore(%arg13 : memref<!tpu.dma_semaphore, #tpu.memory_space<semaphore_mem>>) src(%dma_wait3A_304 : memref<128x128xf32, #tpu.memory_space<hbm>>) dst(%arg9 : memref<128x128xf32, #tpu.memory_space<vmem>>)
          %run_scoped3A_305 = arith.constant 0 : i32
          "tpu.region"() ({
            %run_scoped3A_312 = tpu.sem_alloc : memref<!tpu.dma_semaphore, #tpu.memory_space<semaphore_mem>>
            %dma_start3A_313 = arith.constant 0 : i32
            %dma_start3A_314 = tpu.memref_slice %arg8[%run_scoped3A_305, %dma_start3A_313] : memref<2x128xi32, #tpu.memory_space<vmem>> -> memref<1x128xi32, #tpu.memory_space<vmem>>
            %dma_start3A_315 = tpu.memref_squeeze %dma_start3A_314 : memref<1x128xi32, #tpu.memory_space<vmem>> -> memref<128xi32, #tpu.memory_space<vmem>>
            %dma_start3A_316 = arith.constant 0 : i32
            %dma_start3A_317 = arith.constant 0 : i32
            %dma_start3A_318 = tpu.memref_slice %arg12[%dma_start3A_316, %dma_start3A_317] : memref<10000x128xf32, #tpu.memory_space<vmem_shared>> -> memref<10000x128xf32, #tpu.memory_space<vmem_shared>>
            tpu.enqueue_indirect_dma source(%arg9 : memref<128x128xf32, #tpu.memory_space<vmem>>) target(%dma_start3A_318 : memref<10000x128xf32, #tpu.memory_space<vmem_shared>>) offsets(%dma_start3A_315 : memref<128xi32, #tpu.memory_space<vmem>>) semaphore(%run_scoped3A_312 : memref<!tpu.dma_semaphore, #tpu.memory_space<semaphore_mem>>) {add = true}
            %dma_wait3A_319 = arith.constant 0 : i32
            %dma_wait3A_320 = tpu.memref_slice %arg8[%run_scoped3A_305, %dma_wait3A_319] : memref<2x128xi32, #tpu.memory_space<vmem>> -> memref<1x128xi32, #tpu.memory_space<vmem>>
            %dma_wait3A_321 = tpu.memref_squeeze %dma_wait3A_320 : memref<1x128xi32, #tpu.memory_space<vmem>> -> memref<128xi32, #tpu.memory_space<vmem>>
            %dma_wait3A_322 = arith.constant 0 : i32
            %dma_wait3A_323 = arith.constant 0 : i32
            %dma_wait3A_324 = tpu.memref_slice %arg12[%dma_wait3A_322, %dma_wait3A_323] : memref<10000x128xf32, #tpu.memory_space<vmem_shared>> -> memref<10000x128xf32, #tpu.memory_space<vmem_shared>>
            tpu.wait_indirect_dma semaphore(%run_scoped3A_312 : memref<!tpu.dma_semaphore, #tpu.memory_space<semaphore_mem>>) src(%arg9 : memref<128x128xf32, #tpu.memory_space<vmem>>) dst(%dma_wait3A_324 : memref<10000x128xf32, #tpu.memory_space<vmem_shared>>)
            tpu.yield
          }) : () -> ()
          %add3A_306 = arith.constant 2 : i32
          %add3A_307 = arith.addi %add3A_287, %add3A_306 : i32
          %lt3A_308 = arith.cmpi slt, %add3A_307, %add3A_2 : i32
          %convert_element_type3A_309 = arith.extui %lt3A_308 : i1 to i32
          %cond3A_310 = arith.constant 0 : i32
          %cond3A_311 = arith.cmpi ne, %convert_element_type3A_309, %cond3A_310 : i32
          scf.if %cond3A_311 {
            %mul3A_312 = arith.constant 16 : i32
            %mul3A_313 = arith.muli %mul3A_312, %add3A_307 : i32
            %add3A_314 = arith.addi %arg1, %mul3A_313 : i32
            %run_scoped3A_315 = arith.constant 1 : i32
            %run_scoped3A_316 = arith.constant 0 : i32
            %run_scoped3A_317 = arith.constant 0 : i32
            "tpu.region"() ({
              %run_scoped3A_327 = tpu.sem_alloc : memref<!tpu.dma_semaphore, #tpu.memory_space<semaphore_mem>>
              %dma_start3A_328 = arith.constant 0 : i32
              %dma_start3A_329 = tpu.memref_slice %arg8[%run_scoped3A_317, %dma_start3A_328] : memref<2x128xi32, #tpu.memory_space<vmem>> -> memref<1x128xi32, #tpu.memory_space<vmem>>
              %dma_start3A_330 = tpu.memref_squeeze %dma_start3A_329 : memref<1x128xi32, #tpu.memory_space<vmem>> -> memref<128xi32, #tpu.memory_space<vmem>>
              %dma_start3A_331 = arith.constant 0 : i32
              %dma_start3A_332 = tpu.memref_slice %arg6[%run_scoped3A_315, %run_scoped3A_316, %add3A_314, %dma_start3A_331] : memref<2x1x1250x128xi32, #tpu.memory_space<hbm>> -> memref<1x1x1x128xi32, #tpu.memory_space<hbm>>
              %dma_start3A_333 = tpu.memref_squeeze %dma_start3A_332 : memref<1x1x1x128xi32, #tpu.memory_space<hbm>> -> memref<128xi32, #tpu.memory_space<hbm>>
              %dma_start3A_334 = arith.constant 0 : i32
              %dma_start3A_335 = tpu.memref_slice %arg8[%run_scoped3A_317, %dma_start3A_334] : memref<2x128xi32, #tpu.memory_space<vmem>> -> memref<1x128xi32, #tpu.memory_space<vmem>>
              %dma_start3A_336 = tpu.memref_squeeze %dma_start3A_335 : memref<1x128xi32, #tpu.memory_space<vmem>> -> memref<128xi32, #tpu.memory_space<vmem>>
              %dma_start3A_337 = arith.constant 0 : i32
              %dma_start3A_338 = tpu.memref_slice %arg6[%run_scoped3A_315, %run_scoped3A_316, %add3A_314, %dma_start3A_337] : memref<2x1x1250x128xi32, #tpu.memory_space<hbm>> -> memref<1x1x1x128xi32, #tpu.memory_space<hbm>>
              %dma_start3A_339 = tpu.memref_squeeze %dma_start3A_338 : memref<1x1x1x128xi32, #tpu.memory_space<hbm>> -> memref<128xi32, #tpu.memory_space<hbm>>
              tpu.enqueue_dma source(%dma_start3A_339 : memref<128xi32, #tpu.memory_space<hbm>>) target(%dma_start3A_336 : memref<128xi32, #tpu.memory_space<vmem>>) target_semaphore(%run_scoped3A_327 : memref<!tpu.dma_semaphore, #tpu.memory_space<semaphore_mem>>)
              %dma_wait3A_340 = arith.constant 0 : i32
              %dma_wait3A_341 = tpu.memref_slice %arg8[%run_scoped3A_317, %dma_wait3A_340] : memref<2x128xi32, #tpu.memory_space<vmem>> -> memref<1x128xi32, #tpu.memory_space<vmem>>
              %dma_wait3A_342 = tpu.memref_squeeze %dma_wait3A_341 : memref<1x128xi32, #tpu.memory_space<vmem>> -> memref<128xi32, #tpu.memory_space<vmem>>
              %dma_wait3A_343 = arith.constant 0 : i32
              %dma_wait3A_344 = tpu.memref_slice %arg6[%run_scoped3A_315, %run_scoped3A_316, %add3A_314, %dma_wait3A_343] : memref<2x1x1250x128xi32, #tpu.memory_space<hbm>> -> memref<1x1x1x128xi32, #tpu.memory_space<hbm>>
              %dma_wait3A_345 = tpu.memref_squeeze %dma_wait3A_344 : memref<1x1x1x128xi32, #tpu.memory_space<hbm>> -> memref<128xi32, #tpu.memory_space<hbm>>
              %dma_wait3A_346 = arith.constant 0 : i32
              %dma_wait3A_347 = tpu.memref_slice %arg8[%run_scoped3A_317, %dma_wait3A_346] : memref<2x128xi32, #tpu.memory_space<vmem>> -> memref<1x128xi32, #tpu.memory_space<vmem>>
              %dma_wait3A_348 = tpu.memref_squeeze %dma_wait3A_347 : memref<1x128xi32, #tpu.memory_space<vmem>> -> memref<128xi32, #tpu.memory_space<vmem>>
              %dma_wait3A_349 = arith.constant 0 : i32
              %dma_wait3A_350 = tpu.memref_slice %arg6[%run_scoped3A_315, %run_scoped3A_316, %add3A_314, %dma_wait3A_349] : memref<2x1x1250x128xi32, #tpu.memory_space<hbm>> -> memref<1x1x1x128xi32, #tpu.memory_space<hbm>>
              %dma_wait3A_351 = tpu.memref_squeeze %dma_wait3A_350 : memref<1x1x1x128xi32, #tpu.memory_space<hbm>> -> memref<128xi32, #tpu.memory_space<hbm>>
              tpu.wait_dma2 semaphore(%run_scoped3A_327 : memref<!tpu.dma_semaphore, #tpu.memory_space<semaphore_mem>>) src(%dma_wait3A_351 : memref<128xi32, #tpu.memory_space<hbm>>) dst(%dma_wait3A_348 : memref<128xi32, #tpu.memory_space<vmem>>)
              tpu.yield
            }) : () -> ()
            %mul3A_318 = arith.constant 16 : i32
            %mul3A_319 = arith.muli %mul3A_318, %add3A_307 : i32
            %add3A_320 = arith.addi %arg1, %mul3A_319 : i32
            %mul3A_321 = arith.constant 128 : i32
            %mul3A_322 = arith.muli %add3A_320, %mul3A_321 : i32
            %dma_start3A_323 = arith.constant 0 : i32
            %dma_start3A_324 = tpu.memref_slice %arg5[%mul3A_322, %dma_start3A_323] : memref<160000x128xf32, #tpu.memory_space<hbm>> -> memref<128x128xf32, #tpu.memory_space<hbm>>
            %dma_start3A_325 = arith.constant 0 : i32
            %dma_start3A_326 = tpu.memref_slice %arg5[%mul3A_322, %dma_start3A_325] : memref<160000x128xf32, #tpu.memory_space<hbm>> -> memref<128x128xf32, #tpu.memory_space<hbm>>
            tpu.enqueue_dma source(%dma_start3A_326 : memref<128x128xf32, #tpu.memory_space<hbm>>) target(%arg9 : memref<128x128xf32, #tpu.memory_space<vmem>>) target_semaphore(%arg13 : memref<!tpu.dma_semaphore, #tpu.memory_space<semaphore_mem>>)
          } else {
          }
        } else {
        }
        %mul3A_292 = arith.constant 2 : i32
        %mul3A_293 = arith.muli %mul3A_292, %scan3A_283 : i32
        %add3A_294 = arith.constant 1 : i32
        %add3A_295 = arith.addi %mul3A_293, %add3A_294 : i32
        %lt3A_296 = arith.cmpi slt, %add3A_295, %add3A_2 : i32
        %convert_element_type3A_297 = arith.extui %lt3A_296 : i1 to i32
        %cond3A_298 = arith.constant 0 : i32
        %cond3A_299 = arith.cmpi ne, %convert_element_type3A_297, %cond3A_298 : i32
        scf.if %cond3A_299 {
          %dma_wait3A = arith.constant 0 : i32
          %dma_wait3A_300 = arith.constant 0 : i32
          %dma_wait3A_301 = tpu.memref_slice %arg5[%dma_wait3A, %dma_wait3A_300] : memref<160000x128xf32, #tpu.memory_space<hbm>> -> memref<128x128xf32, #tpu.memory_space<hbm>>
          %dma_wait3A_302 = arith.constant 0 : i32
          %dma_wait3A_303 = arith.constant 0 : i32
          %dma_wait3A_304 = tpu.memref_slice %arg5[%dma_wait3A_302, %dma_wait3A_303] : memref<160000x128xf32, #tpu.memory_space<hbm>> -> memref<128x128xf32, #tpu.memory_space<hbm>>
          tpu.wait_dma2 semaphore(%arg14 : memref<!tpu.dma_semaphore, #tpu.memory_space<semaphore_mem>>) src(%dma_wait3A_304 : memref<128x128xf32, #tpu.memory_space<hbm>>) dst(%arg10 : memref<128x128xf32, #tpu.memory_space<vmem>>)
          %run_scoped3A_305 = arith.constant 1 : i32
          "tpu.region"() ({
            %run_scoped3A_312 = tpu.sem_alloc : memref<!tpu.dma_semaphore, #tpu.memory_space<semaphore_mem>>
            %dma_start3A_313 = arith.constant 0 : i32
            %dma_start3A_314 = tpu.memref_slice %arg8[%run_scoped3A_305, %dma_start3A_313] : memref<2x128xi32, #tpu.memory_space<vmem>> -> memref<1x128xi32, #tpu.memory_space<vmem>>
            %dma_start3A_315 = tpu.memref_squeeze %dma_start3A_314 : memref<1x128xi32, #tpu.memory_space<vmem>> -> memref<128xi32, #tpu.memory_space<vmem>>
            %dma_start3A_316 = arith.constant 0 : i32
            %dma_start3A_317 = arith.constant 0 : i32
            %dma_start3A_318 = tpu.memref_slice %arg12[%dma_start3A_316, %dma_start3A_317] : memref<10000x128xf32, #tpu.memory_space<vmem_shared>> -> memref<10000x128xf32, #tpu.memory_space<vmem_shared>>
            tpu.enqueue_indirect_dma source(%arg10 : memref<128x128xf32, #tpu.memory_space<vmem>>) target(%dma_start3A_318 : memref<10000x128xf32, #tpu.memory_space<vmem_shared>>) offsets(%dma_start3A_315 : memref<128xi32, #tpu.memory_space<vmem>>) semaphore(%run_scoped3A_312 : memref<!tpu.dma_semaphore, #tpu.memory_space<semaphore_mem>>) {add = true}
            %dma_wait3A_319 = arith.constant 0 : i32
            %dma_wait3A_320 = tpu.memref_slice %arg8[%run_scoped3A_305, %dma_wait3A_319] : memref<2x128xi32, #tpu.memory_space<vmem>> -> memref<1x128xi32, #tpu.memory_space<vmem>>
            %dma_wait3A_321 = tpu.memref_squeeze %dma_wait3A_320 : memref<1x128xi32, #tpu.memory_space<vmem>> -> memref<128xi32, #tpu.memory_space<vmem>>
            %dma_wait3A_322 = arith.constant 0 : i32
            %dma_wait3A_323 = arith.constant 0 : i32
            %dma_wait3A_324 = tpu.memref_slice %arg12[%dma_wait3A_322, %dma_wait3A_323] : memref<10000x128xf32, #tpu.memory_space<vmem_shared>> -> memref<10000x128xf32, #tpu.memory_space<vmem_shared>>
            tpu.wait_indirect_dma semaphore(%run_scoped3A_312 : memref<!tpu.dma_semaphore, #tpu.memory_space<semaphore_mem>>) src(%arg10 : memref<128x128xf32, #tpu.memory_space<vmem>>) dst(%dma_wait3A_324 : memref<10000x128xf32, #tpu.memory_space<vmem_shared>>)
            tpu.yield
          }) : () -> ()
          %add3A_306 = arith.constant 2 : i32
          %add3A_307 = arith.addi %add3A_295, %add3A_306 : i32
          %lt3A_308 = arith.cmpi slt, %add3A_307, %add3A_2 : i32
          %convert_element_type3A_309 = arith.extui %lt3A_308 : i1 to i32
          %cond3A_310 = arith.constant 0 : i32
          %cond3A_311 = arith.cmpi ne, %convert_element_type3A_309, %cond3A_310 : i32
          scf.if %cond3A_311 {
            %mul3A_312 = arith.constant 16 : i32
            %mul3A_313 = arith.muli %mul3A_312, %add3A_307 : i32
            %add3A_314 = arith.addi %arg1, %mul3A_313 : i32
            %run_scoped3A_315 = arith.constant 1 : i32
            %run_scoped3A_316 = arith.constant 0 : i32
            %run_scoped3A_317 = arith.constant 1 : i32
            "tpu.region"() ({
              %run_scoped3A_327 = tpu.sem_alloc : memref<!tpu.dma_semaphore, #tpu.memory_space<semaphore_mem>>
              %dma_start3A_328 = arith.constant 0 : i32
              %dma_start3A_329 = tpu.memref_slice %arg8[%run_scoped3A_317, %dma_start3A_328] : memref<2x128xi32, #tpu.memory_space<vmem>> -> memref<1x128xi32, #tpu.memory_space<vmem>>
              %dma_start3A_330 = tpu.memref_squeeze %dma_start3A_329 : memref<1x128xi32, #tpu.memory_space<vmem>> -> memref<128xi32, #tpu.memory_space<vmem>>
              %dma_start3A_331 = arith.constant 0 : i32
              %dma_start3A_332 = tpu.memref_slice %arg6[%run_scoped3A_315, %run_scoped3A_316, %add3A_314, %dma_start3A_331] : memref<2x1x1250x128xi32, #tpu.memory_space<hbm>> -> memref<1x1x1x128xi32, #tpu.memory_space<hbm>>
              %dma_start3A_333 = tpu.memref_squeeze %dma_start3A_332 : memref<1x1x1x128xi32, #tpu.memory_space<hbm>> -> memref<128xi32, #tpu.memory_space<hbm>>
              %dma_start3A_334 = arith.constant 0 : i32
              %dma_start3A_335 = tpu.memref_slice %arg8[%run_scoped3A_317, %dma_start3A_334] : memref<2x128xi32, #tpu.memory_space<vmem>> -> memref<1x128xi32, #tpu.memory_space<vmem>>
              %dma_start3A_336 = tpu.memref_squeeze %dma_start3A_335 : memref<1x128xi32, #tpu.memory_space<vmem>> -> memref<128xi32, #tpu.memory_space<vmem>>
              %dma_start3A_337 = arith.constant 0 : i32
              %dma_start3A_338 = tpu.memref_slice %arg6[%run_scoped3A_315, %run_scoped3A_316, %add3A_314, %dma_start3A_337] : memref<2x1x1250x128xi32, #tpu.memory_space<hbm>> -> memref<1x1x1x128xi32, #tpu.memory_space<hbm>>
              %dma_start3A_339 = tpu.memref_squeeze %dma_start3A_338 : memref<1x1x1x128xi32, #tpu.memory_space<hbm>> -> memref<128xi32, #tpu.memory_space<hbm>>
              tpu.enqueue_dma source(%dma_start3A_339 : memref<128xi32, #tpu.memory_space<hbm>>) target(%dma_start3A_336 : memref<128xi32, #tpu.memory_space<vmem>>) target_semaphore(%run_scoped3A_327 : memref<!tpu.dma_semaphore, #tpu.memory_space<semaphore_mem>>)
              %dma_wait3A_340 = arith.constant 0 : i32
              %dma_wait3A_341 = tpu.memref_slice %arg8[%run_scoped3A_317, %dma_wait3A_340] : memref<2x128xi32, #tpu.memory_space<vmem>> -> memref<1x128xi32, #tpu.memory_space<vmem>>
              %dma_wait3A_342 = tpu.memref_squeeze %dma_wait3A_341 : memref<1x128xi32, #tpu.memory_space<vmem>> -> memref<128xi32, #tpu.memory_space<vmem>>
              %dma_wait3A_343 = arith.constant 0 : i32
              %dma_wait3A_344 = tpu.memref_slice %arg6[%run_scoped3A_315, %run_scoped3A_316, %add3A_314, %dma_wait3A_343] : memref<2x1x1250x128xi32, #tpu.memory_space<hbm>> -> memref<1x1x1x128xi32, #tpu.memory_space<hbm>>
              %dma_wait3A_345 = tpu.memref_squeeze %dma_wait3A_344 : memref<1x1x1x128xi32, #tpu.memory_space<hbm>> -> memref<128xi32, #tpu.memory_space<hbm>>
              %dma_wait3A_346 = arith.constant 0 : i32
              %dma_wait3A_347 = tpu.memref_slice %arg8[%run_scoped3A_317, %dma_wait3A_346] : memref<2x128xi32, #tpu.memory_space<vmem>> -> memref<1x128xi32, #tpu.memory_space<vmem>>
              %dma_wait3A_348 = tpu.memref_squeeze %dma_wait3A_347 : memref<1x128xi32, #tpu.memory_space<vmem>> -> memref<128xi32, #tpu.memory_space<vmem>>
              %dma_wait3A_349 = arith.constant 0 : i32
              %dma_wait3A_350 = tpu.memref_slice %arg6[%run_scoped3A_315, %run_scoped3A_316, %add3A_314, %dma_wait3A_349] : memref<2x1x1250x128xi32, #tpu.memory_space<hbm>> -> memref<1x1x1x128xi32, #tpu.memory_space<hbm>>
              %dma_wait3A_351 = tpu.memref_squeeze %dma_wait3A_350 : memref<1x1x1x128xi32, #tpu.memory_space<hbm>> -> memref<128xi32, #tpu.memory_space<hbm>>
              tpu.wait_dma2 semaphore(%run_scoped3A_327 : memref<!tpu.dma_semaphore, #tpu.memory_space<semaphore_mem>>) src(%dma_wait3A_351 : memref<128xi32, #tpu.memory_space<hbm>>) dst(%dma_wait3A_348 : memref<128xi32, #tpu.memory_space<vmem>>)
              tpu.yield
            }) : () -> ()
            %mul3A_318 = arith.constant 16 : i32
            %mul3A_319 = arith.muli %mul3A_318, %add3A_307 : i32
            %add3A_320 = arith.addi %arg1, %mul3A_319 : i32
            %mul3A_321 = arith.constant 128 : i32
            %mul3A_322 = arith.muli %add3A_320, %mul3A_321 : i32
            %dma_start3A_323 = arith.constant 0 : i32
            %dma_start3A_324 = tpu.memref_slice %arg5[%mul3A_322, %dma_start3A_323] : memref<160000x128xf32, #tpu.memory_space<hbm>> -> memref<128x128xf32, #tpu.memory_space<hbm>>
            %dma_start3A_325 = arith.constant 0 : i32
            %dma_start3A_326 = tpu.memref_slice %arg5[%mul3A_322, %dma_start3A_325] : memref<160000x128xf32, #tpu.memory_space<hbm>> -> memref<128x128xf32, #tpu.memory_space<hbm>>
            tpu.enqueue_dma source(%dma_start3A_326 : memref<128x128xf32, #tpu.memory_space<hbm>>) target(%arg10 : memref<128x128xf32, #tpu.memory_space<vmem>>) target_semaphore(%arg14 : memref<!tpu.dma_semaphore, #tpu.memory_space<semaphore_mem>>)
          } else {
          }
        } else {
        }
      }
      %scan3A_275 = arith.constant 40 : i32
      %barrier3A_276 = arith.constant 0 : index
      tpu.barrier barrier_id(%barrier3A_276)
      %mul3A_277 = arith.constant 625 : i32
      %mul3A_278 = arith.muli %arg1, %mul3A_277 : i32
      %mul3A_279 = arith.constant 625 : i32
      %mul3A_280 = arith.muli %arg1, %mul3A_279 : i32
      %run_scoped3A_281 = arith.constant 3 : i32
      "tpu.region"() ({
        %run_scoped3A_283 = tpu.sem_alloc : memref<!tpu.dma_semaphore, #tpu.memory_space<semaphore_mem>>
        %dma_start3A_284 = arith.constant 0 : i32
        %dma_start3A_285 = tpu.memref_slice %arg7[%mul3A_280, %run_scoped3A_281, %dma_start3A_284] : memref<10000x4x128xf32, #tpu.memory_space<hbm>> -> memref<625x1x128xf32, #tpu.memory_space<hbm>>
        %dma_start3A_286 = tpu.memref_squeeze %dma_start3A_285 : memref<625x1x128xf32, #tpu.memory_space<hbm>> -> memref<625x128xf32, #tpu.memory_space<hbm>>
        %dma_start3A_287 = arith.constant 0 : i32
        %dma_start3A_288 = tpu.memref_slice %arg12[%mul3A_278, %dma_start3A_287] : memref<10000x128xf32, #tpu.memory_space<vmem_shared>> -> memref<625x128xf32, #tpu.memory_space<vmem_shared>>
        tpu.enqueue_dma source(%dma_start3A_288 : memref<625x128xf32, #tpu.memory_space<vmem_shared>>) target(%dma_start3A_286 : memref<625x128xf32, #tpu.memory_space<hbm>>) target_semaphore(%run_scoped3A_283 : memref<!tpu.dma_semaphore, #tpu.memory_space<semaphore_mem>>)
        %dma_wait3A = arith.constant 0 : i32
        %dma_wait3A_289 = tpu.memref_slice %arg7[%mul3A_280, %run_scoped3A_281, %dma_wait3A] : memref<10000x4x128xf32, #tpu.memory_space<hbm>> -> memref<625x1x128xf32, #tpu.memory_space<hbm>>
        %dma_wait3A_290 = tpu.memref_squeeze %dma_wait3A_289 : memref<625x1x128xf32, #tpu.memory_space<hbm>> -> memref<625x128xf32, #tpu.memory_space<hbm>>
        %dma_wait3A_291 = arith.constant 0 : i32
        %dma_wait3A_292 = tpu.memref_slice %arg12[%mul3A_278, %dma_wait3A_291] : memref<10000x128xf32, #tpu.memory_space<vmem_shared>> -> memref<625x128xf32, #tpu.memory_space<vmem_shared>>
        tpu.wait_dma2 semaphore(%run_scoped3A_283 : memref<!tpu.dma_semaphore, #tpu.memory_space<semaphore_mem>>) src(%dma_wait3A_292 : memref<625x128xf32, #tpu.memory_space<vmem_shared>>) dst(%dma_wait3A_290 : memref<625x128xf32, #tpu.memory_space<hbm>>)
        tpu.yield
      }) : () -> ()
      %barrier3A_282 = arith.constant 0 : index
      tpu.barrier barrier_id(%barrier3A_282)
    } else {
    }
    return
  }
}

module attributes {stable_mosaic.version = 14 : i64} {
  func.func @_tc_body(%arg0: i32, %arg1: memref<2000x16xf32, #tpu.memory_space<vmem>>, %arg2: memref<2000x4xf32, #tpu.memory_space<vmem>>, %arg3: memref<20480000xf32, #tpu.memory_space<any>>, %arg4: memref<16x64xf32, #tpu.memory_space<vmem>>, %arg5: memref<1x64xf32, #tpu.memory_space<vmem>>, %arg6: memref<64x64xf32, #tpu.memory_space<vmem>>, %arg7: memref<1x64xf32, #tpu.memory_space<vmem>>, %arg8: memref<64x256xf32, #tpu.memory_space<vmem>>, %arg9: memref<1x256xf32, #tpu.memory_space<vmem>>, %arg10: memref<2000x128xf32, #tpu.memory_space<vmem>>, %arg11: memref<2000x128xf32, #tpu.memory_space<vmem>>, %arg12: memref<2000x128xf32, #tpu.memory_space<vmem>>, %arg13: memref<2000x128xf32, #tpu.memory_space<vmem>>, %arg14: memref<256000xf32, #tpu.memory_space<vmem>>, %arg15: memref<256000xf32, #tpu.memory_space<vmem>>, %arg16: memref<!tpu.dma_semaphore, #tpu.memory_space<semaphore_mem>>, %arg17: memref<!tpu.dma_semaphore, #tpu.memory_space<semaphore_mem>>) attributes {dimension_semantics = [#tpu.dimension_semantics<arbitrary>], iteration_bounds = array<i64: 80>, scalar_prefetch = 0 : i64, scratch_operands = 4 : i64, tpu.core_type = #tpu.core_type<tc>, window_params = [{transform_indices = @transform_0, window_bounds = array<i64: 2000, 16>}, {transform_indices = @transform_1, window_bounds = array<i64: 2000, 4>}, {}, {pipeline_mode = #tpu.pipeline_mode<synchronous>, transform_indices = @transform_3, window_bounds = array<i64: 16, 64>}, {pipeline_mode = #tpu.pipeline_mode<synchronous>, transform_indices = @transform_4, window_bounds = array<i64: 1, 64>}, {pipeline_mode = #tpu.pipeline_mode<synchronous>, transform_indices = @transform_5, window_bounds = array<i64: 64, 64>}, {pipeline_mode = #tpu.pipeline_mode<synchronous>, transform_indices = @transform_6, window_bounds = array<i64: 1, 64>}, {pipeline_mode = #tpu.pipeline_mode<synchronous>, transform_indices = @transform_7, window_bounds = array<i64: 64, 256>}, {pipeline_mode = #tpu.pipeline_mode<synchronous>, transform_indices = @transform_8, window_bounds = array<i64: 1, 256>}, {transform_indices = @transform_9, window_bounds = array<i64: 2000, 128>}, {transform_indices = @transform_10, window_bounds = array<i64: 2000, 128>}, {transform_indices = @transform_11, window_bounds = array<i64: 2000, 128>}, {transform_indices = @transform_12, window_bounds = array<i64: 2000, 128>}]} {
    %eq3A = arith.constant 0 : i32
    %eq3A_0 = arith.cmpi eq, %arg0, %eq3A : i32
    %convert_element_type3A = arith.extui %eq3A_0 : i1 to i32
    %cond3A = arith.constant 0 : i32
    %cond3A_1 = arith.cmpi ne, %convert_element_type3A, %cond3A : i32
    scf.if %cond3A_1 {
      %dma_start3A = arith.constant 0 : i32
      %dma_start3A_100 = tpu.memref_slice %arg3[%dma_start3A] : memref<20480000xf32, #tpu.memory_space<any>> -> memref<256000xf32, #tpu.memory_space<any>>
      tpu.enqueue_dma source(%dma_start3A_100 : memref<256000xf32, #tpu.memory_space<any>>) target(%arg14 : memref<256000xf32, #tpu.memory_space<vmem>>) target_semaphore(%arg16 : memref<!tpu.dma_semaphore, #tpu.memory_space<semaphore_mem>>)
    } else {
    }
    %add3A = arith.constant 1 : i32
    %add3A_2 = arith.addi %arg0, %add3A : i32
    %lt3A = arith.constant 80 : i32
    %lt3A_3 = arith.cmpi slt, %add3A_2, %lt3A : i32
    %convert_element_type3A_4 = arith.extui %lt3A_3 : i1 to i32
    %cond3A_5 = arith.constant 0 : i32
    %cond3A_6 = arith.cmpi ne, %convert_element_type3A_4, %cond3A_5 : i32
    scf.if %cond3A_6 {
      %add3A_100 = arith.constant 1 : i32
      %add3A_101 = arith.addi %arg0, %add3A_100 : i32
      %rem3A_102 = arith.constant 2 : i32
      %rem3A_103 = arith.remsi %add3A_101, %rem3A_102 : i32
      %eq3A_104 = arith.constant 0 : i32
      %eq3A_105 = arith.cmpi eq, %rem3A_103, %eq3A_104 : i32
      %convert_element_type3A_106 = arith.extui %eq3A_105 : i1 to i32
      %cond3A_107 = arith.constant 0 : i32
      %cond3A_108 = arith.cmpi ne, %convert_element_type3A_106, %cond3A_107 : i32
      scf.if %cond3A_108 {
        %add3A_118 = arith.constant 1 : i32
        %add3A_119 = arith.addi %arg0, %add3A_118 : i32
        %mul3A_120 = arith.constant 2000 : i32
        %mul3A_121 = arith.muli %add3A_119, %mul3A_120 : i32
        %mul3A_122 = arith.constant 128 : i32
        %mul3A_123 = arith.muli %mul3A_121, %mul3A_122 : i32
        %dma_start3A = tpu.memref_slice %arg3[%mul3A_123] : memref<20480000xf32, #tpu.memory_space<any>> -> memref<256000xf32, #tpu.memory_space<any>>
        tpu.enqueue_dma source(%dma_start3A : memref<256000xf32, #tpu.memory_space<any>>) target(%arg14 : memref<256000xf32, #tpu.memory_space<vmem>>) target_semaphore(%arg16 : memref<!tpu.dma_semaphore, #tpu.memory_space<semaphore_mem>>)
      } else {
      }
      %add3A_109 = arith.constant 1 : i32
      %add3A_110 = arith.addi %arg0, %add3A_109 : i32
      %rem3A_111 = arith.constant 2 : i32
      %rem3A_112 = arith.remsi %add3A_110, %rem3A_111 : i32
      %eq3A_113 = arith.constant 1 : i32
      %eq3A_114 = arith.cmpi eq, %rem3A_112, %eq3A_113 : i32
      %convert_element_type3A_115 = arith.extui %eq3A_114 : i1 to i32
      %cond3A_116 = arith.constant 0 : i32
      %cond3A_117 = arith.cmpi ne, %convert_element_type3A_115, %cond3A_116 : i32
      scf.if %cond3A_117 {
        %add3A_118 = arith.constant 1 : i32
        %add3A_119 = arith.addi %arg0, %add3A_118 : i32
        %mul3A_120 = arith.constant 2000 : i32
        %mul3A_121 = arith.muli %add3A_119, %mul3A_120 : i32
        %mul3A_122 = arith.constant 128 : i32
        %mul3A_123 = arith.muli %mul3A_121, %mul3A_122 : i32
        %dma_start3A = tpu.memref_slice %arg3[%mul3A_123] : memref<20480000xf32, #tpu.memory_space<any>> -> memref<256000xf32, #tpu.memory_space<any>>
        tpu.enqueue_dma source(%dma_start3A : memref<256000xf32, #tpu.memory_space<any>>) target(%arg15 : memref<256000xf32, #tpu.memory_space<vmem>>) target_semaphore(%arg17 : memref<!tpu.dma_semaphore, #tpu.memory_space<semaphore_mem>>)
      } else {
      }
    } else {
    }
    %get3A = arith.constant 0 : index
    %get3A_7 = arith.constant 0 : index
    %get3A_8 = vector.load %arg1[%get3A, %get3A_7] : memref<2000x16xf32, #tpu.memory_space<vmem>>, vector<2000x16xf32>
    %get3A_9 = arith.constant 0 : index
    %get3A_10 = arith.constant 0 : index
    %get3A_11 = vector.load %arg4[%get3A_9, %get3A_10] : memref<16x64xf32, #tpu.memory_space<vmem>>, vector<16x64xf32>
    %dot_general3A = arith.constant dense<0.000000e+00> : vector<2000x64xf32>
    %dot_general3A_12 = tpu.matmul %get3A_8, %get3A_11, %dot_general3A {dimension_numbers = #tpu.dot_dimension_numbers<[1], [0], [0], [1], [0, 0, 1, 1], [], []>, transpose_lhs_hint = false} : vector<2000x16xf32>, vector<16x64xf32>, vector<2000x64xf32> -> vector<2000x64xf32>
    %get3A_13 = arith.constant 0 : index
    %get3A_14 = arith.constant 0 : index
    %get3A_15 = vector.load %arg5[%get3A_13, %get3A_14] : memref<1x64xf32, #tpu.memory_space<vmem>>, vector<1x64xf32>
    %add3A_16 = vector.broadcast %get3A_15 : vector<1x64xf32> to vector<2000x64xf32>
    %add3A_17 = arith.addf %dot_general3A_12, %add3A_16 : vector<2000x64xf32>
    %logistic3A = arith.negf %add3A_17 : vector<2000x64xf32>
    %logistic3A_18 = math.exp %logistic3A : vector<2000x64xf32>
    %logistic3A_19 = arith.constant 1.000000e+00 : f32
    %logistic3A_20 = vector.broadcast %logistic3A_19 : f32 to vector<2000x64xf32>
    %logistic3A_21 = arith.addf %logistic3A_20, %logistic3A_18 : vector<2000x64xf32>
    %logistic3A_22 = arith.divf %logistic3A_20, %logistic3A_21 : vector<2000x64xf32>
    %mul3A = arith.mulf %add3A_17, %logistic3A_22 : vector<2000x64xf32>
    %get3A_23 = arith.constant 0 : index
    %get3A_24 = arith.constant 0 : index
    %get3A_25 = vector.load %arg6[%get3A_23, %get3A_24] : memref<64x64xf32, #tpu.memory_space<vmem>>, vector<64x64xf32>
    %dot_general3A_26 = arith.constant dense<0.000000e+00> : vector<2000x64xf32>
    %dot_general3A_27 = tpu.matmul %mul3A, %get3A_25, %dot_general3A_26 {dimension_numbers = #tpu.dot_dimension_numbers<[1], [0], [0], [1], [0, 0, 1, 1], [], []>, transpose_lhs_hint = false} : vector<2000x64xf32>, vector<64x64xf32>, vector<2000x64xf32> -> vector<2000x64xf32>
    %get3A_28 = arith.constant 0 : index
    %get3A_29 = arith.constant 0 : index
    %get3A_30 = vector.load %arg7[%get3A_28, %get3A_29] : memref<1x64xf32, #tpu.memory_space<vmem>>, vector<1x64xf32>
    %add3A_31 = vector.broadcast %get3A_30 : vector<1x64xf32> to vector<2000x64xf32>
    %add3A_32 = arith.addf %dot_general3A_27, %add3A_31 : vector<2000x64xf32>
    %logistic3A_33 = arith.negf %add3A_32 : vector<2000x64xf32>
    %logistic3A_34 = math.exp %logistic3A_33 : vector<2000x64xf32>
    %logistic3A_35 = arith.constant 1.000000e+00 : f32
    %logistic3A_36 = vector.broadcast %logistic3A_35 : f32 to vector<2000x64xf32>
    %logistic3A_37 = arith.addf %logistic3A_36, %logistic3A_34 : vector<2000x64xf32>
    %logistic3A_38 = arith.divf %logistic3A_36, %logistic3A_37 : vector<2000x64xf32>
    %mul3A_39 = arith.mulf %add3A_32, %logistic3A_38 : vector<2000x64xf32>
    %get3A_40 = arith.constant 0 : index
    %get3A_41 = arith.constant 0 : index
    %get3A_42 = vector.load %arg8[%get3A_40, %get3A_41] : memref<64x256xf32, #tpu.memory_space<vmem>>, vector<64x256xf32>
    %dot_general3A_43 = arith.constant dense<0.000000e+00> : vector<2000x256xf32>
    %dot_general3A_44 = tpu.matmul %mul3A_39, %get3A_42, %dot_general3A_43 {dimension_numbers = #tpu.dot_dimension_numbers<[1], [0], [0], [1], [0, 0, 1, 1], [], []>, transpose_lhs_hint = false} : vector<2000x64xf32>, vector<64x256xf32>, vector<2000x256xf32> -> vector<2000x256xf32>
    %get3A_45 = arith.constant 0 : index
    %get3A_46 = arith.constant 0 : index
    %get3A_47 = vector.load %arg9[%get3A_45, %get3A_46] : memref<1x256xf32, #tpu.memory_space<vmem>>, vector<1x256xf32>
    %add3A_48 = vector.broadcast %get3A_47 : vector<1x256xf32> to vector<2000x256xf32>
    %add3A_49 = arith.addf %dot_general3A_44, %add3A_48 : vector<2000x256xf32>
    %rem3A = arith.constant 2 : i32
    %rem3A_50 = arith.remsi %arg0, %rem3A : i32
    %eq3A_51 = arith.constant 0 : i32
    %eq3A_52 = arith.cmpi eq, %rem3A_50, %eq3A_51 : i32
    %convert_element_type3A_53 = arith.extui %eq3A_52 : i1 to i32
    %cond3A_54 = arith.constant 0 : i32
    %cond3A_55 = arith.cmpi ne, %convert_element_type3A_53, %cond3A_54 : i32
    scf.if %cond3A_55 {
      %dma_wait3A = arith.constant 0 : i32
      %dma_wait3A_100 = tpu.memref_slice %arg3[%dma_wait3A] : memref<20480000xf32, #tpu.memory_space<any>> -> memref<256000xf32, #tpu.memory_space<any>>
      tpu.wait_dma2 semaphore(%arg16 : memref<!tpu.dma_semaphore, #tpu.memory_space<semaphore_mem>>) src(%dma_wait3A_100 : memref<256000xf32, #tpu.memory_space<any>>) dst(%arg14 : memref<256000xf32, #tpu.memory_space<vmem>>)
    } else {
    }
    %rem3A_56 = arith.constant 2 : i32
    %rem3A_57 = arith.remsi %arg0, %rem3A_56 : i32
    %eq3A_58 = arith.constant 1 : i32
    %eq3A_59 = arith.cmpi eq, %rem3A_57, %eq3A_58 : i32
    %convert_element_type3A_60 = arith.extui %eq3A_59 : i1 to i32
    %cond3A_61 = arith.constant 0 : i32
    %cond3A_62 = arith.cmpi ne, %convert_element_type3A_60, %cond3A_61 : i32
    scf.if %cond3A_62 {
      %dma_wait3A = arith.constant 0 : i32
      %dma_wait3A_100 = tpu.memref_slice %arg3[%dma_wait3A] : memref<20480000xf32, #tpu.memory_space<any>> -> memref<256000xf32, #tpu.memory_space<any>>
      tpu.wait_dma2 semaphore(%arg17 : memref<!tpu.dma_semaphore, #tpu.memory_space<semaphore_mem>>) src(%dma_wait3A_100 : memref<256000xf32, #tpu.memory_space<any>>) dst(%arg15 : memref<256000xf32, #tpu.memory_space<vmem>>)
    } else {
    }
    %rem3A_63 = arith.constant 2 : i32
    %rem3A_64 = arith.remsi %arg0, %rem3A_63 : i32
    %eq3A_65 = arith.constant 0 : i32
    %eq3A_66 = arith.cmpi eq, %rem3A_64, %eq3A_65 : i32
    %get3A_67 = arith.constant 0 : index
    %get3A_68 = vector.load %arg14[%get3A_67] : memref<256000xf32, #tpu.memory_space<vmem>>, vector<256000xf32>
    %get3A_69 = arith.constant 0 : index
    %get3A_70 = vector.load %arg15[%get3A_69] : memref<256000xf32, #tpu.memory_space<vmem>>, vector<256000xf32>
    %select_n3A = arith.select %eq3A_66, %get3A_68, %get3A_70 : vector<256000xf32>
    %reshape3A = vector.shape_cast %select_n3A : vector<256000xf32> to vector<2000x128xf32>
    %slice3A = vector.extract_strided_slice %add3A_49 {offsets = [0, 0], sizes = [2000, 128], strides = [1, 1]} : vector<2000x256xf32> to vector<2000x128xf32>
    %mul3A_71 = arith.mulf %slice3A, %reshape3A : vector<2000x128xf32>
    %slice3A_72 = vector.extract_strided_slice %add3A_49 {offsets = [0, 128], sizes = [2000, 128], strides = [1, 1]} : vector<2000x256xf32> to vector<2000x128xf32>
    %mul3A_73 = arith.mulf %slice3A_72, %reshape3A : vector<2000x128xf32>
    %get3A_74 = arith.constant 0 : index
    %get3A_75 = arith.constant 0 : index
    %get3A_76 = vector.load %arg2[%get3A_74, %get3A_75] : memref<2000x4xf32, #tpu.memory_space<vmem>>, vector<2000x4xf32>
    %slice3A_77 = vector.extract_strided_slice %get3A_76 {offsets = [0, 0], sizes = [2000, 1], strides = [1, 1]} : vector<2000x4xf32> to vector<2000x1xf32>
    %mul3A_78 = vector.broadcast %slice3A_77 : vector<2000x1xf32> to vector<2000x128xf32>
    %mul3A_79 = arith.mulf %mul3A_71, %mul3A_78 : vector<2000x128xf32>
    %swap3A = arith.constant 0 : index
    %swap3A_80 = arith.constant 0 : index
    %swap3A_81 = vector.load %arg10[%swap3A, %swap3A_80] : memref<2000x128xf32, #tpu.memory_space<vmem>>, vector<2000x128xf32>
    tpu.vector_store %arg10[%swap3A, %swap3A_80], %mul3A_79 {strides = array<i32>} : memref<2000x128xf32, #tpu.memory_space<vmem>>, vector<2000x128xf32>,
    %slice3A_82 = vector.extract_strided_slice %get3A_76 {offsets = [0, 1], sizes = [2000, 1], strides = [1, 1]} : vector<2000x4xf32> to vector<2000x1xf32>
    %mul3A_83 = vector.broadcast %slice3A_82 : vector<2000x1xf32> to vector<2000x128xf32>
    %mul3A_84 = arith.mulf %mul3A_73, %mul3A_83 : vector<2000x128xf32>
    %swap3A_85 = arith.constant 0 : index
    %swap3A_86 = arith.constant 0 : index
    %swap3A_87 = vector.load %arg11[%swap3A_85, %swap3A_86] : memref<2000x128xf32, #tpu.memory_space<vmem>>, vector<2000x128xf32>
    tpu.vector_store %arg11[%swap3A_85, %swap3A_86], %mul3A_84 {strides = array<i32>} : memref<2000x128xf32, #tpu.memory_space<vmem>>, vector<2000x128xf32>,
    %slice3A_88 = vector.extract_strided_slice %get3A_76 {offsets = [0, 2], sizes = [2000, 1], strides = [1, 1]} : vector<2000x4xf32> to vector<2000x1xf32>
    %mul3A_89 = vector.broadcast %slice3A_88 : vector<2000x1xf32> to vector<2000x128xf32>
    %mul3A_90 = arith.mulf %mul3A_73, %mul3A_89 : vector<2000x128xf32>
    %swap3A_91 = arith.constant 0 : index
    %swap3A_92 = arith.constant 0 : index
    %swap3A_93 = vector.load %arg12[%swap3A_91, %swap3A_92] : memref<2000x128xf32, #tpu.memory_space<vmem>>, vector<2000x128xf32>
    tpu.vector_store %arg12[%swap3A_91, %swap3A_92], %mul3A_90 {strides = array<i32>} : memref<2000x128xf32, #tpu.memory_space<vmem>>, vector<2000x128xf32>,
    %slice3A_94 = vector.extract_strided_slice %get3A_76 {offsets = [0, 3], sizes = [2000, 1], strides = [1, 1]} : vector<2000x4xf32> to vector<2000x1xf32>
    %mul3A_95 = vector.broadcast %slice3A_94 : vector<2000x1xf32> to vector<2000x128xf32>
    %mul3A_96 = arith.mulf %mul3A_73, %mul3A_95 : vector<2000x128xf32>
    %swap3A_97 = arith.constant 0 : index
    %swap3A_98 = arith.constant 0 : index
    %swap3A_99 = vector.load %arg13[%swap3A_97, %swap3A_98] : memref<2000x128xf32, #tpu.memory_space<vmem>>, vector<2000x128xf32>
    tpu.vector_store %arg13[%swap3A_97, %swap3A_98], %mul3A_96 {strides = array<i32>} : memref<2000x128xf32, #tpu.memory_space<vmem>>, vector<2000x128xf32>,
    return
  }
  func.func @transform_0(%arg0: i32) -> (i32, i32) {
    %add3A = arith.constant 0 : i32
    %add3A_0 = arith.addi %arg0, %add3A : i32
    %c0_i32 = arith.constant 0 : i32
    %c0_i32_1 = arith.constant 0 : i32
    return %add3A_0, %c0_i32 : i32, i32
  }
  func.func @transform_1(%arg0: i32) -> (i32, i32) {
    %add3A = arith.constant 0 : i32
    %add3A_0 = arith.addi %arg0, %add3A : i32
    %c0_i32 = arith.constant 0 : i32
    %c0_i32_1 = arith.constant 0 : i32
    return %add3A_0, %c0_i32 : i32, i32
  }
  func.func @transform_3(%arg0: i32) -> (i32, i32) {
    %c0_i32 = arith.constant 0 : i32
    %c0_i32_0 = arith.constant 0 : i32
    %c0_i32_1 = arith.constant 0 : i32
    return %c0_i32, %c0_i32_0 : i32, i32
  }
  func.func @transform_4(%arg0: i32) -> (i32, i32) {
    %c0_i32 = arith.constant 0 : i32
    %c0_i32_0 = arith.constant 0 : i32
    %c0_i32_1 = arith.constant 0 : i32
    return %c0_i32, %c0_i32_0 : i32, i32
  }
  func.func @transform_5(%arg0: i32) -> (i32, i32) {
    %c0_i32 = arith.constant 0 : i32
    %c0_i32_0 = arith.constant 0 : i32
    %c0_i32_1 = arith.constant 0 : i32
    return %c0_i32, %c0_i32_0 : i32, i32
  }
  func.func @transform_6(%arg0: i32) -> (i32, i32) {
    %c0_i32 = arith.constant 0 : i32
    %c0_i32_0 = arith.constant 0 : i32
    %c0_i32_1 = arith.constant 0 : i32
    return %c0_i32, %c0_i32_0 : i32, i32
  }
  func.func @transform_7(%arg0: i32) -> (i32, i32) {
    %c0_i32 = arith.constant 0 : i32
    %c0_i32_0 = arith.constant 0 : i32
    %c0_i32_1 = arith.constant 0 : i32
    return %c0_i32, %c0_i32_0 : i32, i32
  }
  func.func @transform_8(%arg0: i32) -> (i32, i32) {
    %c0_i32 = arith.constant 0 : i32
    %c0_i32_0 = arith.constant 0 : i32
    %c0_i32_1 = arith.constant 0 : i32
    return %c0_i32, %c0_i32_0 : i32, i32
  }
  func.func @transform_9(%arg0: i32) -> (i32, i32) {
    %c0_i32 = arith.constant 0 : i32
    %c0_i32_0 = arith.constant 0 : i32
    return %arg0, %c0_i32 : i32, i32
  }
  func.func @transform_10(%arg0: i32) -> (i32, i32) {
    %c0_i32 = arith.constant 0 : i32
    %c0_i32_0 = arith.constant 0 : i32
    return %arg0, %c0_i32 : i32, i32
  }
  func.func @transform_11(%arg0: i32) -> (i32, i32) {
    %c0_i32 = arith.constant 0 : i32
    %c0_i32_0 = arith.constant 0 : i32
    return %arg0, %c0_i32 : i32, i32
  }
  func.func @transform_12(%arg0: i32) -> (i32, i32) {
    %c0_i32 = arith.constant 0 : i32
    %c0_i32_0 = arith.constant 0 : i32
    return %arg0, %c0_i32 : i32, i32
  }
}

module attributes {stable_mosaic.version = 14 : i64} {
  func.func @_asm_body(%arg0: i32, %arg1: memref<2000x4x128xf32, #tpu.memory_space<vmem>>, %arg2: memref<128x384xf32, #tpu.memory_space<vmem>>, %arg3: memref<128x384xf32, #tpu.memory_space<vmem>>, %arg4: memref<128x384xf32, #tpu.memory_space<vmem>>, %arg5: memref<2000x512xf32, #tpu.memory_space<vmem>>) attributes {dimension_semantics = [#tpu.dimension_semantics<arbitrary>], iteration_bounds = array<i64: 5>, scalar_prefetch = 0 : i64, scratch_operands = 0 : i64, tpu.core_type = #tpu.core_type<tc>, window_params = [{transform_indices = @transform_0, window_bounds = array<i64: 2000, 4, 128>}, {pipeline_mode = #tpu.pipeline_mode<synchronous>, transform_indices = @transform_1, window_bounds = array<i64: 128, 384>}, {pipeline_mode = #tpu.pipeline_mode<synchronous>, transform_indices = @transform_2, window_bounds = array<i64: 128, 384>}, {pipeline_mode = #tpu.pipeline_mode<synchronous>, transform_indices = @transform_3, window_bounds = array<i64: 128, 384>}, {transform_indices = @transform_4, window_bounds = array<i64: 2000, 512>}]} {
    %get3A = arith.constant 0 : index
    %get3A_0 = arith.constant 0 : index
    %get3A_1 = arith.constant 0 : index
    %get3A_2 = vector.load %arg1[%get3A, %get3A_0, %get3A_1] : memref<2000x4x128xf32, #tpu.memory_space<vmem>>, vector<2000x1x128xf32>
    %get3A_3 = vector.shape_cast %get3A_2 : vector<2000x1x128xf32> to vector<2000x128xf32>
    %swap3A = arith.constant 0 : index
    %swap3A_4 = arith.constant 0 : index
    %swap3A_5 = vector.load %arg5[%swap3A, %swap3A_4] : memref<2000x512xf32, #tpu.memory_space<vmem>>, vector<2000x128xf32>
    tpu.vector_store %arg5[%swap3A, %swap3A_4], %get3A_3 {strides = array<i32>} : memref<2000x512xf32, #tpu.memory_space<vmem>>, vector<2000x128xf32>,
    %get3A_6 = arith.constant 0 : index
    %get3A_7 = arith.constant 1 : index
    %get3A_8 = arith.constant 0 : index
    %get3A_9 = vector.load %arg1[%get3A_6, %get3A_7, %get3A_8] : memref<2000x4x128xf32, #tpu.memory_space<vmem>>, vector<2000x1x128xf32>
    %get3A_10 = vector.shape_cast %get3A_9 : vector<2000x1x128xf32> to vector<2000x128xf32>
    %get3A_11 = arith.constant 0 : index
    %get3A_12 = arith.constant 0 : index
    %get3A_13 = vector.load %arg2[%get3A_11, %get3A_12] : memref<128x384xf32, #tpu.memory_space<vmem>>, vector<128x384xf32>
    %dot_general3A = arith.constant dense<0.000000e+00> : vector<2000x384xf32>
    %dot_general3A_14 = tpu.matmul %get3A_10, %get3A_13, %dot_general3A {dimension_numbers = #tpu.dot_dimension_numbers<[1], [0], [0], [1], [0, 0, 1, 1], [], []>, transpose_lhs_hint = false} : vector<2000x128xf32>, vector<128x384xf32>, vector<2000x384xf32> -> vector<2000x384xf32>
    %get3A_15 = arith.constant 0 : index
    %get3A_16 = arith.constant 2 : index
    %get3A_17 = arith.constant 0 : index
    %get3A_18 = vector.load %arg1[%get3A_15, %get3A_16, %get3A_17] : memref<2000x4x128xf32, #tpu.memory_space<vmem>>, vector<2000x1x128xf32>
    %get3A_19 = vector.shape_cast %get3A_18 : vector<2000x1x128xf32> to vector<2000x128xf32>
    %get3A_20 = arith.constant 0 : index
    %get3A_21 = arith.constant 0 : index
    %get3A_22 = vector.load %arg3[%get3A_20, %get3A_21] : memref<128x384xf32, #tpu.memory_space<vmem>>, vector<128x384xf32>
    %dot_general3A_23 = arith.constant dense<0.000000e+00> : vector<2000x384xf32>
    %dot_general3A_24 = tpu.matmul %get3A_19, %get3A_22, %dot_general3A_23 {dimension_numbers = #tpu.dot_dimension_numbers<[1], [0], [0], [1], [0, 0, 1, 1], [], []>, transpose_lhs_hint = false} : vector<2000x128xf32>, vector<128x384xf32>, vector<2000x384xf32> -> vector<2000x384xf32>
    %get3A_25 = arith.constant 0 : index
    %get3A_26 = arith.constant 3 : index
    %get3A_27 = arith.constant 0 : index
    %get3A_28 = vector.load %arg1[%get3A_25, %get3A_26, %get3A_27] : memref<2000x4x128xf32, #tpu.memory_space<vmem>>, vector<2000x1x128xf32>
    %get3A_29 = vector.shape_cast %get3A_28 : vector<2000x1x128xf32> to vector<2000x128xf32>
    %get3A_30 = arith.constant 0 : index
    %get3A_31 = arith.constant 0 : index
    %get3A_32 = vector.load %arg4[%get3A_30, %get3A_31] : memref<128x384xf32, #tpu.memory_space<vmem>>, vector<128x384xf32>
    %dot_general3A_33 = arith.constant dense<0.000000e+00> : vector<2000x384xf32>
    %dot_general3A_34 = tpu.matmul %get3A_29, %get3A_32, %dot_general3A_33 {dimension_numbers = #tpu.dot_dimension_numbers<[1], [0], [0], [1], [0, 0, 1, 1], [], []>, transpose_lhs_hint = false} : vector<2000x128xf32>, vector<128x384xf32>, vector<2000x384xf32> -> vector<2000x384xf32>
    %add3A = arith.addf %dot_general3A_14, %dot_general3A_24 : vector<2000x384xf32>
    %add3A_35 = arith.addf %add3A, %dot_general3A_34 : vector<2000x384xf32>
    %swap3A_36 = arith.constant 0 : index
    %swap3A_37 = arith.constant 128 : index
    %swap3A_38 = vector.load %arg5[%swap3A_36, %swap3A_37] : memref<2000x512xf32, #tpu.memory_space<vmem>>, vector<2000x384xf32>
    tpu.vector_store %arg5[%swap3A_36, %swap3A_37], %add3A_35 {strides = array<i32>} : memref<2000x512xf32, #tpu.memory_space<vmem>>, vector<2000x384xf32>,
    return
  }
  func.func @transform_0(%arg0: i32) -> (i32, i32, i32) {
    %c0_i32 = arith.constant 0 : i32
    %c0_i32_0 = arith.constant 0 : i32
    %c0_i32_1 = arith.constant 0 : i32
    return %arg0, %c0_i32, %c0_i32_0 : i32, i32, i32
  }
  func.func @transform_1(%arg0: i32) -> (i32, i32) {
    %c0_i32 = arith.constant 0 : i32
    %c0_i32_0 = arith.constant 0 : i32
    %c0_i32_1 = arith.constant 0 : i32
    return %c0_i32, %c0_i32_0 : i32, i32
  }
  func.func @transform_2(%arg0: i32) -> (i32, i32) {
    %c0_i32 = arith.constant 0 : i32
    %c0_i32_0 = arith.constant 0 : i32
    %c0_i32_1 = arith.constant 0 : i32
    return %c0_i32, %c0_i32_0 : i32, i32
  }
  func.func @transform_3(%arg0: i32) -> (i32, i32) {
    %c0_i32 = arith.constant 0 : i32
    %c0_i32_0 = arith.constant 0 : i32
    %c0_i32_1 = arith.constant 0 : i32
    return %c0_i32, %c0_i32_0 : i32, i32
  }
  func.func @transform_4(%arg0: i32) -> (i32, i32) {
    %c0_i32 = arith.constant 0 : i32
    %c0_i32_0 = arith.constant 0 : i32
    return %arg0, %c0_i32 : i32, i32
  }
}

</mosaic_0001>

<sc_bundles>
// kernel: sc_gather_h0.3.cloned.1.call-start
scs
__scs_entry_jumppad:
0x0: {  	(pc) =	sbr.rel $0x88, $3  }
0x1: {  	(tag) =	ssettag $0x0;
	lr =	simm.s32 $0x1  }
0x2: {  	[smem:$0x3F97] =	sst lr;
	_ =	strace $0xD0000000  }
0x3: {  	_ = 	snop  }
0x4: {  	_ = 	snop  }
0x5: {  	_ = 	snop  }
0x6: {  	_ = 	snop  }
0x7: {  	_ = 	snop  }
__scs_overlays_trampoline_lowered:
0x8: {  	[smem:$0x3FA6] =	sst s0  }
0x9: {  	[smem:$0x3FA7] =	sst s1  }
0xa: {  	[smem:$0x3FA8] =	sst s2  }
0xb: {  	[smem:$0x3FA9] =	sst s3  }
0xc: {  	[smem:$0x3FAA] =	sst s4  }
0xd: {  	[smem:$0x3FAB] =	sst s5  }
0xe: {  	[smem:$0x3FAC] =	sst s6  }
0xf: {  	[smem:$0x3FAD] =	sst s7  }
0x10: {  	[smem:$0x3FAE] =	sst s8  }
0x11: {  	[smem:$0x3FAF] =	sst s9;
	s0 =	simm.s32 @!p0 $0x0  }
0x12: {  	s1 =	sld [smem:$0x3F95];
	s0 =	simm.s32 @p0 $0x1  }
0x13: {  	[smem:$0x3FB0] =	sst s0;
	s0 =	simm.s32 @!p1 $0x0  }
0x14: {  	s2 =	sld [smem:$0x3F94];
	s0 =	simm.s32 @p1 $0x1  }
0x15: {  	[smem:$0x3FB1] =	sst s0;
	s0 =	simm.s32 @!p2 $0x0  }
0x16: {  	s3 =	sld [smem:$0x3FDB];
	s0 =	simm.s32 @p2 $0x1  }
0x17: {  	s4 =	simm.s32 $0x1BF5;
	[smem:$0x3FB3] =	sst s0  }
0x18: {  	s0 =	sld [smem:$0x3F96];
	_ =	swait.ge [sflag:s4], $0x0  }
0x19: {  	s7 =	sld [smem:$0x3F97]  }
0x1a: {  	s8 =	sadd.s32 $0xFFFFE003, lr  }
0x1b: {  	s9 =	sadd.s32 $0xFFFFFEF7, lr;
	s5 =	simm.s32 $0xFFFFFFFF;
	p2 =	slt.u32 s8, $0xFFFFF086  }
0x1c: {  	p1 =	slt.u32 s9, $0xF7A;
	s5 =	simm.s32 @!p2 $0x0  }
0x1d: {  	s5 =	simm.s32 @p1 $0x1;
	p0 =	seq.s32 s7, s2  }
0x1e: {  	s7 =	smul.u32 @!p0 $0xF7A, s2;
	p2 =	seq.s32 @!p0 s5, $0x0  }
0x1f: {  	s9 =	smul.u32 $0xF7A, s1;
	s8 =	simm.s32 @!p0 $0x1BF5;
	p2 =	por !p2, p0  }
0x20: {  	[sflag:s8] =	ssyncset.s32 @!p0 $0xFFFFF086;
	s6 =	sadd.s32 @!p0 s3, s7;
	s7 =	simm.s32 @!p0 $0x108  }
0x21: {  	s3 =	sadd.s32 s3, s9;
	s6 =	sadd.s32 @!p0 $0x88, s6;
	s7 =	simm.s32 @p2 $0x1082  }
0x22: {  	[simem:s7], [sflag:s8] =	dma.local @!p0 [hbm:s6], $0xF7A  }
0x23: {  	s9 =	sor.u32 $0xD0000000, s2;
	s6 =	simm.s32 $0x108;
	_ =	swait.ge @!p0 [sflag:s8], $0x0  }
0x24: {  	s3 =	sadd.s32 $0x88, s3;
	s6 =	simm.s32 @!p1 $0x1082;
	[sflag:s4] =	ssyncset.s32 $0xFFFFF086  }
0x25: {  	[simem:s6], [sflag:s4] =	dma.local [hbm:s3], $0xF7A  }
0x26: {  	[smem:$0x3F97] =	sst s1;
	(tag) =	ssettag s2;
	_ =	strace s9  }
0x27: {  	s1 =	sld [smem:$0x3FA7]  }
0x28: {  	s2 =	sld [smem:$0x3FA8]  }
0x29: {  	s4 =	sld [smem:$0x3FAA]  }
0x2a: {  	p0 =	seq.s32 s5, $0x0;
	s5 =	sld [smem:$0x3FAB]  }
0x2b: {  	s6 =	sld [smem:$0x3FAC]  }
0x2c: {  	s7 =	sld [smem:$0x3FAD]  }
0x2d: {  	s3 =	simm.s32 $0x108;
	s8 =	sld [smem:$0x3FAE]  }
0x2e: {  	s3 =	simm.s32 @!p0 $0x1082;
	s9 =	sld [smem:$0x3FAF]  }
0x2f: {  	lr =	sadd.s32 s0, s3;
	s0 =	sld [smem:$0x3FA6]  }
0x30: {  	s3 =	sld [smem:$0x3FA9]  }
0x31: {  	[smem:$0x3FB2] =	sst s10  }
0x32: {  	s10 =	sld [smem:$0x3FB0];
	_ =	sdelay $0x3  }
0x33: {  	p0 =	seq.s32 s10, $0x1;
	s10 =	sld [smem:$0x3FB2];
	_ =	sdelay $0x3  }
0x34: {  	[smem:$0x3FB2] =	sst s10  }
0x35: {  	s10 =	sld [smem:$0x3FB1];
	_ =	sdelay $0x3  }
0x36: {  	p1 =	seq.s32 s10, $0x1;
	s10 =	sld [smem:$0x3FB2];
	_ =	sdelay $0x3  }
0x37: {  	[smem:$0x3FB2] =	sst s10  }
0x38: {  	s10 =	sld [smem:$0x3FB3]  }
0x39: {  	_ = 	snop;
	(pc) =	sbr.ind lr, $3  }
0x3a: {  	_ = 	snop  }
0x3b: {  	_ = 	snop  }
0x3c: {  	p2 =	seq.s32 s10, $0x1;
	s10 =	sld [smem:$0x3FB2]  }
0x3d: {  	_ =	shalt  }
0x3e: {  	_ =	shalt  }
0x3f: {  	_ =	shalt  }
0x40: {  	_ =	shalt  }
0x41: {  	_ =	shalt  }
0x42: {  	_ =	shalt  }
0x43: {  	_ =	shalt  }
0x44: {  	_ =	shalt  }
0x45: {  	_ =	shalt  }
0x46: {  	_ =	shalt  }
0x47: {  	_ =	shalt  }
0x48: {  	_ =	shalt  }
0x49: {  	_ =	shalt  }
0x4a: {  	_ =	shalt  }
0x4b: {  	_ =	shalt  }
0x4c: {  	_ =	shalt  }
0x4d: {  	_ =	shalt  }
0x4e: {  	_ =	shalt  }
0x4f: {  	_ =	shalt  }
0x50: {  	_ =	shalt  }
0x51: {  	_ =	shalt  }
0x52: {  	_ =	shalt  }
0x53: {  	_ =	shalt  }
0x54: {  	_ =	shalt  }
0x55: {  	_ =	shalt  }
0x56: {  	_ =	shalt  }
0x57: {  	_ =	shalt  }
0x58: {  	_ =	shalt  }
0x59: {  	_ =	shalt  }
0x5a: {  	_ =	shalt  }
0x5b: {  	_ =	shalt  }
0x5c: {  	_ =	shalt  }
0x5d: {  	_ =	shalt  }
0x5e: {  	_ =	shalt  }
0x5f: {  	_ =	shalt  }
0x60: {  	_ =	shalt  }
0x61: {  	_ =	shalt  }
0x62: {  	_ =	shalt  }
0x63: {  	_ =	shalt  }
0x64: {  	_ =	shalt  }
0x65: {  	_ =	shalt  }
0x66: {  	_ =	shalt  }
0x67: {  	_ =	shalt  }
0x68: {  	_ =	shalt  }
0x69: {  	_ =	shalt  }
0x6a: {  	_ =	shalt  }
0x6b: {  	_ =	shalt  }
0x6c: {  	_ =	shalt  }
0x6d: {  	_ =	shalt  }
0x6e: {  	_ =	shalt  }
0x6f: {  	_ =	shalt  }
0x70: {  	_ =	shalt  }
0x71: {  	_ =	shalt  }
0x72: {  	_ =	shalt  }
0x73: {  	_ =	shalt  }
0x74: {  	_ =	shalt  }
0x75: {  	_ =	shalt  }
0x76: {  	_ =	shalt  }
0x77: {  	_ =	shalt  }
0x78: {  	_ =	shalt  }
0x79: {  	_ =	shalt  }
0x7a: {  	_ =	shalt  }
0x7b: {  	_ =	shalt  }
0x7c: {  	_ =	shalt  }
0x7d: {  	_ =	shalt  }
0x7e: {  	_ =	shalt  }
0x7f: {  	_ =	shalt  }
0x80: {  	_ =	shalt  }
0x81: {  	_ =	shalt  }
0x82: {  	_ =	shalt  }
0x83: {  	_ =	shalt  }
0x84: {  	_ =	shalt  }
0x85: {  	_ =	shalt  }
0x86: {  	_ =	shalt  }
0x87: {  	_ =	shalt  }
.Lfunc_end0:
.L_simem_size_0:
called_computation_lowered:
.L_overlay_start_0:
0x88: {  	s2 =	sld [smem:$0x3FD9]  }
0x89: {  	s3 =	sld [smem:$0x3FFE];
	_ =	sdelay $0x1  }
0x8a: {  	s1 =	srdreg.scid  }
0x8b: {  	s0 =	sand.u32 $0x1, s1  }
0x8c: {  	s17 =	sshll.u32 s0, $0xA;
	s2 =	sadd.s32 s3, s2  }
0x8d: {  	s2 =	sadd.s32 s2, s17  }
0x8e: {  	[smem:$0x3FBE] =	sst s2  }
0x8f: {  	_ = 	snop  }
0x90: {  	s2 =	sld [smem:$0x3FC9];
	(tm) =	ssettm $0x1  }
0x91: {  	s18 =	sld [smem:$0x3FFB];
	_ =	sdelay $0x3  }
0x92: {  	_ =	strace s18  }
0x93: {  	s3 =	sld [smem:$0x3FFC];
	_ =	sdelay $0x3  }
0x94: {  	_ =	strace s3  }
0x95: {  	s3 =	sld [smem:$0x3FFD];
	_ =	sdelay $0x3  }
0x96: {  	_ =	strace s3  }
0x97: {  	_ =	strace $0x8FFFFFFF  }
0x98: {  	s19 =	sld [smem:$0x3FDB];
	_ =	sdelay $0x1  }
0x99: {  	s4 =	simm.s32 $_scs_section_size  }
0x9a: {  	s5 =	simm.s32 $_size__tile_overlayer_lowered;
	s6 =	simm.s32 $_tile_overlayer_lowered  }
0x9b: {  	s22 =	simm.s32 $0x1BFF;
	s21 =	sshll.u32 s6, $0x1;
	s3 =	sadd.s32 s4, s19  }
0x9c: {  	s7 =	simm.s32 $0x0;
	s20 =	sshll.u32 s5, $0x1;
	s5 =	sadd.s32 s21, s3  }
0x9d: {  	[timem:s7], [sflag:s22] =	dma.local [hbm:s5], s20  }
0x9e: {  	_ =	swait.ge [sflag:s22], s20  }
0x9f: {  	s4 =	ssub.s32 $0x0, s20;
	[sflag:s22] =	ssyncset.done $0x0  }
0xa0: {  	[sflag:s22] =	ssyncadd.s32 s4;
	_ =	sdelay $0x1  }
0xa1: {  	s23 =	simm.s32 $0x1B8B  }
0xa2: {  	_ =	swait.ge [sflag:s23], $0x1  }
0xa3: {  	[sflag:s23] =	ssyncset.done $0x0  }
0xa4: {  	s25 =	simm.s32 $0x1B8E;
	s24 =	sld [smem:$0x3FFE];
	[sflag:s23] =	ssyncadd.s32 $0xFFFFFFFF  }
0xa5: {  	s26 =	simm.s32 $execute0_lowered;
	[smem:$0x3FD2] =	sst s25  }
0xa6: {  	s5 =	sshll.u32 s26, $0x1;
	_ =	strace $0x80000046;
	[dreg:$0x1] =	wrdreg $0xFFFFFFFF  }
0xa7: {  	s28 =	simm.s32 $_size_execute0_lowered;
	s3 =	sadd.s32 s3, s5;
	[dreg:$0x0] =	wrdreg $0x0  }
0xa8: {  	s5 =	sshll.u32 s28, $0x1;
	[dreg:$0x2] =	wrdreg s3  }
0xa9: {  	[dreg:$0x3] =	wrdreg s5  }
0xaa: {  	[dreg:$0x4] =	wrdreg $0xC0  }
0xab: {  	_ =	task [dreg:s7], $0x5FFFF  }
0xac: {  	[dreg:$0x1] =	wrdreg $0xFFFFFFFF  }
0xad: {  	[dreg:$0x0] =	wrdreg $0x60  }
0xae: {  	[dreg:$0x2] =	wrdreg s2  }
0xaf: {  	[dreg:$0x3] =	wrdreg s24  }
0xb0: {  	[dreg:$0x4] =	wrdreg $0x9  }
0xb1: {  	_ =	task.clear_ibuf [dreg:s7], $0x5FFFF;
	_ =	strace $0x90000046  }
0xb2: {  	s29 =	simm.s32 $0x9;
	_ =	strace $0x80000048  }
0xb3: {  	_ =	swait.ge [sflag:s29], $0x1  }
0xb4: {  	[sflag:s29] =	ssyncadd.s32 $0xFFFFFFFF  }
0xb5: {  	_ =	strace $0x90000048  }
0xb6: {  	_ =	sfence  }
0xb7: {  	s30 =	sld [smem:$0x0];
	_ =	sdelay $0x2  }
0xb8: {  	s31 =	sshll.u32 s1, $0xD;
	s1 =	sshrl.u32 s1, $0x2  }
0xb9: {  	s3 =	sand.u32 $0x4000, s31;
	s1 =	sadd.s32 s1, s30  }
0xba: {  	s0 =	sor.u32 s3, s0;
	s1 =	sshll.u32 s1, $0x11  }
0xbb: {  	s0 =	sor.u32 s1, s0  }
0xbc: {  	s0 =	sadd.s32 $0x8F2B, s0  }
0xbd: {  	[sflag:s0] =	ssyncadd.remote.s32 $0x1  }
0xbe: {  	_ =	sfence.sel $0xFFFF  }
0xbf: {  	[dreg:$0x0] =	wrdreg $0xFFFFFFFF;
	(pc) =	sbr.abs _section_cstart, $3  }
0xc0: {  	[dreg:$0x1] =	wrdreg $0xFFFFFFFF  }
0xc1: {  	_ =	task.clear_ibuf [dreg:s7], $0x2FFFF;
	_ =	strace $0x9FFFFFFF  }
0xc2: {  	(tm) =	ssettm $0x7FFFFFFF  }
0xc3: {  	_ =	shalt  }
tec
execute0_lowered:
.L_overlay_start_1:
0x0: {  	(tag) =	ssettag $0x1  }
0x1: {  	s1 =	rddreg [dreg:$0x0]  }
0x2: {  	s4 =	rddreg [dreg:$0x1]  }
0x3: {  	s0 =	rddreg [dreg:$0x2];
	s3 =	simm.s32 $0x0  }
0x4: {  	s2 =	stileid.u32;
	s5 =	srdreg.scid;
	s13 =	simm.s32 $0x4100  }
0x5: {  	s14 =	simm.s32 $0x0;
	[smem:$0x7FF] =	sst s3;
	s6 =	sshll.u32 s2, $0xC  }
0x6: {  	s7 =	sand.u32 $0x1, s5;
	s8 =	sadd.s32 $0x2C00, s4;
	s10 =	sshll.u32 s2, $0x5  }
0x7: {  	p0 =	seq.s32 s2, $0x0;
	_ =	strace $0x80000047;
	s9 =	sadd.s32 s6, s4  }
0x8: {  	s5 =	ssub.s32 $0x2, s7;
	s11 =	sshll.u32 s7, $0x4;
	s4 =	simm.s32 $0x28  }
0x9: {  	s7 =	sshll.u32 s7, $0xB;
	s30 =	sshrl.u32 s5, $0x1;
	s11 =	sor.u32 s11, s10  }
0xa: {  	s4 =	simm.s32 @!p0 $0x27;
	s10 =	sand.u32 $0x180, s10;
	s9 =	sadd.s32 s7, s9  }
0xb: {  	s12 =	ssub.s32 s5, s30;
	s5 =	sadd.s32 s8, s11;
	s10 =	sadd.s32 s10, s8  }
0xc: {  	s11 =	sand.u32 $0x70, s11;
	s8 =	sadd.s32 $0xCA00, s9;
	s6 =	sadd.s32 $0x200, s5  }
0xd: {  	s7 =	smax.u32 s12, $0x1;
	s31 =	sadd.s32 s11, s10;
	s10 =	simm.s32 $0x3  }
0xe: {  	s11 =	simm.s32 $0x80;
	s12 =	simm.s32 $0x100;
	s9 =	sadd.s32 $0x400, s31  }
.LBB2_1:
0xf: {  	[tilespmem:s3], [sflag:$0x3] =	stream.linear.gather [hbm4b:s5+s3], $0x80, $0x38;
	[tilespmem:$0x8100] =	vst v63  }
0x10: {  	_ =	swait.ge [sflag:s10], $0x80  }
0x11: {  	[sflag:s10] =	ssyncset.done $0x0  }
0x12: {  	[sflag:s10] =	ssyncadd.s32 $0xFFFFFF80  }
0x13: {  	[tilespmem:s11], [sflag:$0x3] =	stream.linear.gather [hbm4b:s6+s3], $0x80, $0x38;
	[tilespmem:$0x8100] =	vst v63  }
0x14: {  	_ =	swait.ge [sflag:s10], $0x80  }
0x15: {  	[sflag:s10] =	ssyncset.done $0x0  }
0x16: {  	p0 =	sle.u32 s4, $0x0;
	[sflag:s10] =	ssyncadd.s32 $0xFFFFFF80  }
0x17: {  	[tilespmem:s12], [sflag:$0x1] =	stream.indirect.gather [hbm4b:s1+s11], $0x80, s3, s11, $0xb8;
	[tilespmem:$0x8100] =	vst v63  }
0x18: {  	s15 =	simm.s32 @!p0 $0x1  }
0x19: {  	[tilespmem:s13], [sflag:$0x2] =	stream.indirect.gather [hbm4b:s1+s11], $0x80, s11, s11, $0xb8;
	[tilespmem:$0x8100] =	vst v63  }
0x1a: {  	_ =	swait.ge @!p0 [sflag:s15], $0x4000  }
0x1b: {  	s16 =	simm.s32 @!p0 $0x3;
	[sflag:s15] =	ssyncset.done @!p0 $0x0  }
0x1c: {  	s17 =	simm.s32 @!p0 $0x0;
	s18 =	simm.s32 @!p0 $0x100;
	[sflag:s15] =	ssyncadd.s32 @!p0 $0xFFFFC000  }
0x1d: {  	[hbm4b:s8+s17] =	stream.linear.scatter @!p0 [tilespmem:s18], [sflag:$0x3], $0x4000, $0x38;
	[tilespmem:$0x8100] =	vst v63  }
0x1e: {  	p1 =	sle.u32 @!p0 s4, $0x2;
	_ =	swait.ge @!p0 [sflag:s16], $0x4000  }
0x1f: {  	p1 =	por p1, p0;
	[sflag:s16] =	ssyncset.done @!p0 $0x0  }
0x20: {  	s15 =	simm.s32 @!p1 $0x0;
	s17 =	simm.s32 @!p1 $0x3;
	[sflag:s16] =	ssyncadd.s32 @!p0 $0xFFFFC000  }
0x21: {  	[tilespmem:s15], [sflag:$0x3] =	stream.linear.gather @!p1 [hbm4b:s9+s15], $0x80, $0x38;
	[tilespmem:$0x8100] =	vst v63  }
0x22: {  	_ =	swait.ge @!p1 [sflag:s17], $0x80  }
0x23: {  	s18 =	simm.s32 @!p1 $0x80;
	[sflag:s17] =	ssyncset.done @!p1 $0x0  }
0x24: {  	s16 =	simm.s32 @!p1 $0x100;
	p0 =	sle.u32 s4, $0x1;
	[sflag:s17] =	ssyncadd.s32 @!p1 $0xFFFFFF80  }
0x25: {  	[tilespmem:s16], [sflag:$0x1] =	stream.indirect.gather @!p1 [hbm4b:s1+s18], $0x80, s15, s18, $0xb8;
	[tilespmem:$0x8100] =	vst v63  }
0x26: {  	s17 =	simm.s32 @!p0 $0x2;
	s15 =	simm.s32 @!p0 $0x4100;
	p1 =	sle.u32 @!p0 s4, $0x3  }
0x27: {  	s16 =	sadd.s32 @!p0 $0x10000, s8;
	s18 =	simm.s32 @!p0 $0x0;
	_ =	swait.ge @!p0 [sflag:s17], $0x4000  }
0x28: {  	p2 =	por p1, p0;
	p1 =	sle.u32 s4, $0x2;
	[sflag:s17] =	ssyncset.done @!p0 $0x0  }
0x29: {  	s20 =	simm.s32 @!p2 $0x80;
	[sflag:s17] =	ssyncadd.s32 @!p0 $0xFFFFC000;
	s17 =	simm.s32 @!p0 $0x3  }
0x2a: {  	[hbm4b:s16+s18] =	stream.linear.scatter @!p0 [tilespmem:s15], [sflag:$0x3], $0x4000, $0x38;
	[tilespmem:$0x8100] =	vst v63  }
0x2b: {  	s21 =	simm.s32 @!p2 $0x3;
	s22 =	simm.s32 @!p2 $0x4100;
	_ =	swait.ge @!p0 [sflag:s17], $0x4000  }
0x2c: {  	s16 =	simm.s32 $0x2;
	s18 =	simm.s32 $0x4;
	[sflag:s17] =	ssyncset.done @!p0 $0x0  }
0x2d: {  	s15 =	sadd.s32 @!p2 $0x200, s9;
	[sflag:s17] =	ssyncadd.s32 @!p0 $0xFFFFC000;
	s17 =	simm.s32 @!p2 $0x0  }
0x2e: {  	[tilespmem:s20], [sflag:$0x3] =	stream.linear.gather @!p2 [hbm4b:s15+s17], $0x80, $0x38;
	[tilespmem:$0x8100] =	vst v63  }
0x2f: {  	s15 =	sadd.s32 $0x400, s9;
	s17 =	sadd.s32 $0x20000, s8;
	_ =	swait.ge @!p2 [sflag:s21], $0x80  }
.LBB2_2:
0x30: {  	s23 =	simm.s32 @!p1 $0x1;
	[sflag:s21] =	ssyncset.done @!p2 $0x0;
	s24 =	smov.u32 s16  }
0x31: {  	s16 =	smov.u32 s18;
	s18 =	sadd.s32 $0x2, s18;
	s19 =	smov.u32 s15  }
0x32: {  	p0 =	sne.s32 s18, $0x28;
	[sflag:s21] =	ssyncadd.s32 @!p2 $0xFFFFFF80  }
0x33: {  	[tilespmem:s22], [sflag:$0x2] =	stream.indirect.gather @!p2 [hbm4b:s1+s20], $0x80, s20, s20, $0xb8;
	[tilespmem:$0x8100] =	vst v63  }
0x34: {  	s21 =	sadd.s32 @!p1 $0x2, s24;
	s20 =	simm.s32 @!p1 $0x3;
	_ =	swait.ge @!p1 [sflag:s23], $0x4000  }
0x35: {  	s25 =	simm.s32 @!p1 $0x100;
	s22 =	simm.s32 @!p1 $0x0;
	[sflag:s23] =	ssyncset.done @!p1 $0x0  }
0x36: {  	p2 =	sge.u32 @!p1 s21, s4;
	[sflag:s23] =	ssyncadd.s32 @!p1 $0xFFFFC000  }
0x37: {  	[hbm4b:s17+s22] =	stream.linear.scatter @!p1 [tilespmem:s25], [sflag:$0x3], $0x4000, $0x38;
	[tilespmem:$0x8100] =	vst v63  }
0x38: {  	p2 =	por p2, p1;
	_ =	swait.ge @!p1 [sflag:s20], $0x4000  }
0x39: {  	s21 =	simm.s32 @!p2 $0x0;
	s22 =	simm.s32 @!p2 $0x3;
	[sflag:s20] =	ssyncset.done @!p1 $0x0  }
0x3a: {  	s15 =	sadd.s32 $0x400, s15;
	[sflag:s20] =	ssyncadd.s32 @!p1 $0xFFFFC000  }
0x3b: {  	[tilespmem:s21], [sflag:$0x3] =	stream.linear.gather @!p2 [hbm4b:s19+s21], $0x80, $0x38;
	[tilespmem:$0x8100] =	vst v63  }
0x3c: {  	s23 =	sadd.s32 $0x1, s24;
	s20 =	simm.s32 @!p2 $0x100;
	_ =	swait.ge @!p2 [sflag:s22], $0x80  }
0x3d: {  	s25 =	simm.s32 @!p2 $0x80;
	p1 =	sge.u32 s23, s4;
	[sflag:s22] =	ssyncset.done @!p2 $0x0  }
0x3e: {  	s23 =	sadd.s32 @!p1 $0x3, s24;
	[sflag:s22] =	ssyncadd.s32 @!p2 $0xFFFFFF80;
	s22 =	simm.s32 @!p1 $0x2  }
0x3f: {  	[tilespmem:s20], [sflag:$0x1] =	stream.indirect.gather @!p2 [hbm4b:s1+s25], $0x80, s21, s25, $0xb8;
	[tilespmem:$0x8100] =	vst v63  }
0x40: {  	s20 =	simm.s32 @!p1 $0x4100;
	p2 =	sge.u32 @!p1 s23, s4;
	_ =	swait.ge @!p1 [sflag:s22], $0x4000  }
0x41: {  	s21 =	sadd.s32 @!p1 $0x10000, s17;
	s23 =	simm.s32 @!p1 $0x0;
	[sflag:s22] =	ssyncset.done @!p1 $0x0  }
0x42: {  	s17 =	sadd.s32 $0x20000, s17;
	[sflag:s22] =	ssyncadd.s32 @!p1 $0xFFFFC000;
	s22 =	simm.s32 @!p1 $0x3  }
0x43: {  	[hbm4b:s21+s23] =	stream.linear.scatter @!p1 [tilespmem:s20], [sflag:$0x3], $0x4000, $0x38;
	[tilespmem:$0x8100] =	vst v63  }
.Ltmp0:
0x44: {  	p2 =	por p2, p1;
	_ =	swait.ge @!p1 [sflag:s22], $0x4000;
	(pc) =	sbr.rel @p0 .LBB2_2-.Ltmp0, $4  }
0x45: {  	s19 =	sadd.s32 @!p2 $0x200, s19;
	s20 =	simm.s32 @!p2 $0x80;
	[sflag:s22] =	ssyncset.done @!p1 $0x0  }
0x46: {  	s21 =	simm.s32 @!p2 $0x3;
	[sflag:s22] =	ssyncadd.s32 @!p1 $0xFFFFC000;
	s22 =	simm.s32 @!p2 $0x0  }
0x47: {  	[tilespmem:s20], [sflag:$0x3] =	stream.linear.gather @!p2 [hbm4b:s19+s22], $0x80, $0x38;
	[tilespmem:$0x8100] =	vst v63  }
0x48: {  	p1 =	sge.u32 s16, s4;
	s22 =	simm.s32 @!p2 $0x4100;
	_ =	swait.ge @!p2 [sflag:s21], $0x80  }
0x49: {  	[sflag:s21] =	ssyncset.done @!p2 $0x0  }
0x4a: {  	s18 =	simm.s32 @!p1 $0x1;
	[sflag:s21] =	ssyncadd.s32 @!p2 $0xFFFFFF80  }
0x4b: {  	[tilespmem:s22], [sflag:$0x2] =	stream.indirect.gather @!p2 [hbm4b:s1+s20], $0x80, s20, s20, $0xb8;
	[tilespmem:$0x8100] =	vst v63  }
0x4c: {  	_ =	swait.ge @!p1 [sflag:s18], $0x4000  }
0x4d: {  	s19 =	simm.s32 @!p1 $0x3;
	s21 =	simm.s32 @!p1 $0x0;
	[sflag:s18] =	ssyncset.done @!p1 $0x0  }
0x4e: {  	s20 =	sadd.s32 @!p1 $0x2, s16;
	s22 =	simm.s32 @!p1 $0x100;
	[sflag:s18] =	ssyncadd.s32 @!p1 $0xFFFFC000  }
0x4f: {  	[hbm4b:s17+s21] =	stream.linear.scatter @!p1 [tilespmem:s22], [sflag:$0x3], $0x4000, $0x38;
	[tilespmem:$0x8100] =	vst v63  }
0x50: {  	p0 =	sge.u32 @!p1 s20, s4;
	_ =	swait.ge @!p1 [sflag:s19], $0x4000  }
0x51: {  	s31 =	sadd.s32 $0x1, s16;
	p2 =	por p0, p1;
	[sflag:s19] =	ssyncset.done @!p1 $0x0  }
0x52: {  	s18 =	simm.s32 @!p2 $0x0;
	s20 =	simm.s32 @!p2 $0x3;
	[sflag:s19] =	ssyncadd.s32 @!p1 $0xFFFFC000  }
0x53: {  	[tilespmem:s18], [sflag:$0x3] =	stream.linear.gather @!p2 [hbm4b:s15+s18], $0x80, $0x38;
	[tilespmem:$0x8100] =	vst v63  }
0x54: {  	p0 =	sge.u32 s31, s4;
	_ =	swait.ge @!p2 [sflag:s20], $0x80  }
0x55: {  	s16 =	sadd.s32 @!p0 $0x3, s16;
	s21 =	simm.s32 @!p2 $0x100;
	[sflag:s20] =	ssyncset.done @!p2 $0x0  }
0x56: {  	s19 =	simm.s32 @!p2 $0x80;
	[sflag:s20] =	ssyncadd.s32 @!p2 $0xFFFFFF80;
	s20 =	simm.s32 @!p0 $0x2  }
0x57: {  	[tilespmem:s21], [sflag:$0x1] =	stream.indirect.gather @!p2 [hbm4b:s1+s19], $0x80, s18, s19, $0xb8;
	[tilespmem:$0x8100] =	vst v63  }
0x58: {  	p1 =	sge.u32 @!p0 s16, s4;
	_ =	swait.ge @!p0 [sflag:s20], $0x4000  }
0x59: {  	s16 =	sadd.s32 @!p0 $0x10000, s17;
	s17 =	simm.s32 @!p0 $0x0;
	[sflag:s20] =	ssyncset.done @!p0 $0x0  }
0x5a: {  	s18 =	simm.s32 @!p0 $0x4100;
	s19 =	simm.s32 @!p0 $0x3;
	[sflag:s20] =	ssyncadd.s32 @!p0 $0xFFFFC000  }
0x5b: {  	[hbm4b:s16+s17] =	stream.linear.scatter @!p0 [tilespmem:s18], [sflag:$0x3], $0x4000, $0x38;
	[tilespmem:$0x8100] =	vst v63  }
0x5c: {  	s14 =	sadd.s32 $0x1, s14;
	p1 =	por p1, p0;
	_ =	swait.ge @!p0 [sflag:s19], $0x4000  }
0x5d: {  	s15 =	sadd.s32 @!p1 $0x200, s15;
	s16 =	simm.s32 @!p1 $0x80;
	[sflag:s19] =	ssyncset.done @!p0 $0x0  }
0x5e: {  	s17 =	simm.s32 @!p1 $0x0;
	[sflag:s19] =	ssyncadd.s32 @!p0 $0xFFFFC000;
	p0 =	sne.s32 s14, s7  }
0x5f: {  	[tilespmem:s16], [sflag:$0x3] =	stream.linear.gather @!p1 [hbm4b:s15+s17], $0x80, $0x38;
	[tilespmem:$0x8100] =	vst v63  }
.Ltmp1:
0x60: {  	s18 =	simm.s32 @!p1 $0x3;
	(pc) =	sbr.rel @p0 .LBB2_1-.Ltmp1, $4  }
0x61: {  	_ =	swait.ge @!p1 [sflag:s18], $0x80  }
0x62: {  	[sflag:s18] =	ssyncset.done @!p1 $0x0  }
0x63: {  	s15 =	simm.s32 @!p1 $0x4100;
	[sflag:s18] =	ssyncadd.s32 @!p1 $0xFFFFFF80  }
0x64: {  	[tilespmem:s15], [sflag:$0x2] =	stream.indirect.gather @!p1 [hbm4b:s1+s16], $0x80, s16, s16, $0xb8;
	[tilespmem:$0x8100] =	vst v63  }
0x65: {  	_ =	sfence.sel $0x180000  }
0x66: {  	[bflag:$0x0] =	sbarrier.arrive $0xFFFF  }
0x67: {  	p0 =	sne.s32 s2, $0x0;
	_ =	strace $0x90000047  }
0x68: {  	s0 =	sadd.s32 @!p0 $0x100000, s0;
	[bflag:$0x2] =	sbarrier.arrive $0xFFFF  }
0x69: {  	[sflag:s0] =	ssyncadd.tile.s32 @!p0 $0x1;
	_ =	shalt  }
.Lfunc_end2:
_tile_overlayer_lowered:
.L_overlay_start_2:
0x6a: {  	(tag) =	ssettag $0x2  }
0x6b: {  	s0 =	rddreg [dreg:$0x0];
	s2 =	stileid.u32  }
0x6c: {  	s1 =	rddreg [dreg:$0x1];
	p0 =	sne.s32 s2, $0x0  }
0x6d: {  	s3 =	rddreg [dreg:$0x2];
	[bflag:$0x3] =	sbarrier.arrive $0xFFFF;
	s2 =	simm.s32 @!p0 $0x1C03  }
0x6e: {  	[timem:s3], [sflag:s2] =	dma.local @!p0 [hbm:s0], s1  }
0x6f: {  	s0 =	simm.s32 @!p0 $0x3  }
0x70: {  	_ =	swait.ge @!p0 [sflag:s0], s1  }
0x71: {  	s1 =	ssub.s32 @!p0 $0x0, s1;
	[sflag:s0] =	ssyncset.done @!p0 $0x0  }
0x72: {  	[sflag:s0] =	ssyncadd.s32 @!p0 s1  }
0x73: {  	[bflag:$0x3] =	sbarrier.arrive $0xFFFF  }
0x74: {  	_ =	shalt  }

// kernel: sc_scatter_h0.3.cloned.1.call-start
scs
__scs_entry_jumppad:
0x0: {  	(pc) =	sbr.rel $0x88, $3  }
0x1: {  	(tag) =	ssettag $0x0;
	lr =	simm.s32 $0x1  }
0x2: {  	[smem:$0x3F97] =	sst lr;
	_ =	strace $0xD0000000  }
0x3: {  	_ = 	snop  }
0x4: {  	_ = 	snop  }
0x5: {  	_ = 	snop  }
0x6: {  	_ = 	snop  }
0x7: {  	_ = 	snop  }
__scs_overlays_trampoline_lowered:
0x8: {  	[smem:$0x3FA6] =	sst s0  }
0x9: {  	[smem:$0x3FA7] =	sst s1  }
0xa: {  	[smem:$0x3FA8] =	sst s2  }
0xb: {  	[smem:$0x3FA9] =	sst s3  }
0xc: {  	[smem:$0x3FAA] =	sst s4  }
0xd: {  	[smem:$0x3FAB] =	sst s5  }
0xe: {  	[smem:$0x3FAC] =	sst s6  }
0xf: {  	[smem:$0x3FAD] =	sst s7  }
0x10: {  	[smem:$0x3FAE] =	sst s8  }
0x11: {  	[smem:$0x3FAF] =	sst s9;
	s0 =	simm.s32 @!p0 $0x0  }
0x12: {  	s1 =	sld [smem:$0x3F95];
	s0 =	simm.s32 @p0 $0x1  }
0x13: {  	[smem:$0x3FB0] =	sst s0;
	s0 =	simm.s32 @!p1 $0x0  }
0x14: {  	s2 =	sld [smem:$0x3F94];
	s0 =	simm.s32 @p1 $0x1  }
0x15: {  	[smem:$0x3FB1] =	sst s0;
	s0 =	simm.s32 @!p2 $0x0  }
0x16: {  	s3 =	sld [smem:$0x3FDB];
	s0 =	simm.s32 @p2 $0x1  }
0x17: {  	s4 =	simm.s32 $0x1BF5;
	[smem:$0x3FB3] =	sst s0  }
0x18: {  	s0 =	sld [smem:$0x3F96];
	_ =	swait.ge [sflag:s4], $0x0  }
0x19: {  	s7 =	sld [smem:$0x3F97]  }
0x1a: {  	s8 =	sadd.s32 $0xFFFFE003, lr  }
0x1b: {  	s9 =	sadd.s32 $0xFFFFFEF7, lr;
	s5 =	simm.s32 $0xFFFFFFFF;
	p2 =	slt.u32 s8, $0xFFFFF086  }
0x1c: {  	p1 =	slt.u32 s9, $0xF7A;
	s5 =	simm.s32 @!p2 $0x0  }
0x1d: {  	s5 =	simm.s32 @p1 $0x1;
	p0 =	seq.s32 s7, s2  }
0x1e: {  	s7 =	smul.u32 @!p0 $0xF7A, s2;
	p2 =	seq.s32 @!p0 s5, $0x0  }
0x1f: {  	s9 =	smul.u32 $0xF7A, s1;
	s8 =	simm.s32 @!p0 $0x1BF5;
	p2 =	por !p2, p0  }
0x20: {  	[sflag:s8] =	ssyncset.s32 @!p0 $0xFFFFF086;
	s6 =	sadd.s32 @!p0 s3, s7;
	s7 =	simm.s32 @!p0 $0x108  }
0x21: {  	s3 =	sadd.s32 s3, s9;
	s6 =	sadd.s32 @!p0 $0x88, s6;
	s7 =	simm.s32 @p2 $0x1082  }
0x22: {  	[simem:s7], [sflag:s8] =	dma.local @!p0 [hbm:s6], $0xF7A  }
0x23: {  	s9 =	sor.u32 $0xD0000000, s2;
	s6 =	simm.s32 $0x108;
	_ =	swait.ge @!p0 [sflag:s8], $0x0  }
0x24: {  	s3 =	sadd.s32 $0x88, s3;
	s6 =	simm.s32 @!p1 $0x1082;
	[sflag:s4] =	ssyncset.s32 $0xFFFFF086  }
0x25: {  	[simem:s6], [sflag:s4] =	dma.local [hbm:s3], $0xF7A  }
0x26: {  	[smem:$0x3F97] =	sst s1;
	(tag) =	ssettag s2;
	_ =	strace s9  }
0x27: {  	s1 =	sld [smem:$0x3FA7]  }
0x28: {  	s2 =	sld [smem:$0x3FA8]  }
0x29: {  	s4 =	sld [smem:$0x3FAA]  }
0x2a: {  	p0 =	seq.s32 s5, $0x0;
	s5 =	sld [smem:$0x3FAB]  }
0x2b: {  	s6 =	sld [smem:$0x3FAC]  }
0x2c: {  	s7 =	sld [smem:$0x3FAD]  }
0x2d: {  	s3 =	simm.s32 $0x108;
	s8 =	sld [smem:$0x3FAE]  }
0x2e: {  	s3 =	simm.s32 @!p0 $0x1082;
	s9 =	sld [smem:$0x3FAF]  }
0x2f: {  	lr =	sadd.s32 s0, s3;
	s0 =	sld [smem:$0x3FA6]  }
0x30: {  	s3 =	sld [smem:$0x3FA9]  }
0x31: {  	[smem:$0x3FB2] =	sst s10  }
0x32: {  	s10 =	sld [smem:$0x3FB0];
	_ =	sdelay $0x3  }
0x33: {  	p0 =	seq.s32 s10, $0x1;
	s10 =	sld [smem:$0x3FB2];
	_ =	sdelay $0x3  }
0x34: {  	[smem:$0x3FB2] =	sst s10  }
0x35: {  	s10 =	sld [smem:$0x3FB1];
	_ =	sdelay $0x3  }
0x36: {  	p1 =	seq.s32 s10, $0x1;
	s10 =	sld [smem:$0x3FB2];
	_ =	sdelay $0x3  }
0x37: {  	[smem:$0x3FB2] =	sst s10  }
0x38: {  	s10 =	sld [smem:$0x3FB3]  }
0x39: {  	_ = 	snop;
	(pc) =	sbr.ind lr, $3  }
0x3a: {  	_ = 	snop  }
0x3b: {  	_ = 	snop  }
0x3c: {  	p2 =	seq.s32 s10, $0x1;
	s10 =	sld [smem:$0x3FB2]  }
0x3d: {  	_ =	shalt  }
0x3e: {  	_ =	shalt  }
0x3f: {  	_ =	shalt  }
0x40: {  	_ =	shalt  }
0x41: {  	_ =	shalt  }
0x42: {  	_ =	shalt  }
0x43: {  	_ =	shalt  }
0x44: {  	_ =	shalt  }
0x45: {  	_ =	shalt  }
0x46: {  	_ =	shalt  }
0x47: {  	_ =	shalt  }
0x48: {  	_ =	shalt  }
0x49: {  	_ =	shalt  }
0x4a: {  	_ =	shalt  }
0x4b: {  	_ =	shalt  }
0x4c: {  	_ =	shalt  }
0x4d: {  	_ =	shalt  }
0x4e: {  	_ =	shalt  }
0x4f: {  	_ =	shalt  }
0x50: {  	_ =	shalt  }
0x51: {  	_ =	shalt  }
0x52: {  	_ =	shalt  }
0x53: {  	_ =	shalt  }
0x54: {  	_ =	shalt  }
0x55: {  	_ =	shalt  }
0x56: {  	_ =	shalt  }
0x57: {  	_ =	shalt  }
0x58: {  	_ =	shalt  }
0x59: {  	_ =	shalt  }
0x5a: {  	_ =	shalt  }
0x5b: {  	_ =	shalt  }
0x5c: {  	_ =	shalt  }
0x5d: {  	_ =	shalt  }
0x5e: {  	_ =	shalt  }
0x5f: {  	_ =	shalt  }
0x60: {  	_ =	shalt  }
0x61: {  	_ =	shalt  }
0x62: {  	_ =	shalt  }
0x63: {  	_ =	shalt  }
0x64: {  	_ =	shalt  }
0x65: {  	_ =	shalt  }
0x66: {  	_ =	shalt  }
0x67: {  	_ =	shalt  }
0x68: {  	_ =	shalt  }
0x69: {  	_ =	shalt  }
0x6a: {  	_ =	shalt  }
0x6b: {  	_ =	shalt  }
0x6c: {  	_ =	shalt  }
0x6d: {  	_ =	shalt  }
0x6e: {  	_ =	shalt  }
0x6f: {  	_ =	shalt  }
0x70: {  	_ =	shalt  }
0x71: {  	_ =	shalt  }
0x72: {  	_ =	shalt  }
0x73: {  	_ =	shalt  }
0x74: {  	_ =	shalt  }
0x75: {  	_ =	shalt  }
0x76: {  	_ =	shalt  }
0x77: {  	_ =	shalt  }
0x78: {  	_ =	shalt  }
0x79: {  	_ =	shalt  }
0x7a: {  	_ =	shalt  }
0x7b: {  	_ =	shalt  }
0x7c: {  	_ =	shalt  }
0x7d: {  	_ =	shalt  }
0x7e: {  	_ =	shalt  }
0x7f: {  	_ =	shalt  }
0x80: {  	_ =	shalt  }
0x81: {  	_ =	shalt  }
0x82: {  	_ =	shalt  }
0x83: {  	_ =	shalt  }
0x84: {  	_ =	shalt  }
0x85: {  	_ =	shalt  }
0x86: {  	_ =	shalt  }
0x87: {  	_ =	shalt  }
.Lfunc_end0:
.L_simem_size_0:
called_computation.1_lowered:
.L_overlay_start_0:
0x88: {  	s2 =	sld [smem:$0x3FD9]  }
0x89: {  	s3 =	sld [smem:$0x3FFE];
	_ =	sdelay $0x1  }
0x8a: {  	s1 =	srdreg.scid  }
0x8b: {  	s0 =	sand.u32 $0x1, s1  }
0x8c: {  	s17 =	sshll.u32 s0, $0xA;
	s2 =	sadd.s32 s3, s2  }
0x8d: {  	s2 =	sadd.s32 s2, s17  }
0x8e: {  	[smem:$0x3FBE] =	sst s2  }
0x8f: {  	_ = 	snop  }
0x90: {  	s2 =	sld [smem:$0x3FD0];
	(tm) =	ssettm $0x1  }
0x91: {  	s18 =	sld [smem:$0x3FFB];
	_ =	sdelay $0x3  }
0x92: {  	_ =	strace s18  }
0x93: {  	s3 =	sld [smem:$0x3FFC];
	_ =	sdelay $0x3  }
0x94: {  	_ =	strace s3  }
0x95: {  	s3 =	sld [smem:$0x3FFD];
	_ =	sdelay $0x3  }
0x96: {  	_ =	strace s3  }
0x97: {  	_ =	strace $0x8FFFFFFF  }
0x98: {  	s19 =	sld [smem:$0x3FDB];
	_ =	sdelay $0x1  }
0x99: {  	s4 =	simm.s32 $_scs_section_size  }
0x9a: {  	s5 =	simm.s32 $_size__tile_overlayer_lowered;
	s6 =	simm.s32 $_tile_overlayer_lowered  }
0x9b: {  	s22 =	simm.s32 $0x1BFF;
	s21 =	sshll.u32 s6, $0x1;
	s3 =	sadd.s32 s4, s19  }
0x9c: {  	s7 =	simm.s32 $0x0;
	s20 =	sshll.u32 s5, $0x1;
	s5 =	sadd.s32 s21, s3  }
0x9d: {  	[timem:s7], [sflag:s22] =	dma.local [hbm:s5], s20  }
0x9e: {  	_ =	swait.ge [sflag:s22], s20  }
0x9f: {  	s4 =	ssub.s32 $0x0, s20;
	[sflag:s22] =	ssyncset.done $0x0  }
0xa0: {  	[sflag:s22] =	ssyncadd.s32 s4;
	_ =	sdelay $0x1  }
0xa1: {  	s23 =	simm.s32 $0x1B8B  }
0xa2: {  	_ =	swait.ge [sflag:s23], $0x1  }
0xa3: {  	[sflag:s23] =	ssyncset.done $0x0  }
0xa4: {  	s25 =	simm.s32 $0x1B8E;
	s24 =	sld [smem:$0x3FFE];
	[sflag:s23] =	ssyncadd.s32 $0xFFFFFFFF  }
0xa5: {  	s26 =	simm.s32 $execute0_lowered;
	[smem:$0x3FD2] =	sst s25  }
0xa6: {  	s5 =	sshll.u32 s26, $0x1;
	_ =	strace $0x80000049;
	[dreg:$0x1] =	wrdreg $0xFFFFFFFF  }
0xa7: {  	s28 =	simm.s32 $_size_execute0_lowered;
	s3 =	sadd.s32 s3, s5;
	[dreg:$0x0] =	wrdreg $0x0  }
0xa8: {  	s5 =	sshll.u32 s28, $0x1;
	[dreg:$0x2] =	wrdreg s3  }
0xa9: {  	[dreg:$0x3] =	wrdreg s5  }
0xaa: {  	[dreg:$0x4] =	wrdreg $0xC0  }
0xab: {  	_ =	task [dreg:s7], $0x5FFFF  }
0xac: {  	[dreg:$0x1] =	wrdreg $0xFFFFFFFF  }
0xad: {  	[dreg:$0x0] =	wrdreg $0x60  }
0xae: {  	[dreg:$0x2] =	wrdreg s24  }
0xaf: {  	[dreg:$0x3] =	wrdreg s2  }
0xb0: {  	[dreg:$0x4] =	wrdreg $0x91000  }
0xb1: {  	[dreg:$0x5] =	wrdreg $0x9  }
0xb2: {  	_ =	task.clear_ibuf [dreg:s7], $0x6FFFF;
	_ =	strace $0x90000049  }
0xb3: {  	s29 =	simm.s32 $0x9;
	_ =	strace $0x8000004B  }
0xb4: {  	_ =	swait.ge [sflag:s29], $0x1  }
0xb5: {  	[sflag:s29] =	ssyncadd.s32 $0xFFFFFFFF  }
0xb6: {  	_ =	strace $0x9000004B  }
0xb7: {  	_ =	sfence  }
0xb8: {  	s30 =	sld [smem:$0x0];
	_ =	sdelay $0x2  }
0xb9: {  	s31 =	sshll.u32 s1, $0xD;
	s1 =	sshrl.u32 s1, $0x2  }
0xba: {  	s3 =	sand.u32 $0x4000, s31;
	s1 =	sadd.s32 s1, s30  }
0xbb: {  	s0 =	sor.u32 s3, s0;
	s1 =	sshll.u32 s1, $0x11  }
0xbc: {  	s0 =	sor.u32 s1, s0  }
0xbd: {  	s0 =	sadd.s32 $0x8F2B, s0  }
0xbe: {  	[sflag:s0] =	ssyncadd.remote.s32 $0x1  }
0xbf: {  	_ =	sfence.sel $0xFFFF  }
0xc0: {  	[dreg:$0x0] =	wrdreg $0xFFFFFFFF;
	(pc) =	sbr.abs _section_cstart, $3  }
0xc1: {  	[dreg:$0x1] =	wrdreg $0xFFFFFFFF  }
0xc2: {  	_ =	task.clear_ibuf [dreg:s7], $0x2FFFF;
	_ =	strace $0x9FFFFFFF  }
0xc3: {  	(tm) =	ssettm $0x7FFFFFFF  }
tec
execute0_lowered:
.L_overlay_start_1:
0x0: {  	(tag) =	ssettag $0x1  }
0x1: {  	s2 =	rddreg [dreg:$0x0]  }
0x2: {  	s3 =	rddreg [dreg:$0x1]  }
0x3: {  	s0 =	rddreg [dreg:$0x2];
	s1 =	simm.s32 $0x0  }
0x4: {  	s7 =	srdreg.scid;
	[smem:$0x7FF] =	sst s1  }
0x5: {  	s16 =	stileid.u32;
	s4 =	sadd.s32 $0x75FA00, s2;
	s5 =	sadd.s32 $0x9D0A00, s2  }
0x6: {  	s6 =	sadd.s32 $0xC41A00, s2;
	s8 =	sadd.s32 $0xEB2A00, s2;
	s7 =	sand.u32 $0x1, s7  }
0x7: {  	s2 =	sadd.s32 $0x2C00, s2;
	s10 =	sor.u32 $0x10, s16;
	s12 =	sshll.u32 s16, $0x7  }
0x8: {  	s23 =	sshll.u32 s16, $0xB;
	s9 =	ssub.s32 $0x2, s7;
	s13 =	sshll.u32 s10, $0x7  }
0x9: {  	s20 =	sand.u32 $0x380, s12;
	p0 =	seq.s32 s7, $0x1;
	s21 =	sadd.s32 $0x27400, s12  }
0xa: {  	s17 =	sadd.s32 s4, s23;
	s24 =	sshll.u32 s10, $0xB;
	s18 =	sadd.s32 s5, s23  }
0xb: {  	s28 =	sadd.s32 s6, s23;
	s29 =	sadd.s32 s8, s23;
	s11 =	sshrl.u32 s9, $0x1  }
0xc: {  	s13 =	sand.u32 $0xC00, s13;
	s7 =	sshrl.u32 s21, $0x3;
	s10 =	sadd.s32 s4, s24  }
0xd: {  	s25 =	sadd.s32 s5, s24;
	s26 =	sadd.s32 s6, s24;
	s19 =	sadd.s32 s8, s24  }
0xe: {  	s24 =	sor.u32 $0x1800, s12;
	s9 =	ssub.s32 s9, s11;
	[dreg:$0x7] =	wrdreg s10  }
0xf: {  	s11 =	sor.u32 s20, s13;
	s13 =	smul.u32 $0x4E200, s16;
	[dreg:$0xa] =	wrdreg s25  }
0x10: {  	s7 =	sadd.s32 s2, s7;
	s10 =	sshll.u32 s16, $0x4;
	[dreg:$0xc] =	wrdreg s26  }
0x11: {  	[dreg:$0xe] =	wrdreg s19;
	s20 =	sor.u32 $0x270000, s23;
	s23 =	sor.u32 $0x1000, s12  }
0x12: {  	s25 =	sor.u32 $0x27400, s12;
	s11 =	sadd.s32 $0x27400, s11;
	[dreg:$0x4] =	wrdreg s7  }
0x13: {  	s15 =	sand.u32 $0x70, s10;
	s4 =	sadd.s32 s4, s20;
	s21 =	sadd.s32 s5, s20  }
0x14: {  	s5 =	sshrl.u32 s25, $0x3;
	s22 =	sshrl.u32 s11, $0x3;
	[dreg:$0xf] =	wrdreg s4  }
0x15: {  	s14 =	sshrl.u32 s13, $0x3;
	[dreg:$0x10] =	wrdreg s21;
	s7 =	sadd.s32 s2, s22  }
0x16: {  	s26 =	sadd.s32 s15, s2;
	s22 =	sadd.s32 s6, s20;
	[dreg:$0x5] =	wrdreg s7  }
0x17: {  	s14 =	sadd.s32 s3, s14;
	s3 =	sadd.s32 s8, s20;
	[dreg:$0x11] =	wrdreg s22  }
0x18: {  	s5 =	sadd.s32 s2, s5;
	s11 =	smax.u32 s9, $0x1;
	[dreg:$0x12] =	wrdreg s3  }
0x19: {  	s12 =	sadd.s32 $0x9C80, s26;
	_ =	strace $0x8000004A;
	[dreg:$0x13] =	wrdreg s11  }
0x1a: {  	s7 =	sshrl.u32 s13, $0x2;
	s13 =	sadd.s32 $0x4E00, s5;
	[dreg:$0x14] =	wrdreg s12  }
0x1b: {  	[dreg:$0x15] =	wrdreg s13  }
0x1c: {  	[dreg:$0x8] =	wrdreg s14  }
0x1d: {  	[dreg:$0x6] =	wrdreg s17  }
0x1e: {  	s30 =	simm.s32 $0x80;
	s31 =	simm.s32 $0x100;
	[dreg:$0x9] =	wrdreg s18  }
0x1f: {  	p1 =	sgt.u32 s16, $0x1;
	s4 =	sand.u32 $0x1C00, s24;
	[dreg:$0xb] =	wrdreg s28  }
0x20: {  	s4 =	sadd.s32 s4, s25;
	s11 =	sadd.s32 $0x10, s14;
	[dreg:$0xd] =	wrdreg s29  }
0x21: {  	s8 =	sor.u32 $0x200, s10;
	s13 =	sadd.s32 $0x20, s14;
	[smem:$0x7F7] =	sst s11  }
0x22: {  	s21 =	sadd.s32 s7, s0;
	s14 =	sadd.s32 $0x30, s14;
	[smem:$0x7F8] =	sst s13  }
0x23: {  	s10 =	sor.u32 $0x300, s10;
	s15 =	sadd.s32 $0xC80, s21;
	[smem:$0x7F9] =	sst s14  }
0x24: {  	s3 =	sand.u32 $0x1400, s23;
	s16 =	sadd.s32 $0x1900, s21;
	[dreg:$0x16] =	wrdreg s15  }
0x25: {  	s4 =	sshrl.u32 s4, $0x3;
	s22 =	sadd.s32 $0x2580, s21;
	[dreg:$0x17] =	wrdreg s16  }
0x26: {  	s3 =	sadd.s32 s3, s25;
	s23 =	sadd.s32 $0x3200, s21;
	[dreg:$0x18] =	wrdreg s22  }
0x27: {  	s20 =	sadd.s32 s4, s2;
	s24 =	sadd.s32 $0x3E80, s21;
	[dreg:$0x19] =	wrdreg s23  }
0x28: {  	s3 =	sshrl.u32 s3, $0x3;
	s4 =	sadd.s32 $0x5780, s21;
	[dreg:$0x1a] =	wrdreg s24  }
0x29: {  	s5 =	sadd.s32 $0x6400, s21;
	s6 =	sadd.s32 $0x7080, s21;
	[dreg:$0x1c] =	wrdreg s4  }
0x2a: {  	s7 =	sadd.s32 $0x7D00, s21;
	s9 =	sadd.s32 $0x9600, s21;
	[dreg:$0x1d] =	wrdreg s5  }
0x2b: {  	s12 =	sadd.s32 $0xD480, s21;
	s19 =	sadd.s32 s3, s2;
	[dreg:$0x1e] =	wrdreg s6  }
0x2c: {  	s2 =	sand.u32 $0x280, s8;
	s3 =	sand.u32 $0x380, s10;
	[dreg:$0x1f] =	wrdreg s7  }
0x2d: {  	s8 =	sadd.s32 $0x8980, s21;
	[smem:$0x7F5] =	sst s9;
	s10 =	sadd.s32 $0xA280, s21  }
0x2e: {  	s5 =	sadd.s32 $0xAF00, s21;
	s7 =	sadd.s32 $0xED80, s21;
	s23 =	sadd.s32 $0xFA00, s21  }
0x2f: {  	s24 =	sadd.s32 $0x10680, s21;
	s22 =	sadd.s32 $0x11300, s21;
	s4 =	sadd.s32 $0x12C00, s21  }
0x30: {  	s15 =	sadd.s32 $0x10000, s17;
	s16 =	sadd.s32 $0x10000, s18;
	[smem:$0x7F4] =	sst s8  }
0x31: {  	s17 =	sadd.s32 $0x10000, s28;
	s18 =	sadd.s32 $0x10000, s29;
	[smem:$0x7F6] =	sst s10  }
0x32: {  	s28 =	simm.s32 $0x8100;
	s29 =	simm.s32 $0x3;
	[smem:$0x7FA] =	sst s15  }
0x33: {  	s6 =	simm.s32 $0x0;
	s2 =	sadd.s32 s2, s26;
	[smem:$0x7FB] =	sst s16  }
.Ltmp0:
0x34: {  	s3 =	sadd.s32 s3, s26;
	[smem:$0x7FC] =	sst s17;
	(pc) =	sbr.rel .LBB2_1-.Ltmp0, $4  }
0x35: {  	s8 =	sadd.s32 $0xBB80, s21;
	s10 =	sadd.s32 $0xC800, s21;
	[smem:$0x7FD] =	sst s18  }
0x36: {  	s18 =	simm.s32 $0x4100;
	s15 =	simm.s32 $0x1;
	s17 =	simm.s32 $0x2  }
0x37: {  	s25 =	sadd.s32 $0x4E80, s2;
	s26 =	sadd.s32 $0x4E80, s3;
	s3 =	sadd.s32 $0x4B00, s21  }
0x38: {  	v0 =	vimm.f32 $0.0e+00;
	s2 =	sadd.s32 $0xE100, s21;
	[dreg:$0x1b] =	wrdreg s3;
	s3 =	sadd.s32 $0x11F80, s21  }
.LBB2_18:
0x39: {  	_ =	swait.ge [sflag:s17], $0x4000  }
0x3a: {  	[sflag:s17] =	ssyncset.done $0x0  }
0x3b: {  	[sflag:s17] =	ssyncadd.s32 $0xFFFFC000  }
0x3c: {  	[spmem:s0] =	stream.indirect.scatter.add.f32 [tilespmem:s18], [sflag:$0x3], $0x80, s30, s30, $0xb8;
	[tilespmem:$0x1C980] =	vst v63  }
0x3d: {  	_ =	swait.ge [sflag:s29], $0x4000  }
0x3e: {  	[sflag:s29] =	ssyncset.done $0x0  }
0x3f: {  	s11 =	sld [smem:$0x7F9];
	[sflag:s29] =	ssyncadd.s32 $0xFFFFC000  }
.LBB2_19:
0x40: {  	[bflag:$0x0] =	sbarrier.arrive $0xFFFF  }
0x41: {  	s13 =	sshrl.u32 s21, $0x3;
	s14 =	simm.s32 $0x40;
	s16 =	simm.s32 $0x10  }
0x42: {  	[hbm:s11@s14], [sflag:s9] =	dma.strided [spmem:s13@s16], $0x2710, s15, $0x10   }
0x43: {  	_ =	swait.ge [sflag:s29], $0x2710  }
0x44: {  	s6 =	sadd.s32 $0x1, s6;
	s16 =	rddreg [dreg:$0x13]  }
0x45: {  	p2 =	sne.s32 s6, s16  }
.Ltmp1:
0x46: {  	_ = 	snop;
	(pc) =	sbr.rel @!p2 .LBB2_20-.Ltmp1, $3  }
0x47: {  	[sflag:s29] =	ssyncset.done $0x0  }
0x48: {  	[sflag:s29] =	ssyncadd.s32 $0xFFFFD8F0  }
0x49: {  	[bflag:$0x0] =	sbarrier.arrive $0xFFFF;
	_ =	sdelay $0x1  }
.LBB2_1:
0x4a: {  	s9 =	sand.u32 $0x3E00, s1  }
0x4b: {  	s11 =	sand.u32 $0x70, s1;
	s13 =	sshrl.u32 s9, $0x2  }
0x4c: {  	s9 =	simm.s32 $0x40;
	s13 =	sor.u32 s11, s13;
	s11 =	simm.s32 $0x0  }
.LBB2_2:
0x4d: {  	p2 =	sne.s32 s9, $0x31C0  }
0x4e: {  	[tilespmem:s13+$0x8100] =	vst v0;
	s11 =	sadd.s32 $0x10, s11;
	s13 =	smov.u32 s9;
	s9 =	sadd.s32 $0x40, s9  }
.Ltmp2:
0x4f: {  	(pc) =	sbr.rel @p2 .LBB2_2-.Ltmp2, $4  }
0x50: {  	_ = 	snop  }
0x51: {  	s13 =	sand.u32 $0x3E00, s13  }
0x52: {  	s14 =	sand.u32 $0x70, s11;
	s13 =	sshrl.u32 s13, $0x2  }
0x53: {  	s13 =	sor.u32 s14, s13  }
0x54: {  	[tilespmem:s13+$0x8100] =	vst v0  }
0x55: {  	[spmem:s21] =	stream.linear.scatter [tilespmem:s28], [sflag:$0x3], $0xC80, $0x38;
	[tilespmem:$0x1C980] =	vst v63  }
0x56: {  	_ =	swait.ge [sflag:s29], $0xC80  }
0x57: {  	[sflag:s29] =	ssyncset.done $0x0  }
0x58: {  	s9 =	rddreg [dreg:$0x16];
	[sflag:s29] =	ssyncadd.s32 $0xFFFFF380  }
0x59: {  	[spmem:s9] =	stream.linear.scatter [tilespmem:s28], [sflag:$0x3], $0xC80, $0x38;
	[tilespmem:$0x1C980] =	vst v63  }
0x5a: {  	_ =	swait.ge [sflag:s29], $0xC80  }
0x5b: {  	[sflag:s29] =	ssyncset.done $0x0  }
0x5c: {  	s14 =	rddreg [dreg:$0x17];
	[sflag:s29] =	ssyncadd.s32 $0xFFFFF380  }
0x5d: {  	[spmem:s14] =	stream.linear.scatter [tilespmem:s28], [sflag:$0x3], $0xC80, $0x38;
	[tilespmem:$0x1C980] =	vst v63  }
0x5e: {  	_ =	swait.ge [sflag:s29], $0xC80  }
0x5f: {  	[sflag:s29] =	ssyncset.done $0x0  }
0x60: {  	s16 =	rddreg [dreg:$0x18];
	[sflag:s29] =	ssyncadd.s32 $0xFFFFF380  }
0x61: {  	[spmem:s16] =	stream.linear.scatter [tilespmem:s28], [sflag:$0x3], $0xC80, $0x38;
	[tilespmem:$0x1C980] =	vst v63  }
0x62: {  	_ =	swait.ge [sflag:s29], $0xC80  }
0x63: {  	[sflag:s29] =	ssyncset.done $0x0  }
0x64: {  	s11 =	rddreg [dreg:$0x19];
	[sflag:s29] =	ssyncadd.s32 $0xFFFFF380  }
0x65: {  	[spmem:s11] =	stream.linear.scatter [tilespmem:s28], [sflag:$0x3], $0xC80, $0x38;
	[tilespmem:$0x1C980] =	vst v63  }
0x66: {  	_ =	swait.ge [sflag:s29], $0xC80  }
0x67: {  	[sflag:s29] =	ssyncset.done $0x0  }
0x68: {  	s13 =	rddreg [dreg:$0x1a];
	[sflag:s29] =	ssyncadd.s32 $0xFFFFF380  }
0x69: {  	[spmem:s13] =	stream.linear.scatter [tilespmem:s28], [sflag:$0x3], $0xC80, $0x38;
	[tilespmem:$0x1C980] =	vst v63  }
0x6a: {  	_ =	swait.ge [sflag:s29], $0xC80  }
0x6b: {  	[sflag:s29] =	ssyncset.done $0x0  }
0x6c: {  	s14 =	rddreg [dreg:$0x1b];
	[sflag:s29] =	ssyncadd.s32 $0xFFFFF380  }
0x6d: {  	[spmem:s14] =	stream.linear.scatter [tilespmem:s28], [sflag:$0x3], $0xC80, $0x38;
	[tilespmem:$0x1C980] =	vst v63  }
0x6e: {  	_ =	swait.ge [sflag:s29], $0xC80  }
0x6f: {  	[sflag:s29] =	ssyncset.done $0x0  }
0x70: {  	s16 =	rddreg [dreg:$0x1c];
	[sflag:s29] =	ssyncadd.s32 $0xFFFFF380  }
0x71: {  	[spmem:s16] =	stream.linear.scatter [tilespmem:s28], [sflag:$0x3], $0xC80, $0x38;
	[tilespmem:$0x1C980] =	vst v63  }
0x72: {  	_ =	swait.ge [sflag:s29], $0xC80  }
0x73: {  	[sflag:s29] =	ssyncset.done $0x0  }
0x74: {  	s11 =	rddreg [dreg:$0x1d];
	[sflag:s29] =	ssyncadd.s32 $0xFFFFF380  }
0x75: {  	[spmem:s11] =	stream.linear.scatter [tilespmem:s28], [sflag:$0x3], $0xC80, $0x38;
	[tilespmem:$0x1C980] =	vst v63  }
0x76: {  	_ =	swait.ge [sflag:s29], $0xC80  }
0x77: {  	[sflag:s29] =	ssyncset.done $0x0  }
0x78: {  	s13 =	rddreg [dreg:$0x1e];
	[sflag:s29] =	ssyncadd.s32 $0xFFFFF380  }
0x79: {  	[spmem:s13] =	stream.linear.scatter [tilespmem:s28], [sflag:$0x3], $0xC80, $0x38;
	[tilespmem:$0x1C980] =	vst v63  }
0x7a: {  	_ =	swait.ge [sflag:s29], $0xC80  }
0x7b: {  	[sflag:s29] =	ssyncset.done $0x0  }
0x7c: {  	s14 =	rddreg [dreg:$0x1f];
	[sflag:s29] =	ssyncadd.s32 $0xFFFFF380  }
0x7d: {  	[spmem:s14] =	stream.linear.scatter [tilespmem:s28], [sflag:$0x3], $0xC80, $0x38;
	[tilespmem:$0x1C980] =	vst v63  }
0x7e: {  	_ =	swait.ge [sflag:s29], $0xC80  }
0x7f: {  	s16 =	sld [smem:$0x7F4]  }
0x80: {  	[sflag:s29] =	ssyncset.done $0x0  }
0x81: {  	[sflag:s29] =	ssyncadd.s32 $0xFFFFF380  }
0x82: {  	[spmem:s16] =	stream.linear.scatter [tilespmem:s28], [sflag:$0x3], $0xC80, $0x38;
	[tilespmem:$0x1C980] =	vst v63  }
0x83: {  	_ =	swait.ge [sflag:s29], $0xC80  }
0x84: {  	s11 =	sld [smem:$0x7F5]  }
0x85: {  	[sflag:s29] =	ssyncset.done $0x0  }
0x86: {  	[sflag:s29] =	ssyncadd.s32 $0xFFFFF380  }
0x87: {  	[spmem:s11] =	stream.linear.scatter [tilespmem:s28], [sflag:$0x3], $0xC80, $0x38;
	[tilespmem:$0x1C980] =	vst v63  }
0x88: {  	_ =	swait.ge [sflag:s29], $0xC80  }
0x89: {  	s13 =	sld [smem:$0x7F6]  }
0x8a: {  	[sflag:s29] =	ssyncset.done $0x0  }
0x8b: {  	[sflag:s29] =	ssyncadd.s32 $0xFFFFF380  }
0x8c: {  	[spmem:s13] =	stream.linear.scatter [tilespmem:s28], [sflag:$0x3], $0xC80, $0x38;
	[tilespmem:$0x1C980] =	vst v63  }
0x8d: {  	_ =	swait.ge [sflag:s29], $0xC80  }
0x8e: {  	[sflag:s29] =	ssyncset.done $0x0  }
0x8f: {  	[sflag:s29] =	ssyncadd.s32 $0xFFFFF380  }
0x90: {  	[spmem:s5] =	stream.linear.scatter [tilespmem:s28], [sflag:$0x3], $0xC80, $0x38;
	[tilespmem:$0x1C980] =	vst v63  }
0x91: {  	_ =	swait.ge [sflag:s29], $0xC80  }
0x92: {  	[sflag:s29] =	ssyncset.done $0x0  }
0x93: {  	[sflag:s29] =	ssyncadd.s32 $0xFFFFF380  }
0x94: {  	[spmem:s8] =	stream.linear.scatter [tilespmem:s28], [sflag:$0x3], $0xC80, $0x38;
	[tilespmem:$0x1C980] =	vst v63  }
0x95: {  	_ =	swait.ge [sflag:s29], $0xC80  }
0x96: {  	[sflag:s29] =	ssyncset.done $0x0  }
0x97: {  	[sflag:s29] =	ssyncadd.s32 $0xFFFFF380  }
0x98: {  	[spmem:s10] =	stream.linear.scatter [tilespmem:s28], [sflag:$0x3], $0xC80, $0x38;
	[tilespmem:$0x1C980] =	vst v63  }
0x99: {  	_ =	swait.ge [sflag:s29], $0xC80  }
0x9a: {  	[sflag:s29] =	ssyncset.done $0x0  }
0x9b: {  	[sflag:s29] =	ssyncadd.s32 $0xFFFFF380  }
0x9c: {  	[spmem:s12] =	stream.linear.scatter [tilespmem:s28], [sflag:$0x3], $0xC80, $0x38;
	[tilespmem:$0x1C980] =	vst v63  }
0x9d: {  	_ =	swait.ge [sflag:s29], $0xC80  }
0x9e: {  	[sflag:s29] =	ssyncset.done $0x0  }
0x9f: {  	[sflag:s29] =	ssyncadd.s32 $0xFFFFF380  }
0xa0: {  	[spmem:s2] =	stream.linear.scatter [tilespmem:s28], [sflag:$0x3], $0xC80, $0x38;
	[tilespmem:$0x1C980] =	vst v63  }
0xa1: {  	_ =	swait.ge [sflag:s29], $0xC80  }
0xa2: {  	[sflag:s29] =	ssyncset.done $0x0  }
0xa3: {  	[sflag:s29] =	ssyncadd.s32 $0xFFFFF380  }
0xa4: {  	[spmem:s7] =	stream.linear.scatter [tilespmem:s28], [sflag:$0x3], $0xC80, $0x38;
	[tilespmem:$0x1C980] =	vst v63  }
0xa5: {  	_ =	swait.ge [sflag:s29], $0xC80  }
0xa6: {  	[sflag:s29] =	ssyncset.done $0x0  }
0xa7: {  	[sflag:s29] =	ssyncadd.s32 $0xFFFFF380  }
0xa8: {  	[spmem:s23] =	stream.linear.scatter [tilespmem:s28], [sflag:$0x3], $0xC80, $0x38;
	[tilespmem:$0x1C980] =	vst v63  }
0xa9: {  	_ =	swait.ge [sflag:s29], $0xC80  }
0xaa: {  	[sflag:s29] =	ssyncset.done $0x0  }
0xab: {  	[sflag:s29] =	ssyncadd.s32 $0xFFFFF380  }
0xac: {  	[spmem:s24] =	stream.linear.scatter [tilespmem:s28], [sflag:$0x3], $0xC80, $0x38;
	[tilespmem:$0x1C980] =	vst v63  }
0xad: {  	_ =	swait.ge [sflag:s29], $0xC80  }
0xae: {  	[sflag:s29] =	ssyncset.done $0x0  }
0xaf: {  	[sflag:s29] =	ssyncadd.s32 $0xFFFFF380  }
0xb0: {  	[spmem:s22] =	stream.linear.scatter [tilespmem:s28], [sflag:$0x3], $0xC80, $0x38;
	[tilespmem:$0x1C980] =	vst v63  }
0xb1: {  	_ =	swait.ge [sflag:s29], $0xC80  }
0xb2: {  	[sflag:s29] =	ssyncset.done $0x0  }
0xb3: {  	[sflag:s29] =	ssyncadd.s32 $0xFFFFF380  }
0xb4: {  	[spmem:s3] =	stream.linear.scatter [tilespmem:s28], [sflag:$0x3], $0xC80, $0x38;
	[tilespmem:$0x1C980] =	vst v63  }
0xb5: {  	_ =	swait.ge [sflag:s29], $0xC80  }
0xb6: {  	[sflag:s29] =	ssyncset.done $0x0  }
0xb7: {  	[sflag:s29] =	ssyncadd.s32 $0xFFFFF380  }
0xb8: {  	[spmem:s4] =	stream.linear.scatter [tilespmem:s28], [sflag:$0x3], $0xC80, $0x38;
	[tilespmem:$0x1C980] =	vst v63  }
0xb9: {  	_ =	swait.ge [sflag:s29], $0xC80  }
0xba: {  	[sflag:s29] =	ssyncset.done $0x0  }
0xbb: {  	[sflag:s29] =	ssyncadd.s32 $0xFFFFF380  }
0xbc: {  	[bflag:$0x0] =	sbarrier.arrive $0xFFFF  }
0xbd: {  	s14 =	rddreg [dreg:$0x4]  }
0xbe: {  	[tilespmem:s1], [sflag:$0x3] =	stream.linear.gather [hbm4b:s14+s1], $0x80, $0x38;
	[tilespmem:$0x1C980] =	vst v63  }
0xbf: {  	_ =	swait.ge [sflag:s29], $0x80  }
0xc0: {  	[sflag:s29] =	ssyncset.done $0x0  }
.Ltmp3:
0xc1: {  	s16 =	rddreg [dreg:$0x5];
	[sflag:s29] =	ssyncadd.s32 $0xFFFFFF80;
	(pc) =	sbr.rel @!p0 .LBB2_4-.Ltmp3, $4  }
0xc2: {  	[tilespmem:s30], [sflag:$0x3] =	stream.linear.gather [hbm4b:s16+s1], $0x80, $0x38;
	[tilespmem:$0x1C980] =	vst v63  }
0xc3: {  	_ =	swait.ge [sflag:s29], $0x80  }
0xc4: {  	[sflag:s29] =	ssyncset.done $0x0  }
0xc5: {  	s9 =	simm.s32 $0x0;
	[sflag:s29] =	ssyncadd.s32 $0xFFFFFF80  }
0xc6: {  	s11 =	rddreg [dreg:$0xb]  }
0xc7: {  	[tilespmem:s31], [sflag:$0x1] =	stream.linear.gather [hbm4b:s11+s9], $0x4000, $0x38;
	[tilespmem:$0x1C980] =	vst v63  }
0xc8: {  	s16 =	rddreg [dreg:$0xc]  }
0xc9: {  	[tilespmem:s18], [sflag:$0x2] =	stream.linear.gather [hbm4b:s16+s9], $0x4000, $0x38;
	[tilespmem:$0x1C980] =	vst v63  }
0xca: {  	_ =	swait.ge [sflag:s15], $0x4000  }
0xcb: {  	[sflag:s15] =	ssyncset.done $0x0  }
0xcc: {  	[sflag:s15] =	ssyncadd.s32 $0xFFFFC000  }
0xcd: {  	[spmem:s0] =	stream.indirect.scatter.add.f32 [tilespmem:s31], [sflag:$0x3], $0x80, s1, s30, $0xb8;
	[tilespmem:$0x1C980] =	vst v63  }
0xce: {  	_ =	swait.ge [sflag:s29], $0x4000  }
0xcf: {  	[sflag:s29] =	ssyncset.done $0x0  }
0xd0: {  	s13 =	sadd.s32 $0x0, s19;
	[sflag:s29] =	ssyncadd.s32 $0xFFFFC000  }
0xd1: {  	[tilespmem:s1], [sflag:$0x3] =	stream.linear.gather [hbm4b:s13+s1], $0x80, $0x38;
	[tilespmem:$0x1C980] =	vst v63  }
0xd2: {  	_ =	swait.ge [sflag:s29], $0x80  }
0xd3: {  	s14 =	sld [smem:$0x7FC]  }
0xd4: {  	[sflag:s29] =	ssyncset.done $0x0  }
0xd5: {  	[sflag:s29] =	ssyncadd.s32 $0xFFFFFF80  }
0xd6: {  	[tilespmem:s31], [sflag:$0x1] =	stream.linear.gather [hbm4b:s14+s1], $0x4000, $0x38;
	[tilespmem:$0x1C980] =	vst v63  }
0xd7: {  	_ =	swait.ge [sflag:s17], $0x4000  }
0xd8: {  	[sflag:s17] =	ssyncset.done $0x0  }
0xd9: {  	[sflag:s17] =	ssyncadd.s32 $0xFFFFC000  }
0xda: {  	[spmem:s0] =	stream.indirect.scatter.add.f32 [tilespmem:s18], [sflag:$0x3], $0x80, s30, s30, $0xb8;
	[tilespmem:$0x1C980] =	vst v63  }
0xdb: {  	_ =	swait.ge [sflag:s29], $0x4000  }
0xdc: {  	[sflag:s29] =	ssyncset.done $0x0  }
0xdd: {  	s16 =	sadd.s32 $0x0, s20;
	[sflag:s29] =	ssyncadd.s32 $0xFFFFC000  }
0xde: {  	[tilespmem:s30], [sflag:$0x3] =	stream.linear.gather [hbm4b:s16+s1], $0x80, $0x38;
	[tilespmem:$0x1C980] =	vst v63  }
0xdf: {  	_ =	swait.ge [sflag:s29], $0x80  }
0xe0: {  	s9 =	simm.s32 $0x200;
	[sflag:s29] =	ssyncset.done $0x0  }
0xe1: {  	s13 =	sadd.s32 $0x8000, s14;
	s11 =	sadd.s32 $0x10000, s14;
	[sflag:s29] =	ssyncadd.s32 $0xFFFFFF80  }
.LBB2_11:
0xe2: {  	[tilespmem:s18], [sflag:$0x2] =	stream.linear.gather [hbm4b:s13+s1], $0x4000, $0x38;
	[tilespmem:$0x1C980] =	vst v63  }
0xe3: {  	s13 =	smov.u32 s9  }
0xe4: {  	p2 =	sne.s32 s9, $0x4A00;
	s9 =	sadd.s32 $0x200, s9;
	_ =	swait.ge [sflag:s15], $0x4000  }
0xe5: {  	[sflag:s15] =	ssyncset.done $0x0  }
0xe6: {  	[sflag:s15] =	ssyncadd.s32 $0xFFFFC000  }
0xe7: {  	[spmem:s0] =	stream.indirect.scatter.add.f32 [tilespmem:s31], [sflag:$0x3], $0x80, s1, s30, $0xb8;
	[tilespmem:$0x1C980] =	vst v63  }
0xe8: {  	_ =	swait.ge [sflag:s29], $0x4000  }
0xe9: {  	[sflag:s29] =	ssyncset.done $0x0  }
0xea: {  	s14 =	sadd.s32 s13, s19;
	[sflag:s29] =	ssyncadd.s32 $0xFFFFC000  }
0xeb: {  	[tilespmem:s1], [sflag:$0x3] =	stream.linear.gather [hbm4b:s14+s1], $0x80, $0x38;
	[tilespmem:$0x1C980] =	vst v63  }
0xec: {  	_ =	swait.ge [sflag:s29], $0x80  }
0xed: {  	[sflag:s29] =	ssyncset.done $0x0  }
0xee: {  	[sflag:s29] =	ssyncadd.s32 $0xFFFFFF80  }
0xef: {  	[tilespmem:s31], [sflag:$0x1] =	stream.linear.gather [hbm4b:s11+s1], $0x4000, $0x38;
	[tilespmem:$0x1C980] =	vst v63  }
0xf0: {  	_ =	swait.ge [sflag:s17], $0x4000  }
0xf1: {  	[sflag:s17] =	ssyncset.done $0x0  }
0xf2: {  	[sflag:s17] =	ssyncadd.s32 $0xFFFFC000  }
0xf3: {  	[spmem:s0] =	stream.indirect.scatter.add.f32 [tilespmem:s18], [sflag:$0x3], $0x80, s30, s30, $0xb8;
	[tilespmem:$0x1C980] =	vst v63  }
0xf4: {  	_ =	swait.ge [sflag:s29], $0x4000  }
0xf5: {  	[sflag:s29] =	ssyncset.done $0x0  }
.Ltmp4:
0xf6: {  	s13 =	sadd.s32 s13, s20;
	[sflag:s29] =	ssyncadd.s32 $0xFFFFC000;
	(pc) =	sbr.rel @p2 .LBB2_11-.Ltmp4, $4  }
0xf7: {  	[tilespmem:s30], [sflag:$0x3] =	stream.linear.gather [hbm4b:s13+s1], $0x80, $0x38;
	[tilespmem:$0x1C980] =	vst v63  }
0xf8: {  	_ =	swait.ge [sflag:s29], $0x80  }
0xf9: {  	[sflag:s29] =	ssyncset.done $0x0  }
0xfa: {  	s13 =	sadd.s32 $0x8000, s11;
	s11 =	sadd.s32 $0x10000, s11;
	[sflag:s29] =	ssyncadd.s32 $0xFFFFFF80  }
0xfb: {  	[tilespmem:s18], [sflag:$0x2] =	stream.linear.gather [hbm4b:s13+s1], $0x4000, $0x38;
	[tilespmem:$0x1C980] =	vst v63  }
0xfc: {  	_ =	swait.ge [sflag:s15], $0x4000  }
0xfd: {  	[sflag:s15] =	ssyncset.done $0x0  }
0xfe: {  	[sflag:s15] =	ssyncadd.s32 $0xFFFFC000  }
0xff: {  	[spmem:s0] =	stream.indirect.scatter.add.f32 [tilespmem:s31], [sflag:$0x3], $0x80, s1, s30, $0xb8;
	[tilespmem:$0x1C980] =	vst v63  }
0x100: {  	_ =	swait.ge [sflag:s29], $0x4000  }
0x101: {  	[sflag:s29] =	ssyncset.done $0x0  }
0x102: {  	s9 =	simm.s32 @p1 $0x2;
	[sflag:s29] =	ssyncadd.s32 $0xFFFFC000  }
0x103: {  	_ =	swait.ge @p1 [sflag:s9], $0x4000  }
0x104: {  	[sflag:s9] =	ssyncset.done @p1 $0x0  }
0x105: {  	s11 =	simm.s32 @p1 $0x4100;
	[sflag:s9] =	ssyncadd.s32 @p1 $0xFFFFC000;
	s9 =	simm.s32 @p1 $0x80  }
0x106: {  	[spmem:s0] =	stream.indirect.scatter.add.f32 @p1 [tilespmem:s11], [sflag:$0x3], $0x80, s9, s9, $0xb8;
	[tilespmem:$0x1C980] =	vst v63  }
0x107: {  	s9 =	simm.s32 @p1 $0x3  }
0x108: {  	_ =	swait.ge @p1 [sflag:s9], $0x4000  }
0x109: {  	[sflag:s9] =	ssyncset.done @p1 $0x0  }
0x10a: {  	s11 =	rddreg [dreg:$0x15];
	[sflag:s9] =	ssyncadd.s32 @p1 $0xFFFFC000;
	s9 =	simm.s32 @!p1 $0x0  }
0x10b: {  	[tilespmem:s9], [sflag:$0x3] =	stream.linear.gather @!p1 [hbm4b:s11+s9], $0x80, $0x38;
	[tilespmem:$0x1C980] =	vst v63  }
0x10c: {  	s11 =	simm.s32 @!p1 $0x3  }
0x10d: {  	_ =	swait.ge @!p1 [sflag:s11], $0x80  }
0x10e: {  	[sflag:s11] =	ssyncset.done @!p1 $0x0  }
0x10f: {  	s13 =	simm.s32 @!p1 $0x100;
	s14 =	rddreg [dreg:$0x11];
	[sflag:s11] =	ssyncadd.s32 @!p1 $0xFFFFFF80  }
0x110: {  	[tilespmem:s13], [sflag:$0x1] =	stream.linear.gather @!p1 [hbm4b:s14+s9], $0x4000, $0x38;
	[tilespmem:$0x1C980] =	vst v63  }
0x111: {  	s14 =	simm.s32 @!p1 $0x2  }
0x112: {  	_ =	swait.ge @!p1 [sflag:s14], $0x4000  }
0x113: {  	[sflag:s14] =	ssyncset.done @!p1 $0x0  }
0x114: {  	s16 =	simm.s32 @!p1 $0x4100;
	[sflag:s14] =	ssyncadd.s32 @!p1 $0xFFFFC000;
	s14 =	simm.s32 @!p1 $0x80  }
0x115: {  	[spmem:s0] =	stream.indirect.scatter.add.f32 @!p1 [tilespmem:s16], [sflag:$0x3], $0x80, s14, s14, $0xb8;
	[tilespmem:$0x1C980] =	vst v63  }
0x116: {  	_ =	swait.ge @!p1 [sflag:s11], $0x4000  }
0x117: {  	[sflag:s11] =	ssyncset.done @!p1 $0x0  }
0x118: {  	s16 =	simm.s32 @!p1 $0x1;
	[sflag:s11] =	ssyncadd.s32 @!p1 $0xFFFFC000  }
0x119: {  	_ =	swait.ge @!p1 [sflag:s16], $0x4000  }
0x11a: {  	[sflag:s16] =	ssyncset.done @!p1 $0x0  }
0x11b: {  	[sflag:s16] =	ssyncadd.s32 @!p1 $0xFFFFC000  }
0x11c: {  	[spmem:s0] =	stream.indirect.scatter.add.f32 @!p1 [tilespmem:s13], [sflag:$0x3], $0x80, s9, s14, $0xb8;
	[tilespmem:$0x1C980] =	vst v63  }
0x11d: {  	_ =	swait.ge @!p1 [sflag:s11], $0x4000  }
0x11e: {  	[sflag:s11] =	ssyncset.done @!p1 $0x0  }
0x11f: {  	[sflag:s11] =	ssyncadd.s32 @!p1 $0xFFFFC000  }
0x120: {  	[bflag:$0x0] =	sbarrier.arrive $0xFFFF  }
0x121: {  	s11 =	stileid.u32;
	s13 =	sld [smem:$0x7F8]  }
0x122: {  	s16 =	simm.s32 $0x10;
	s9 =	sshll.u32 s11, $0x6  }
0x123: {  	s14 =	simm.s32 $0x40;
	s11 =	sshrl.u32 s21, $0x3;
	s9 =	sor.u32 $0x1C03, s9  }
0x124: {  	[hbm:s13@s14], [sflag:s9] =	dma.strided [spmem:s11@s16], $0x2710, s15, $0x10   }
0x125: {  	_ =	swait.ge [sflag:s29], $0x2710  }
0x126: {  	[sflag:s29] =	ssyncset.done $0x0  }
0x127: {  	[sflag:s29] =	ssyncadd.s32 $0xFFFFD8F0  }
0x128: {  	[bflag:$0x0] =	sbarrier.arrive $0xFFFF  }
0x129: {  	[spmem:s21] =	stream.linear.scatter [tilespmem:s28], [sflag:$0x3], $0xC80, $0x38;
	[tilespmem:$0x1C980] =	vst v63  }
0x12a: {  	_ =	swait.ge [sflag:s29], $0xC80  }
0x12b: {  	[sflag:s29] =	ssyncset.done $0x0  }
0x12c: {  	s13 =	rddreg [dreg:$0x16];
	[sflag:s29] =	ssyncadd.s32 $0xFFFFF380  }
0x12d: {  	[spmem:s13] =	stream.linear.scatter [tilespmem:s28], [sflag:$0x3], $0xC80, $0x38;
	[tilespmem:$0x1C980] =	vst v63  }
0x12e: {  	_ =	swait.ge [sflag:s29], $0xC80  }
0x12f: {  	[sflag:s29] =	ssyncset.done $0x0  }
0x130: {  	s14 =	rddreg [dreg:$0x17];
	[sflag:s29] =	ssyncadd.s32 $0xFFFFF380  }
0x131: {  	[spmem:s14] =	stream.linear.scatter [tilespmem:s28], [sflag:$0x3], $0xC80, $0x38;
	[tilespmem:$0x1C980] =	vst v63  }
0x132: {  	_ =	swait.ge [sflag:s29], $0xC80  }
0x133: {  	[sflag:s29] =	ssyncset.done $0x0  }
0x134: {  	s16 =	rddreg [dreg:$0x18];
	[sflag:s29] =	ssyncadd.s32 $0xFFFFF380  }
0x135: {  	[spmem:s16] =	stream.linear.scatter [tilespmem:s28], [sflag:$0x3], $0xC80, $0x38;
	[tilespmem:$0x1C980] =	vst v63  }
0x136: {  	_ =	swait.ge [sflag:s29], $0xC80  }
0x137: {  	[sflag:s29] =	ssyncset.done $0x0  }
0x138: {  	s13 =	rddreg [dreg:$0x19];
	[sflag:s29] =	ssyncadd.s32 $0xFFFFF380  }
0x139: {  	[spmem:s13] =	stream.linear.scatter [tilespmem:s28], [sflag:$0x3], $0xC80, $0x38;
	[tilespmem:$0x1C980] =	vst v63  }
0x13a: {  	_ =	swait.ge [sflag:s29], $0xC80  }
0x13b: {  	[sflag:s29] =	ssyncset.done $0x0  }
0x13c: {  	s14 =	rddreg [dreg:$0x1a];
	[sflag:s29] =	ssyncadd.s32 $0xFFFFF380  }
0x13d: {  	[spmem:s14] =	stream.linear.scatter [tilespmem:s28], [sflag:$0x3], $0xC80, $0x38;
	[tilespmem:$0x1C980] =	vst v63  }
0x13e: {  	_ =	swait.ge [sflag:s29], $0xC80  }
0x13f: {  	[sflag:s29] =	ssyncset.done $0x0  }
0x140: {  	s16 =	rddreg [dreg:$0x1b];
	[sflag:s29] =	ssyncadd.s32 $0xFFFFF380  }
0x141: {  	[spmem:s16] =	stream.linear.scatter [tilespmem:s28], [sflag:$0x3], $0xC80, $0x38;
	[tilespmem:$0x1C980] =	vst v63  }
0x142: {  	_ =	swait.ge [sflag:s29], $0xC80  }
0x143: {  	[sflag:s29] =	ssyncset.done $0x0  }
0x144: {  	s13 =	rddreg [dreg:$0x1c];
	[sflag:s29] =	ssyncadd.s32 $0xFFFFF380  }
0x145: {  	[spmem:s13] =	stream.linear.scatter [tilespmem:s28], [sflag:$0x3], $0xC80, $0x38;
	[tilespmem:$0x1C980] =	vst v63  }
0x146: {  	_ =	swait.ge [sflag:s29], $0xC80  }
0x147: {  	[sflag:s29] =	ssyncset.done $0x0  }
0x148: {  	s14 =	rddreg [dreg:$0x1d];
	[sflag:s29] =	ssyncadd.s32 $0xFFFFF380  }
0x149: {  	[spmem:s14] =	stream.linear.scatter [tilespmem:s28], [sflag:$0x3], $0xC80, $0x38;
	[tilespmem:$0x1C980] =	vst v63  }
0x14a: {  	_ =	swait.ge [sflag:s29], $0xC80  }
0x14b: {  	[sflag:s29] =	ssyncset.done $0x0  }
0x14c: {  	s16 =	rddreg [dreg:$0x1e];
	[sflag:s29] =	ssyncadd.s32 $0xFFFFF380  }
0x14d: {  	[spmem:s16] =	stream.linear.scatter [tilespmem:s28], [sflag:$0x3], $0xC80, $0x38;
	[tilespmem:$0x1C980] =	vst v63  }
0x14e: {  	_ =	swait.ge [sflag:s29], $0xC80  }
0x14f: {  	[sflag:s29] =	ssyncset.done $0x0  }
0x150: {  	s13 =	rddreg [dreg:$0x1f];
	[sflag:s29] =	ssyncadd.s32 $0xFFFFF380  }
0x151: {  	[spmem:s13] =	stream.linear.scatter [tilespmem:s28], [sflag:$0x3], $0xC80, $0x38;
	[tilespmem:$0x1C980] =	vst v63  }
0x152: {  	_ =	swait.ge [sflag:s29], $0xC80  }
0x153: {  	s14 =	sld [smem:$0x7F4]  }
0x154: {  	[sflag:s29] =	ssyncset.done $0x0  }
0x155: {  	[sflag:s29] =	ssyncadd.s32 $0xFFFFF380  }
0x156: {  	[spmem:s14] =	stream.linear.scatter [tilespmem:s28], [sflag:$0x3], $0xC80, $0x38;
	[tilespmem:$0x1C980] =	vst v63  }
0x157: {  	_ =	swait.ge [sflag:s29], $0xC80  }
0x158: {  	s16 =	sld [smem:$0x7F5]  }
0x159: {  	[sflag:s29] =	ssyncset.done $0x0  }
0x15a: {  	[sflag:s29] =	ssyncadd.s32 $0xFFFFF380  }
0x15b: {  	[spmem:s16] =	stream.linear.scatter [tilespmem:s28], [sflag:$0x3], $0xC80, $0x38;
	[tilespmem:$0x1C980] =	vst v63  }
0x15c: {  	_ =	swait.ge [sflag:s29], $0xC80  }
0x15d: {  	s13 =	sld [smem:$0x7F6]  }
0x15e: {  	[sflag:s29] =	ssyncset.done $0x0  }
0x15f: {  	[sflag:s29] =	ssyncadd.s32 $0xFFFFF380  }
0x160: {  	[spmem:s13] =	stream.linear.scatter [tilespmem:s28], [sflag:$0x3], $0xC80, $0x38;
	[tilespmem:$0x1C980] =	vst v63  }
0x161: {  	_ =	swait.ge [sflag:s29], $0xC80  }
0x162: {  	[sflag:s29] =	ssyncset.done $0x0  }
0x163: {  	[sflag:s29] =	ssyncadd.s32 $0xFFFFF380  }
0x164: {  	[spmem:s5] =	stream.linear.scatter [tilespmem:s28], [sflag:$0x3], $0xC80, $0x38;
	[tilespmem:$0x1C980] =	vst v63  }
0x165: {  	_ =	swait.ge [sflag:s29], $0xC80  }
0x166: {  	[sflag:s29] =	ssyncset.done $0x0  }
0x167: {  	[sflag:s29] =	ssyncadd.s32 $0xFFFFF380  }
0x168: {  	[spmem:s8] =	stream.linear.scatter [tilespmem:s28], [sflag:$0x3], $0xC80, $0x38;
	[tilespmem:$0x1C980] =	vst v63  }
0x169: {  	_ =	swait.ge [sflag:s29], $0xC80  }
0x16a: {  	[sflag:s29] =	ssyncset.done $0x0  }
0x16b: {  	[sflag:s29] =	ssyncadd.s32 $0xFFFFF380  }
0x16c: {  	[spmem:s10] =	stream.linear.scatter [tilespmem:s28], [sflag:$0x3], $0xC80, $0x38;
	[tilespmem:$0x1C980] =	vst v63  }
0x16d: {  	_ =	swait.ge [sflag:s29], $0xC80  }
0x16e: {  	[sflag:s29] =	ssyncset.done $0x0  }
0x16f: {  	[sflag:s29] =	ssyncadd.s32 $0xFFFFF380  }
0x170: {  	[spmem:s12] =	stream.linear.scatter [tilespmem:s28], [sflag:$0x3], $0xC80, $0x38;
	[tilespmem:$0x1C980] =	vst v63  }
0x171: {  	_ =	swait.ge [sflag:s29], $0xC80  }
0x172: {  	[sflag:s29] =	ssyncset.done $0x0  }
0x173: {  	[sflag:s29] =	ssyncadd.s32 $0xFFFFF380  }
0x174: {  	[spmem:s2] =	stream.linear.scatter [tilespmem:s28], [sflag:$0x3], $0xC80, $0x38;
	[tilespmem:$0x1C980] =	vst v63  }
0x175: {  	_ =	swait.ge [sflag:s29], $0xC80  }
0x176: {  	[sflag:s29] =	ssyncset.done $0x0  }
0x177: {  	[sflag:s29] =	ssyncadd.s32 $0xFFFFF380  }
0x178: {  	[spmem:s7] =	stream.linear.scatter [tilespmem:s28], [sflag:$0x3], $0xC80, $0x38;
	[tilespmem:$0x1C980] =	vst v63  }
0x179: {  	_ =	swait.ge [sflag:s29], $0xC80  }
0x17a: {  	[sflag:s29] =	ssyncset.done $0x0  }
0x17b: {  	[sflag:s29] =	ssyncadd.s32 $0xFFFFF380  }
0x17c: {  	[spmem:s23] =	stream.linear.scatter [tilespmem:s28], [sflag:$0x3], $0xC80, $0x38;
	[tilespmem:$0x1C980] =	vst v63  }
0x17d: {  	_ =	swait.ge [sflag:s29], $0xC80  }
0x17e: {  	[sflag:s29] =	ssyncset.done $0x0  }
0x17f: {  	[sflag:s29] =	ssyncadd.s32 $0xFFFFF380  }
0x180: {  	[spmem:s24] =	stream.linear.scatter [tilespmem:s28], [sflag:$0x3], $0xC80, $0x38;
	[tilespmem:$0x1C980] =	vst v63  }
0x181: {  	_ =	swait.ge [sflag:s29], $0xC80  }
0x182: {  	[sflag:s29] =	ssyncset.done $0x0  }
0x183: {  	[sflag:s29] =	ssyncadd.s32 $0xFFFFF380  }
0x184: {  	[spmem:s22] =	stream.linear.scatter [tilespmem:s28], [sflag:$0x3], $0xC80, $0x38;
	[tilespmem:$0x1C980] =	vst v63  }
0x185: {  	_ =	swait.ge [sflag:s29], $0xC80  }
0x186: {  	[sflag:s29] =	ssyncset.done $0x0  }
0x187: {  	[sflag:s29] =	ssyncadd.s32 $0xFFFFF380  }
0x188: {  	[spmem:s3] =	stream.linear.scatter [tilespmem:s28], [sflag:$0x3], $0xC80, $0x38;
	[tilespmem:$0x1C980] =	vst v63  }
0x189: {  	_ =	swait.ge [sflag:s29], $0xC80  }
0x18a: {  	[sflag:s29] =	ssyncset.done $0x0  }
0x18b: {  	[sflag:s29] =	ssyncadd.s32 $0xFFFFF380  }
0x18c: {  	[spmem:s4] =	stream.linear.scatter [tilespmem:s28], [sflag:$0x3], $0xC80, $0x38;
	[tilespmem:$0x1C980] =	vst v63  }
0x18d: {  	_ =	swait.ge [sflag:s29], $0xC80  }
0x18e: {  	[sflag:s29] =	ssyncset.done $0x0  }
0x18f: {  	[sflag:s29] =	ssyncadd.s32 $0xFFFFF380  }
0x190: {  	[bflag:$0x0] =	sbarrier.arrive $0xFFFF  }
0x191: {  	s11 =	simm.s32 $0x0;
	s14 =	rddreg [dreg:$0x4]  }
0x192: {  	[tilespmem:s11], [sflag:$0x3] =	stream.linear.gather [hbm4b:s14+s11], $0x80, $0x38;
	[tilespmem:$0x1C980] =	vst v63  }
0x193: {  	_ =	swait.ge [sflag:s29], $0x80  }
0x194: {  	[sflag:s29] =	ssyncset.done $0x0  }
0x195: {  	s16 =	rddreg [dreg:$0x5];
	[sflag:s29] =	ssyncadd.s32 $0xFFFFFF80  }
0x196: {  	[tilespmem:s30], [sflag:$0x3] =	stream.linear.gather [hbm4b:s16+s11], $0x80, $0x38;
	[tilespmem:$0x1C980] =	vst v63  }
0x197: {  	_ =	swait.ge [sflag:s29], $0x80  }
0x198: {  	[sflag:s29] =	ssyncset.done $0x0  }
0x199: {  	s14 =	rddreg [dreg:$0xd];
	[sflag:s29] =	ssyncadd.s32 $0xFFFFFF80  }
0x19a: {  	[tilespmem:s31], [sflag:$0x1] =	stream.linear.gather [hbm4b:s14+s11], $0x4000, $0x38;
	[tilespmem:$0x1C980] =	vst v63  }
0x19b: {  	s16 =	rddreg [dreg:$0xe]  }
0x19c: {  	[tilespmem:s18], [sflag:$0x2] =	stream.linear.gather [hbm4b:s16+s11], $0x4000, $0x38;
	[tilespmem:$0x1C980] =	vst v63  }
0x19d: {  	_ =	swait.ge [sflag:s15], $0x4000  }
0x19e: {  	[sflag:s15] =	ssyncset.done $0x0  }
0x19f: {  	[sflag:s15] =	ssyncadd.s32 $0xFFFFC000  }
0x1a0: {  	[spmem:s0] =	stream.indirect.scatter.add.f32 [tilespmem:s31], [sflag:$0x3], $0x80, s1, s30, $0xb8;
	[tilespmem:$0x1C980] =	vst v63  }
0x1a1: {  	_ =	swait.ge [sflag:s29], $0x4000  }
0x1a2: {  	[sflag:s29] =	ssyncset.done $0x0  }
0x1a3: {  	s14 =	sadd.s32 $0x0, s19;
	[sflag:s29] =	ssyncadd.s32 $0xFFFFC000  }
0x1a4: {  	[tilespmem:s1], [sflag:$0x3] =	stream.linear.gather [hbm4b:s14+s1], $0x80, $0x38;
	[tilespmem:$0x1C980] =	vst v63  }
0x1a5: {  	_ =	swait.ge [sflag:s29], $0x80  }
0x1a6: {  	s13 =	sld [smem:$0x7FD]  }
0x1a7: {  	[sflag:s29] =	ssyncset.done $0x0  }
0x1a8: {  	[sflag:s29] =	ssyncadd.s32 $0xFFFFFF80  }
0x1a9: {  	[tilespmem:s31], [sflag:$0x1] =	stream.linear.gather [hbm4b:s13+s1], $0x4000, $0x38;
	[tilespmem:$0x1C980] =	vst v63  }
0x1aa: {  	_ =	swait.ge [sflag:s17], $0x4000  }
0x1ab: {  	[sflag:s17] =	ssyncset.done $0x0  }
0x1ac: {  	[sflag:s17] =	ssyncadd.s32 $0xFFFFC000  }
0x1ad: {  	[spmem:s0] =	stream.indirect.scatter.add.f32 [tilespmem:s18], [sflag:$0x3], $0x80, s30, s30, $0xb8;
	[tilespmem:$0x1C980] =	vst v63  }
0x1ae: {  	_ =	swait.ge [sflag:s29], $0x4000  }
0x1af: {  	[sflag:s29] =	ssyncset.done $0x0  }
0x1b0: {  	s16 =	sadd.s32 $0x0, s20;
	[sflag:s29] =	ssyncadd.s32 $0xFFFFC000  }
0x1b1: {  	[tilespmem:s30], [sflag:$0x3] =	stream.linear.gather [hbm4b:s16+s1], $0x80, $0x38;
	[tilespmem:$0x1C980] =	vst v63  }
0x1b2: {  	_ =	swait.ge [sflag:s29], $0x80  }
0x1b3: {  	s11 =	simm.s32 $0x200;
	[sflag:s29] =	ssyncset.done $0x0  }
0x1b4: {  	s14 =	sadd.s32 $0x8000, s13;
	s13 =	sadd.s32 $0x10000, s13;
	[sflag:s29] =	ssyncadd.s32 $0xFFFFFF80  }
.LBB2_13:
0x1b5: {  	[tilespmem:s18], [sflag:$0x2] =	stream.linear.gather [hbm4b:s14+s1], $0x4000, $0x38;
	[tilespmem:$0x1C980] =	vst v63  }
0x1b6: {  	s14 =	smov.u32 s11  }
0x1b7: {  	p2 =	sne.s32 s11, $0x4A00;
	s11 =	sadd.s32 $0x200, s11;
	_ =	swait.ge [sflag:s15], $0x4000  }
0x1b8: {  	[sflag:s15] =	ssyncset.done $0x0  }
0x1b9: {  	[sflag:s15] =	ssyncadd.s32 $0xFFFFC000  }
0x1ba: {  	[spmem:s0] =	stream.indirect.scatter.add.f32 [tilespmem:s31], [sflag:$0x3], $0x80, s1, s30, $0xb8;
	[tilespmem:$0x1C980] =	vst v63  }
0x1bb: {  	_ =	swait.ge [sflag:s29], $0x4000  }
0x1bc: {  	[sflag:s29] =	ssyncset.done $0x0  }
0x1bd: {  	s16 =	sadd.s32 s14, s19;
	[sflag:s29] =	ssyncadd.s32 $0xFFFFC000  }
0x1be: {  	[tilespmem:s1], [sflag:$0x3] =	stream.linear.gather [hbm4b:s16+s1], $0x80, $0x38;
	[tilespmem:$0x1C980] =	vst v63  }
0x1bf: {  	_ =	swait.ge [sflag:s29], $0x80  }
0x1c0: {  	[sflag:s29] =	ssyncset.done $0x0  }
0x1c1: {  	[sflag:s29] =	ssyncadd.s32 $0xFFFFFF80  }
0x1c2: {  	[tilespmem:s31], [sflag:$0x1] =	stream.linear.gather [hbm4b:s13+s1], $0x4000, $0x38;
	[tilespmem:$0x1C980] =	vst v63  }
0x1c3: {  	_ =	swait.ge [sflag:s17], $0x4000  }
0x1c4: {  	[sflag:s17] =	ssyncset.done $0x0  }
0x1c5: {  	[sflag:s17] =	ssyncadd.s32 $0xFFFFC000  }
0x1c6: {  	[spmem:s0] =	stream.indirect.scatter.add.f32 [tilespmem:s18], [sflag:$0x3], $0x80, s30, s30, $0xb8;
	[tilespmem:$0x1C980] =	vst v63  }
0x1c7: {  	_ =	swait.ge [sflag:s29], $0x4000  }
0x1c8: {  	[sflag:s29] =	ssyncset.done $0x0  }
.Ltmp5:
0x1c9: {  	s14 =	sadd.s32 s14, s20;
	[sflag:s29] =	ssyncadd.s32 $0xFFFFC000;
	(pc) =	sbr.rel @p2 .LBB2_13-.Ltmp5, $4  }
0x1ca: {  	[tilespmem:s30], [sflag:$0x3] =	stream.linear.gather [hbm4b:s14+s1], $0x80, $0x38;
	[tilespmem:$0x1C980] =	vst v63  }
0x1cb: {  	_ =	swait.ge [sflag:s29], $0x80  }
0x1cc: {  	[sflag:s29] =	ssyncset.done $0x0  }
0x1cd: {  	s14 =	sadd.s32 $0x8000, s13;
	s13 =	sadd.s32 $0x10000, s13;
	[sflag:s29] =	ssyncadd.s32 $0xFFFFFF80  }
0x1ce: {  	[tilespmem:s18], [sflag:$0x2] =	stream.linear.gather [hbm4b:s14+s1], $0x4000, $0x38;
	[tilespmem:$0x1C980] =	vst v63  }
0x1cf: {  	_ =	swait.ge [sflag:s15], $0x4000  }
0x1d0: {  	[sflag:s15] =	ssyncset.done $0x0  }
.Ltmp6:
0x1d1: {  	[sflag:s15] =	ssyncadd.s32 $0xFFFFC000;
	(pc) =	sbr.rel @p1 .LBB2_18-.Ltmp6, $4  }
0x1d2: {  	[spmem:s0] =	stream.indirect.scatter.add.f32 [tilespmem:s31], [sflag:$0x3], $0x80, s1, s30, $0xb8;
	[tilespmem:$0x1C980] =	vst v63  }
0x1d3: {  	_ =	swait.ge [sflag:s29], $0x4000  }
0x1d4: {  	[sflag:s29] =	ssyncset.done $0x0  }
0x1d5: {  	[sflag:s29] =	ssyncadd.s32 $0xFFFFC000  }
0x1d6: {  	s11 =	rddreg [dreg:$0x15]  }
0x1d7: {  	[tilespmem:s1], [sflag:$0x3] =	stream.linear.gather [hbm4b:s11+s1], $0x80, $0x38;
	[tilespmem:$0x1C980] =	vst v63  }
0x1d8: {  	_ =	swait.ge [sflag:s29], $0x80  }
0x1d9: {  	[sflag:s29] =	ssyncset.done $0x0  }
0x1da: {  	s16 =	rddreg [dreg:$0x12];
	[sflag:s29] =	ssyncadd.s32 $0xFFFFFF80  }
0x1db: {  	[tilespmem:s31], [sflag:$0x1] =	stream.linear.gather [hbm4b:s16+s1], $0x4000, $0x38;
	[tilespmem:$0x1C980] =	vst v63  }
0x1dc: {  	_ =	swait.ge [sflag:s17], $0x4000  }
0x1dd: {  	[sflag:s17] =	ssyncset.done $0x0  }
.Ltmp7:
0x1de: {  	[sflag:s17] =	ssyncadd.s32 $0xFFFFC000;
	(pc) =	sbr.rel .LBB2_16-.Ltmp7, $4  }
0x1df: {  	[spmem:s0] =	stream.indirect.scatter.add.f32 [tilespmem:s18], [sflag:$0x3], $0x80, s30, s30, $0xb8;
	[tilespmem:$0x1C980] =	vst v63  }
0x1e0: {  	_ =	swait.ge [sflag:s29], $0x4000  }
0x1e1: {  	[sflag:s29] =	ssyncset.done $0x0  }
0x1e2: {  	s11 =	sld [smem:$0x7F9];
	[sflag:s29] =	ssyncadd.s32 $0xFFFFC000  }
.LBB2_4:
0x1e3: {  	s11 =	rddreg [dreg:$0x6]  }
0x1e4: {  	[tilespmem:s31], [sflag:$0x1] =	stream.linear.gather [hbm4b:s11+s9], $0x4000, $0x38;
	[tilespmem:$0x1C980] =	vst v63  }
0x1e5: {  	s16 =	rddreg [dreg:$0x7]  }
0x1e6: {  	[tilespmem:s18], [sflag:$0x2] =	stream.linear.gather [hbm4b:s16+s9], $0x4000, $0x38;
	[tilespmem:$0x1C980] =	vst v63  }
0x1e7: {  	_ =	swait.ge [sflag:s15], $0x4000  }
0x1e8: {  	[sflag:s15] =	ssyncset.done $0x0  }
0x1e9: {  	[sflag:s15] =	ssyncadd.s32 $0xFFFFC000  }
0x1ea: {  	[spmem:s0] =	stream.indirect.scatter.add.f32 [tilespmem:s31], [sflag:$0x3], $0x80, s1, s30, $0xb8;
	[tilespmem:$0x1C980] =	vst v63  }
0x1eb: {  	_ =	swait.ge [sflag:s29], $0x4000  }
0x1ec: {  	[sflag:s29] =	ssyncset.done $0x0  }
0x1ed: {  	s13 =	sadd.s32 $0x0, s25;
	[sflag:s29] =	ssyncadd.s32 $0xFFFFC000  }
0x1ee: {  	[tilespmem:s1], [sflag:$0x3] =	stream.linear.gather [hbm4b:s13+s1], $0x80, $0x38;
	[tilespmem:$0x1C980] =	vst v63  }
0x1ef: {  	_ =	swait.ge [sflag:s29], $0x80  }
0x1f0: {  	s14 =	sld [smem:$0x7FA]  }
0x1f1: {  	[sflag:s29] =	ssyncset.done $0x0  }
0x1f2: {  	[sflag:s29] =	ssyncadd.s32 $0xFFFFFF80  }
0x1f3: {  	[tilespmem:s31], [sflag:$0x1] =	stream.linear.gather [hbm4b:s14+s1], $0x4000, $0x38;
	[tilespmem:$0x1C980] =	vst v63  }
0x1f4: {  	_ =	swait.ge [sflag:s17], $0x4000  }
0x1f5: {  	[sflag:s17] =	ssyncset.done $0x0  }
0x1f6: {  	[sflag:s17] =	ssyncadd.s32 $0xFFFFC000  }
0x1f7: {  	[spmem:s0] =	stream.indirect.scatter.add.f32 [tilespmem:s18], [sflag:$0x3], $0x80, s30, s30, $0xb8;
	[tilespmem:$0x1C980] =	vst v63  }
0x1f8: {  	_ =	swait.ge [sflag:s29], $0x4000  }
0x1f9: {  	[sflag:s29] =	ssyncset.done $0x0  }
0x1fa: {  	s16 =	sadd.s32 $0x0, s26;
	[sflag:s29] =	ssyncadd.s32 $0xFFFFC000  }
0x1fb: {  	[tilespmem:s30], [sflag:$0x3] =	stream.linear.gather [hbm4b:s16+s1], $0x80, $0x38;
	[tilespmem:$0x1C980] =	vst v63  }
0x1fc: {  	_ =	swait.ge [sflag:s29], $0x80  }
0x1fd: {  	s9 =	simm.s32 $0x200;
	[sflag:s29] =	ssyncset.done $0x0  }
0x1fe: {  	s13 =	sadd.s32 $0x8000, s14;
	s11 =	sadd.s32 $0x10000, s14;
	[sflag:s29] =	ssyncadd.s32 $0xFFFFFF80  }
.LBB2_5:
0x1ff: {  	[tilespmem:s18], [sflag:$0x2] =	stream.linear.gather [hbm4b:s13+s1], $0x4000, $0x38;
	[tilespmem:$0x1C980] =	vst v63  }
0x200: {  	s13 =	smov.u32 s9  }
0x201: {  	p2 =	sne.s32 s9, $0x4A00;
	s9 =	sadd.s32 $0x200, s9;
	_ =	swait.ge [sflag:s15], $0x4000  }
0x202: {  	[sflag:s15] =	ssyncset.done $0x0  }
0x203: {  	[sflag:s15] =	ssyncadd.s32 $0xFFFFC000  }
0x204: {  	[spmem:s0] =	stream.indirect.scatter.add.f32 [tilespmem:s31], [sflag:$0x3], $0x80, s1, s30, $0xb8;
	[tilespmem:$0x1C980] =	vst v63  }
0x205: {  	_ =	swait.ge [sflag:s29], $0x4000  }
0x206: {  	[sflag:s29] =	ssyncset.done $0x0  }
0x207: {  	s14 =	sadd.s32 s13, s25;
	[sflag:s29] =	ssyncadd.s32 $0xFFFFC000  }
0x208: {  	[tilespmem:s1], [sflag:$0x3] =	stream.linear.gather [hbm4b:s14+s1], $0x80, $0x38;
	[tilespmem:$0x1C980] =	vst v63  }
0x209: {  	_ =	swait.ge [sflag:s29], $0x80  }
0x20a: {  	[sflag:s29] =	ssyncset.done $0x0  }
0x20b: {  	[sflag:s29] =	ssyncadd.s32 $0xFFFFFF80  }
0x20c: {  	[tilespmem:s31], [sflag:$0x1] =	stream.linear.gather [hbm4b:s11+s1], $0x4000, $0x38;
	[tilespmem:$0x1C980] =	vst v63  }
0x20d: {  	_ =	swait.ge [sflag:s17], $0x4000  }
0x20e: {  	[sflag:s17] =	ssyncset.done $0x0  }
0x20f: {  	[sflag:s17] =	ssyncadd.s32 $0xFFFFC000  }
0x210: {  	[spmem:s0] =	stream.indirect.scatter.add.f32 [tilespmem:s18], [sflag:$0x3], $0x80, s30, s30, $0xb8;
	[tilespmem:$0x1C980] =	vst v63  }
0x211: {  	_ =	swait.ge [sflag:s29], $0x4000  }
0x212: {  	[sflag:s29] =	ssyncset.done $0x0  }
.Ltmp8:
0x213: {  	s13 =	sadd.s32 s13, s26;
	[sflag:s29] =	ssyncadd.s32 $0xFFFFC000;
	(pc) =	sbr.rel @p2 .LBB2_5-.Ltmp8, $4  }
0x214: {  	[tilespmem:s30], [sflag:$0x3] =	stream.linear.gather [hbm4b:s13+s1], $0x80, $0x38;
	[tilespmem:$0x1C980] =	vst v63  }
0x215: {  	_ =	swait.ge [sflag:s29], $0x80  }
0x216: {  	[sflag:s29] =	ssyncset.done $0x0  }
0x217: {  	s13 =	sadd.s32 $0x8000, s11;
	s11 =	sadd.s32 $0x10000, s11;
	[sflag:s29] =	ssyncadd.s32 $0xFFFFFF80  }
0x218: {  	[tilespmem:s18], [sflag:$0x2] =	stream.linear.gather [hbm4b:s13+s1], $0x4000, $0x38;
	[tilespmem:$0x1C980] =	vst v63  }
0x219: {  	_ =	swait.ge [sflag:s15], $0x4000  }
0x21a: {  	[sflag:s15] =	ssyncset.done $0x0  }
0x21b: {  	[sflag:s15] =	ssyncadd.s32 $0xFFFFC000  }
0x21c: {  	[spmem:s0] =	stream.indirect.scatter.add.f32 [tilespmem:s31], [sflag:$0x3], $0x80, s1, s30, $0xb8;
	[tilespmem:$0x1C980] =	vst v63  }
0x21d: {  	_ =	swait.ge [sflag:s29], $0x4000  }
0x21e: {  	[sflag:s29] =	ssyncset.done $0x0  }
0x21f: {  	s9 =	simm.s32 @p1 $0x2;
	[sflag:s29] =	ssyncadd.s32 $0xFFFFC000  }
0x220: {  	_ =	swait.ge @p1 [sflag:s9], $0x4000  }
0x221: {  	[sflag:s9] =	ssyncset.done @p1 $0x0  }
0x222: {  	s11 =	simm.s32 @p1 $0x4100;
	[sflag:s9] =	ssyncadd.s32 @p1 $0xFFFFC000;
	s9 =	simm.s32 @p1 $0x80  }
0x223: {  	[spmem:s0] =	stream.indirect.scatter.add.f32 @p1 [tilespmem:s11], [sflag:$0x3], $0x80, s9, s9, $0xb8;
	[tilespmem:$0x1C980] =	vst v63  }
0x224: {  	s9 =	simm.s32 @p1 $0x3  }
0x225: {  	_ =	swait.ge @p1 [sflag:s9], $0x4000  }
0x226: {  	[sflag:s9] =	ssyncset.done @p1 $0x0  }
0x227: {  	s11 =	rddreg [dreg:$0x14];
	[sflag:s9] =	ssyncadd.s32 @p1 $0xFFFFC000;
	s9 =	simm.s32 @!p1 $0x0  }
0x228: {  	[tilespmem:s9], [sflag:$0x3] =	stream.linear.gather @!p1 [hbm4b:s11+s9], $0x80, $0x38;
	[tilespmem:$0x1C980] =	vst v63  }
0x229: {  	s11 =	simm.s32 @!p1 $0x3  }
0x22a: {  	_ =	swait.ge @!p1 [sflag:s11], $0x80  }
0x22b: {  	[sflag:s11] =	ssyncset.done @!p1 $0x0  }
0x22c: {  	s13 =	simm.s32 @!p1 $0x100;
	s14 =	rddreg [dreg:$0xf];
	[sflag:s11] =	ssyncadd.s32 @!p1 $0xFFFFFF80  }
0x22d: {  	[tilespmem:s13], [sflag:$0x1] =	stream.linear.gather @!p1 [hbm4b:s14+s9], $0x4000, $0x38;
	[tilespmem:$0x1C980] =	vst v63  }
0x22e: {  	s14 =	simm.s32 @!p1 $0x2  }
0x22f: {  	_ =	swait.ge @!p1 [sflag:s14], $0x4000  }
0x230: {  	[sflag:s14] =	ssyncset.done @!p1 $0x0  }
0x231: {  	s16 =	simm.s32 @!p1 $0x4100;
	[sflag:s14] =	ssyncadd.s32 @!p1 $0xFFFFC000;
	s14 =	simm.s32 @!p1 $0x80  }
0x232: {  	[spmem:s0] =	stream.indirect.scatter.add.f32 @!p1 [tilespmem:s16], [sflag:$0x3], $0x80, s14, s14, $0xb8;
	[tilespmem:$0x1C980] =	vst v63  }
0x233: {  	_ =	swait.ge @!p1 [sflag:s11], $0x4000  }
0x234: {  	[sflag:s11] =	ssyncset.done @!p1 $0x0  }
0x235: {  	s16 =	simm.s32 @!p1 $0x1;
	[sflag:s11] =	ssyncadd.s32 @!p1 $0xFFFFC000  }
0x236: {  	_ =	swait.ge @!p1 [sflag:s16], $0x4000  }
0x237: {  	[sflag:s16] =	ssyncset.done @!p1 $0x0  }
0x238: {  	[sflag:s16] =	ssyncadd.s32 @!p1 $0xFFFFC000  }
0x239: {  	[spmem:s0] =	stream.indirect.scatter.add.f32 @!p1 [tilespmem:s13], [sflag:$0x3], $0x80, s9, s14, $0xb8;
	[tilespmem:$0x1C980] =	vst v63  }
0x23a: {  	_ =	swait.ge @!p1 [sflag:s11], $0x4000  }
0x23b: {  	[sflag:s11] =	ssyncset.done @!p1 $0x0  }
0x23c: {  	s16 =	simm.s32 $0x10;
	[sflag:s11] =	ssyncadd.s32 @!p1 $0xFFFFC000;
	s11 =	stileid.u32  }
0x23d: {  	s14 =	simm.s32 $0x40;
	s9 =	sshll.u32 s11, $0x6;
	[bflag:$0x0] =	sbarrier.arrive $0xFFFF  }
0x23e: {  	s11 =	sshrl.u32 s21, $0x3;
	s9 =	sor.u32 $0x1C03, s9;
	s13 =	rddreg [dreg:$0x8]  }
0x23f: {  	[hbm:s13@s14], [sflag:s9] =	dma.strided [spmem:s11@s16], $0x2710, s15, $0x10   }
0x240: {  	_ =	swait.ge [sflag:s29], $0x2710  }
0x241: {  	[sflag:s29] =	ssyncset.done $0x0  }
0x242: {  	[sflag:s29] =	ssyncadd.s32 $0xFFFFD8F0  }
0x243: {  	[bflag:$0x0] =	sbarrier.arrive $0xFFFF  }
0x244: {  	[spmem:s21] =	stream.linear.scatter [tilespmem:s28], [sflag:$0x3], $0xC80, $0x38;
	[tilespmem:$0x1C980] =	vst v63  }
0x245: {  	_ =	swait.ge [sflag:s29], $0xC80  }
0x246: {  	[sflag:s29] =	ssyncset.done $0x0  }
0x247: {  	s13 =	rddreg [dreg:$0x16];
	[sflag:s29] =	ssyncadd.s32 $0xFFFFF380  }
0x248: {  	[spmem:s13] =	stream.linear.scatter [tilespmem:s28], [sflag:$0x3], $0xC80, $0x38;
	[tilespmem:$0x1C980] =	vst v63  }
0x249: {  	_ =	swait.ge [sflag:s29], $0xC80  }
0x24a: {  	[sflag:s29] =	ssyncset.done $0x0  }
0x24b: {  	s14 =	rddreg [dreg:$0x17];
	[sflag:s29] =	ssyncadd.s32 $0xFFFFF380  }
0x24c: {  	[spmem:s14] =	stream.linear.scatter [tilespmem:s28], [sflag:$0x3], $0xC80, $0x38;
	[tilespmem:$0x1C980] =	vst v63  }
0x24d: {  	_ =	swait.ge [sflag:s29], $0xC80  }
0x24e: {  	[sflag:s29] =	ssyncset.done $0x0  }
0x24f: {  	s16 =	rddreg [dreg:$0x18];
	[sflag:s29] =	ssyncadd.s32 $0xFFFFF380  }
0x250: {  	[spmem:s16] =	stream.linear.scatter [tilespmem:s28], [sflag:$0x3], $0xC80, $0x38;
	[tilespmem:$0x1C980] =	vst v63  }
0x251: {  	_ =	swait.ge [sflag:s29], $0xC80  }
0x252: {  	[sflag:s29] =	ssyncset.done $0x0  }
0x253: {  	s13 =	rddreg [dreg:$0x19];
	[sflag:s29] =	ssyncadd.s32 $0xFFFFF380  }
0x254: {  	[spmem:s13] =	stream.linear.scatter [tilespmem:s28], [sflag:$0x3], $0xC80, $0x38;
	[tilespmem:$0x1C980] =	vst v63  }
0x255: {  	_ =	swait.ge [sflag:s29], $0xC80  }
0x256: {  	[sflag:s29] =	ssyncset.done $0x0  }
0x257: {  	s14 =	rddreg [dreg:$0x1a];
	[sflag:s29] =	ssyncadd.s32 $0xFFFFF380  }
0x258: {  	[spmem:s14] =	stream.linear.scatter [tilespmem:s28], [sflag:$0x3], $0xC80, $0x38;
	[tilespmem:$0x1C980] =	vst v63  }
0x259: {  	_ =	swait.ge [sflag:s29], $0xC80  }
0x25a: {  	[sflag:s29] =	ssyncset.done $0x0  }
0x25b: {  	s16 =	rddreg [dreg:$0x1b];
	[sflag:s29] =	ssyncadd.s32 $0xFFFFF380  }
0x25c: {  	[spmem:s16] =	stream.linear.scatter [tilespmem:s28], [sflag:$0x3], $0xC80, $0x38;
	[tilespmem:$0x1C980] =	vst v63  }
0x25d: {  	_ =	swait.ge [sflag:s29], $0xC80  }
0x25e: {  	[sflag:s29] =	ssyncset.done $0x0  }
0x25f: {  	s13 =	rddreg [dreg:$0x1c];
	[sflag:s29] =	ssyncadd.s32 $0xFFFFF380  }
0x260: {  	[spmem:s13] =	stream.linear.scatter [tilespmem:s28], [sflag:$0x3], $0xC80, $0x38;
	[tilespmem:$0x1C980] =	vst v63  }
0x261: {  	_ =	swait.ge [sflag:s29], $0xC80  }
0x262: {  	[sflag:s29] =	ssyncset.done $0x0  }
0x263: {  	s14 =	rddreg [dreg:$0x1d];
	[sflag:s29] =	ssyncadd.s32 $0xFFFFF380  }
0x264: {  	[spmem:s14] =	stream.linear.scatter [tilespmem:s28], [sflag:$0x3], $0xC80, $0x38;
	[tilespmem:$0x1C980] =	vst v63  }
0x265: {  	_ =	swait.ge [sflag:s29], $0xC80  }
0x266: {  	[sflag:s29] =	ssyncset.done $0x0  }
0x267: {  	s16 =	rddreg [dreg:$0x1e];
	[sflag:s29] =	ssyncadd.s32 $0xFFFFF380  }
0x268: {  	[spmem:s16] =	stream.linear.scatter [tilespmem:s28], [sflag:$0x3], $0xC80, $0x38;
	[tilespmem:$0x1C980] =	vst v63  }
0x269: {  	_ =	swait.ge [sflag:s29], $0xC80  }
0x26a: {  	[sflag:s29] =	ssyncset.done $0x0  }
0x26b: {  	s13 =	rddreg [dreg:$0x1f];
	[sflag:s29] =	ssyncadd.s32 $0xFFFFF380  }
0x26c: {  	[spmem:s13] =	stream.linear.scatter [tilespmem:s28], [sflag:$0x3], $0xC80, $0x38;
	[tilespmem:$0x1C980] =	vst v63  }
0x26d: {  	_ =	swait.ge [sflag:s29], $0xC80  }
0x26e: {  	s14 =	sld [smem:$0x7F4]  }
0x26f: {  	[sflag:s29] =	ssyncset.done $0x0  }
0x270: {  	[sflag:s29] =	ssyncadd.s32 $0xFFFFF380  }
0x271: {  	[spmem:s14] =	stream.linear.scatter [tilespmem:s28], [sflag:$0x3], $0xC80, $0x38;
	[tilespmem:$0x1C980] =	vst v63  }
0x272: {  	_ =	swait.ge [sflag:s29], $0xC80  }
0x273: {  	s16 =	sld [smem:$0x7F5]  }
0x274: {  	[sflag:s29] =	ssyncset.done $0x0  }
0x275: {  	[sflag:s29] =	ssyncadd.s32 $0xFFFFF380  }
0x276: {  	[spmem:s16] =	stream.linear.scatter [tilespmem:s28], [sflag:$0x3], $0xC80, $0x38;
	[tilespmem:$0x1C980] =	vst v63  }
0x277: {  	_ =	swait.ge [sflag:s29], $0xC80  }
0x278: {  	s13 =	sld [smem:$0x7F6]  }
0x279: {  	[sflag:s29] =	ssyncset.done $0x0  }
0x27a: {  	[sflag:s29] =	ssyncadd.s32 $0xFFFFF380  }
0x27b: {  	[spmem:s13] =	stream.linear.scatter [tilespmem:s28], [sflag:$0x3], $0xC80, $0x38;
	[tilespmem:$0x1C980] =	vst v63  }
0x27c: {  	_ =	swait.ge [sflag:s29], $0xC80  }
0x27d: {  	[sflag:s29] =	ssyncset.done $0x0  }
0x27e: {  	[sflag:s29] =	ssyncadd.s32 $0xFFFFF380  }
0x27f: {  	[spmem:s5] =	stream.linear.scatter [tilespmem:s28], [sflag:$0x3], $0xC80, $0x38;
	[tilespmem:$0x1C980] =	vst v63  }
0x280: {  	_ =	swait.ge [sflag:s29], $0xC80  }
0x281: {  	[sflag:s29] =	ssyncset.done $0x0  }
0x282: {  	[sflag:s29] =	ssyncadd.s32 $0xFFFFF380  }
0x283: {  	[spmem:s8] =	stream.linear.scatter [tilespmem:s28], [sflag:$0x3], $0xC80, $0x38;
	[tilespmem:$0x1C980] =	vst v63  }
0x284: {  	_ =	swait.ge [sflag:s29], $0xC80  }
0x285: {  	[sflag:s29] =	ssyncset.done $0x0  }
0x286: {  	[sflag:s29] =	ssyncadd.s32 $0xFFFFF380  }
0x287: {  	[spmem:s10] =	stream.linear.scatter [tilespmem:s28], [sflag:$0x3], $0xC80, $0x38;
	[tilespmem:$0x1C980] =	vst v63  }
0x288: {  	_ =	swait.ge [sflag:s29], $0xC80  }
0x289: {  	[sflag:s29] =	ssyncset.done $0x0  }
0x28a: {  	[sflag:s29] =	ssyncadd.s32 $0xFFFFF380  }
0x28b: {  	[spmem:s12] =	stream.linear.scatter [tilespmem:s28], [sflag:$0x3], $0xC80, $0x38;
	[tilespmem:$0x1C980] =	vst v63  }
0x28c: {  	_ =	swait.ge [sflag:s29], $0xC80  }
0x28d: {  	[sflag:s29] =	ssyncset.done $0x0  }
0x28e: {  	[sflag:s29] =	ssyncadd.s32 $0xFFFFF380  }
0x28f: {  	[spmem:s2] =	stream.linear.scatter [tilespmem:s28], [sflag:$0x3], $0xC80, $0x38;
	[tilespmem:$0x1C980] =	vst v63  }
0x290: {  	_ =	swait.ge [sflag:s29], $0xC80  }
0x291: {  	[sflag:s29] =	ssyncset.done $0x0  }
0x292: {  	[sflag:s29] =	ssyncadd.s32 $0xFFFFF380  }
0x293: {  	[spmem:s7] =	stream.linear.scatter [tilespmem:s28], [sflag:$0x3], $0xC80, $0x38;
	[tilespmem:$0x1C980] =	vst v63  }
0x294: {  	_ =	swait.ge [sflag:s29], $0xC80  }
0x295: {  	[sflag:s29] =	ssyncset.done $0x0  }
0x296: {  	[sflag:s29] =	ssyncadd.s32 $0xFFFFF380  }
0x297: {  	[spmem:s23] =	stream.linear.scatter [tilespmem:s28], [sflag:$0x3], $0xC80, $0x38;
	[tilespmem:$0x1C980] =	vst v63  }
0x298: {  	_ =	swait.ge [sflag:s29], $0xC80  }
0x299: {  	[sflag:s29] =	ssyncset.done $0x0  }
0x29a: {  	[sflag:s29] =	ssyncadd.s32 $0xFFFFF380  }
0x29b: {  	[spmem:s24] =	stream.linear.scatter [tilespmem:s28], [sflag:$0x3], $0xC80, $0x38;
	[tilespmem:$0x1C980] =	vst v63  }
0x29c: {  	_ =	swait.ge [sflag:s29], $0xC80  }
0x29d: {  	[sflag:s29] =	ssyncset.done $0x0  }
0x29e: {  	[sflag:s29] =	ssyncadd.s32 $0xFFFFF380  }
0x29f: {  	[spmem:s22] =	stream.linear.scatter [tilespmem:s28], [sflag:$0x3], $0xC80, $0x38;
	[tilespmem:$0x1C980] =	vst v63  }
0x2a0: {  	_ =	swait.ge [sflag:s29], $0xC80  }
0x2a1: {  	[sflag:s29] =	ssyncset.done $0x0  }
0x2a2: {  	[sflag:s29] =	ssyncadd.s32 $0xFFFFF380  }
0x2a3: {  	[spmem:s3] =	stream.linear.scatter [tilespmem:s28], [sflag:$0x3], $0xC80, $0x38;
	[tilespmem:$0x1C980] =	vst v63  }
0x2a4: {  	_ =	swait.ge [sflag:s29], $0xC80  }
0x2a5: {  	[sflag:s29] =	ssyncset.done $0x0  }
0x2a6: {  	[sflag:s29] =	ssyncadd.s32 $0xFFFFF380  }
0x2a7: {  	[spmem:s4] =	stream.linear.scatter [tilespmem:s28], [sflag:$0x3], $0xC80, $0x38;
	[tilespmem:$0x1C980] =	vst v63  }
0x2a8: {  	_ =	swait.ge [sflag:s29], $0xC80  }
0x2a9: {  	[sflag:s29] =	ssyncset.done $0x0  }
0x2aa: {  	[sflag:s29] =	ssyncadd.s32 $0xFFFFF380  }
0x2ab: {  	[bflag:$0x0] =	sbarrier.arrive $0xFFFF  }
0x2ac: {  	s11 =	simm.s32 $0x0;
	s14 =	rddreg [dreg:$0x4]  }
0x2ad: {  	[tilespmem:s11], [sflag:$0x3] =	stream.linear.gather [hbm4b:s14+s11], $0x80, $0x38;
	[tilespmem:$0x1C980] =	vst v63  }
0x2ae: {  	_ =	swait.ge [sflag:s29], $0x80  }
0x2af: {  	[sflag:s29] =	ssyncset.done $0x0  }
0x2b0: {  	s16 =	rddreg [dreg:$0x5];
	[sflag:s29] =	ssyncadd.s32 $0xFFFFFF80  }
0x2b1: {  	[tilespmem:s30], [sflag:$0x3] =	stream.linear.gather [hbm4b:s16+s11], $0x80, $0x38;
	[tilespmem:$0x1C980] =	vst v63  }
0x2b2: {  	_ =	swait.ge [sflag:s29], $0x80  }
0x2b3: {  	[sflag:s29] =	ssyncset.done $0x0  }
0x2b4: {  	s14 =	rddreg [dreg:$0x9];
	[sflag:s29] =	ssyncadd.s32 $0xFFFFFF80  }
0x2b5: {  	[tilespmem:s31], [sflag:$0x1] =	stream.linear.gather [hbm4b:s14+s11], $0x4000, $0x38;
	[tilespmem:$0x1C980] =	vst v63  }
0x2b6: {  	s16 =	rddreg [dreg:$0xa]  }
0x2b7: {  	[tilespmem:s18], [sflag:$0x2] =	stream.linear.gather [hbm4b:s16+s11], $0x4000, $0x38;
	[tilespmem:$0x1C980] =	vst v63  }
0x2b8: {  	_ =	swait.ge [sflag:s15], $0x4000  }
0x2b9: {  	[sflag:s15] =	ssyncset.done $0x0  }
0x2ba: {  	[sflag:s15] =	ssyncadd.s32 $0xFFFFC000  }
0x2bb: {  	[spmem:s0] =	stream.indirect.scatter.add.f32 [tilespmem:s31], [sflag:$0x3], $0x80, s1, s30, $0xb8;
	[tilespmem:$0x1C980] =	vst v63  }
0x2bc: {  	_ =	swait.ge [sflag:s29], $0x4000  }
0x2bd: {  	[sflag:s29] =	ssyncset.done $0x0  }
0x2be: {  	s14 =	sadd.s32 $0x0, s25;
	[sflag:s29] =	ssyncadd.s32 $0xFFFFC000  }
0x2bf: {  	[tilespmem:s1], [sflag:$0x3] =	stream.linear.gather [hbm4b:s14+s1], $0x80, $0x38;
	[tilespmem:$0x1C980] =	vst v63  }
0x2c0: {  	_ =	swait.ge [sflag:s29], $0x80  }
0x2c1: {  	s13 =	sld [smem:$0x7FB]  }
0x2c2: {  	[sflag:s29] =	ssyncset.done $0x0  }
0x2c3: {  	[sflag:s29] =	ssyncadd.s32 $0xFFFFFF80  }
0x2c4: {  	[tilespmem:s31], [sflag:$0x1] =	stream.linear.gather [hbm4b:s13+s1], $0x4000, $0x38;
	[tilespmem:$0x1C980] =	vst v63  }
0x2c5: {  	_ =	swait.ge [sflag:s17], $0x4000  }
0x2c6: {  	[sflag:s17] =	ssyncset.done $0x0  }
0x2c7: {  	[sflag:s17] =	ssyncadd.s32 $0xFFFFC000  }
0x2c8: {  	[spmem:s0] =	stream.indirect.scatter.add.f32 [tilespmem:s18], [sflag:$0x3], $0x80, s30, s30, $0xb8;
	[tilespmem:$0x1C980] =	vst v63  }
0x2c9: {  	_ =	swait.ge [sflag:s29], $0x4000  }
0x2ca: {  	[sflag:s29] =	ssyncset.done $0x0  }
0x2cb: {  	s16 =	sadd.s32 $0x0, s26;
	[sflag:s29] =	ssyncadd.s32 $0xFFFFC000  }
0x2cc: {  	[tilespmem:s30], [sflag:$0x3] =	stream.linear.gather [hbm4b:s16+s1], $0x80, $0x38;
	[tilespmem:$0x1C980] =	vst v63  }
0x2cd: {  	_ =	swait.ge [sflag:s29], $0x80  }
0x2ce: {  	s11 =	simm.s32 $0x200;
	[sflag:s29] =	ssyncset.done $0x0  }
0x2cf: {  	s14 =	sadd.s32 $0x8000, s13;
	s13 =	sadd.s32 $0x10000, s13;
	[sflag:s29] =	ssyncadd.s32 $0xFFFFFF80  }
.LBB2_7:
0x2d0: {  	[tilespmem:s18], [sflag:$0x2] =	stream.linear.gather [hbm4b:s14+s1], $0x4000, $0x38;
	[tilespmem:$0x1C980] =	vst v63  }
0x2d1: {  	s14 =	smov.u32 s11  }
0x2d2: {  	p2 =	sne.s32 s11, $0x4A00;
	s11 =	sadd.s32 $0x200, s11;
	_ =	swait.ge [sflag:s15], $0x4000  }
0x2d3: {  	[sflag:s15] =	ssyncset.done $0x0  }
0x2d4: {  	[sflag:s15] =	ssyncadd.s32 $0xFFFFC000  }
0x2d5: {  	[spmem:s0] =	stream.indirect.scatter.add.f32 [tilespmem:s31], [sflag:$0x3], $0x80, s1, s30, $0xb8;
	[tilespmem:$0x1C980] =	vst v63  }
0x2d6: {  	_ =	swait.ge [sflag:s29], $0x4000  }
0x2d7: {  	[sflag:s29] =	ssyncset.done $0x0  }
0x2d8: {  	s16 =	sadd.s32 s14, s25;
	[sflag:s29] =	ssyncadd.s32 $0xFFFFC000  }
0x2d9: {  	[tilespmem:s1], [sflag:$0x3] =	stream.linear.gather [hbm4b:s16+s1], $0x80, $0x38;
	[tilespmem:$0x1C980] =	vst v63  }
0x2da: {  	_ =	swait.ge [sflag:s29], $0x80  }
0x2db: {  	[sflag:s29] =	ssyncset.done $0x0  }
0x2dc: {  	[sflag:s29] =	ssyncadd.s32 $0xFFFFFF80  }
0x2dd: {  	[tilespmem:s31], [sflag:$0x1] =	stream.linear.gather [hbm4b:s13+s1], $0x4000, $0x38;
	[tilespmem:$0x1C980] =	vst v63  }
0x2de: {  	_ =	swait.ge [sflag:s17], $0x4000  }
0x2df: {  	[sflag:s17] =	ssyncset.done $0x0  }
0x2e0: {  	[sflag:s17] =	ssyncadd.s32 $0xFFFFC000  }
0x2e1: {  	[spmem:s0] =	stream.indirect.scatter.add.f32 [tilespmem:s18], [sflag:$0x3], $0x80, s30, s30, $0xb8;
	[tilespmem:$0x1C980] =	vst v63  }
0x2e2: {  	_ =	swait.ge [sflag:s29], $0x4000  }
0x2e3: {  	[sflag:s29] =	ssyncset.done $0x0  }
.Ltmp9:
0x2e4: {  	s14 =	sadd.s32 s14, s26;
	[sflag:s29] =	ssyncadd.s32 $0xFFFFC000;
	(pc) =	sbr.rel @p2 .LBB2_7-.Ltmp9, $4  }
0x2e5: {  	[tilespmem:s30], [sflag:$0x3] =	stream.linear.gather [hbm4b:s14+s1], $0x80, $0x38;
	[tilespmem:$0x1C980] =	vst v63  }
0x2e6: {  	_ =	swait.ge [sflag:s29], $0x80  }
0x2e7: {  	[sflag:s29] =	ssyncset.done $0x0  }
0x2e8: {  	s14 =	sadd.s32 $0x8000, s13;
	s13 =	sadd.s32 $0x10000, s13;
	[sflag:s29] =	ssyncadd.s32 $0xFFFFFF80  }
0x2e9: {  	[tilespmem:s18], [sflag:$0x2] =	stream.linear.gather [hbm4b:s14+s1], $0x4000, $0x38;
	[tilespmem:$0x1C980] =	vst v63  }
0x2ea: {  	_ =	swait.ge [sflag:s15], $0x4000  }
0x2eb: {  	[sflag:s15] =	ssyncset.done $0x0  }
.Ltmp10:
0x2ec: {  	[sflag:s15] =	ssyncadd.s32 $0xFFFFC000;
	(pc) =	sbr.rel @p1 .LBB2_17-.Ltmp10, $4  }
0x2ed: {  	[spmem:s0] =	stream.indirect.scatter.add.f32 [tilespmem:s31], [sflag:$0x3], $0x80, s1, s30, $0xb8;
	[tilespmem:$0x1C980] =	vst v63  }
0x2ee: {  	_ =	swait.ge [sflag:s29], $0x4000  }
0x2ef: {  	[sflag:s29] =	ssyncset.done $0x0  }
0x2f0: {  	[sflag:s29] =	ssyncadd.s32 $0xFFFFC000  }
0x2f1: {  	s11 =	rddreg [dreg:$0x14]  }
0x2f2: {  	[tilespmem:s1], [sflag:$0x3] =	stream.linear.gather [hbm4b:s11+s1], $0x80, $0x38;
	[tilespmem:$0x1C980] =	vst v63  }
0x2f3: {  	_ =	swait.ge [sflag:s29], $0x80  }
0x2f4: {  	[sflag:s29] =	ssyncset.done $0x0  }
0x2f5: {  	s16 =	rddreg [dreg:$0x10];
	[sflag:s29] =	ssyncadd.s32 $0xFFFFFF80  }
0x2f6: {  	[tilespmem:s31], [sflag:$0x1] =	stream.linear.gather [hbm4b:s16+s1], $0x4000, $0x38;
	[tilespmem:$0x1C980] =	vst v63  }
0x2f7: {  	_ =	swait.ge [sflag:s17], $0x4000  }
0x2f8: {  	[sflag:s17] =	ssyncset.done $0x0  }
0x2f9: {  	[sflag:s17] =	ssyncadd.s32 $0xFFFFC000  }
0x2fa: {  	[spmem:s0] =	stream.indirect.scatter.add.f32 [tilespmem:s18], [sflag:$0x3], $0x80, s30, s30, $0xb8;
	[tilespmem:$0x1C980] =	vst v63  }
0x2fb: {  	_ =	swait.ge [sflag:s29], $0x4000  }
0x2fc: {  	[sflag:s29] =	ssyncset.done $0x0  }
0x2fd: {  	s11 =	sld [smem:$0x7F7];
	[sflag:s29] =	ssyncadd.s32 $0xFFFFC000  }
.LBB2_16:
0x2fe: {  	_ =	swait.ge [sflag:s15], $0x4000  }
0x2ff: {  	[sflag:s15] =	ssyncset.done $0x0  }
.Ltmp11:
0x300: {  	[sflag:s15] =	ssyncadd.s32 $0xFFFFC000;
	(pc) =	sbr.rel .LBB2_19-.Ltmp11, $4  }
0x301: {  	[spmem:s0] =	stream.indirect.scatter.add.f32 [tilespmem:s31], [sflag:$0x3], $0x80, s1, s30, $0xb8;
	[tilespmem:$0x1C980] =	vst v63  }
0x302: {  	_ =	swait.ge [sflag:s29], $0x4000  }
0x303: {  	[sflag:s29] =	ssyncset.done $0x0  }
0x304: {  	[sflag:s29] =	ssyncadd.s32 $0xFFFFC000  }
.LBB2_17:
0x305: {  	_ =	swait.ge [sflag:s17], $0x4000  }
0x306: {  	[sflag:s17] =	ssyncset.done $0x0  }
.Ltmp12:
0x307: {  	[sflag:s17] =	ssyncadd.s32 $0xFFFFC000;
	(pc) =	sbr.rel .LBB2_19-.Ltmp12, $4  }
0x308: {  	[spmem:s0] =	stream.indirect.scatter.add.f32 [tilespmem:s18], [sflag:$0x3], $0x80, s30, s30, $0xb8;
	[tilespmem:$0x1C980] =	vst v63  }
0x309: {  	_ =	swait.ge [sflag:s29], $0x4000  }
0x30a: {  	[sflag:s29] =	ssyncset.done $0x0  }
0x30b: {  	s11 =	sld [smem:$0x7F7];
	[sflag:s29] =	ssyncadd.s32 $0xFFFFC000  }
.LBB2_20:
0x30c: {  	_ =	sfence.sel $0x180000  }
0x30d: {  	[bflag:$0x0] =	sbarrier.arrive $0xFFFF  }
0x30e: {  	_ =	strace $0x9000004A  }
0x30f: {  	s0 =	stileid.u32;
	[bflag:$0x2] =	sbarrier.arrive $0xFFFF  }
0x310: {  	p0 =	sne.s32 s0, $0x0;
	s0 =	rddreg [dreg:$0x3]  }
0x311: {  	s0 =	sadd.s32 @!p0 $0x100000, s0  }
0x312: {  	[sflag:s0] =	ssyncadd.tile.s32 @!p0 $0x1;
	_ =	shalt  }
.Lfunc_end2:
_tile_overlayer_lowered:
.L_overlay_start_2:
0x313: {  	(tag) =	ssettag $0x2  }
0x314: {  	s0 =	rddreg [dreg:$0x0];
	s2 =	stileid.u32  }
0x315: {  	s1 =	rddreg [dreg:$0x1];
	p0 =	sne.s32 s2, $0x0  }
0x316: {  	s3 =	rddreg [dreg:$0x2];
	[bflag:$0x3] =	sbarrier.arrive $0xFFFF;
	s2 =	simm.s32 @!p0 $0x1C03  }
0x317: {  	[timem:s3], [sflag:s2] =	dma.local @!p0 [hbm:s0], s1  }
0x318: {  	s0 =	simm.s32 @!p0 $0x3  }
0x319: {  	_ =	swait.ge @!p0 [sflag:s0], s1  }
0x31a: {  	s1 =	ssub.s32 @!p0 $0x0, s1;
	[sflag:s0] =	ssyncset.done @!p0 $0x0  }
0x31b: {  	[sflag:s0] =	ssyncadd.s32 @!p0 s1  }
0x31c: {  	[bflag:$0x3] =	sbarrier.arrive $0xFFFF  }
0x31d: {  	_ =	shalt  }

</sc_bundles>
